<compile_context>
chip_gen: v7x
topology: tpu7x:2x2x1
jax: 0.10.2.dev20260603
libtpu: 0.0.44.dev20260713+nightly
codegen_flags: <defaults>
</compile_context>

<pallas_src>
import jax
import jax.numpy as jnp
from jax import lax
from jax.experimental import pallas as pl
from jax.experimental.pallas import tpu as pltpu
from jax.experimental.pallas import tpu_sc as plsc

N_LIG = 2048
N_PROT = 16384
N_BATCH = 32
D2_MAX = 4.5 * 4.5
K_NBR = 15
EPS = 1e-8

NC = 2
NW = NC * 16
QPW = N_LIG // NW
L = 16
QN = 4
SMAX = 2048

_INF = float("inf")


def _sqrt16(x):
    xi = plsc.bitcast(x, jnp.int32)
    y = plsc.bitcast(jnp.int32(0x5F3759DF) - (xi >> 1), jnp.float32)
    for _ in range(3):
        y = y * (1.5 - 0.5 * x * y * y)
    return x * y


def _sc_body(lgx_h, lgy_h, lgz_h, ltx_h, lty_h, ltz_h,
             pgx_h, pgy_h, pgz_h, ptx_h, pty_h, ptz_h,
             lb_hbm, pb_hbm, tw_hbm,
             se_hbm, cnt_hbm,
             lgx, lgy, lgz, ltx, lty, ltz, lb, tww, cnts,
             wtx, wty, wtz, wgx, wgy, wgz,
             pb, avbuf, apbuf, ovec, dsem, psem, asem, bsem):
    wid = lax.axis_index("s") * NC + lax.axis_index("c")
    base = wid * QPW

    b1 = pl.multiple_of(base, QPW)
    pre = [
        pltpu.async_copy(pb_hbm, pb, psem),
        pltpu.async_copy(lb_hbm.at[pl.ds(b1, QPW)], lb, psem),
    ]
    bulk = [
        pltpu.async_copy(lgx_h.at[pl.ds(b1, QPW)], lgx, dsem),
        pltpu.async_copy(lgy_h.at[pl.ds(b1, QPW)], lgy, dsem),
        pltpu.async_copy(lgz_h.at[pl.ds(b1, QPW)], lgz, dsem),
        pltpu.async_copy(ltx_h.at[pl.ds(b1, QPW)], ltx, dsem),
        pltpu.async_copy(lty_h.at[pl.ds(b1, QPW)], lty, dsem),
        pltpu.async_copy(ltz_h.at[pl.ds(b1, QPW)], ltz, dsem),
        pltpu.async_copy(tw_hbm, tww, dsem),
    ]

    lane = lax.iota(jnp.int32, L)
    inf16 = jnp.full((L,), _INF)
    zeroi = jnp.zeros((L,), jnp.int32)
    zero16 = jnp.zeros((L,), jnp.float32)

    def initq(q, _):
        avbuf[pl.ds(q * L, L)] = inf16
        apbuf[pl.ds(q * L, L)] = zeroi
        return 0
    lax.fori_loop(0, QPW, initq, 0)

    for c in pre:
        c.wait()

    for g in range(2):
        bvec = lane + g * L
        lo = jnp.zeros((L,), jnp.int32)
        p = N_PROT // 2
        while p >= 1:
            v = plsc.load_gather(pb, [lo + (p - 1)])
            lo = jnp.where(v < bvec, lo + p, lo)
            p //= 2
        v = plsc.load_gather(pb, [lo])
        lo = jnp.where(v < bvec, lo + 1, lo)
        cnts[pl.ds(g * L, L)] = lo
    cnts[pl.ds(2 * L, L)] = jnp.full((L,), N_PROT, jnp.int32)

    bfirst = plsc.load_gather(lb, [zeroi])
    blast = plsc.load_gather(lb, [zeroi + (QPW - 1)])
    slo = plsc.load_gather(cnts, [bfirst])[0] & ~(L - 1)
    shi = plsc.load_gather(cnts, [blast + 1])[0]
    nwin = (shi - slo + (SMAX - 1)) >> 11

    bend0 = jnp.minimum(slo + SMAX, shi)
    ws0 = pl.multiple_of(jnp.minimum(slo, N_PROT - SMAX), L)
    a0 = [
        pltpu.async_copy(ptx_h.at[pl.ds(ws0, SMAX)], wtx, asem),
        pltpu.async_copy(pty_h.at[pl.ds(ws0, SMAX)], wty, asem),
        pltpu.async_copy(ptz_h.at[pl.ds(ws0, SMAX)], wtz, asem),
    ]
    b0 = [
        pltpu.async_copy(pgx_h.at[pl.ds(ws0, SMAX)], wgx, bsem),
        pltpu.async_copy(pgy_h.at[pl.ds(ws0, SMAX)], wgy, bsem),
        pltpu.async_copy(pgz_h.at[pl.ds(ws0, SMAX)], wgz, bsem),
    ]
    for c in bulk:
        c.wait()
    for c in a0:
        c.wait()

    def ascan(bstart, bend, ws):
        def qbody(q, _):
            iq = [jnp.full((L,), QN * q + k, jnp.int32) for k in range(QN)]
            bq = [plsc.load_gather(lb, [i]) for i in iq]
            sq = [plsc.load_gather(cnts, [b]) for b in bq]
            eq = [plsc.load_gather(cnts, [b + 1]) for b in bq]
            ltxq = [plsc.load_gather(ltx, [i]) for i in iq]
            ltyq = [plsc.load_gather(lty, [i]) for i in iq]
            ltzq = [plsc.load_gather(ltz, [i]) for i in iq]
            ps = jnp.maximum(sq[0][0] & ~(L - 1), bstart)
            pe = jnp.minimum(eq[-1][0], bend)
            nblk = jnp.maximum(pe - ps + (L - 1), 0) >> 4
            is_ = jnp.maximum(ps, (sq[-1][0] + L - 1) & ~(L - 1))
            ie_ = jnp.maximum(is_, ((eq[0][0] - L) & ~(L - 1)) + L)
            t1 = jnp.minimum(jnp.maximum((is_ - ps) >> 4, 0), nblk)
            t2 = jnp.minimum(jnp.maximum((ie_ - ps) >> 4, t1), nblk)

            avs = [avbuf[pl.ds((QN * q + k) * L, L)] for k in range(QN)]
            aps = [apbuf[pl.ds((QN * q + k) * L, L)] for k in range(QN)]

            def _block(t, c2, masked):
                a, p_ = list(c2[:QN]), list(c2[QN:])
                j0 = ps + t * L
                posv = lane + j0
                lj = j0 - ws
                px = wtx[pl.ds(lj, L)]
                py = wty[pl.ds(lj, L)]
                pz = wtz[pl.ds(lj, L)]
                for k in range(QN):
                    dx = px - ltxq[k]
                    dy = py - ltyq[k]
                    dz = pz - ltzq[k]
                    d2 = dx * dx + dy * dy + dz * dz
                    if masked:
                        d2 = jnp.where(
                            (posv >= sq[k]) & (posv < eq[k]), d2, _INF)
                    bv, bp = plsc.sort_key_val(d2, posv, descending=True)
                    tk = bv < a[k]
                    mv = jnp.where(tk, bv, a[k])
                    mp = jnp.where(tk, bp, p_[k])
                    a[k], p_[k] = plsc.sort_key_val(mv, mp)
                return tuple(a) + tuple(p_)

            res = tuple(avs) + tuple(aps)
            res = lax.fori_loop(0, t1, lambda t, c: _block(t, c, True), res)
            res = lax.fori_loop(t1, t2, lambda t, c: _block(t, c, False), res)
            res = lax.fori_loop(t2, nblk, lambda t, c: _block(t, c, True), res)
            for k in range(QN):
                avbuf[pl.ds((QN * q + k) * L, L)] = res[k]
                apbuf[pl.ds((QN * q + k) * L, L)] = res[QN + k]
            return 0

        lax.fori_loop(0, QPW // QN, qbody, 0)
        return 0

    ascan(slo, bend0, ws0)

    def awin(w, _):
        bstart = slo + w * SMAX
        bend = jnp.minimum(bstart + SMAX, shi)
        ws = pl.multiple_of(jnp.minimum(bstart, N_PROT - SMAX), L)
        cs = [
            pltpu.async_copy(ptx_h.at[pl.ds(ws, SMAX)], wtx, asem),
            pltpu.async_copy(pty_h.at[pl.ds(ws, SMAX)], wty, asem),
            pltpu.async_copy(ptz_h.at[pl.ds(ws, SMAX)], wtz, asem),
        ]
        for c in cs:
            c.wait()
        return ascan(bstart, bend, ws)

    lax.fori_loop(1, nwin, awin, 0)

    def bscan(bstart, bend, ws, carry):
        def qfin(q, carry2):
            ca2, na2 = carry2
            isplat = jnp.full((L,), q, jnp.int32)
            av = avbuf[pl.ds(q * L, L)]
            ap = apbuf[pl.ds(q * L, L)]
            bq = plsc.load_gather(lb, [isplat])
            twv = plsc.load_gather(tww, [bq])
            inwin = (ap >= bstart) & (ap < bend)
            lp = jnp.where(inwin, ap - ws, 0)
            gx = plsc.load_gather(lgx, [isplat]) - plsc.load_gather(wgx, [lp])
            gy = plsc.load_gather(lgy, [isplat]) - plsc.load_gather(wgy, [lp])
            gz = plsc.load_gather(lgz, [isplat]) - plsc.load_gather(wgz, [lp])
            d2g = gx * gx + gy * gy + gz * gz
            d2t = jnp.minimum(av, 1e8)
            dij_g = _sqrt16(jnp.maximum(d2g, EPS))
            dij_t = _sqrt16(jnp.maximum(d2t, EPS))
            se = (dij_g - dij_t) * (dij_g - dij_t)
            validm = (av <= D2_MAX) & (lane < K_NBR) & inwin
            ca2 = ca2 + jnp.where(validm, se * twv, 0.0)
            na2 = na2 + jnp.where(validm, 1.0, 0.0)
            return ca2, na2

        return lax.fori_loop(0, QPW, qfin, carry)

    for c in b0:
        c.wait()
    carry0 = bscan(slo, bend0, ws0, (zero16, zero16))

    def bwin(w, carry):
        bstart = slo + w * SMAX
        bend = jnp.minimum(bstart + SMAX, shi)
        ws = pl.multiple_of(jnp.minimum(bstart, N_PROT - SMAX), L)
        cs = [
            pltpu.async_copy(pgx_h.at[pl.ds(ws, SMAX)], wgx, bsem),
            pltpu.async_copy(pgy_h.at[pl.ds(ws, SMAX)], wgy, bsem),
            pltpu.async_copy(pgz_h.at[pl.ds(ws, SMAX)], wgz, bsem),
        ]
        for c in cs:
            c.wait()
        return bscan(bstart, bend, ws, carry)

    ca, na = lax.fori_loop(1, nwin, bwin, carry0)
    ovec[...] = ca
    pltpu.sync_copy(ovec, se_hbm.at[wid])
    ovec[...] = na
    pltpu.sync_copy(ovec, cnt_hbm.at[wid])


@jax.jit
def _run(lgx, lgy, lgz, ltx, lty, ltz, pgx, pgy, pgz, ptx, pty, ptz,
         lb, pb, tw):
    mesh = plsc.VectorSubcoreMesh(core_axis_name="c", subcore_axis_name="s",
                                  num_cores=NC, num_subcores=16)
    f32, i32 = jnp.float32, jnp.int32

    call = pl.kernel(
        _sc_body,
        out_type=(
            jax.ShapeDtypeStruct((NW, L), f32),
            jax.ShapeDtypeStruct((NW, L), f32),
        ),
        mesh=mesh,
        compiler_params=pltpu.CompilerParams(needs_layout_passes=False),
        scratch_types=(
            pltpu.VMEM((QPW,), f32), pltpu.VMEM((QPW,), f32),
            pltpu.VMEM((QPW,), f32), pltpu.VMEM((QPW,), f32),
            pltpu.VMEM((QPW,), f32), pltpu.VMEM((QPW,), f32),
            pltpu.VMEM((QPW,), i32),
            pltpu.VMEM((N_BATCH,), f32),
            pltpu.VMEM((3 * L,), i32),
            pltpu.VMEM((SMAX,), f32), pltpu.VMEM((SMAX,), f32),
            pltpu.VMEM((SMAX,), f32),
            pltpu.VMEM((SMAX,), f32), pltpu.VMEM((SMAX,), f32),
            pltpu.VMEM((SMAX,), f32),
            pltpu.VMEM((N_PROT,), i32),
            pltpu.VMEM((QPW * L,), f32),
            pltpu.VMEM((QPW * L,), i32),
            pltpu.VMEM((L,), f32),
            pltpu.SemaphoreType.DMA, pltpu.SemaphoreType.DMA,
            pltpu.SemaphoreType.DMA, pltpu.SemaphoreType.DMA,
        ),
    )
    se0, cnt0 = call(lgx, lgy, lgz, ltx, lty, ltz, pgx, pgy, pgz,
                     ptx, pty, ptz, lb, pb, tw)
    return jnp.sum(se0) / jnp.maximum(jnp.sum(cnt0), 1.0)


def kernel(lig_x_gen, prot_x_gen, lig_x_true, prot_x_true, lig_batch,
           prot_batch, time_weights):
    pg = [prot_x_gen[:, c] for c in range(3)]
    pt = [prot_x_true[:, c] for c in range(3)]
    lg = [lig_x_gen[:, c] for c in range(3)]
    lt = [lig_x_true[:, c] for c in range(3)]
    return _run(
        *lg, *lt, *pg, *pt,
        lig_batch.astype(jnp.int32), prot_batch.astype(jnp.int32),
        time_weights,
    )

# --- scband reference (transcript-rebuilt; emitter-appended) ---
"""Pipeline reference for scband-prot-lig-dist-44324062494963 (READ-ONLY COPY).

The authoritative reference and input builder live on the scoring server;
editing this copy changes nothing except your own understanding.
"""

import jax, jax.numpy as jnp
import numpy as np

N_LIG = 2048
N_PROT = 16384
N_BATCH = 32
D_MAX = 4.5
WEIGHT = 1.0
K_NBR = 15
EPS = 1e-8


def setup_inputs(seed: int = 0) -> dict:
    key = jax.random.key(seed)
    ks = jax.random.split(key, 7)
    lig_x_gen = jax.random.normal(ks[0], (N_LIG, 3), dtype=jnp.float32)
    prot_x_gen = jax.random.normal(ks[1], (N_PROT, 3), dtype=jnp.float32)
    lig_x_true = jax.random.normal(ks[2], (N_LIG, 3), dtype=jnp.float32)
    prot_x_true = jax.random.normal(ks[3], (N_PROT, 3), dtype=jnp.float32)
    lig_batch = jnp.sort(jax.random.randint(ks[4], (N_LIG,), 0, N_BATCH, dtype=jnp.int64))
    prot_batch = jnp.sort(jax.random.randint(ks[5], (N_PROT,), 0, N_BATCH, dtype=jnp.int64))
    time_weights = jax.random.uniform(ks[6], (N_BATCH,), dtype=jnp.float32)
    return {
        'lig_x_gen': lig_x_gen,
        'prot_x_gen': prot_x_gen,
        'lig_x_true': lig_x_true,
        'prot_x_true': prot_x_true,
        'lig_batch': lig_batch,
        'prot_batch': prot_batch,
        'time_weights': time_weights,
    }


def _norm_no_nan(x, axis=-1, eps=EPS):
    return jnp.sqrt(jnp.maximum(jnp.sum(x * x, axis=axis), eps))


def reference(lig_x_gen, prot_x_gen, lig_x_true, prot_x_true, lig_batch, prot_batch, time_weights):
    # --- torch_cluster.radius(x=prot_true, y=lig_true, batch_x, batch_y, r, max_num_neighbors=15) ---
    # dense fixed-size formulation: squared distances [N_lig, N_prot] via gram trick
    lig_sq = jnp.sum(lig_x_true * lig_x_true, axis=-1)          # [Nl]
    prot_sq = jnp.sum(prot_x_true * prot_x_true, axis=-1)       # [Np]
    cross = lig_x_true @ prot_x_true.T                          # [Nl, Np]
    d2 = lig_sq[:, None] + prot_sq[None, :] - 2.0 * cross
    same_batch = lig_batch[:, None] == prot_batch[None, :]
    d2_masked = jnp.where(same_batch, d2, jnp.inf)
    neg_vals, nbr_idx = jax.lax.top_k(-d2_masked, K_NBR)        # [Nl, K] nearest prot atoms
    valid = (-neg_vals) <= (D_MAX * D_MAX)                      # within radius & same batch

    # --- gather pair endpoints (edge src = lig atom, dst = prot atom) ---
    prot_gen_nb = prot_x_gen[nbr_idx]                           # [Nl, K, 3]
    x_diff_gen = lig_x_gen[:, None, :] - prot_gen_nb
    dij_gen = _norm_no_nan(x_diff_gen)                          # [Nl, K]

    prot_true_nb = prot_x_true[nbr_idx]
    x_diff_true = lig_x_true[:, None, :] - prot_true_nb
    dij_true = _norm_no_nan(x_diff_true)

    # --- time-scaled MSE over valid radius edges ---
    se = (dij_gen - dij_true) ** 2
    tw = time_weights[lig_batch][:, None]                       # time_weights[batch_of_lig_src]
    w = valid.astype(jnp.float32)
    loss = jnp.sum(se * tw * w) / jnp.maximum(jnp.sum(w), 1.0)
    return loss * WEIGHT


if False:  # reference __main__ guard neutralized (emitter)
    out = reference(**setup_inputs())
    print(out.shape, out)

if __name__ == "__main__":
    import jax
    _d = setup_inputs()
    print(jax.jit(kernel)(*tuple(_d.values())))

</pallas_src>

<mosaic_0001>
#map = affine_map<(d0, d1) -> (0)>
#map1 = affine_map<(d0, d1) -> (0, 0)>
module attributes {stable_mosaic.version = 14 : i64} {
  func.func @_sc_body(%arg0: i32, %arg1: i32, %arg2: memref<2048xf32, #tpu.memory_space<hbm>>, %arg3: memref<2048xf32, #tpu.memory_space<hbm>>, %arg4: memref<2048xf32, #tpu.memory_space<hbm>>, %arg5: memref<2048xf32, #tpu.memory_space<hbm>>, %arg6: memref<2048xf32, #tpu.memory_space<hbm>>, %arg7: memref<2048xf32, #tpu.memory_space<hbm>>, %arg8: memref<16384xf32, #tpu.memory_space<hbm>>, %arg9: memref<16384xf32, #tpu.memory_space<hbm>>, %arg10: memref<16384xf32, #tpu.memory_space<hbm>>, %arg11: memref<16384xf32, #tpu.memory_space<hbm>>, %arg12: memref<16384xf32, #tpu.memory_space<hbm>>, %arg13: memref<16384xf32, #tpu.memory_space<hbm>>, %arg14: memref<2048xi32, #tpu.memory_space<hbm>>, %arg15: memref<16384xi32, #tpu.memory_space<hbm>>, %arg16: memref<32xf32, #tpu.memory_space<hbm>>, %arg17: memref<32x16xf32, #tpu.memory_space<hbm>>, %arg18: memref<32x16xf32, #tpu.memory_space<hbm>>, %arg19: memref<64xf32, #tpu.memory_space<vmem>>, %arg20: memref<64xf32, #tpu.memory_space<vmem>>, %arg21: memref<64xf32, #tpu.memory_space<vmem>>, %arg22: memref<64xf32, #tpu.memory_space<vmem>>, %arg23: memref<64xf32, #tpu.memory_space<vmem>>, %arg24: memref<64xf32, #tpu.memory_space<vmem>>, %arg25: memref<64xi32, #tpu.memory_space<vmem>>, %arg26: memref<32xf32, #tpu.memory_space<vmem>>, %arg27: memref<48xi32, #tpu.memory_space<vmem>>, %arg28: memref<2048xf32, #tpu.memory_space<vmem>>, %arg29: memref<2048xf32, #tpu.memory_space<vmem>>, %arg30: memref<2048xf32, #tpu.memory_space<vmem>>, %arg31: memref<2048xf32, #tpu.memory_space<vmem>>, %arg32: memref<2048xf32, #tpu.memory_space<vmem>>, %arg33: memref<2048xf32, #tpu.memory_space<vmem>>, %arg34: memref<16384xi32, #tpu.memory_space<vmem>>, %arg35: memref<1024xf32, #tpu.memory_space<vmem>>, %arg36: memref<1024xi32, #tpu.memory_space<vmem>>, %arg37: memref<16xf32, #tpu.memory_space<vmem>>, %arg38: memref<!tpu.dma_semaphore, #tpu.memory_space<semaphore_mem>>, %arg39: memref<!tpu.dma_semaphore, #tpu.memory_space<semaphore_mem>>, %arg40: memref<!tpu.dma_semaphore, #tpu.memory_space<semaphore_mem>>, %arg41: memref<!tpu.dma_semaphore, #tpu.memory_space<semaphore_mem>>) attributes {dimension_semantics = [#tpu.dimension_semantics<core_parallel>, #tpu.dimension_semantics<subcore_parallel>], iteration_bounds = array<i64: 2, 16>, scalar_prefetch = 0 : i64, scratch_operands = 23 : i64, tpu.core_type = #tpu.core_type<sc_vector_subcore>, window_params = [{transform_indices = #map}, {transform_indices = #map}, {transform_indices = #map}, {transform_indices = #map}, {transform_indices = #map}, {transform_indices = #map}, {transform_indices = #map}, {transform_indices = #map}, {transform_indices = #map}, {transform_indices = #map}, {transform_indices = #map}, {transform_indices = #map}, {transform_indices = #map}, {transform_indices = #map}, {transform_indices = #map}, {transform_indices = #map1}, {transform_indices = #map1}]} {
    %mul3A = arith.constant 2 : i32
    %mul3A_0 = arith.muli %arg1, %mul3A : i32
    %add3A = arith.addi %mul3A_0, %arg0 : i32
    %mul3A_1 = arith.constant 64 : i32
    %mul3A_2 = arith.muli %add3A, %mul3A_1 : i32
    %multiple_of3A = tpu.assume_multiple %mul3A_2, 64 : i32
    tpu.enqueue_dma source(%arg15 : memref<16384xi32, #tpu.memory_space<hbm>>) target(%arg34 : memref<16384xi32, #tpu.memory_space<vmem>>) target_semaphore(%arg39 : memref<!tpu.dma_semaphore, #tpu.memory_space<semaphore_mem>>)
    %dma_start3A = tpu.memref_slice %arg14[%multiple_of3A] : memref<2048xi32, #tpu.memory_space<hbm>> -> memref<64xi32, #tpu.memory_space<hbm>>
    %dma_start3A_3 = tpu.memref_slice %arg14[%multiple_of3A] : memref<2048xi32, #tpu.memory_space<hbm>> -> memref<64xi32, #tpu.memory_space<hbm>>
    tpu.enqueue_dma source(%dma_start3A_3 : memref<64xi32, #tpu.memory_space<hbm>>) target(%arg25 : memref<64xi32, #tpu.memory_space<vmem>>) target_semaphore(%arg39 : memref<!tpu.dma_semaphore, #tpu.memory_space<semaphore_mem>>)
    %dma_start3A_4 = tpu.memref_slice %arg2[%multiple_of3A] : memref<2048xf32, #tpu.memory_space<hbm>> -> memref<64xf32, #tpu.memory_space<hbm>>
    %dma_start3A_5 = tpu.memref_slice %arg2[%multiple_of3A] : memref<2048xf32, #tpu.memory_space<hbm>> -> memref<64xf32, #tpu.memory_space<hbm>>
    tpu.enqueue_dma source(%dma_start3A_5 : memref<64xf32, #tpu.memory_space<hbm>>) target(%arg19 : memref<64xf32, #tpu.memory_space<vmem>>) target_semaphore(%arg38 : memref<!tpu.dma_semaphore, #tpu.memory_space<semaphore_mem>>)
    %dma_start3A_6 = tpu.memref_slice %arg3[%multiple_of3A] : memref<2048xf32, #tpu.memory_space<hbm>> -> memref<64xf32, #tpu.memory_space<hbm>>
    %dma_start3A_7 = tpu.memref_slice %arg3[%multiple_of3A] : memref<2048xf32, #tpu.memory_space<hbm>> -> memref<64xf32, #tpu.memory_space<hbm>>
    tpu.enqueue_dma source(%dma_start3A_7 : memref<64xf32, #tpu.memory_space<hbm>>) target(%arg20 : memref<64xf32, #tpu.memory_space<vmem>>) target_semaphore(%arg38 : memref<!tpu.dma_semaphore, #tpu.memory_space<semaphore_mem>>)
    %dma_start3A_8 = tpu.memref_slice %arg4[%multiple_of3A] : memref<2048xf32, #tpu.memory_space<hbm>> -> memref<64xf32, #tpu.memory_space<hbm>>
    %dma_start3A_9 = tpu.memref_slice %arg4[%multiple_of3A] : memref<2048xf32, #tpu.memory_space<hbm>> -> memref<64xf32, #tpu.memory_space<hbm>>
    tpu.enqueue_dma source(%dma_start3A_9 : memref<64xf32, #tpu.memory_space<hbm>>) target(%arg21 : memref<64xf32, #tpu.memory_space<vmem>>) target_semaphore(%arg38 : memref<!tpu.dma_semaphore, #tpu.memory_space<semaphore_mem>>)
    %dma_start3A_10 = tpu.memref_slice %arg5[%multiple_of3A] : memref<2048xf32, #tpu.memory_space<hbm>> -> memref<64xf32, #tpu.memory_space<hbm>>
    %dma_start3A_11 = tpu.memref_slice %arg5[%multiple_of3A] : memref<2048xf32, #tpu.memory_space<hbm>> -> memref<64xf32, #tpu.memory_space<hbm>>
    tpu.enqueue_dma source(%dma_start3A_11 : memref<64xf32, #tpu.memory_space<hbm>>) target(%arg22 : memref<64xf32, #tpu.memory_space<vmem>>) target_semaphore(%arg38 : memref<!tpu.dma_semaphore, #tpu.memory_space<semaphore_mem>>)
    %dma_start3A_12 = tpu.memref_slice %arg6[%multiple_of3A] : memref<2048xf32, #tpu.memory_space<hbm>> -> memref<64xf32, #tpu.memory_space<hbm>>
    %dma_start3A_13 = tpu.memref_slice %arg6[%multiple_of3A] : memref<2048xf32, #tpu.memory_space<hbm>> -> memref<64xf32, #tpu.memory_space<hbm>>
    tpu.enqueue_dma source(%dma_start3A_13 : memref<64xf32, #tpu.memory_space<hbm>>) target(%arg23 : memref<64xf32, #tpu.memory_space<vmem>>) target_semaphore(%arg38 : memref<!tpu.dma_semaphore, #tpu.memory_space<semaphore_mem>>)
    %dma_start3A_14 = tpu.memref_slice %arg7[%multiple_of3A] : memref<2048xf32, #tpu.memory_space<hbm>> -> memref<64xf32, #tpu.memory_space<hbm>>
    %dma_start3A_15 = tpu.memref_slice %arg7[%multiple_of3A] : memref<2048xf32, #tpu.memory_space<hbm>> -> memref<64xf32, #tpu.memory_space<hbm>>
    tpu.enqueue_dma source(%dma_start3A_15 : memref<64xf32, #tpu.memory_space<hbm>>) target(%arg24 : memref<64xf32, #tpu.memory_space<vmem>>) target_semaphore(%arg38 : memref<!tpu.dma_semaphore, #tpu.memory_space<semaphore_mem>>)
    tpu.enqueue_dma source(%arg16 : memref<32xf32, #tpu.memory_space<hbm>>) target(%arg26 : memref<32xf32, #tpu.memory_space<vmem>>) target_semaphore(%arg38 : memref<!tpu.dma_semaphore, #tpu.memory_space<semaphore_mem>>)
    %iota3A = tpu.iota {dimensions = array<i32: 0>} : vector<16xi32>
    %broadcast_in_dim3A = arith.constant 0x7F800000 : f32
    %broadcast_in_dim3A_16 = vector.broadcast %broadcast_in_dim3A : f32 to vector<16xf32>
    %broadcast_in_dim3A_17 = arith.constant 0 : i32
    %broadcast_in_dim3A_18 = vector.broadcast %broadcast_in_dim3A_17 : i32 to vector<16xi32>
    %broadcast_in_dim3A_19 = arith.constant 0.000000e+00 : f32
    %broadcast_in_dim3A_20 = vector.broadcast %broadcast_in_dim3A_19 : f32 to vector<16xf32>
    %scan3A = arith.constant 0 : i32
    %scan3A_21 = arith.constant 0 : i32
    %scan3A_22 = arith.constant 64 : i32
    %scan3A_23 = arith.addi %scan3A_21, %scan3A_22 : i32
    %scan3A_24 = arith.constant 1 : i32
    %scan3A_25 = scf.for %scan3A_402 = %scan3A_21 to %scan3A_23 step %scan3A_24 iter_args(%scan3A_403 = %scan3A) -> (i32)  : i32 {
      %mul3A_404 = arith.constant 16 : i32
      %mul3A_405 = arith.muli %scan3A_402, %mul3A_404 : i32
      %swap3A_406 = arith.index_cast %mul3A_405 : i32 to index
      %swap3A_407 = tpu.vector_load %arg35[%swap3A_406] {strides = array<i32>} : memref<1024xf32, #tpu.memory_space<vmem>>, vector<16xf32>,
      tpu.vector_store %arg35[%swap3A_406], %broadcast_in_dim3A_16 {strides = array<i32>} : memref<1024xf32, #tpu.memory_space<vmem>>, vector<16xf32>,
      %mul3A_408 = arith.constant 16 : i32
      %mul3A_409 = arith.muli %scan3A_402, %mul3A_408 : i32
      %swap3A_410 = arith.index_cast %mul3A_409 : i32 to index
      %swap3A_411 = tpu.vector_load %arg36[%swap3A_410] {strides = array<i32>} : memref<1024xi32, #tpu.memory_space<vmem>>, vector<16xi32>,
      tpu.vector_store %arg36[%swap3A_410], %broadcast_in_dim3A_18 {strides = array<i32>} : memref<1024xi32, #tpu.memory_space<vmem>>, vector<16xi32>,
      %scan3A_412 = arith.constant 0 : i32
      scf.yield %scan3A_412 : i32
    }
    %scan3A_26 = arith.constant 64 : i32
    tpu.wait_dma2 semaphore(%arg39 : memref<!tpu.dma_semaphore, #tpu.memory_space<semaphore_mem>>) src(%arg15 : memref<16384xi32, #tpu.memory_space<hbm>>) dst(%arg34 : memref<16384xi32, #tpu.memory_space<vmem>>)
    %dma_wait3A = tpu.memref_slice %arg14[%multiple_of3A] : memref<2048xi32, #tpu.memory_space<hbm>> -> memref<64xi32, #tpu.memory_space<hbm>>
    %dma_wait3A_27 = tpu.memref_slice %arg14[%multiple_of3A] : memref<2048xi32, #tpu.memory_space<hbm>> -> memref<64xi32, #tpu.memory_space<hbm>>
    tpu.wait_dma2 semaphore(%arg39 : memref<!tpu.dma_semaphore, #tpu.memory_space<semaphore_mem>>) src(%dma_wait3A_27 : memref<64xi32, #tpu.memory_space<hbm>>) dst(%arg25 : memref<64xi32, #tpu.memory_space<vmem>>)
    %add3A_28 = arith.constant 0 : i32
    %add3A_29 = vector.broadcast %add3A_28 : i32 to vector<16xi32>
    %add3A_30 = arith.addi %iota3A, %add3A_29 : vector<16xi32>
    %broadcast_in_dim3A_31 = arith.constant 0 : i32
    %broadcast_in_dim3A_32 = vector.broadcast %broadcast_in_dim3A_31 : i32 to vector<16xi32>
    %add3A_33 = arith.constant 8191 : i32
    %add3A_34 = vector.broadcast %add3A_33 : i32 to vector<16xi32>
    %add3A_35 = arith.addi %broadcast_in_dim3A_32, %add3A_34 : vector<16xi32>
    %gather3A = tpu.vector_load_idx %arg34[%add3A_35] : memref<16384xi32, #tpu.memory_space<vmem>>[vector<16xi32>], vector<16xi32>,
    %lt3A = arith.cmpi slt, %gather3A, %add3A_30 : vector<16xi32>
    %add3A_36 = arith.constant 8192 : i32
    %add3A_37 = vector.broadcast %add3A_36 : i32 to vector<16xi32>
    %add3A_38 = arith.addi %broadcast_in_dim3A_32, %add3A_37 : vector<16xi32>
    %select_n3A = arith.select %lt3A, %add3A_38, %broadcast_in_dim3A_32 : vector<16xi1>, vector<16xi32>
    %add3A_39 = arith.constant 4095 : i32
    %add3A_40 = vector.broadcast %add3A_39 : i32 to vector<16xi32>
    %add3A_41 = arith.addi %select_n3A, %add3A_40 : vector<16xi32>
    %gather3A_42 = tpu.vector_load_idx %arg34[%add3A_41] : memref<16384xi32, #tpu.memory_space<vmem>>[vector<16xi32>], vector<16xi32>,
    %lt3A_43 = arith.cmpi slt, %gather3A_42, %add3A_30 : vector<16xi32>
    %add3A_44 = arith.constant 4096 : i32
    %add3A_45 = vector.broadcast %add3A_44 : i32 to vector<16xi32>
    %add3A_46 = arith.addi %select_n3A, %add3A_45 : vector<16xi32>
    %select_n3A_47 = arith.select %lt3A_43, %add3A_46, %select_n3A : vector<16xi1>, vector<16xi32>
    %add3A_48 = arith.constant 2047 : i32
    %add3A_49 = vector.broadcast %add3A_48 : i32 to vector<16xi32>
    %add3A_50 = arith.addi %select_n3A_47, %add3A_49 : vector<16xi32>
    %gather3A_51 = tpu.vector_load_idx %arg34[%add3A_50] : memref<16384xi32, #tpu.memory_space<vmem>>[vector<16xi32>], vector<16xi32>,
    %lt3A_52 = arith.cmpi slt, %gather3A_51, %add3A_30 : vector<16xi32>
    %add3A_53 = arith.constant 2048 : i32
    %add3A_54 = vector.broadcast %add3A_53 : i32 to vector<16xi32>
    %add3A_55 = arith.addi %select_n3A_47, %add3A_54 : vector<16xi32>
    %select_n3A_56 = arith.select %lt3A_52, %add3A_55, %select_n3A_47 : vector<16xi1>, vector<16xi32>
    %add3A_57 = arith.constant 1023 : i32
    %add3A_58 = vector.broadcast %add3A_57 : i32 to vector<16xi32>
    %add3A_59 = arith.addi %select_n3A_56, %add3A_58 : vector<16xi32>
    %gather3A_60 = tpu.vector_load_idx %arg34[%add3A_59] : memref<16384xi32, #tpu.memory_space<vmem>>[vector<16xi32>], vector<16xi32>,
    %lt3A_61 = arith.cmpi slt, %gather3A_60, %add3A_30 : vector<16xi32>
    %add3A_62 = arith.constant 1024 : i32
    %add3A_63 = vector.broadcast %add3A_62 : i32 to vector<16xi32>
    %add3A_64 = arith.addi %select_n3A_56, %add3A_63 : vector<16xi32>
    %select_n3A_65 = arith.select %lt3A_61, %add3A_64, %select_n3A_56 : vector<16xi1>, vector<16xi32>
    %add3A_66 = arith.constant 511 : i32
    %add3A_67 = vector.broadcast %add3A_66 : i32 to vector<16xi32>
    %add3A_68 = arith.addi %select_n3A_65, %add3A_67 : vector<16xi32>
    %gather3A_69 = tpu.vector_load_idx %arg34[%add3A_68] : memref<16384xi32, #tpu.memory_space<vmem>>[vector<16xi32>], vector<16xi32>,
    %lt3A_70 = arith.cmpi slt, %gather3A_69, %add3A_30 : vector<16xi32>
    %add3A_71 = arith.constant 512 : i32
    %add3A_72 = vector.broadcast %add3A_71 : i32 to vector<16xi32>
    %add3A_73 = arith.addi %select_n3A_65, %add3A_72 : vector<16xi32>
    %select_n3A_74 = arith.select %lt3A_70, %add3A_73, %select_n3A_65 : vector<16xi1>, vector<16xi32>
    %add3A_75 = arith.constant 255 : i32
    %add3A_76 = vector.broadcast %add3A_75 : i32 to vector<16xi32>
    %add3A_77 = arith.addi %select_n3A_74, %add3A_76 : vector<16xi32>
    %gather3A_78 = tpu.vector_load_idx %arg34[%add3A_77] : memref<16384xi32, #tpu.memory_space<vmem>>[vector<16xi32>], vector<16xi32>,
    %lt3A_79 = arith.cmpi slt, %gather3A_78, %add3A_30 : vector<16xi32>
    %add3A_80 = arith.constant 256 : i32
    %add3A_81 = vector.broadcast %add3A_80 : i32 to vector<16xi32>
    %add3A_82 = arith.addi %select_n3A_74, %add3A_81 : vector<16xi32>
    %select_n3A_83 = arith.select %lt3A_79, %add3A_82, %select_n3A_74 : vector<16xi1>, vector<16xi32>
    %add3A_84 = arith.constant 127 : i32
    %add3A_85 = vector.broadcast %add3A_84 : i32 to vector<16xi32>
    %add3A_86 = arith.addi %select_n3A_83, %add3A_85 : vector<16xi32>
    %gather3A_87 = tpu.vector_load_idx %arg34[%add3A_86] : memref<16384xi32, #tpu.memory_space<vmem>>[vector<16xi32>], vector<16xi32>,
    %lt3A_88 = arith.cmpi slt, %gather3A_87, %add3A_30 : vector<16xi32>
    %add3A_89 = arith.constant 128 : i32
    %add3A_90 = vector.broadcast %add3A_89 : i32 to vector<16xi32>
    %add3A_91 = arith.addi %select_n3A_83, %add3A_90 : vector<16xi32>
    %select_n3A_92 = arith.select %lt3A_88, %add3A_91, %select_n3A_83 : vector<16xi1>, vector<16xi32>
    %add3A_93 = arith.constant 63 : i32
    %add3A_94 = vector.broadcast %add3A_93 : i32 to vector<16xi32>
    %add3A_95 = arith.addi %select_n3A_92, %add3A_94 : vector<16xi32>
    %gather3A_96 = tpu.vector_load_idx %arg34[%add3A_95] : memref<16384xi32, #tpu.memory_space<vmem>>[vector<16xi32>], vector<16xi32>,
    %lt3A_97 = arith.cmpi slt, %gather3A_96, %add3A_30 : vector<16xi32>
    %add3A_98 = arith.constant 64 : i32
    %add3A_99 = vector.broadcast %add3A_98 : i32 to vector<16xi32>
    %add3A_100 = arith.addi %select_n3A_92, %add3A_99 : vector<16xi32>
    %select_n3A_101 = arith.select %lt3A_97, %add3A_100, %select_n3A_92 : vector<16xi1>, vector<16xi32>
    %add3A_102 = arith.constant 31 : i32
    %add3A_103 = vector.broadcast %add3A_102 : i32 to vector<16xi32>
    %add3A_104 = arith.addi %select_n3A_101, %add3A_103 : vector<16xi32>
    %gather3A_105 = tpu.vector_load_idx %arg34[%add3A_104] : memref<16384xi32, #tpu.memory_space<vmem>>[vector<16xi32>], vector<16xi32>,
    %lt3A_106 = arith.cmpi slt, %gather3A_105, %add3A_30 : vector<16xi32>
    %add3A_107 = arith.constant 32 : i32
    %add3A_108 = vector.broadcast %add3A_107 : i32 to vector<16xi32>
    %add3A_109 = arith.addi %select_n3A_101, %add3A_108 : vector<16xi32>
    %select_n3A_110 = arith.select %lt3A_106, %add3A_109, %select_n3A_101 : vector<16xi1>, vector<16xi32>
    %add3A_111 = arith.constant 15 : i32
    %add3A_112 = vector.broadcast %add3A_111 : i32 to vector<16xi32>
    %add3A_113 = arith.addi %select_n3A_110, %add3A_112 : vector<16xi32>
    %gather3A_114 = tpu.vector_load_idx %arg34[%add3A_113] : memref<16384xi32, #tpu.memory_space<vmem>>[vector<16xi32>], vector<16xi32>,
    %lt3A_115 = arith.cmpi slt, %gather3A_114, %add3A_30 : vector<16xi32>
    %add3A_116 = arith.constant 16 : i32
    %add3A_117 = vector.broadcast %add3A_116 : i32 to vector<16xi32>
    %add3A_118 = arith.addi %select_n3A_110, %add3A_117 : vector<16xi32>
    %select_n3A_119 = arith.select %lt3A_115, %add3A_118, %select_n3A_110 : vector<16xi1>, vector<16xi32>
    %add3A_120 = arith.constant 7 : i32
    %add3A_121 = vector.broadcast %add3A_120 : i32 to vector<16xi32>
    %add3A_122 = arith.addi %select_n3A_119, %add3A_121 : vector<16xi32>
    %gather3A_123 = tpu.vector_load_idx %arg34[%add3A_122] : memref<16384xi32, #tpu.memory_space<vmem>>[vector<16xi32>], vector<16xi32>,
    %lt3A_124 = arith.cmpi slt, %gather3A_123, %add3A_30 : vector<16xi32>
    %add3A_125 = arith.constant 8 : i32
    %add3A_126 = vector.broadcast %add3A_125 : i32 to vector<16xi32>
    %add3A_127 = arith.addi %select_n3A_119, %add3A_126 : vector<16xi32>
    %select_n3A_128 = arith.select %lt3A_124, %add3A_127, %select_n3A_119 : vector<16xi1>, vector<16xi32>
    %add3A_129 = arith.constant 3 : i32
    %add3A_130 = vector.broadcast %add3A_129 : i32 to vector<16xi32>
    %add3A_131 = arith.addi %select_n3A_128, %add3A_130 : vector<16xi32>
    %gather3A_132 = tpu.vector_load_idx %arg34[%add3A_131] : memref<16384xi32, #tpu.memory_space<vmem>>[vector<16xi32>], vector<16xi32>,
    %lt3A_133 = arith.cmpi slt, %gather3A_132, %add3A_30 : vector<16xi32>
    %add3A_134 = arith.constant 4 : i32
    %add3A_135 = vector.broadcast %add3A_134 : i32 to vector<16xi32>
    %add3A_136 = arith.addi %select_n3A_128, %add3A_135 : vector<16xi32>
    %select_n3A_137 = arith.select %lt3A_133, %add3A_136, %select_n3A_128 : vector<16xi1>, vector<16xi32>
    %add3A_138 = arith.constant 1 : i32
    %add3A_139 = vector.broadcast %add3A_138 : i32 to vector<16xi32>
    %add3A_140 = arith.addi %select_n3A_137, %add3A_139 : vector<16xi32>
    %gather3A_141 = tpu.vector_load_idx %arg34[%add3A_140] : memref<16384xi32, #tpu.memory_space<vmem>>[vector<16xi32>], vector<16xi32>,
    %lt3A_142 = arith.cmpi slt, %gather3A_141, %add3A_30 : vector<16xi32>
    %add3A_143 = arith.constant 2 : i32
    %add3A_144 = vector.broadcast %add3A_143 : i32 to vector<16xi32>
    %add3A_145 = arith.addi %select_n3A_137, %add3A_144 : vector<16xi32>
    %select_n3A_146 = arith.select %lt3A_142, %add3A_145, %select_n3A_137 : vector<16xi1>, vector<16xi32>
    %add3A_147 = arith.constant 0 : i32
    %add3A_148 = vector.broadcast %add3A_147 : i32 to vector<16xi32>
    %add3A_149 = arith.addi %select_n3A_146, %add3A_148 : vector<16xi32>
    %gather3A_150 = tpu.vector_load_idx %arg34[%add3A_149] : memref<16384xi32, #tpu.memory_space<vmem>>[vector<16xi32>], vector<16xi32>,
    %lt3A_151 = arith.cmpi slt, %gather3A_150, %add3A_30 : vector<16xi32>
    %add3A_152 = arith.constant 1 : i32
    %add3A_153 = vector.broadcast %add3A_152 : i32 to vector<16xi32>
    %add3A_154 = arith.addi %select_n3A_146, %add3A_153 : vector<16xi32>
    %select_n3A_155 = arith.select %lt3A_151, %add3A_154, %select_n3A_146 : vector<16xi1>, vector<16xi32>
    %gather3A_156 = tpu.vector_load_idx %arg34[%select_n3A_155] : memref<16384xi32, #tpu.memory_space<vmem>>[vector<16xi32>], vector<16xi32>,
    %lt3A_157 = arith.cmpi slt, %gather3A_156, %add3A_30 : vector<16xi32>
    %add3A_158 = arith.constant 1 : i32
    %add3A_159 = vector.broadcast %add3A_158 : i32 to vector<16xi32>
    %add3A_160 = arith.addi %select_n3A_155, %add3A_159 : vector<16xi32>
    %select_n3A_161 = arith.select %lt3A_157, %add3A_160, %select_n3A_155 : vector<16xi1>, vector<16xi32>
    %swap3A = arith.constant 0 : index
    %swap3A_162 = tpu.vector_load %arg27[%swap3A] {strides = array<i32>} : memref<48xi32, #tpu.memory_space<vmem>>, vector<16xi32>,
    tpu.vector_store %arg27[%swap3A], %select_n3A_161 {strides = array<i32>} : memref<48xi32, #tpu.memory_space<vmem>>, vector<16xi32>,
    %add3A_163 = arith.constant 16 : i32
    %add3A_164 = vector.broadcast %add3A_163 : i32 to vector<16xi32>
    %add3A_165 = arith.addi %iota3A, %add3A_164 : vector<16xi32>
    %broadcast_in_dim3A_166 = arith.constant 0 : i32
    %broadcast_in_dim3A_167 = vector.broadcast %broadcast_in_dim3A_166 : i32 to vector<16xi32>
    %add3A_168 = arith.constant 8191 : i32
    %add3A_169 = vector.broadcast %add3A_168 : i32 to vector<16xi32>
    %add3A_170 = arith.addi %broadcast_in_dim3A_167, %add3A_169 : vector<16xi32>
    %gather3A_171 = tpu.vector_load_idx %arg34[%add3A_170] : memref<16384xi32, #tpu.memory_space<vmem>>[vector<16xi32>], vector<16xi32>,
    %lt3A_172 = arith.cmpi slt, %gather3A_171, %add3A_165 : vector<16xi32>
    %add3A_173 = arith.constant 8192 : i32
    %add3A_174 = vector.broadcast %add3A_173 : i32 to vector<16xi32>
    %add3A_175 = arith.addi %broadcast_in_dim3A_167, %add3A_174 : vector<16xi32>
    %select_n3A_176 = arith.select %lt3A_172, %add3A_175, %broadcast_in_dim3A_167 : vector<16xi1>, vector<16xi32>
    %add3A_177 = arith.constant 4095 : i32
    %add3A_178 = vector.broadcast %add3A_177 : i32 to vector<16xi32>
    %add3A_179 = arith.addi %select_n3A_176, %add3A_178 : vector<16xi32>
    %gather3A_180 = tpu.vector_load_idx %arg34[%add3A_179] : memref<16384xi32, #tpu.memory_space<vmem>>[vector<16xi32>], vector<16xi32>,
    %lt3A_181 = arith.cmpi slt, %gather3A_180, %add3A_165 : vector<16xi32>
    %add3A_182 = arith.constant 4096 : i32
    %add3A_183 = vector.broadcast %add3A_182 : i32 to vector<16xi32>
    %add3A_184 = arith.addi %select_n3A_176, %add3A_183 : vector<16xi32>
    %select_n3A_185 = arith.select %lt3A_181, %add3A_184, %select_n3A_176 : vector<16xi1>, vector<16xi32>
    %add3A_186 = arith.constant 2047 : i32
    %add3A_187 = vector.broadcast %add3A_186 : i32 to vector<16xi32>
    %add3A_188 = arith.addi %select_n3A_185, %add3A_187 : vector<16xi32>
    %gather3A_189 = tpu.vector_load_idx %arg34[%add3A_188] : memref<16384xi32, #tpu.memory_space<vmem>>[vector<16xi32>], vector<16xi32>,
    %lt3A_190 = arith.cmpi slt, %gather3A_189, %add3A_165 : vector<16xi32>
    %add3A_191 = arith.constant 2048 : i32
    %add3A_192 = vector.broadcast %add3A_191 : i32 to vector<16xi32>
    %add3A_193 = arith.addi %select_n3A_185, %add3A_192 : vector<16xi32>
    %select_n3A_194 = arith.select %lt3A_190, %add3A_193, %select_n3A_185 : vector<16xi1>, vector<16xi32>
    %add3A_195 = arith.constant 1023 : i32
    %add3A_196 = vector.broadcast %add3A_195 : i32 to vector<16xi32>
    %add3A_197 = arith.addi %select_n3A_194, %add3A_196 : vector<16xi32>
    %gather3A_198 = tpu.vector_load_idx %arg34[%add3A_197] : memref<16384xi32, #tpu.memory_space<vmem>>[vector<16xi32>], vector<16xi32>,
    %lt3A_199 = arith.cmpi slt, %gather3A_198, %add3A_165 : vector<16xi32>
    %add3A_200 = arith.constant 1024 : i32
    %add3A_201 = vector.broadcast %add3A_200 : i32 to vector<16xi32>
    %add3A_202 = arith.addi %select_n3A_194, %add3A_201 : vector<16xi32>
    %select_n3A_203 = arith.select %lt3A_199, %add3A_202, %select_n3A_194 : vector<16xi1>, vector<16xi32>
    %add3A_204 = arith.constant 511 : i32
    %add3A_205 = vector.broadcast %add3A_204 : i32 to vector<16xi32>
    %add3A_206 = arith.addi %select_n3A_203, %add3A_205 : vector<16xi32>
    %gather3A_207 = tpu.vector_load_idx %arg34[%add3A_206] : memref<16384xi32, #tpu.memory_space<vmem>>[vector<16xi32>], vector<16xi32>,
    %lt3A_208 = arith.cmpi slt, %gather3A_207, %add3A_165 : vector<16xi32>
    %add3A_209 = arith.constant 512 : i32
    %add3A_210 = vector.broadcast %add3A_209 : i32 to vector<16xi32>
    %add3A_211 = arith.addi %select_n3A_203, %add3A_210 : vector<16xi32>
    %select_n3A_212 = arith.select %lt3A_208, %add3A_211, %select_n3A_203 : vector<16xi1>, vector<16xi32>
    %add3A_213 = arith.constant 255 : i32
    %add3A_214 = vector.broadcast %add3A_213 : i32 to vector<16xi32>
    %add3A_215 = arith.addi %select_n3A_212, %add3A_214 : vector<16xi32>
    %gather3A_216 = tpu.vector_load_idx %arg34[%add3A_215] : memref<16384xi32, #tpu.memory_space<vmem>>[vector<16xi32>], vector<16xi32>,
    %lt3A_217 = arith.cmpi slt, %gather3A_216, %add3A_165 : vector<16xi32>
    %add3A_218 = arith.constant 256 : i32
    %add3A_219 = vector.broadcast %add3A_218 : i32 to vector<16xi32>
    %add3A_220 = arith.addi %select_n3A_212, %add3A_219 : vector<16xi32>
    %select_n3A_221 = arith.select %lt3A_217, %add3A_220, %select_n3A_212 : vector<16xi1>, vector<16xi32>
    %add3A_222 = arith.constant 127 : i32
    %add3A_223 = vector.broadcast %add3A_222 : i32 to vector<16xi32>
    %add3A_224 = arith.addi %select_n3A_221, %add3A_223 : vector<16xi32>
    %gather3A_225 = tpu.vector_load_idx %arg34[%add3A_224] : memref<16384xi32, #tpu.memory_space<vmem>>[vector<16xi32>], vector<16xi32>,
    %lt3A_226 = arith.cmpi slt, %gather3A_225, %add3A_165 : vector<16xi32>
    %add3A_227 = arith.constant 128 : i32
    %add3A_228 = vector.broadcast %add3A_227 : i32 to vector<16xi32>
    %add3A_229 = arith.addi %select_n3A_221, %add3A_228 : vector<16xi32>
    %select_n3A_230 = arith.select %lt3A_226, %add3A_229, %select_n3A_221 : vector<16xi1>, vector<16xi32>
    %add3A_231 = arith.constant 63 : i32
    %add3A_232 = vector.broadcast %add3A_231 : i32 to vector<16xi32>
    %add3A_233 = arith.addi %select_n3A_230, %add3A_232 : vector<16xi32>
    %gather3A_234 = tpu.vector_load_idx %arg34[%add3A_233] : memref<16384xi32, #tpu.memory_space<vmem>>[vector<16xi32>], vector<16xi32>,
    %lt3A_235 = arith.cmpi slt, %gather3A_234, %add3A_165 : vector<16xi32>
    %add3A_236 = arith.constant 64 : i32
    %add3A_237 = vector.broadcast %add3A_236 : i32 to vector<16xi32>
    %add3A_238 = arith.addi %select_n3A_230, %add3A_237 : vector<16xi32>
    %select_n3A_239 = arith.select %lt3A_235, %add3A_238, %select_n3A_230 : vector<16xi1>, vector<16xi32>
    %add3A_240 = arith.constant 31 : i32
    %add3A_241 = vector.broadcast %add3A_240 : i32 to vector<16xi32>
    %add3A_242 = arith.addi %select_n3A_239, %add3A_241 : vector<16xi32>
    %gather3A_243 = tpu.vector_load_idx %arg34[%add3A_242] : memref<16384xi32, #tpu.memory_space<vmem>>[vector<16xi32>], vector<16xi32>,
    %lt3A_244 = arith.cmpi slt, %gather3A_243, %add3A_165 : vector<16xi32>
    %add3A_245 = arith.constant 32 : i32
    %add3A_246 = vector.broadcast %add3A_245 : i32 to vector<16xi32>
    %add3A_247 = arith.addi %select_n3A_239, %add3A_246 : vector<16xi32>
    %select_n3A_248 = arith.select %lt3A_244, %add3A_247, %select_n3A_239 : vector<16xi1>, vector<16xi32>
    %add3A_249 = arith.constant 15 : i32
    %add3A_250 = vector.broadcast %add3A_249 : i32 to vector<16xi32>
    %add3A_251 = arith.addi %select_n3A_248, %add3A_250 : vector<16xi32>
    %gather3A_252 = tpu.vector_load_idx %arg34[%add3A_251] : memref<16384xi32, #tpu.memory_space<vmem>>[vector<16xi32>], vector<16xi32>,
    %lt3A_253 = arith.cmpi slt, %gather3A_252, %add3A_165 : vector<16xi32>
    %add3A_254 = arith.constant 16 : i32
    %add3A_255 = vector.broadcast %add3A_254 : i32 to vector<16xi32>
    %add3A_256 = arith.addi %select_n3A_248, %add3A_255 : vector<16xi32>
    %select_n3A_257 = arith.select %lt3A_253, %add3A_256, %select_n3A_248 : vector<16xi1>, vector<16xi32>
    %add3A_258 = arith.constant 7 : i32
    %add3A_259 = vector.broadcast %add3A_258 : i32 to vector<16xi32>
    %add3A_260 = arith.addi %select_n3A_257, %add3A_259 : vector<16xi32>
    %gather3A_261 = tpu.vector_load_idx %arg34[%add3A_260] : memref<16384xi32, #tpu.memory_space<vmem>>[vector<16xi32>], vector<16xi32>,
    %lt3A_262 = arith.cmpi slt, %gather3A_261, %add3A_165 : vector<16xi32>
    %add3A_263 = arith.constant 8 : i32
    %add3A_264 = vector.broadcast %add3A_263 : i32 to vector<16xi32>
    %add3A_265 = arith.addi %select_n3A_257, %add3A_264 : vector<16xi32>
    %select_n3A_266 = arith.select %lt3A_262, %add3A_265, %select_n3A_257 : vector<16xi1>, vector<16xi32>
    %add3A_267 = arith.constant 3 : i32
    %add3A_268 = vector.broadcast %add3A_267 : i32 to vector<16xi32>
    %add3A_269 = arith.addi %select_n3A_266, %add3A_268 : vector<16xi32>
    %gather3A_270 = tpu.vector_load_idx %arg34[%add3A_269] : memref<16384xi32, #tpu.memory_space<vmem>>[vector<16xi32>], vector<16xi32>,
    %lt3A_271 = arith.cmpi slt, %gather3A_270, %add3A_165 : vector<16xi32>
    %add3A_272 = arith.constant 4 : i32
    %add3A_273 = vector.broadcast %add3A_272 : i32 to vector<16xi32>
    %add3A_274 = arith.addi %select_n3A_266, %add3A_273 : vector<16xi32>
    %select_n3A_275 = arith.select %lt3A_271, %add3A_274, %select_n3A_266 : vector<16xi1>, vector<16xi32>
    %add3A_276 = arith.constant 1 : i32
    %add3A_277 = vector.broadcast %add3A_276 : i32 to vector<16xi32>
    %add3A_278 = arith.addi %select_n3A_275, %add3A_277 : vector<16xi32>
    %gather3A_279 = tpu.vector_load_idx %arg34[%add3A_278] : memref<16384xi32, #tpu.memory_space<vmem>>[vector<16xi32>], vector<16xi32>,
    %lt3A_280 = arith.cmpi slt, %gather3A_279, %add3A_165 : vector<16xi32>
    %add3A_281 = arith.constant 2 : i32
    %add3A_282 = vector.broadcast %add3A_281 : i32 to vector<16xi32>
    %add3A_283 = arith.addi %select_n3A_275, %add3A_282 : vector<16xi32>
    %select_n3A_284 = arith.select %lt3A_280, %add3A_283, %select_n3A_275 : vector<16xi1>, vector<16xi32>
    %add3A_285 = arith.constant 0 : i32
    %add3A_286 = vector.broadcast %add3A_285 : i32 to vector<16xi32>
    %add3A_287 = arith.addi %select_n3A_284, %add3A_286 : vector<16xi32>
    %gather3A_288 = tpu.vector_load_idx %arg34[%add3A_287] : memref<16384xi32, #tpu.memory_space<vmem>>[vector<16xi32>], vector<16xi32>,
    %lt3A_289 = arith.cmpi slt, %gather3A_288, %add3A_165 : vector<16xi32>
    %add3A_290 = arith.constant 1 : i32
    %add3A_291 = vector.broadcast %add3A_290 : i32 to vector<16xi32>
    %add3A_292 = arith.addi %select_n3A_284, %add3A_291 : vector<16xi32>
    %select_n3A_293 = arith.select %lt3A_289, %add3A_292, %select_n3A_284 : vector<16xi1>, vector<16xi32>
    %gather3A_294 = tpu.vector_load_idx %arg34[%select_n3A_293] : memref<16384xi32, #tpu.memory_space<vmem>>[vector<16xi32>], vector<16xi32>,
    %lt3A_295 = arith.cmpi slt, %gather3A_294, %add3A_165 : vector<16xi32>
    %add3A_296 = arith.constant 1 : i32
    %add3A_297 = vector.broadcast %add3A_296 : i32 to vector<16xi32>
    %add3A_298 = arith.addi %select_n3A_293, %add3A_297 : vector<16xi32>
    %select_n3A_299 = arith.select %lt3A_295, %add3A_298, %select_n3A_293 : vector<16xi1>, vector<16xi32>
    %swap3A_300 = arith.constant 16 : index
    %swap3A_301 = tpu.vector_load %arg27[%swap3A_300] {strides = array<i32>} : memref<48xi32, #tpu.memory_space<vmem>>, vector<16xi32>,
    tpu.vector_store %arg27[%swap3A_300], %select_n3A_299 {strides = array<i32>} : memref<48xi32, #tpu.memory_space<vmem>>, vector<16xi32>,
    %broadcast_in_dim3A_302 = arith.constant 16384 : i32
    %broadcast_in_dim3A_303 = vector.broadcast %broadcast_in_dim3A_302 : i32 to vector<16xi32>
    %swap3A_304 = arith.constant 32 : index
    %swap3A_305 = tpu.vector_load %arg27[%swap3A_304] {strides = array<i32>} : memref<48xi32, #tpu.memory_space<vmem>>, vector<16xi32>,
    tpu.vector_store %arg27[%swap3A_304], %broadcast_in_dim3A_303 {strides = array<i32>} : memref<48xi32, #tpu.memory_space<vmem>>, vector<16xi32>,
    %gather3A_306 = tpu.vector_load_idx %arg25[%broadcast_in_dim3A_18] : memref<64xi32, #tpu.memory_space<vmem>>[vector<16xi32>], vector<16xi32>,
    %add3A_307 = arith.constant 63 : i32
    %add3A_308 = vector.broadcast %add3A_307 : i32 to vector<16xi32>
    %add3A_309 = arith.addi %broadcast_in_dim3A_18, %add3A_308 : vector<16xi32>
    %gather3A_310 = tpu.vector_load_idx %arg25[%add3A_309] : memref<64xi32, #tpu.memory_space<vmem>>[vector<16xi32>], vector<16xi32>,
    %gather3A_311 = tpu.vector_load_idx %arg27[%gather3A_306] : memref<48xi32, #tpu.memory_space<vmem>>[vector<16xi32>], vector<16xi32>,
    %slice3A = vector.extract_strided_slice %gather3A_311 {offsets = [0], sizes = [1], strides = [1]} : vector<16xi32> to vector<1xi32>
    %squeeze3A = vector.extract %slice3A[0] : i32 from vector<1xi32>
    %and3A = arith.constant -16 : i32
    %and3A_312 = arith.andi %squeeze3A, %and3A : i32
    %add3A_313 = arith.constant 1 : i32
    %add3A_314 = vector.broadcast %add3A_313 : i32 to vector<16xi32>
    %add3A_315 = arith.addi %gather3A_310, %add3A_314 : vector<16xi32>
    %gather3A_316 = tpu.vector_load_idx %arg27[%add3A_315] : memref<48xi32, #tpu.memory_space<vmem>>[vector<16xi32>], vector<16xi32>,
    %slice3A_317 = vector.extract_strided_slice %gather3A_316 {offsets = [0], sizes = [1], strides = [1]} : vector<16xi32> to vector<1xi32>
    %squeeze3A_318 = vector.extract %slice3A_317[0] : i32 from vector<1xi32>
    %sub3A = arith.subi %squeeze3A_318, %and3A_312 : i32
    %add3A_319 = arith.constant 2047 : i32
    %add3A_320 = arith.addi %sub3A, %add3A_319 : i32
    %shift_right_arithmetic3A = arith.constant 11 : i32
    %shift_right_arithmetic3A_321 = arith.shrsi %add3A_320, %shift_right_arithmetic3A : i32
    %add3A_322 = arith.constant 2048 : i32
    %add3A_323 = arith.addi %and3A_312, %add3A_322 : i32
    %min3A = arith.minsi %add3A_323, %squeeze3A_318 : i32
    %min3A_324 = arith.constant 14336 : i32
    %min3A_325 = arith.minsi %and3A_312, %min3A_324 : i32
    %multiple_of3A_326 = tpu.assume_multiple %min3A_325, 16 : i32
    %dma_start3A_327 = tpu.memref_slice %arg11[%multiple_of3A_326] : memref<16384xf32, #tpu.memory_space<hbm>> -> memref<2048xf32, #tpu.memory_space<hbm>>
    %dma_start3A_328 = tpu.memref_slice %arg11[%multiple_of3A_326] : memref<16384xf32, #tpu.memory_space<hbm>> -> memref<2048xf32, #tpu.memory_space<hbm>>
    tpu.enqueue_dma source(%dma_start3A_328 : memref<2048xf32, #tpu.memory_space<hbm>>) target(%arg28 : memref<2048xf32, #tpu.memory_space<vmem>>) target_semaphore(%arg40 : memref<!tpu.dma_semaphore, #tpu.memory_space<semaphore_mem>>)
    %dma_start3A_329 = tpu.memref_slice %arg12[%multiple_of3A_326] : memref<16384xf32, #tpu.memory_space<hbm>> -> memref<2048xf32, #tpu.memory_space<hbm>>
    %dma_start3A_330 = tpu.memref_slice %arg12[%multiple_of3A_326] : memref<16384xf32, #tpu.memory_space<hbm>> -> memref<2048xf32, #tpu.memory_space<hbm>>
    tpu.enqueue_dma source(%dma_start3A_330 : memref<2048xf32, #tpu.memory_space<hbm>>) target(%arg29 : memref<2048xf32, #tpu.memory_space<vmem>>) target_semaphore(%arg40 : memref<!tpu.dma_semaphore, #tpu.memory_space<semaphore_mem>>)
    %dma_start3A_331 = tpu.memref_slice %arg13[%multiple_of3A_326] : memref<16384xf32, #tpu.memory_space<hbm>> -> memref<2048xf32, #tpu.memory_space<hbm>>
    %dma_start3A_332 = tpu.memref_slice %arg13[%multiple_of3A_326] : memref<16384xf32, #tpu.memory_space<hbm>> -> memref<2048xf32, #tpu.memory_space<hbm>>
    tpu.enqueue_dma source(%dma_start3A_332 : memref<2048xf32, #tpu.memory_space<hbm>>) target(%arg30 : memref<2048xf32, #tpu.memory_space<vmem>>) target_semaphore(%arg40 : memref<!tpu.dma_semaphore, #tpu.memory_space<semaphore_mem>>)
    %dma_start3A_333 = tpu.memref_slice %arg8[%multiple_of3A_326] : memref<16384xf32, #tpu.memory_space<hbm>> -> memref<2048xf32, #tpu.memory_space<hbm>>
    %dma_start3A_334 = tpu.memref_slice %arg8[%multiple_of3A_326] : memref<16384xf32, #tpu.memory_space<hbm>> -> memref<2048xf32, #tpu.memory_space<hbm>>
    tpu.enqueue_dma source(%dma_start3A_334 : memref<2048xf32, #tpu.memory_space<hbm>>) target(%arg31 : memref<2048xf32, #tpu.memory_space<vmem>>) target_semaphore(%arg41 : memref<!tpu.dma_semaphore, #tpu.memory_space<semaphore_mem>>)
    %dma_start3A_335 = tpu.memref_slice %arg9[%multiple_of3A_326] : memref<16384xf32, #tpu.memory_space<hbm>> -> memref<2048xf32, #tpu.memory_space<hbm>>
    %dma_start3A_336 = tpu.memref_slice %arg9[%multiple_of3A_326] : memref<16384xf32, #tpu.memory_space<hbm>> -> memref<2048xf32, #tpu.memory_space<hbm>>
    tpu.enqueue_dma source(%dma_start3A_336 : memref<2048xf32, #tpu.memory_space<hbm>>) target(%arg32 : memref<2048xf32, #tpu.memory_space<vmem>>) target_semaphore(%arg41 : memref<!tpu.dma_semaphore, #tpu.memory_space<semaphore_mem>>)
    %dma_start3A_337 = tpu.memref_slice %arg10[%multiple_of3A_326] : memref<16384xf32, #tpu.memory_space<hbm>> -> memref<2048xf32, #tpu.memory_space<hbm>>
    %dma_start3A_338 = tpu.memref_slice %arg10[%multiple_of3A_326] : memref<16384xf32, #tpu.memory_space<hbm>> -> memref<2048xf32, #tpu.memory_space<hbm>>
    tpu.enqueue_dma source(%dma_start3A_338 : memref<2048xf32, #tpu.memory_space<hbm>>) target(%arg33 : memref<2048xf32, #tpu.memory_space<vmem>>) target_semaphore(%arg41 : memref<!tpu.dma_semaphore, #tpu.memory_space<semaphore_mem>>)
    %dma_wait3A_339 = tpu.memref_slice %arg2[%multiple_of3A] : memref<2048xf32, #tpu.memory_space<hbm>> -> memref<64xf32, #tpu.memory_space<hbm>>
    %dma_wait3A_340 = tpu.memref_slice %arg2[%multiple_of3A] : memref<2048xf32, #tpu.memory_space<hbm>> -> memref<64xf32, #tpu.memory_space<hbm>>
    tpu.wait_dma2 semaphore(%arg38 : memref<!tpu.dma_semaphore, #tpu.memory_space<semaphore_mem>>) src(%dma_wait3A_340 : memref<64xf32, #tpu.memory_space<hbm>>) dst(%arg19 : memref<64xf32, #tpu.memory_space<vmem>>)
    %dma_wait3A_341 = tpu.memref_slice %arg3[%multiple_of3A] : memref<2048xf32, #tpu.memory_space<hbm>> -> memref<64xf32, #tpu.memory_space<hbm>>
    %dma_wait3A_342 = tpu.memref_slice %arg3[%multiple_of3A] : memref<2048xf32, #tpu.memory_space<hbm>> -> memref<64xf32, #tpu.memory_space<hbm>>
    tpu.wait_dma2 semaphore(%arg38 : memref<!tpu.dma_semaphore, #tpu.memory_space<semaphore_mem>>) src(%dma_wait3A_342 : memref<64xf32, #tpu.memory_space<hbm>>) dst(%arg20 : memref<64xf32, #tpu.memory_space<vmem>>)
    %dma_wait3A_343 = tpu.memref_slice %arg4[%multiple_of3A] : memref<2048xf32, #tpu.memory_space<hbm>> -> memref<64xf32, #tpu.memory_space<hbm>>
    %dma_wait3A_344 = tpu.memref_slice %arg4[%multiple_of3A] : memref<2048xf32, #tpu.memory_space<hbm>> -> memref<64xf32, #tpu.memory_space<hbm>>
    tpu.wait_dma2 semaphore(%arg38 : memref<!tpu.dma_semaphore, #tpu.memory_space<semaphore_mem>>) src(%dma_wait3A_344 : memref<64xf32, #tpu.memory_space<hbm>>) dst(%arg21 : memref<64xf32, #tpu.memory_space<vmem>>)
    %dma_wait3A_345 = tpu.memref_slice %arg5[%multiple_of3A] : memref<2048xf32, #tpu.memory_space<hbm>> -> memref<64xf32, #tpu.memory_space<hbm>>
    %dma_wait3A_346 = tpu.memref_slice %arg5[%multiple_of3A] : memref<2048xf32, #tpu.memory_space<hbm>> -> memref<64xf32, #tpu.memory_space<hbm>>
    tpu.wait_dma2 semaphore(%arg38 : memref<!tpu.dma_semaphore, #tpu.memory_space<semaphore_mem>>) src(%dma_wait3A_346 : memref<64xf32, #tpu.memory_space<hbm>>) dst(%arg22 : memref<64xf32, #tpu.memory_space<vmem>>)
    %dma_wait3A_347 = tpu.memref_slice %arg6[%multiple_of3A] : memref<2048xf32, #tpu.memory_space<hbm>> -> memref<64xf32, #tpu.memory_space<hbm>>
    %dma_wait3A_348 = tpu.memref_slice %arg6[%multiple_of3A] : memref<2048xf32, #tpu.memory_space<hbm>> -> memref<64xf32, #tpu.memory_space<hbm>>
    tpu.wait_dma2 semaphore(%arg38 : memref<!tpu.dma_semaphore, #tpu.memory_space<semaphore_mem>>) src(%dma_wait3A_348 : memref<64xf32, #tpu.memory_space<hbm>>) dst(%arg23 : memref<64xf32, #tpu.memory_space<vmem>>)
    %dma_wait3A_349 = tpu.memref_slice %arg7[%multiple_of3A] : memref<2048xf32, #tpu.memory_space<hbm>> -> memref<64xf32, #tpu.memory_space<hbm>>
    %dma_wait3A_350 = tpu.memref_slice %arg7[%multiple_of3A] : memref<2048xf32, #tpu.memory_space<hbm>> -> memref<64xf32, #tpu.memory_space<hbm>>
    tpu.wait_dma2 semaphore(%arg38 : memref<!tpu.dma_semaphore, #tpu.memory_space<semaphore_mem>>) src(%dma_wait3A_350 : memref<64xf32, #tpu.memory_space<hbm>>) dst(%arg24 : memref<64xf32, #tpu.memory_space<vmem>>)
    tpu.wait_dma2 semaphore(%arg38 : memref<!tpu.dma_semaphore, #tpu.memory_space<semaphore_mem>>) src(%arg16 : memref<32xf32, #tpu.memory_space<hbm>>) dst(%arg26 : memref<32xf32, #tpu.memory_space<vmem>>)
    %dma_wait3A_351 = tpu.memref_slice %arg11[%multiple_of3A_326] : memref<16384xf32, #tpu.memory_space<hbm>> -> memref<2048xf32, #tpu.memory_space<hbm>>
    %dma_wait3A_352 = tpu.memref_slice %arg11[%multiple_of3A_326] : memref<16384xf32, #tpu.memory_space<hbm>> -> memref<2048xf32, #tpu.memory_space<hbm>>
    tpu.wait_dma2 semaphore(%arg40 : memref<!tpu.dma_semaphore, #tpu.memory_space<semaphore_mem>>) src(%dma_wait3A_352 : memref<2048xf32, #tpu.memory_space<hbm>>) dst(%arg28 : memref<2048xf32, #tpu.memory_space<vmem>>)
    %dma_wait3A_353 = tpu.memref_slice %arg12[%multiple_of3A_326] : memref<16384xf32, #tpu.memory_space<hbm>> -> memref<2048xf32, #tpu.memory_space<hbm>>
    %dma_wait3A_354 = tpu.memref_slice %arg12[%multiple_of3A_326] : memref<16384xf32, #tpu.memory_space<hbm>> -> memref<2048xf32, #tpu.memory_space<hbm>>
    tpu.wait_dma2 semaphore(%arg40 : memref<!tpu.dma_semaphore, #tpu.memory_space<semaphore_mem>>) src(%dma_wait3A_354 : memref<2048xf32, #tpu.memory_space<hbm>>) dst(%arg29 : memref<2048xf32, #tpu.memory_space<vmem>>)
    %dma_wait3A_355 = tpu.memref_slice %arg13[%multiple_of3A_326] : memref<16384xf32, #tpu.memory_space<hbm>> -> memref<2048xf32, #tpu.memory_space<hbm>>
    %dma_wait3A_356 = tpu.memref_slice %arg13[%multiple_of3A_326] : memref<16384xf32, #tpu.memory_space<hbm>> -> memref<2048xf32, #tpu.memory_space<hbm>>
    tpu.wait_dma2 semaphore(%arg40 : memref<!tpu.dma_semaphore, #tpu.memory_space<semaphore_mem>>) src(%dma_wait3A_356 : memref<2048xf32, #tpu.memory_space<hbm>>) dst(%arg30 : memref<2048xf32, #tpu.memory_space<vmem>>)
    %scan3A_357 = arith.constant 0 : i32
    %scan3A_358 = arith.constant 0 : i32
    %scan3A_359 = arith.constant 16 : i32
    %scan3A_360 = arith.addi %scan3A_358, %scan3A_359 : i32
    %scan3A_361 = arith.constant 1 : i32
    %scan3A_362 = scf.for %scan3A_402 = %scan3A_358 to %scan3A_360 step %scan3A_361 iter_args(%scan3A_403 = %scan3A_357) -> (i32)  : i32 {
      %mul3A_404 = arith.constant 4 : i32
      %mul3A_405 = arith.muli %mul3A_404, %scan3A_402 : i32
      %add3A_406 = arith.constant 0 : i32
      %add3A_407 = arith.addi %mul3A_405, %add3A_406 : i32
      %broadcast_in_dim3A_408 = vector.broadcast %add3A_407 : i32 to vector<16xi32>
      %mul3A_409 = arith.constant 4 : i32
      %mul3A_410 = arith.muli %mul3A_409, %scan3A_402 : i32
      %add3A_411 = arith.constant 1 : i32
      %add3A_412 = arith.addi %mul3A_410, %add3A_411 : i32
      %broadcast_in_dim3A_413 = vector.broadcast %add3A_412 : i32 to vector<16xi32>
      %mul3A_414 = arith.constant 4 : i32
      %mul3A_415 = arith.muli %mul3A_414, %scan3A_402 : i32
      %add3A_416 = arith.constant 2 : i32
      %add3A_417 = arith.addi %mul3A_415, %add3A_416 : i32
      %broadcast_in_dim3A_418 = vector.broadcast %add3A_417 : i32 to vector<16xi32>
      %mul3A_419 = arith.constant 4 : i32
      %mul3A_420 = arith.muli %mul3A_419, %scan3A_402 : i32
      %add3A_421 = arith.constant 3 : i32
      %add3A_422 = arith.addi %mul3A_420, %add3A_421 : i32
      %broadcast_in_dim3A_423 = vector.broadcast %add3A_422 : i32 to vector<16xi32>
      %gather3A_424 = tpu.vector_load_idx %arg25[%broadcast_in_dim3A_408] : memref<64xi32, #tpu.memory_space<vmem>>[vector<16xi32>], vector<16xi32>,
      %gather3A_425 = tpu.vector_load_idx %arg25[%broadcast_in_dim3A_413] : memref<64xi32, #tpu.memory_space<vmem>>[vector<16xi32>], vector<16xi32>,
      %gather3A_426 = tpu.vector_load_idx %arg25[%broadcast_in_dim3A_418] : memref<64xi32, #tpu.memory_space<vmem>>[vector<16xi32>], vector<16xi32>,
      %gather3A_427 = tpu.vector_load_idx %arg25[%broadcast_in_dim3A_423] : memref<64xi32, #tpu.memory_space<vmem>>[vector<16xi32>], vector<16xi32>,
      %gather3A_428 = tpu.vector_load_idx %arg27[%gather3A_424] : memref<48xi32, #tpu.memory_space<vmem>>[vector<16xi32>], vector<16xi32>,
      %gather3A_429 = tpu.vector_load_idx %arg27[%gather3A_425] : memref<48xi32, #tpu.memory_space<vmem>>[vector<16xi32>], vector<16xi32>,
      %gather3A_430 = tpu.vector_load_idx %arg27[%gather3A_426] : memref<48xi32, #tpu.memory_space<vmem>>[vector<16xi32>], vector<16xi32>,
      %gather3A_431 = tpu.vector_load_idx %arg27[%gather3A_427] : memref<48xi32, #tpu.memory_space<vmem>>[vector<16xi32>], vector<16xi32>,
      %add3A_432 = arith.constant 1 : i32
      %add3A_433 = vector.broadcast %add3A_432 : i32 to vector<16xi32>
      %add3A_434 = arith.addi %gather3A_424, %add3A_433 : vector<16xi32>
      %gather3A_435 = tpu.vector_load_idx %arg27[%add3A_434] : memref<48xi32, #tpu.memory_space<vmem>>[vector<16xi32>], vector<16xi32>,
      %add3A_436 = arith.constant 1 : i32
      %add3A_437 = vector.broadcast %add3A_436 : i32 to vector<16xi32>
      %add3A_438 = arith.addi %gather3A_425, %add3A_437 : vector<16xi32>
      %gather3A_439 = tpu.vector_load_idx %arg27[%add3A_438] : memref<48xi32, #tpu.memory_space<vmem>>[vector<16xi32>], vector<16xi32>,
      %add3A_440 = arith.constant 1 : i32
      %add3A_441 = vector.broadcast %add3A_440 : i32 to vector<16xi32>
      %add3A_442 = arith.addi %gather3A_426, %add3A_441 : vector<16xi32>
      %gather3A_443 = tpu.vector_load_idx %arg27[%add3A_442] : memref<48xi32, #tpu.memory_space<vmem>>[vector<16xi32>], vector<16xi32>,
      %add3A_444 = arith.constant 1 : i32
      %add3A_445 = vector.broadcast %add3A_444 : i32 to vector<16xi32>
      %add3A_446 = arith.addi %gather3A_427, %add3A_445 : vector<16xi32>
      %gather3A_447 = tpu.vector_load_idx %arg27[%add3A_446] : memref<48xi32, #tpu.memory_space<vmem>>[vector<16xi32>], vector<16xi32>,
      %gather3A_448 = tpu.vector_load_idx %arg22[%broadcast_in_dim3A_408] : memref<64xf32, #tpu.memory_space<vmem>>[vector<16xi32>], vector<16xf32>,
      %gather3A_449 = tpu.vector_load_idx %arg22[%broadcast_in_dim3A_413] : memref<64xf32, #tpu.memory_space<vmem>>[vector<16xi32>], vector<16xf32>,
      %gather3A_450 = tpu.vector_load_idx %arg22[%broadcast_in_dim3A_418] : memref<64xf32, #tpu.memory_space<vmem>>[vector<16xi32>], vector<16xf32>,
      %gather3A_451 = tpu.vector_load_idx %arg22[%broadcast_in_dim3A_423] : memref<64xf32, #tpu.memory_space<vmem>>[vector<16xi32>], vector<16xf32>,
      %gather3A_452 = tpu.vector_load_idx %arg23[%broadcast_in_dim3A_408] : memref<64xf32, #tpu.memory_space<vmem>>[vector<16xi32>], vector<16xf32>,
      %gather3A_453 = tpu.vector_load_idx %arg23[%broadcast_in_dim3A_413] : memref<64xf32, #tpu.memory_space<vmem>>[vector<16xi32>], vector<16xf32>,
      %gather3A_454 = tpu.vector_load_idx %arg23[%broadcast_in_dim3A_418] : memref<64xf32, #tpu.memory_space<vmem>>[vector<16xi32>], vector<16xf32>,
      %gather3A_455 = tpu.vector_load_idx %arg23[%broadcast_in_dim3A_423] : memref<64xf32, #tpu.memory_space<vmem>>[vector<16xi32>], vector<16xf32>,
      %gather3A_456 = tpu.vector_load_idx %arg24[%broadcast_in_dim3A_408] : memref<64xf32, #tpu.memory_space<vmem>>[vector<16xi32>], vector<16xf32>,
      %gather3A_457 = tpu.vector_load_idx %arg24[%broadcast_in_dim3A_413] : memref<64xf32, #tpu.memory_space<vmem>>[vector<16xi32>], vector<16xf32>,
      %gather3A_458 = tpu.vector_load_idx %arg24[%broadcast_in_dim3A_418] : memref<64xf32, #tpu.memory_space<vmem>>[vector<16xi32>], vector<16xf32>,
      %gather3A_459 = tpu.vector_load_idx %arg24[%broadcast_in_dim3A_423] : memref<64xf32, #tpu.memory_space<vmem>>[vector<16xi32>], vector<16xf32>,
      %slice3A_460 = vector.extract_strided_slice %gather3A_428 {offsets = [0], sizes = [1], strides = [1]} : vector<16xi32> to vector<1xi32>
      %squeeze3A_461 = vector.extract %slice3A_460[0] : i32 from vector<1xi32>
      %and3A_462 = arith.constant -16 : i32
      %and3A_463 = arith.andi %squeeze3A_461, %and3A_462 : i32
      %max3A = arith.maxsi %and3A_463, %and3A_312 : i32
      %slice3A_464 = vector.extract_strided_slice %gather3A_447 {offsets = [0], sizes = [1], strides = [1]} : vector<16xi32> to vector<1xi32>
      %squeeze3A_465 = vector.extract %slice3A_464[0] : i32 from vector<1xi32>
      %min3A_466 = arith.minsi %squeeze3A_465, %min3A : i32
      %sub3A_467 = arith.subi %min3A_466, %max3A : i32
      %add3A_468 = arith.constant 15 : i32
      %add3A_469 = arith.addi %sub3A_467, %add3A_468 : i32
      %max3A_470 = arith.constant 0 : i32
      %max3A_471 = arith.maxsi %add3A_469, %max3A_470 : i32
      %shift_right_arithmetic3A_472 = arith.constant 4 : i32
      %shift_right_arithmetic3A_473 = arith.shrsi %max3A_471, %shift_right_arithmetic3A_472 : i32
      %slice3A_474 = vector.extract_strided_slice %gather3A_431 {offsets = [0], sizes = [1], strides = [1]} : vector<16xi32> to vector<1xi32>
      %squeeze3A_475 = vector.extract %slice3A_474[0] : i32 from vector<1xi32>
      %add3A_476 = arith.constant 16 : i32
      %add3A_477 = arith.addi %squeeze3A_475, %add3A_476 : i32
      %sub3A_478 = arith.constant 1 : i32
      %sub3A_479 = arith.subi %add3A_477, %sub3A_478 : i32
      %and3A_480 = arith.constant -16 : i32
      %and3A_481 = arith.andi %sub3A_479, %and3A_480 : i32
      %max3A_482 = arith.maxsi %max3A, %and3A_481 : i32
      %slice3A_483 = vector.extract_strided_slice %gather3A_435 {offsets = [0], sizes = [1], strides = [1]} : vector<16xi32> to vector<1xi32>
      %squeeze3A_484 = vector.extract %slice3A_483[0] : i32 from vector<1xi32>
      %sub3A_485 = arith.constant 16 : i32
      %sub3A_486 = arith.subi %squeeze3A_484, %sub3A_485 : i32
      %and3A_487 = arith.constant -16 : i32
      %and3A_488 = arith.andi %sub3A_486, %and3A_487 : i32
      %add3A_489 = arith.constant 16 : i32
      %add3A_490 = arith.addi %and3A_488, %add3A_489 : i32
      %max3A_491 = arith.maxsi %max3A_482, %add3A_490 : i32
      %sub3A_492 = arith.subi %max3A_482, %max3A : i32
      %shift_right_arithmetic3A_493 = arith.constant 4 : i32
      %shift_right_arithmetic3A_494 = arith.shrsi %sub3A_492, %shift_right_arithmetic3A_493 : i32
      %max3A_495 = arith.constant 0 : i32
      %max3A_496 = arith.maxsi %shift_right_arithmetic3A_494, %max3A_495 : i32
      %min3A_497 = arith.minsi %max3A_496, %shift_right_arithmetic3A_473 : i32
      %sub3A_498 = arith.subi %max3A_491, %max3A : i32
      %shift_right_arithmetic3A_499 = arith.constant 4 : i32
      %shift_right_arithmetic3A_500 = arith.shrsi %sub3A_498, %shift_right_arithmetic3A_499 : i32
      %max3A_501 = arith.maxsi %shift_right_arithmetic3A_500, %min3A_497 : i32
      %min3A_502 = arith.minsi %max3A_501, %shift_right_arithmetic3A_473 : i32
      %mul3A_503 = arith.constant 4 : i32
      %mul3A_504 = arith.muli %mul3A_503, %scan3A_402 : i32
      %add3A_505 = arith.constant 0 : i32
      %add3A_506 = arith.addi %mul3A_504, %add3A_505 : i32
      %mul3A_507 = arith.constant 16 : i32
      %mul3A_508 = arith.muli %add3A_506, %mul3A_507 : i32
      %get3A = arith.index_cast %mul3A_508 : i32 to index
      %get3A_509 = tpu.vector_load %arg35[%get3A] {strides = array<i32>} : memref<1024xf32, #tpu.memory_space<vmem>>, vector<16xf32>,
      %mul3A_510 = arith.constant 4 : i32
      %mul3A_511 = arith.muli %mul3A_510, %scan3A_402 : i32
      %add3A_512 = arith.constant 1 : i32
      %add3A_513 = arith.addi %mul3A_511, %add3A_512 : i32
      %mul3A_514 = arith.constant 16 : i32
      %mul3A_515 = arith.muli %add3A_513, %mul3A_514 : i32
      %get3A_516 = arith.index_cast %mul3A_515 : i32 to index
      %get3A_517 = tpu.vector_load %arg35[%get3A_516] {strides = array<i32>} : memref<1024xf32, #tpu.memory_space<vmem>>, vector<16xf32>,
      %mul3A_518 = arith.constant 4 : i32
      %mul3A_519 = arith.muli %mul3A_518, %scan3A_402 : i32
      %add3A_520 = arith.constant 2 : i32
      %add3A_521 = arith.addi %mul3A_519, %add3A_520 : i32
      %mul3A_522 = arith.constant 16 : i32
      %mul3A_523 = arith.muli %add3A_521, %mul3A_522 : i32
      %get3A_524 = arith.index_cast %mul3A_523 : i32 to index
      %get3A_525 = tpu.vector_load %arg35[%get3A_524] {strides = array<i32>} : memref<1024xf32, #tpu.memory_space<vmem>>, vector<16xf32>,
      %mul3A_526 = arith.constant 4 : i32
      %mul3A_527 = arith.muli %mul3A_526, %scan3A_402 : i32
      %add3A_528 = arith.constant 3 : i32
      %add3A_529 = arith.addi %mul3A_527, %add3A_528 : i32
      %mul3A_530 = arith.constant 16 : i32
      %mul3A_531 = arith.muli %add3A_529, %mul3A_530 : i32
      %get3A_532 = arith.index_cast %mul3A_531 : i32 to index
      %get3A_533 = tpu.vector_load %arg35[%get3A_532] {strides = array<i32>} : memref<1024xf32, #tpu.memory_space<vmem>>, vector<16xf32>,
      %mul3A_534 = arith.constant 4 : i32
      %mul3A_535 = arith.muli %mul3A_534, %scan3A_402 : i32
      %add3A_536 = arith.constant 0 : i32
      %add3A_537 = arith.addi %mul3A_535, %add3A_536 : i32
      %mul3A_538 = arith.constant 16 : i32
      %mul3A_539 = arith.muli %add3A_537, %mul3A_538 : i32
      %get3A_540 = arith.index_cast %mul3A_539 : i32 to index
      %get3A_541 = tpu.vector_load %arg36[%get3A_540] {strides = array<i32>} : memref<1024xi32, #tpu.memory_space<vmem>>, vector<16xi32>,
      %mul3A_542 = arith.constant 4 : i32
      %mul3A_543 = arith.muli %mul3A_542, %scan3A_402 : i32
      %add3A_544 = arith.constant 1 : i32
      %add3A_545 = arith.addi %mul3A_543, %add3A_544 : i32
      %mul3A_546 = arith.constant 16 : i32
      %mul3A_547 = arith.muli %add3A_545, %mul3A_546 : i32
      %get3A_548 = arith.index_cast %mul3A_547 : i32 to index
      %get3A_549 = tpu.vector_load %arg36[%get3A_548] {strides = array<i32>} : memref<1024xi32, #tpu.memory_space<vmem>>, vector<16xi32>,
      %mul3A_550 = arith.constant 4 : i32
      %mul3A_551 = arith.muli %mul3A_550, %scan3A_402 : i32
      %add3A_552 = arith.constant 2 : i32
      %add3A_553 = arith.addi %mul3A_551, %add3A_552 : i32
      %mul3A_554 = arith.constant 16 : i32
      %mul3A_555 = arith.muli %add3A_553, %mul3A_554 : i32
      %get3A_556 = arith.index_cast %mul3A_555 : i32 to index
      %get3A_557 = tpu.vector_load %arg36[%get3A_556] {strides = array<i32>} : memref<1024xi32, #tpu.memory_space<vmem>>, vector<16xi32>,
      %mul3A_558 = arith.constant 4 : i32
      %mul3A_559 = arith.muli %mul3A_558, %scan3A_402 : i32
      %add3A_560 = arith.constant 3 : i32
      %add3A_561 = arith.addi %mul3A_559, %add3A_560 : i32
      %mul3A_562 = arith.constant 16 : i32
      %mul3A_563 = arith.muli %add3A_561, %mul3A_562 : i32
      %get3A_564 = arith.index_cast %mul3A_563 : i32 to index
      %get3A_565 = tpu.vector_load %arg36[%get3A_564] {strides = array<i32>} : memref<1024xi32, #tpu.memory_space<vmem>>, vector<16xi32>,
      %while3A_566 = arith.constant 0 : i32
      %while3A_567 = arith.subi %min3A_497, %while3A_566 : i32
      %while3A_568 = arith.addi %while3A_566, %while3A_567 : i32
      %while3A_569 = arith.constant 1 : i32
      %while3A_570 = arith.divsi %while3A_567, %while3A_569 : i32
      %while3A_571 = arith.muli %while3A_570, %while3A_569 : i32
      %while3A_572 = arith.addi %while3A_566, %while3A_571 : i32
      %while3A_573 = arith.constant 1 : i32
      %while3A_574:8 = scf.for %while3A_662 = %while3A_566 to %while3A_572 step %while3A_573 iter_args(%while3A_663 = %get3A_509, %while3A_664 = %get3A_517, %while3A_665 = %get3A_525, %while3A_666 = %get3A_533, %while3A_667 = %get3A_541, %while3A_668 = %get3A_549, %while3A_669 = %get3A_557, %while3A_670 = %get3A_565) -> (vector<16xf32>, vector<16xf32>, vector<16xf32>, vector<16xf32>, vector<16xi32>, vector<16xi32>, vector<16xi32>, vector<16xi32>)  : i32 {
        %mul3A_671 = arith.constant 16 : i32
        %mul3A_672 = arith.muli %while3A_662, %mul3A_671 : i32
        %add3A_673 = arith.addi %max3A, %mul3A_672 : i32
        %add3A_674 = vector.broadcast %add3A_673 : i32 to vector<16xi32>
        %add3A_675 = arith.addi %iota3A, %add3A_674 : vector<16xi32>
        %sub3A_676 = arith.subi %add3A_673, %multiple_of3A_326 : i32
        %get3A_677 = arith.index_cast %sub3A_676 : i32 to index
        %get3A_678 = tpu.vector_load %arg28[%get3A_677] {strides = array<i32>} : memref<2048xf32, #tpu.memory_space<vmem>>, vector<16xf32>,
        %get3A_679 = arith.index_cast %sub3A_676 : i32 to index
        %get3A_680 = tpu.vector_load %arg29[%get3A_679] {strides = array<i32>} : memref<2048xf32, #tpu.memory_space<vmem>>, vector<16xf32>,
        %get3A_681 = arith.index_cast %sub3A_676 : i32 to index
        %get3A_682 = tpu.vector_load %arg30[%get3A_681] {strides = array<i32>} : memref<2048xf32, #tpu.memory_space<vmem>>, vector<16xf32>,
        %sub3A_683 = arith.subf %get3A_678, %gather3A_448 : vector<16xf32>
        %sub3A_684 = arith.subf %get3A_680, %gather3A_452 : vector<16xf32>
        %sub3A_685 = arith.subf %get3A_682, %gather3A_456 : vector<16xf32>
        %mul3A_686 = arith.mulf %sub3A_683, %sub3A_683 : vector<16xf32>
        %mul3A_687 = arith.mulf %sub3A_684, %sub3A_684 : vector<16xf32>
        %add3A_688 = arith.addf %mul3A_686, %mul3A_687 : vector<16xf32>
        %mul3A_689 = arith.mulf %sub3A_685, %sub3A_685 : vector<16xf32>
        %add3A_690 = arith.addf %add3A_688, %mul3A_689 : vector<16xf32>
        %ge3A = arith.cmpi sge, %add3A_675, %gather3A_428 : vector<16xi32>
        %lt3A_691 = arith.cmpi slt, %add3A_675, %gather3A_435 : vector<16xi32>
        %and3A_692 = arith.andi %ge3A, %lt3A_691 : vector<16xi1>
        %jit3A = arith.constant 0x7F800000 : f32
        %broadcast_in_dim3A_693 = vector.broadcast %jit3A : f32 to vector<16xf32>
        %select_n3A_694 = arith.select %and3A_692, %add3A_690, %broadcast_in_dim3A_693 : vector<16xi1>, vector<16xf32>
        %masked_sort3A = arith.constant dense<true> : vector<16xi1>
        %masked_sort3A_695, %masked_sort3A_696, %masked_sort3A_697 = tpu.sort %select_n3A_694, %add3A_675 masked %masked_sort3A {descending = true} : (vector<16xf32>, vector<16xi32>, vector<16xi1>) -> (vector<16xi1>, vector<16xf32>, vector<16xi32>)
        %lt3A_698 = arith.cmpf olt, %masked_sort3A_696, %while3A_663 : vector<16xf32>
        %select_n3A_699 = arith.select %lt3A_698, %masked_sort3A_696, %while3A_663 : vector<16xi1>, vector<16xf32>
        %select_n3A_700 = arith.select %lt3A_698, %masked_sort3A_697, %while3A_667 : vector<16xi1>, vector<16xi32>
        %masked_sort3A_701 = arith.constant dense<true> : vector<16xi1>
        %masked_sort3A_702, %masked_sort3A_703, %masked_sort3A_704 = tpu.sort %select_n3A_699, %select_n3A_700 masked %masked_sort3A_701 : (vector<16xf32>, vector<16xi32>, vector<16xi1>) -> (vector<16xi1>, vector<16xf32>, vector<16xi32>)
        %sub3A_705 = arith.subf %get3A_678, %gather3A_449 : vector<16xf32>
        %sub3A_706 = arith.subf %get3A_680, %gather3A_453 : vector<16xf32>
        %sub3A_707 = arith.subf %get3A_682, %gather3A_457 : vector<16xf32>
        %mul3A_708 = arith.mulf %sub3A_705, %sub3A_705 : vector<16xf32>
        %mul3A_709 = arith.mulf %sub3A_706, %sub3A_706 : vector<16xf32>
        %add3A_710 = arith.addf %mul3A_708, %mul3A_709 : vector<16xf32>
        %mul3A_711 = arith.mulf %sub3A_707, %sub3A_707 : vector<16xf32>
        %add3A_712 = arith.addf %add3A_710, %mul3A_711 : vector<16xf32>
        %ge3A_713 = arith.cmpi sge, %add3A_675, %gather3A_429 : vector<16xi32>
        %lt3A_714 = arith.cmpi slt, %add3A_675, %gather3A_439 : vector<16xi32>
        %and3A_715 = arith.andi %ge3A_713, %lt3A_714 : vector<16xi1>
        %jit3A_716 = arith.constant 0x7F800000 : f32
        %broadcast_in_dim3A_717 = vector.broadcast %jit3A_716 : f32 to vector<16xf32>
        %select_n3A_718 = arith.select %and3A_715, %add3A_712, %broadcast_in_dim3A_717 : vector<16xi1>, vector<16xf32>
        %masked_sort3A_719 = arith.constant dense<true> : vector<16xi1>
        %masked_sort3A_720, %masked_sort3A_721, %masked_sort3A_722 = tpu.sort %select_n3A_718, %add3A_675 masked %masked_sort3A_719 {descending = true} : (vector<16xf32>, vector<16xi32>, vector<16xi1>) -> (vector<16xi1>, vector<16xf32>, vector<16xi32>)
        %lt3A_723 = arith.cmpf olt, %masked_sort3A_721, %while3A_664 : vector<16xf32>
        %select_n3A_724 = arith.select %lt3A_723, %masked_sort3A_721, %while3A_664 : vector<16xi1>, vector<16xf32>
        %select_n3A_725 = arith.select %lt3A_723, %masked_sort3A_722, %while3A_668 : vector<16xi1>, vector<16xi32>
        %masked_sort3A_726 = arith.constant dense<true> : vector<16xi1>
        %masked_sort3A_727, %masked_sort3A_728, %masked_sort3A_729 = tpu.sort %select_n3A_724, %select_n3A_725 masked %masked_sort3A_726 : (vector<16xf32>, vector<16xi32>, vector<16xi1>) -> (vector<16xi1>, vector<16xf32>, vector<16xi32>)
        %sub3A_730 = arith.subf %get3A_678, %gather3A_450 : vector<16xf32>
        %sub3A_731 = arith.subf %get3A_680, %gather3A_454 : vector<16xf32>
        %sub3A_732 = arith.subf %get3A_682, %gather3A_458 : vector<16xf32>
        %mul3A_733 = arith.mulf %sub3A_730, %sub3A_730 : vector<16xf32>
        %mul3A_734 = arith.mulf %sub3A_731, %sub3A_731 : vector<16xf32>
        %add3A_735 = arith.addf %mul3A_733, %mul3A_734 : vector<16xf32>
        %mul3A_736 = arith.mulf %sub3A_732, %sub3A_732 : vector<16xf32>
        %add3A_737 = arith.addf %add3A_735, %mul3A_736 : vector<16xf32>
        %ge3A_738 = arith.cmpi sge, %add3A_675, %gather3A_430 : vector<16xi32>
        %lt3A_739 = arith.cmpi slt, %add3A_675, %gather3A_443 : vector<16xi32>
        %and3A_740 = arith.andi %ge3A_738, %lt3A_739 : vector<16xi1>
        %jit3A_741 = arith.constant 0x7F800000 : f32
        %broadcast_in_dim3A_742 = vector.broadcast %jit3A_741 : f32 to vector<16xf32>
        %select_n3A_743 = arith.select %and3A_740, %add3A_737, %broadcast_in_dim3A_742 : vector<16xi1>, vector<16xf32>
        %masked_sort3A_744 = arith.constant dense<true> : vector<16xi1>
        %masked_sort3A_745, %masked_sort3A_746, %masked_sort3A_747 = tpu.sort %select_n3A_743, %add3A_675 masked %masked_sort3A_744 {descending = true} : (vector<16xf32>, vector<16xi32>, vector<16xi1>) -> (vector<16xi1>, vector<16xf32>, vector<16xi32>)
        %lt3A_748 = arith.cmpf olt, %masked_sort3A_746, %while3A_665 : vector<16xf32>
        %select_n3A_749 = arith.select %lt3A_748, %masked_sort3A_746, %while3A_665 : vector<16xi1>, vector<16xf32>
        %select_n3A_750 = arith.select %lt3A_748, %masked_sort3A_747, %while3A_669 : vector<16xi1>, vector<16xi32>
        %masked_sort3A_751 = arith.constant dense<true> : vector<16xi1>
        %masked_sort3A_752, %masked_sort3A_753, %masked_sort3A_754 = tpu.sort %select_n3A_749, %select_n3A_750 masked %masked_sort3A_751 : (vector<16xf32>, vector<16xi32>, vector<16xi1>) -> (vector<16xi1>, vector<16xf32>, vector<16xi32>)
        %sub3A_755 = arith.subf %get3A_678, %gather3A_451 : vector<16xf32>
        %sub3A_756 = arith.subf %get3A_680, %gather3A_455 : vector<16xf32>
        %sub3A_757 = arith.subf %get3A_682, %gather3A_459 : vector<16xf32>
        %mul3A_758 = arith.mulf %sub3A_755, %sub3A_755 : vector<16xf32>
        %mul3A_759 = arith.mulf %sub3A_756, %sub3A_756 : vector<16xf32>
        %add3A_760 = arith.addf %mul3A_758, %mul3A_759 : vector<16xf32>
        %mul3A_761 = arith.mulf %sub3A_757, %sub3A_757 : vector<16xf32>
        %add3A_762 = arith.addf %add3A_760, %mul3A_761 : vector<16xf32>
        %ge3A_763 = arith.cmpi sge, %add3A_675, %gather3A_431 : vector<16xi32>
        %lt3A_764 = arith.cmpi slt, %add3A_675, %gather3A_447 : vector<16xi32>
        %and3A_765 = arith.andi %ge3A_763, %lt3A_764 : vector<16xi1>
        %jit3A_766 = arith.constant 0x7F800000 : f32
        %broadcast_in_dim3A_767 = vector.broadcast %jit3A_766 : f32 to vector<16xf32>
        %select_n3A_768 = arith.select %and3A_765, %add3A_762, %broadcast_in_dim3A_767 : vector<16xi1>, vector<16xf32>
        %masked_sort3A_769 = arith.constant dense<true> : vector<16xi1>
        %masked_sort3A_770, %masked_sort3A_771, %masked_sort3A_772 = tpu.sort %select_n3A_768, %add3A_675 masked %masked_sort3A_769 {descending = true} : (vector<16xf32>, vector<16xi32>, vector<16xi1>) -> (vector<16xi1>, vector<16xf32>, vector<16xi32>)
        %lt3A_773 = arith.cmpf olt, %masked_sort3A_771, %while3A_666 : vector<16xf32>
        %select_n3A_774 = arith.select %lt3A_773, %masked_sort3A_771, %while3A_666 : vector<16xi1>, vector<16xf32>
        %select_n3A_775 = arith.select %lt3A_773, %masked_sort3A_772, %while3A_670 : vector<16xi1>, vector<16xi32>
        %masked_sort3A_776 = arith.constant dense<true> : vector<16xi1>
        %masked_sort3A_777, %masked_sort3A_778, %masked_sort3A_779 = tpu.sort %select_n3A_774, %select_n3A_775 masked %masked_sort3A_776 : (vector<16xf32>, vector<16xi32>, vector<16xi1>) -> (vector<16xi1>, vector<16xf32>, vector<16xi32>)
        scf.yield %masked_sort3A_703, %masked_sort3A_728, %masked_sort3A_753, %masked_sort3A_778, %masked_sort3A_704, %masked_sort3A_729, %masked_sort3A_754, %masked_sort3A_779 : vector<16xf32>, vector<16xf32>, vector<16xf32>, vector<16xf32>, vector<16xi32>, vector<16xi32>, vector<16xi32>, vector<16xi32>
      }
      %while3A_575 = arith.constant 1 : i32
      %while3A_576:8 = scf.for %while3A_662 = %while3A_572 to %while3A_568 step %while3A_575 iter_args(%while3A_663 = %while3A_574#0, %while3A_664 = %while3A_574#1, %while3A_665 = %while3A_574#2, %while3A_666 = %while3A_574#3, %while3A_667 = %while3A_574#4, %while3A_668 = %while3A_574#5, %while3A_669 = %while3A_574#6, %while3A_670 = %while3A_574#7) -> (vector<16xf32>, vector<16xf32>, vector<16xf32>, vector<16xf32>, vector<16xi32>, vector<16xi32>, vector<16xi32>, vector<16xi32>)  : i32 {
        %mul3A_671 = arith.constant 16 : i32
        %mul3A_672 = arith.muli %while3A_662, %mul3A_671 : i32
        %add3A_673 = arith.addi %max3A, %mul3A_672 : i32
        %add3A_674 = vector.broadcast %add3A_673 : i32 to vector<16xi32>
        %add3A_675 = arith.addi %iota3A, %add3A_674 : vector<16xi32>
        %sub3A_676 = arith.subi %add3A_673, %multiple_of3A_326 : i32
        %get3A_677 = arith.index_cast %sub3A_676 : i32 to index
        %get3A_678 = tpu.vector_load %arg28[%get3A_677] {strides = array<i32>} : memref<2048xf32, #tpu.memory_space<vmem>>, vector<16xf32>,
        %get3A_679 = arith.index_cast %sub3A_676 : i32 to index
        %get3A_680 = tpu.vector_load %arg29[%get3A_679] {strides = array<i32>} : memref<2048xf32, #tpu.memory_space<vmem>>, vector<16xf32>,
        %get3A_681 = arith.index_cast %sub3A_676 : i32 to index
        %get3A_682 = tpu.vector_load %arg30[%get3A_681] {strides = array<i32>} : memref<2048xf32, #tpu.memory_space<vmem>>, vector<16xf32>,
        %sub3A_683 = arith.subf %get3A_678, %gather3A_448 : vector<16xf32>
        %sub3A_684 = arith.subf %get3A_680, %gather3A_452 : vector<16xf32>
        %sub3A_685 = arith.subf %get3A_682, %gather3A_456 : vector<16xf32>
        %mul3A_686 = arith.mulf %sub3A_683, %sub3A_683 : vector<16xf32>
        %mul3A_687 = arith.mulf %sub3A_684, %sub3A_684 : vector<16xf32>
        %add3A_688 = arith.addf %mul3A_686, %mul3A_687 : vector<16xf32>
        %mul3A_689 = arith.mulf %sub3A_685, %sub3A_685 : vector<16xf32>
        %add3A_690 = arith.addf %add3A_688, %mul3A_689 : vector<16xf32>
        %ge3A = arith.cmpi sge, %add3A_675, %gather3A_428 : vector<16xi32>
        %lt3A_691 = arith.cmpi slt, %add3A_675, %gather3A_435 : vector<16xi32>
        %and3A_692 = arith.andi %ge3A, %lt3A_691 : vector<16xi1>
        %jit3A = arith.constant 0x7F800000 : f32
        %broadcast_in_dim3A_693 = vector.broadcast %jit3A : f32 to vector<16xf32>
        %select_n3A_694 = arith.select %and3A_692, %add3A_690, %broadcast_in_dim3A_693 : vector<16xi1>, vector<16xf32>
        %masked_sort3A = arith.constant dense<true> : vector<16xi1>
        %masked_sort3A_695, %masked_sort3A_696, %masked_sort3A_697 = tpu.sort %select_n3A_694, %add3A_675 masked %masked_sort3A {descending = true} : (vector<16xf32>, vector<16xi32>, vector<16xi1>) -> (vector<16xi1>, vector<16xf32>, vector<16xi32>)
        %lt3A_698 = arith.cmpf olt, %masked_sort3A_696, %while3A_663 : vector<16xf32>
        %select_n3A_699 = arith.select %lt3A_698, %masked_sort3A_696, %while3A_663 : vector<16xi1>, vector<16xf32>
        %select_n3A_700 = arith.select %lt3A_698, %masked_sort3A_697, %while3A_667 : vector<16xi1>, vector<16xi32>
        %masked_sort3A_701 = arith.constant dense<true> : vector<16xi1>
        %masked_sort3A_702, %masked_sort3A_703, %masked_sort3A_704 = tpu.sort %select_n3A_699, %select_n3A_700 masked %masked_sort3A_701 : (vector<16xf32>, vector<16xi32>, vector<16xi1>) -> (vector<16xi1>, vector<16xf32>, vector<16xi32>)
        %sub3A_705 = arith.subf %get3A_678, %gather3A_449 : vector<16xf32>
        %sub3A_706 = arith.subf %get3A_680, %gather3A_453 : vector<16xf32>
        %sub3A_707 = arith.subf %get3A_682, %gather3A_457 : vector<16xf32>
        %mul3A_708 = arith.mulf %sub3A_705, %sub3A_705 : vector<16xf32>
        %mul3A_709 = arith.mulf %sub3A_706, %sub3A_706 : vector<16xf32>
        %add3A_710 = arith.addf %mul3A_708, %mul3A_709 : vector<16xf32>
        %mul3A_711 = arith.mulf %sub3A_707, %sub3A_707 : vector<16xf32>
        %add3A_712 = arith.addf %add3A_710, %mul3A_711 : vector<16xf32>
        %ge3A_713 = arith.cmpi sge, %add3A_675, %gather3A_429 : vector<16xi32>
        %lt3A_714 = arith.cmpi slt, %add3A_675, %gather3A_439 : vector<16xi32>
        %and3A_715 = arith.andi %ge3A_713, %lt3A_714 : vector<16xi1>
        %jit3A_716 = arith.constant 0x7F800000 : f32
        %broadcast_in_dim3A_717 = vector.broadcast %jit3A_716 : f32 to vector<16xf32>
        %select_n3A_718 = arith.select %and3A_715, %add3A_712, %broadcast_in_dim3A_717 : vector<16xi1>, vector<16xf32>
        %masked_sort3A_719 = arith.constant dense<true> : vector<16xi1>
        %masked_sort3A_720, %masked_sort3A_721, %masked_sort3A_722 = tpu.sort %select_n3A_718, %add3A_675 masked %masked_sort3A_719 {descending = true} : (vector<16xf32>, vector<16xi32>, vector<16xi1>) -> (vector<16xi1>, vector<16xf32>, vector<16xi32>)
        %lt3A_723 = arith.cmpf olt, %masked_sort3A_721, %while3A_664 : vector<16xf32>
        %select_n3A_724 = arith.select %lt3A_723, %masked_sort3A_721, %while3A_664 : vector<16xi1>, vector<16xf32>
        %select_n3A_725 = arith.select %lt3A_723, %masked_sort3A_722, %while3A_668 : vector<16xi1>, vector<16xi32>
        %masked_sort3A_726 = arith.constant dense<true> : vector<16xi1>
        %masked_sort3A_727, %masked_sort3A_728, %masked_sort3A_729 = tpu.sort %select_n3A_724, %select_n3A_725 masked %masked_sort3A_726 : (vector<16xf32>, vector<16xi32>, vector<16xi1>) -> (vector<16xi1>, vector<16xf32>, vector<16xi32>)
        %sub3A_730 = arith.subf %get3A_678, %gather3A_450 : vector<16xf32>
        %sub3A_731 = arith.subf %get3A_680, %gather3A_454 : vector<16xf32>
        %sub3A_732 = arith.subf %get3A_682, %gather3A_458 : vector<16xf32>
        %mul3A_733 = arith.mulf %sub3A_730, %sub3A_730 : vector<16xf32>
        %mul3A_734 = arith.mulf %sub3A_731, %sub3A_731 : vector<16xf32>
        %add3A_735 = arith.addf %mul3A_733, %mul3A_734 : vector<16xf32>
        %mul3A_736 = arith.mulf %sub3A_732, %sub3A_732 : vector<16xf32>
        %add3A_737 = arith.addf %add3A_735, %mul3A_736 : vector<16xf32>
        %ge3A_738 = arith.cmpi sge, %add3A_675, %gather3A_430 : vector<16xi32>
        %lt3A_739 = arith.cmpi slt, %add3A_675, %gather3A_443 : vector<16xi32>
        %and3A_740 = arith.andi %ge3A_738, %lt3A_739 : vector<16xi1>
        %jit3A_741 = arith.constant 0x7F800000 : f32
        %broadcast_in_dim3A_742 = vector.broadcast %jit3A_741 : f32 to vector<16xf32>
        %select_n3A_743 = arith.select %and3A_740, %add3A_737, %broadcast_in_dim3A_742 : vector<16xi1>, vector<16xf32>
        %masked_sort3A_744 = arith.constant dense<true> : vector<16xi1>
        %masked_sort3A_745, %masked_sort3A_746, %masked_sort3A_747 = tpu.sort %select_n3A_743, %add3A_675 masked %masked_sort3A_744 {descending = true} : (vector<16xf32>, vector<16xi32>, vector<16xi1>) -> (vector<16xi1>, vector<16xf32>, vector<16xi32>)
        %lt3A_748 = arith.cmpf olt, %masked_sort3A_746, %while3A_665 : vector<16xf32>
        %select_n3A_749 = arith.select %lt3A_748, %masked_sort3A_746, %while3A_665 : vector<16xi1>, vector<16xf32>
        %select_n3A_750 = arith.select %lt3A_748, %masked_sort3A_747, %while3A_669 : vector<16xi1>, vector<16xi32>
        %masked_sort3A_751 = arith.constant dense<true> : vector<16xi1>
        %masked_sort3A_752, %masked_sort3A_753, %masked_sort3A_754 = tpu.sort %select_n3A_749, %select_n3A_750 masked %masked_sort3A_751 : (vector<16xf32>, vector<16xi32>, vector<16xi1>) -> (vector<16xi1>, vector<16xf32>, vector<16xi32>)
        %sub3A_755 = arith.subf %get3A_678, %gather3A_451 : vector<16xf32>
        %sub3A_756 = arith.subf %get3A_680, %gather3A_455 : vector<16xf32>
        %sub3A_757 = arith.subf %get3A_682, %gather3A_459 : vector<16xf32>
        %mul3A_758 = arith.mulf %sub3A_755, %sub3A_755 : vector<16xf32>
        %mul3A_759 = arith.mulf %sub3A_756, %sub3A_756 : vector<16xf32>
        %add3A_760 = arith.addf %mul3A_758, %mul3A_759 : vector<16xf32>
        %mul3A_761 = arith.mulf %sub3A_757, %sub3A_757 : vector<16xf32>
        %add3A_762 = arith.addf %add3A_760, %mul3A_761 : vector<16xf32>
        %ge3A_763 = arith.cmpi sge, %add3A_675, %gather3A_431 : vector<16xi32>
        %lt3A_764 = arith.cmpi slt, %add3A_675, %gather3A_447 : vector<16xi32>
        %and3A_765 = arith.andi %ge3A_763, %lt3A_764 : vector<16xi1>
        %jit3A_766 = arith.constant 0x7F800000 : f32
        %broadcast_in_dim3A_767 = vector.broadcast %jit3A_766 : f32 to vector<16xf32>
        %select_n3A_768 = arith.select %and3A_765, %add3A_762, %broadcast_in_dim3A_767 : vector<16xi1>, vector<16xf32>
        %masked_sort3A_769 = arith.constant dense<true> : vector<16xi1>
        %masked_sort3A_770, %masked_sort3A_771, %masked_sort3A_772 = tpu.sort %select_n3A_768, %add3A_675 masked %masked_sort3A_769 {descending = true} : (vector<16xf32>, vector<16xi32>, vector<16xi1>) -> (vector<16xi1>, vector<16xf32>, vector<16xi32>)
        %lt3A_773 = arith.cmpf olt, %masked_sort3A_771, %while3A_666 : vector<16xf32>
        %select_n3A_774 = arith.select %lt3A_773, %masked_sort3A_771, %while3A_666 : vector<16xi1>, vector<16xf32>
        %select_n3A_775 = arith.select %lt3A_773, %masked_sort3A_772, %while3A_670 : vector<16xi1>, vector<16xi32>
        %masked_sort3A_776 = arith.constant dense<true> : vector<16xi1>
        %masked_sort3A_777, %masked_sort3A_778, %masked_sort3A_779 = tpu.sort %select_n3A_774, %select_n3A_775 masked %masked_sort3A_776 : (vector<16xf32>, vector<16xi32>, vector<16xi1>) -> (vector<16xi1>, vector<16xf32>, vector<16xi32>)
        scf.yield %masked_sort3A_703, %masked_sort3A_728, %masked_sort3A_753, %masked_sort3A_778, %masked_sort3A_704, %masked_sort3A_729, %masked_sort3A_754, %masked_sort3A_779 : vector<16xf32>, vector<16xf32>, vector<16xf32>, vector<16xf32>, vector<16xi32>, vector<16xi32>, vector<16xi32>, vector<16xi32>
      }
      %while3A_577 = arith.subi %min3A_502, %min3A_497 : i32
      %while3A_578 = arith.addi %min3A_497, %while3A_577 : i32
      %while3A_579 = arith.constant 1 : i32
      %while3A_580 = arith.divsi %while3A_577, %while3A_579 : i32
      %while3A_581 = arith.muli %while3A_580, %while3A_579 : i32
      %while3A_582 = arith.addi %min3A_497, %while3A_581 : i32
      %while3A_583 = arith.constant 1 : i32
      %while3A_584:8 = scf.for %while3A_662 = %min3A_497 to %while3A_582 step %while3A_583 iter_args(%while3A_663 = %while3A_576#0, %while3A_664 = %while3A_576#1, %while3A_665 = %while3A_576#2, %while3A_666 = %while3A_576#3, %while3A_667 = %while3A_576#4, %while3A_668 = %while3A_576#5, %while3A_669 = %while3A_576#6, %while3A_670 = %while3A_576#7) -> (vector<16xf32>, vector<16xf32>, vector<16xf32>, vector<16xf32>, vector<16xi32>, vector<16xi32>, vector<16xi32>, vector<16xi32>)  : i32 {
        %mul3A_671 = arith.constant 16 : i32
        %mul3A_672 = arith.muli %while3A_662, %mul3A_671 : i32
        %add3A_673 = arith.addi %max3A, %mul3A_672 : i32
        %add3A_674 = vector.broadcast %add3A_673 : i32 to vector<16xi32>
        %add3A_675 = arith.addi %iota3A, %add3A_674 : vector<16xi32>
        %sub3A_676 = arith.subi %add3A_673, %multiple_of3A_326 : i32
        %get3A_677 = arith.index_cast %sub3A_676 : i32 to index
        %get3A_678 = tpu.vector_load %arg28[%get3A_677] {strides = array<i32>} : memref<2048xf32, #tpu.memory_space<vmem>>, vector<16xf32>,
        %get3A_679 = arith.index_cast %sub3A_676 : i32 to index
        %get3A_680 = tpu.vector_load %arg29[%get3A_679] {strides = array<i32>} : memref<2048xf32, #tpu.memory_space<vmem>>, vector<16xf32>,
        %get3A_681 = arith.index_cast %sub3A_676 : i32 to index
        %get3A_682 = tpu.vector_load %arg30[%get3A_681] {strides = array<i32>} : memref<2048xf32, #tpu.memory_space<vmem>>, vector<16xf32>,
        %sub3A_683 = arith.subf %get3A_678, %gather3A_448 : vector<16xf32>
        %sub3A_684 = arith.subf %get3A_680, %gather3A_452 : vector<16xf32>
        %sub3A_685 = arith.subf %get3A_682, %gather3A_456 : vector<16xf32>
        %mul3A_686 = arith.mulf %sub3A_683, %sub3A_683 : vector<16xf32>
        %mul3A_687 = arith.mulf %sub3A_684, %sub3A_684 : vector<16xf32>
        %add3A_688 = arith.addf %mul3A_686, %mul3A_687 : vector<16xf32>
        %mul3A_689 = arith.mulf %sub3A_685, %sub3A_685 : vector<16xf32>
        %add3A_690 = arith.addf %add3A_688, %mul3A_689 : vector<16xf32>
        %masked_sort3A = arith.constant dense<true> : vector<16xi1>
        %masked_sort3A_691, %masked_sort3A_692, %masked_sort3A_693 = tpu.sort %add3A_690, %add3A_675 masked %masked_sort3A {descending = true} : (vector<16xf32>, vector<16xi32>, vector<16xi1>) -> (vector<16xi1>, vector<16xf32>, vector<16xi32>)
        %lt3A_694 = arith.cmpf olt, %masked_sort3A_692, %while3A_663 : vector<16xf32>
        %select_n3A_695 = arith.select %lt3A_694, %masked_sort3A_692, %while3A_663 : vector<16xi1>, vector<16xf32>
        %select_n3A_696 = arith.select %lt3A_694, %masked_sort3A_693, %while3A_667 : vector<16xi1>, vector<16xi32>
        %masked_sort3A_697 = arith.constant dense<true> : vector<16xi1>
        %masked_sort3A_698, %masked_sort3A_699, %masked_sort3A_700 = tpu.sort %select_n3A_695, %select_n3A_696 masked %masked_sort3A_697 : (vector<16xf32>, vector<16xi32>, vector<16xi1>) -> (vector<16xi1>, vector<16xf32>, vector<16xi32>)
        %sub3A_701 = arith.subf %get3A_678, %gather3A_449 : vector<16xf32>
        %sub3A_702 = arith.subf %get3A_680, %gather3A_453 : vector<16xf32>
        %sub3A_703 = arith.subf %get3A_682, %gather3A_457 : vector<16xf32>
        %mul3A_704 = arith.mulf %sub3A_701, %sub3A_701 : vector<16xf32>
        %mul3A_705 = arith.mulf %sub3A_702, %sub3A_702 : vector<16xf32>
        %add3A_706 = arith.addf %mul3A_704, %mul3A_705 : vector<16xf32>
        %mul3A_707 = arith.mulf %sub3A_703, %sub3A_703 : vector<16xf32>
        %add3A_708 = arith.addf %add3A_706, %mul3A_707 : vector<16xf32>
        %masked_sort3A_709 = arith.constant dense<true> : vector<16xi1>
        %masked_sort3A_710, %masked_sort3A_711, %masked_sort3A_712 = tpu.sort %add3A_708, %add3A_675 masked %masked_sort3A_709 {descending = true} : (vector<16xf32>, vector<16xi32>, vector<16xi1>) -> (vector<16xi1>, vector<16xf32>, vector<16xi32>)
        %lt3A_713 = arith.cmpf olt, %masked_sort3A_711, %while3A_664 : vector<16xf32>
        %select_n3A_714 = arith.select %lt3A_713, %masked_sort3A_711, %while3A_664 : vector<16xi1>, vector<16xf32>
        %select_n3A_715 = arith.select %lt3A_713, %masked_sort3A_712, %while3A_668 : vector<16xi1>, vector<16xi32>
        %masked_sort3A_716 = arith.constant dense<true> : vector<16xi1>
        %masked_sort3A_717, %masked_sort3A_718, %masked_sort3A_719 = tpu.sort %select_n3A_714, %select_n3A_715 masked %masked_sort3A_716 : (vector<16xf32>, vector<16xi32>, vector<16xi1>) -> (vector<16xi1>, vector<16xf32>, vector<16xi32>)
        %sub3A_720 = arith.subf %get3A_678, %gather3A_450 : vector<16xf32>
        %sub3A_721 = arith.subf %get3A_680, %gather3A_454 : vector<16xf32>
        %sub3A_722 = arith.subf %get3A_682, %gather3A_458 : vector<16xf32>
        %mul3A_723 = arith.mulf %sub3A_720, %sub3A_720 : vector<16xf32>
        %mul3A_724 = arith.mulf %sub3A_721, %sub3A_721 : vector<16xf32>
        %add3A_725 = arith.addf %mul3A_723, %mul3A_724 : vector<16xf32>
        %mul3A_726 = arith.mulf %sub3A_722, %sub3A_722 : vector<16xf32>
        %add3A_727 = arith.addf %add3A_725, %mul3A_726 : vector<16xf32>
        %masked_sort3A_728 = arith.constant dense<true> : vector<16xi1>
        %masked_sort3A_729, %masked_sort3A_730, %masked_sort3A_731 = tpu.sort %add3A_727, %add3A_675 masked %masked_sort3A_728 {descending = true} : (vector<16xf32>, vector<16xi32>, vector<16xi1>) -> (vector<16xi1>, vector<16xf32>, vector<16xi32>)
        %lt3A_732 = arith.cmpf olt, %masked_sort3A_730, %while3A_665 : vector<16xf32>
        %select_n3A_733 = arith.select %lt3A_732, %masked_sort3A_730, %while3A_665 : vector<16xi1>, vector<16xf32>
        %select_n3A_734 = arith.select %lt3A_732, %masked_sort3A_731, %while3A_669 : vector<16xi1>, vector<16xi32>
        %masked_sort3A_735 = arith.constant dense<true> : vector<16xi1>
        %masked_sort3A_736, %masked_sort3A_737, %masked_sort3A_738 = tpu.sort %select_n3A_733, %select_n3A_734 masked %masked_sort3A_735 : (vector<16xf32>, vector<16xi32>, vector<16xi1>) -> (vector<16xi1>, vector<16xf32>, vector<16xi32>)
        %sub3A_739 = arith.subf %get3A_678, %gather3A_451 : vector<16xf32>
        %sub3A_740 = arith.subf %get3A_680, %gather3A_455 : vector<16xf32>
        %sub3A_741 = arith.subf %get3A_682, %gather3A_459 : vector<16xf32>
        %mul3A_742 = arith.mulf %sub3A_739, %sub3A_739 : vector<16xf32>
        %mul3A_743 = arith.mulf %sub3A_740, %sub3A_740 : vector<16xf32>
        %add3A_744 = arith.addf %mul3A_742, %mul3A_743 : vector<16xf32>
        %mul3A_745 = arith.mulf %sub3A_741, %sub3A_741 : vector<16xf32>
        %add3A_746 = arith.addf %add3A_744, %mul3A_745 : vector<16xf32>
        %masked_sort3A_747 = arith.constant dense<true> : vector<16xi1>
        %masked_sort3A_748, %masked_sort3A_749, %masked_sort3A_750 = tpu.sort %add3A_746, %add3A_675 masked %masked_sort3A_747 {descending = true} : (vector<16xf32>, vector<16xi32>, vector<16xi1>) -> (vector<16xi1>, vector<16xf32>, vector<16xi32>)
        %lt3A_751 = arith.cmpf olt, %masked_sort3A_749, %while3A_666 : vector<16xf32>
        %select_n3A_752 = arith.select %lt3A_751, %masked_sort3A_749, %while3A_666 : vector<16xi1>, vector<16xf32>
        %select_n3A_753 = arith.select %lt3A_751, %masked_sort3A_750, %while3A_670 : vector<16xi1>, vector<16xi32>
        %masked_sort3A_754 = arith.constant dense<true> : vector<16xi1>
        %masked_sort3A_755, %masked_sort3A_756, %masked_sort3A_757 = tpu.sort %select_n3A_752, %select_n3A_753 masked %masked_sort3A_754 : (vector<16xf32>, vector<16xi32>, vector<16xi1>) -> (vector<16xi1>, vector<16xf32>, vector<16xi32>)
        scf.yield %masked_sort3A_699, %masked_sort3A_718, %masked_sort3A_737, %masked_sort3A_756, %masked_sort3A_700, %masked_sort3A_719, %masked_sort3A_738, %masked_sort3A_757 : vector<16xf32>, vector<16xf32>, vector<16xf32>, vector<16xf32>, vector<16xi32>, vector<16xi32>, vector<16xi32>, vector<16xi32>
      }
      %while3A_585 = arith.constant 1 : i32
      %while3A_586:8 = scf.for %while3A_662 = %while3A_582 to %while3A_578 step %while3A_585 iter_args(%while3A_663 = %while3A_584#0, %while3A_664 = %while3A_584#1, %while3A_665 = %while3A_584#2, %while3A_666 = %while3A_584#3, %while3A_667 = %while3A_584#4, %while3A_668 = %while3A_584#5, %while3A_669 = %while3A_584#6, %while3A_670 = %while3A_584#7) -> (vector<16xf32>, vector<16xf32>, vector<16xf32>, vector<16xf32>, vector<16xi32>, vector<16xi32>, vector<16xi32>, vector<16xi32>)  : i32 {
        %mul3A_671 = arith.constant 16 : i32
        %mul3A_672 = arith.muli %while3A_662, %mul3A_671 : i32
        %add3A_673 = arith.addi %max3A, %mul3A_672 : i32
        %add3A_674 = vector.broadcast %add3A_673 : i32 to vector<16xi32>
        %add3A_675 = arith.addi %iota3A, %add3A_674 : vector<16xi32>
        %sub3A_676 = arith.subi %add3A_673, %multiple_of3A_326 : i32
        %get3A_677 = arith.index_cast %sub3A_676 : i32 to index
        %get3A_678 = tpu.vector_load %arg28[%get3A_677] {strides = array<i32>} : memref<2048xf32, #tpu.memory_space<vmem>>, vector<16xf32>,
        %get3A_679 = arith.index_cast %sub3A_676 : i32 to index
        %get3A_680 = tpu.vector_load %arg29[%get3A_679] {strides = array<i32>} : memref<2048xf32, #tpu.memory_space<vmem>>, vector<16xf32>,
        %get3A_681 = arith.index_cast %sub3A_676 : i32 to index
        %get3A_682 = tpu.vector_load %arg30[%get3A_681] {strides = array<i32>} : memref<2048xf32, #tpu.memory_space<vmem>>, vector<16xf32>,
        %sub3A_683 = arith.subf %get3A_678, %gather3A_448 : vector<16xf32>
        %sub3A_684 = arith.subf %get3A_680, %gather3A_452 : vector<16xf32>
        %sub3A_685 = arith.subf %get3A_682, %gather3A_456 : vector<16xf32>
        %mul3A_686 = arith.mulf %sub3A_683, %sub3A_683 : vector<16xf32>
        %mul3A_687 = arith.mulf %sub3A_684, %sub3A_684 : vector<16xf32>
        %add3A_688 = arith.addf %mul3A_686, %mul3A_687 : vector<16xf32>
        %mul3A_689 = arith.mulf %sub3A_685, %sub3A_685 : vector<16xf32>
        %add3A_690 = arith.addf %add3A_688, %mul3A_689 : vector<16xf32>
        %masked_sort3A = arith.constant dense<true> : vector<16xi1>
        %masked_sort3A_691, %masked_sort3A_692, %masked_sort3A_693 = tpu.sort %add3A_690, %add3A_675 masked %masked_sort3A {descending = true} : (vector<16xf32>, vector<16xi32>, vector<16xi1>) -> (vector<16xi1>, vector<16xf32>, vector<16xi32>)
        %lt3A_694 = arith.cmpf olt, %masked_sort3A_692, %while3A_663 : vector<16xf32>
        %select_n3A_695 = arith.select %lt3A_694, %masked_sort3A_692, %while3A_663 : vector<16xi1>, vector<16xf32>
        %select_n3A_696 = arith.select %lt3A_694, %masked_sort3A_693, %while3A_667 : vector<16xi1>, vector<16xi32>
        %masked_sort3A_697 = arith.constant dense<true> : vector<16xi1>
        %masked_sort3A_698, %masked_sort3A_699, %masked_sort3A_700 = tpu.sort %select_n3A_695, %select_n3A_696 masked %masked_sort3A_697 : (vector<16xf32>, vector<16xi32>, vector<16xi1>) -> (vector<16xi1>, vector<16xf32>, vector<16xi32>)
        %sub3A_701 = arith.subf %get3A_678, %gather3A_449 : vector<16xf32>
        %sub3A_702 = arith.subf %get3A_680, %gather3A_453 : vector<16xf32>
        %sub3A_703 = arith.subf %get3A_682, %gather3A_457 : vector<16xf32>
        %mul3A_704 = arith.mulf %sub3A_701, %sub3A_701 : vector<16xf32>
        %mul3A_705 = arith.mulf %sub3A_702, %sub3A_702 : vector<16xf32>
        %add3A_706 = arith.addf %mul3A_704, %mul3A_705 : vector<16xf32>
        %mul3A_707 = arith.mulf %sub3A_703, %sub3A_703 : vector<16xf32>
        %add3A_708 = arith.addf %add3A_706, %mul3A_707 : vector<16xf32>
        %masked_sort3A_709 = arith.constant dense<true> : vector<16xi1>
        %masked_sort3A_710, %masked_sort3A_711, %masked_sort3A_712 = tpu.sort %add3A_708, %add3A_675 masked %masked_sort3A_709 {descending = true} : (vector<16xf32>, vector<16xi32>, vector<16xi1>) -> (vector<16xi1>, vector<16xf32>, vector<16xi32>)
        %lt3A_713 = arith.cmpf olt, %masked_sort3A_711, %while3A_664 : vector<16xf32>
        %select_n3A_714 = arith.select %lt3A_713, %masked_sort3A_711, %while3A_664 : vector<16xi1>, vector<16xf32>
        %select_n3A_715 = arith.select %lt3A_713, %masked_sort3A_712, %while3A_668 : vector<16xi1>, vector<16xi32>
        %masked_sort3A_716 = arith.constant dense<true> : vector<16xi1>
        %masked_sort3A_717, %masked_sort3A_718, %masked_sort3A_719 = tpu.sort %select_n3A_714, %select_n3A_715 masked %masked_sort3A_716 : (vector<16xf32>, vector<16xi32>, vector<16xi1>) -> (vector<16xi1>, vector<16xf32>, vector<16xi32>)
        %sub3A_720 = arith.subf %get3A_678, %gather3A_450 : vector<16xf32>
        %sub3A_721 = arith.subf %get3A_680, %gather3A_454 : vector<16xf32>
        %sub3A_722 = arith.subf %get3A_682, %gather3A_458 : vector<16xf32>
        %mul3A_723 = arith.mulf %sub3A_720, %sub3A_720 : vector<16xf32>
        %mul3A_724 = arith.mulf %sub3A_721, %sub3A_721 : vector<16xf32>
        %add3A_725 = arith.addf %mul3A_723, %mul3A_724 : vector<16xf32>
        %mul3A_726 = arith.mulf %sub3A_722, %sub3A_722 : vector<16xf32>
        %add3A_727 = arith.addf %add3A_725, %mul3A_726 : vector<16xf32>
        %masked_sort3A_728 = arith.constant dense<true> : vector<16xi1>
        %masked_sort3A_729, %masked_sort3A_730, %masked_sort3A_731 = tpu.sort %add3A_727, %add3A_675 masked %masked_sort3A_728 {descending = true} : (vector<16xf32>, vector<16xi32>, vector<16xi1>) -> (vector<16xi1>, vector<16xf32>, vector<16xi32>)
        %lt3A_732 = arith.cmpf olt, %masked_sort3A_730, %while3A_665 : vector<16xf32>
        %select_n3A_733 = arith.select %lt3A_732, %masked_sort3A_730, %while3A_665 : vector<16xi1>, vector<16xf32>
        %select_n3A_734 = arith.select %lt3A_732, %masked_sort3A_731, %while3A_669 : vector<16xi1>, vector<16xi32>
        %masked_sort3A_735 = arith.constant dense<true> : vector<16xi1>
        %masked_sort3A_736, %masked_sort3A_737, %masked_sort3A_738 = tpu.sort %select_n3A_733, %select_n3A_734 masked %masked_sort3A_735 : (vector<16xf32>, vector<16xi32>, vector<16xi1>) -> (vector<16xi1>, vector<16xf32>, vector<16xi32>)
        %sub3A_739 = arith.subf %get3A_678, %gather3A_451 : vector<16xf32>
        %sub3A_740 = arith.subf %get3A_680, %gather3A_455 : vector<16xf32>
        %sub3A_741 = arith.subf %get3A_682, %gather3A_459 : vector<16xf32>
        %mul3A_742 = arith.mulf %sub3A_739, %sub3A_739 : vector<16xf32>
        %mul3A_743 = arith.mulf %sub3A_740, %sub3A_740 : vector<16xf32>
        %add3A_744 = arith.addf %mul3A_742, %mul3A_743 : vector<16xf32>
        %mul3A_745 = arith.mulf %sub3A_741, %sub3A_741 : vector<16xf32>
        %add3A_746 = arith.addf %add3A_744, %mul3A_745 : vector<16xf32>
        %masked_sort3A_747 = arith.constant dense<true> : vector<16xi1>
        %masked_sort3A_748, %masked_sort3A_749, %masked_sort3A_750 = tpu.sort %add3A_746, %add3A_675 masked %masked_sort3A_747 {descending = true} : (vector<16xf32>, vector<16xi32>, vector<16xi1>) -> (vector<16xi1>, vector<16xf32>, vector<16xi32>)
        %lt3A_751 = arith.cmpf olt, %masked_sort3A_749, %while3A_666 : vector<16xf32>
        %select_n3A_752 = arith.select %lt3A_751, %masked_sort3A_749, %while3A_666 : vector<16xi1>, vector<16xf32>
        %select_n3A_753 = arith.select %lt3A_751, %masked_sort3A_750, %while3A_670 : vector<16xi1>, vector<16xi32>
        %masked_sort3A_754 = arith.constant dense<true> : vector<16xi1>
        %masked_sort3A_755, %masked_sort3A_756, %masked_sort3A_757 = tpu.sort %select_n3A_752, %select_n3A_753 masked %masked_sort3A_754 : (vector<16xf32>, vector<16xi32>, vector<16xi1>) -> (vector<16xi1>, vector<16xf32>, vector<16xi32>)
        scf.yield %masked_sort3A_699, %masked_sort3A_718, %masked_sort3A_737, %masked_sort3A_756, %masked_sort3A_700, %masked_sort3A_719, %masked_sort3A_738, %masked_sort3A_757 : vector<16xf32>, vector<16xf32>, vector<16xf32>, vector<16xf32>, vector<16xi32>, vector<16xi32>, vector<16xi32>, vector<16xi32>
      }
      %while3A_587 = arith.subi %shift_right_arithmetic3A_473, %min3A_502 : i32
      %while3A_588 = arith.addi %min3A_502, %while3A_587 : i32
      %while3A_589 = arith.constant 1 : i32
      %while3A_590 = arith.divsi %while3A_587, %while3A_589 : i32
      %while3A_591 = arith.muli %while3A_590, %while3A_589 : i32
      %while3A_592 = arith.addi %min3A_502, %while3A_591 : i32
      %while3A_593 = arith.constant 1 : i32
      %while3A_594:8 = scf.for %while3A_662 = %min3A_502 to %while3A_592 step %while3A_593 iter_args(%while3A_663 = %while3A_586#0, %while3A_664 = %while3A_586#1, %while3A_665 = %while3A_586#2, %while3A_666 = %while3A_586#3, %while3A_667 = %while3A_586#4, %while3A_668 = %while3A_586#5, %while3A_669 = %while3A_586#6, %while3A_670 = %while3A_586#7) -> (vector<16xf32>, vector<16xf32>, vector<16xf32>, vector<16xf32>, vector<16xi32>, vector<16xi32>, vector<16xi32>, vector<16xi32>)  : i32 {
        %mul3A_671 = arith.constant 16 : i32
        %mul3A_672 = arith.muli %while3A_662, %mul3A_671 : i32
        %add3A_673 = arith.addi %max3A, %mul3A_672 : i32
        %add3A_674 = vector.broadcast %add3A_673 : i32 to vector<16xi32>
        %add3A_675 = arith.addi %iota3A, %add3A_674 : vector<16xi32>
        %sub3A_676 = arith.subi %add3A_673, %multiple_of3A_326 : i32
        %get3A_677 = arith.index_cast %sub3A_676 : i32 to index
        %get3A_678 = tpu.vector_load %arg28[%get3A_677] {strides = array<i32>} : memref<2048xf32, #tpu.memory_space<vmem>>, vector<16xf32>,
        %get3A_679 = arith.index_cast %sub3A_676 : i32 to index
        %get3A_680 = tpu.vector_load %arg29[%get3A_679] {strides = array<i32>} : memref<2048xf32, #tpu.memory_space<vmem>>, vector<16xf32>,
        %get3A_681 = arith.index_cast %sub3A_676 : i32 to index
        %get3A_682 = tpu.vector_load %arg30[%get3A_681] {strides = array<i32>} : memref<2048xf32, #tpu.memory_space<vmem>>, vector<16xf32>,
        %sub3A_683 = arith.subf %get3A_678, %gather3A_448 : vector<16xf32>
        %sub3A_684 = arith.subf %get3A_680, %gather3A_452 : vector<16xf32>
        %sub3A_685 = arith.subf %get3A_682, %gather3A_456 : vector<16xf32>
        %mul3A_686 = arith.mulf %sub3A_683, %sub3A_683 : vector<16xf32>
        %mul3A_687 = arith.mulf %sub3A_684, %sub3A_684 : vector<16xf32>
        %add3A_688 = arith.addf %mul3A_686, %mul3A_687 : vector<16xf32>
        %mul3A_689 = arith.mulf %sub3A_685, %sub3A_685 : vector<16xf32>
        %add3A_690 = arith.addf %add3A_688, %mul3A_689 : vector<16xf32>
        %ge3A = arith.cmpi sge, %add3A_675, %gather3A_428 : vector<16xi32>
        %lt3A_691 = arith.cmpi slt, %add3A_675, %gather3A_435 : vector<16xi32>
        %and3A_692 = arith.andi %ge3A, %lt3A_691 : vector<16xi1>
        %jit3A = arith.constant 0x7F800000 : f32
        %broadcast_in_dim3A_693 = vector.broadcast %jit3A : f32 to vector<16xf32>
        %select_n3A_694 = arith.select %and3A_692, %add3A_690, %broadcast_in_dim3A_693 : vector<16xi1>, vector<16xf32>
        %masked_sort3A = arith.constant dense<true> : vector<16xi1>
        %masked_sort3A_695, %masked_sort3A_696, %masked_sort3A_697 = tpu.sort %select_n3A_694, %add3A_675 masked %masked_sort3A {descending = true} : (vector<16xf32>, vector<16xi32>, vector<16xi1>) -> (vector<16xi1>, vector<16xf32>, vector<16xi32>)
        %lt3A_698 = arith.cmpf olt, %masked_sort3A_696, %while3A_663 : vector<16xf32>
        %select_n3A_699 = arith.select %lt3A_698, %masked_sort3A_696, %while3A_663 : vector<16xi1>, vector<16xf32>
        %select_n3A_700 = arith.select %lt3A_698, %masked_sort3A_697, %while3A_667 : vector<16xi1>, vector<16xi32>
        %masked_sort3A_701 = arith.constant dense<true> : vector<16xi1>
        %masked_sort3A_702, %masked_sort3A_703, %masked_sort3A_704 = tpu.sort %select_n3A_699, %select_n3A_700 masked %masked_sort3A_701 : (vector<16xf32>, vector<16xi32>, vector<16xi1>) -> (vector<16xi1>, vector<16xf32>, vector<16xi32>)
        %sub3A_705 = arith.subf %get3A_678, %gather3A_449 : vector<16xf32>
        %sub3A_706 = arith.subf %get3A_680, %gather3A_453 : vector<16xf32>
        %sub3A_707 = arith.subf %get3A_682, %gather3A_457 : vector<16xf32>
        %mul3A_708 = arith.mulf %sub3A_705, %sub3A_705 : vector<16xf32>
        %mul3A_709 = arith.mulf %sub3A_706, %sub3A_706 : vector<16xf32>
        %add3A_710 = arith.addf %mul3A_708, %mul3A_709 : vector<16xf32>
        %mul3A_711 = arith.mulf %sub3A_707, %sub3A_707 : vector<16xf32>
        %add3A_712 = arith.addf %add3A_710, %mul3A_711 : vector<16xf32>
        %ge3A_713 = arith.cmpi sge, %add3A_675, %gather3A_429 : vector<16xi32>
        %lt3A_714 = arith.cmpi slt, %add3A_675, %gather3A_439 : vector<16xi32>
        %and3A_715 = arith.andi %ge3A_713, %lt3A_714 : vector<16xi1>
        %jit3A_716 = arith.constant 0x7F800000 : f32
        %broadcast_in_dim3A_717 = vector.broadcast %jit3A_716 : f32 to vector<16xf32>
        %select_n3A_718 = arith.select %and3A_715, %add3A_712, %broadcast_in_dim3A_717 : vector<16xi1>, vector<16xf32>
        %masked_sort3A_719 = arith.constant dense<true> : vector<16xi1>
        %masked_sort3A_720, %masked_sort3A_721, %masked_sort3A_722 = tpu.sort %select_n3A_718, %add3A_675 masked %masked_sort3A_719 {descending = true} : (vector<16xf32>, vector<16xi32>, vector<16xi1>) -> (vector<16xi1>, vector<16xf32>, vector<16xi32>)
        %lt3A_723 = arith.cmpf olt, %masked_sort3A_721, %while3A_664 : vector<16xf32>
        %select_n3A_724 = arith.select %lt3A_723, %masked_sort3A_721, %while3A_664 : vector<16xi1>, vector<16xf32>
        %select_n3A_725 = arith.select %lt3A_723, %masked_sort3A_722, %while3A_668 : vector<16xi1>, vector<16xi32>
        %masked_sort3A_726 = arith.constant dense<true> : vector<16xi1>
        %masked_sort3A_727, %masked_sort3A_728, %masked_sort3A_729 = tpu.sort %select_n3A_724, %select_n3A_725 masked %masked_sort3A_726 : (vector<16xf32>, vector<16xi32>, vector<16xi1>) -> (vector<16xi1>, vector<16xf32>, vector<16xi32>)
        %sub3A_730 = arith.subf %get3A_678, %gather3A_450 : vector<16xf32>
        %sub3A_731 = arith.subf %get3A_680, %gather3A_454 : vector<16xf32>
        %sub3A_732 = arith.subf %get3A_682, %gather3A_458 : vector<16xf32>
        %mul3A_733 = arith.mulf %sub3A_730, %sub3A_730 : vector<16xf32>
        %mul3A_734 = arith.mulf %sub3A_731, %sub3A_731 : vector<16xf32>
        %add3A_735 = arith.addf %mul3A_733, %mul3A_734 : vector<16xf32>
        %mul3A_736 = arith.mulf %sub3A_732, %sub3A_732 : vector<16xf32>
        %add3A_737 = arith.addf %add3A_735, %mul3A_736 : vector<16xf32>
        %ge3A_738 = arith.cmpi sge, %add3A_675, %gather3A_430 : vector<16xi32>
        %lt3A_739 = arith.cmpi slt, %add3A_675, %gather3A_443 : vector<16xi32>
        %and3A_740 = arith.andi %ge3A_738, %lt3A_739 : vector<16xi1>
        %jit3A_741 = arith.constant 0x7F800000 : f32
        %broadcast_in_dim3A_742 = vector.broadcast %jit3A_741 : f32 to vector<16xf32>
        %select_n3A_743 = arith.select %and3A_740, %add3A_737, %broadcast_in_dim3A_742 : vector<16xi1>, vector<16xf32>
        %masked_sort3A_744 = arith.constant dense<true> : vector<16xi1>
        %masked_sort3A_745, %masked_sort3A_746, %masked_sort3A_747 = tpu.sort %select_n3A_743, %add3A_675 masked %masked_sort3A_744 {descending = true} : (vector<16xf32>, vector<16xi32>, vector<16xi1>) -> (vector<16xi1>, vector<16xf32>, vector<16xi32>)
        %lt3A_748 = arith.cmpf olt, %masked_sort3A_746, %while3A_665 : vector<16xf32>
        %select_n3A_749 = arith.select %lt3A_748, %masked_sort3A_746, %while3A_665 : vector<16xi1>, vector<16xf32>
        %select_n3A_750 = arith.select %lt3A_748, %masked_sort3A_747, %while3A_669 : vector<16xi1>, vector<16xi32>
        %masked_sort3A_751 = arith.constant dense<true> : vector<16xi1>
        %masked_sort3A_752, %masked_sort3A_753, %masked_sort3A_754 = tpu.sort %select_n3A_749, %select_n3A_750 masked %masked_sort3A_751 : (vector<16xf32>, vector<16xi32>, vector<16xi1>) -> (vector<16xi1>, vector<16xf32>, vector<16xi32>)
        %sub3A_755 = arith.subf %get3A_678, %gather3A_451 : vector<16xf32>
        %sub3A_756 = arith.subf %get3A_680, %gather3A_455 : vector<16xf32>
        %sub3A_757 = arith.subf %get3A_682, %gather3A_459 : vector<16xf32>
        %mul3A_758 = arith.mulf %sub3A_755, %sub3A_755 : vector<16xf32>
        %mul3A_759 = arith.mulf %sub3A_756, %sub3A_756 : vector<16xf32>
        %add3A_760 = arith.addf %mul3A_758, %mul3A_759 : vector<16xf32>
        %mul3A_761 = arith.mulf %sub3A_757, %sub3A_757 : vector<16xf32>
        %add3A_762 = arith.addf %add3A_760, %mul3A_761 : vector<16xf32>
        %ge3A_763 = arith.cmpi sge, %add3A_675, %gather3A_431 : vector<16xi32>
        %lt3A_764 = arith.cmpi slt, %add3A_675, %gather3A_447 : vector<16xi32>
        %and3A_765 = arith.andi %ge3A_763, %lt3A_764 : vector<16xi1>
        %jit3A_766 = arith.constant 0x7F800000 : f32
        %broadcast_in_dim3A_767 = vector.broadcast %jit3A_766 : f32 to vector<16xf32>
        %select_n3A_768 = arith.select %and3A_765, %add3A_762, %broadcast_in_dim3A_767 : vector<16xi1>, vector<16xf32>
        %masked_sort3A_769 = arith.constant dense<true> : vector<16xi1>
        %masked_sort3A_770, %masked_sort3A_771, %masked_sort3A_772 = tpu.sort %select_n3A_768, %add3A_675 masked %masked_sort3A_769 {descending = true} : (vector<16xf32>, vector<16xi32>, vector<16xi1>) -> (vector<16xi1>, vector<16xf32>, vector<16xi32>)
        %lt3A_773 = arith.cmpf olt, %masked_sort3A_771, %while3A_666 : vector<16xf32>
        %select_n3A_774 = arith.select %lt3A_773, %masked_sort3A_771, %while3A_666 : vector<16xi1>, vector<16xf32>
        %select_n3A_775 = arith.select %lt3A_773, %masked_sort3A_772, %while3A_670 : vector<16xi1>, vector<16xi32>
        %masked_sort3A_776 = arith.constant dense<true> : vector<16xi1>
        %masked_sort3A_777, %masked_sort3A_778, %masked_sort3A_779 = tpu.sort %select_n3A_774, %select_n3A_775 masked %masked_sort3A_776 : (vector<16xf32>, vector<16xi32>, vector<16xi1>) -> (vector<16xi1>, vector<16xf32>, vector<16xi32>)
        scf.yield %masked_sort3A_703, %masked_sort3A_728, %masked_sort3A_753, %masked_sort3A_778, %masked_sort3A_704, %masked_sort3A_729, %masked_sort3A_754, %masked_sort3A_779 : vector<16xf32>, vector<16xf32>, vector<16xf32>, vector<16xf32>, vector<16xi32>, vector<16xi32>, vector<16xi32>, vector<16xi32>
      }
      %while3A_595 = arith.constant 1 : i32
      %while3A_596:8 = scf.for %while3A_662 = %while3A_592 to %while3A_588 step %while3A_595 iter_args(%while3A_663 = %while3A_594#0, %while3A_664 = %while3A_594#1, %while3A_665 = %while3A_594#2, %while3A_666 = %while3A_594#3, %while3A_667 = %while3A_594#4, %while3A_668 = %while3A_594#5, %while3A_669 = %while3A_594#6, %while3A_670 = %while3A_594#7) -> (vector<16xf32>, vector<16xf32>, vector<16xf32>, vector<16xf32>, vector<16xi32>, vector<16xi32>, vector<16xi32>, vector<16xi32>)  : i32 {
        %mul3A_671 = arith.constant 16 : i32
        %mul3A_672 = arith.muli %while3A_662, %mul3A_671 : i32
        %add3A_673 = arith.addi %max3A, %mul3A_672 : i32
        %add3A_674 = vector.broadcast %add3A_673 : i32 to vector<16xi32>
        %add3A_675 = arith.addi %iota3A, %add3A_674 : vector<16xi32>
        %sub3A_676 = arith.subi %add3A_673, %multiple_of3A_326 : i32
        %get3A_677 = arith.index_cast %sub3A_676 : i32 to index
        %get3A_678 = tpu.vector_load %arg28[%get3A_677] {strides = array<i32>} : memref<2048xf32, #tpu.memory_space<vmem>>, vector<16xf32>,
        %get3A_679 = arith.index_cast %sub3A_676 : i32 to index
        %get3A_680 = tpu.vector_load %arg29[%get3A_679] {strides = array<i32>} : memref<2048xf32, #tpu.memory_space<vmem>>, vector<16xf32>,
        %get3A_681 = arith.index_cast %sub3A_676 : i32 to index
        %get3A_682 = tpu.vector_load %arg30[%get3A_681] {strides = array<i32>} : memref<2048xf32, #tpu.memory_space<vmem>>, vector<16xf32>,
        %sub3A_683 = arith.subf %get3A_678, %gather3A_448 : vector<16xf32>
        %sub3A_684 = arith.subf %get3A_680, %gather3A_452 : vector<16xf32>
        %sub3A_685 = arith.subf %get3A_682, %gather3A_456 : vector<16xf32>
        %mul3A_686 = arith.mulf %sub3A_683, %sub3A_683 : vector<16xf32>
        %mul3A_687 = arith.mulf %sub3A_684, %sub3A_684 : vector<16xf32>
        %add3A_688 = arith.addf %mul3A_686, %mul3A_687 : vector<16xf32>
        %mul3A_689 = arith.mulf %sub3A_685, %sub3A_685 : vector<16xf32>
        %add3A_690 = arith.addf %add3A_688, %mul3A_689 : vector<16xf32>
        %ge3A = arith.cmpi sge, %add3A_675, %gather3A_428 : vector<16xi32>
        %lt3A_691 = arith.cmpi slt, %add3A_675, %gather3A_435 : vector<16xi32>
        %and3A_692 = arith.andi %ge3A, %lt3A_691 : vector<16xi1>
        %jit3A = arith.constant 0x7F800000 : f32
        %broadcast_in_dim3A_693 = vector.broadcast %jit3A : f32 to vector<16xf32>
        %select_n3A_694 = arith.select %and3A_692, %add3A_690, %broadcast_in_dim3A_693 : vector<16xi1>, vector<16xf32>
        %masked_sort3A = arith.constant dense<true> : vector<16xi1>
        %masked_sort3A_695, %masked_sort3A_696, %masked_sort3A_697 = tpu.sort %select_n3A_694, %add3A_675 masked %masked_sort3A {descending = true} : (vector<16xf32>, vector<16xi32>, vector<16xi1>) -> (vector<16xi1>, vector<16xf32>, vector<16xi32>)
        %lt3A_698 = arith.cmpf olt, %masked_sort3A_696, %while3A_663 : vector<16xf32>
        %select_n3A_699 = arith.select %lt3A_698, %masked_sort3A_696, %while3A_663 : vector<16xi1>, vector<16xf32>
        %select_n3A_700 = arith.select %lt3A_698, %masked_sort3A_697, %while3A_667 : vector<16xi1>, vector<16xi32>
        %masked_sort3A_701 = arith.constant dense<true> : vector<16xi1>
        %masked_sort3A_702, %masked_sort3A_703, %masked_sort3A_704 = tpu.sort %select_n3A_699, %select_n3A_700 masked %masked_sort3A_701 : (vector<16xf32>, vector<16xi32>, vector<16xi1>) -> (vector<16xi1>, vector<16xf32>, vector<16xi32>)
        %sub3A_705 = arith.subf %get3A_678, %gather3A_449 : vector<16xf32>
        %sub3A_706 = arith.subf %get3A_680, %gather3A_453 : vector<16xf32>
        %sub3A_707 = arith.subf %get3A_682, %gather3A_457 : vector<16xf32>
        %mul3A_708 = arith.mulf %sub3A_705, %sub3A_705 : vector<16xf32>
        %mul3A_709 = arith.mulf %sub3A_706, %sub3A_706 : vector<16xf32>
        %add3A_710 = arith.addf %mul3A_708, %mul3A_709 : vector<16xf32>
        %mul3A_711 = arith.mulf %sub3A_707, %sub3A_707 : vector<16xf32>
        %add3A_712 = arith.addf %add3A_710, %mul3A_711 : vector<16xf32>
        %ge3A_713 = arith.cmpi sge, %add3A_675, %gather3A_429 : vector<16xi32>
        %lt3A_714 = arith.cmpi slt, %add3A_675, %gather3A_439 : vector<16xi32>
        %and3A_715 = arith.andi %ge3A_713, %lt3A_714 : vector<16xi1>
        %jit3A_716 = arith.constant 0x7F800000 : f32
        %broadcast_in_dim3A_717 = vector.broadcast %jit3A_716 : f32 to vector<16xf32>
        %select_n3A_718 = arith.select %and3A_715, %add3A_712, %broadcast_in_dim3A_717 : vector<16xi1>, vector<16xf32>
        %masked_sort3A_719 = arith.constant dense<true> : vector<16xi1>
        %masked_sort3A_720, %masked_sort3A_721, %masked_sort3A_722 = tpu.sort %select_n3A_718, %add3A_675 masked %masked_sort3A_719 {descending = true} : (vector<16xf32>, vector<16xi32>, vector<16xi1>) -> (vector<16xi1>, vector<16xf32>, vector<16xi32>)
        %lt3A_723 = arith.cmpf olt, %masked_sort3A_721, %while3A_664 : vector<16xf32>
        %select_n3A_724 = arith.select %lt3A_723, %masked_sort3A_721, %while3A_664 : vector<16xi1>, vector<16xf32>
        %select_n3A_725 = arith.select %lt3A_723, %masked_sort3A_722, %while3A_668 : vector<16xi1>, vector<16xi32>
        %masked_sort3A_726 = arith.constant dense<true> : vector<16xi1>
        %masked_sort3A_727, %masked_sort3A_728, %masked_sort3A_729 = tpu.sort %select_n3A_724, %select_n3A_725 masked %masked_sort3A_726 : (vector<16xf32>, vector<16xi32>, vector<16xi1>) -> (vector<16xi1>, vector<16xf32>, vector<16xi32>)
        %sub3A_730 = arith.subf %get3A_678, %gather3A_450 : vector<16xf32>
        %sub3A_731 = arith.subf %get3A_680, %gather3A_454 : vector<16xf32>
        %sub3A_732 = arith.subf %get3A_682, %gather3A_458 : vector<16xf32>
        %mul3A_733 = arith.mulf %sub3A_730, %sub3A_730 : vector<16xf32>
        %mul3A_734 = arith.mulf %sub3A_731, %sub3A_731 : vector<16xf32>
        %add3A_735 = arith.addf %mul3A_733, %mul3A_734 : vector<16xf32>
        %mul3A_736 = arith.mulf %sub3A_732, %sub3A_732 : vector<16xf32>
        %add3A_737 = arith.addf %add3A_735, %mul3A_736 : vector<16xf32>
        %ge3A_738 = arith.cmpi sge, %add3A_675, %gather3A_430 : vector<16xi32>
        %lt3A_739 = arith.cmpi slt, %add3A_675, %gather3A_443 : vector<16xi32>
        %and3A_740 = arith.andi %ge3A_738, %lt3A_739 : vector<16xi1>
        %jit3A_741 = arith.constant 0x7F800000 : f32
        %broadcast_in_dim3A_742 = vector.broadcast %jit3A_741 : f32 to vector<16xf32>
        %select_n3A_743 = arith.select %and3A_740, %add3A_737, %broadcast_in_dim3A_742 : vector<16xi1>, vector<16xf32>
        %masked_sort3A_744 = arith.constant dense<true> : vector<16xi1>
        %masked_sort3A_745, %masked_sort3A_746, %masked_sort3A_747 = tpu.sort %select_n3A_743, %add3A_675 masked %masked_sort3A_744 {descending = true} : (vector<16xf32>, vector<16xi32>, vector<16xi1>) -> (vector<16xi1>, vector<16xf32>, vector<16xi32>)
        %lt3A_748 = arith.cmpf olt, %masked_sort3A_746, %while3A_665 : vector<16xf32>
        %select_n3A_749 = arith.select %lt3A_748, %masked_sort3A_746, %while3A_665 : vector<16xi1>, vector<16xf32>
        %select_n3A_750 = arith.select %lt3A_748, %masked_sort3A_747, %while3A_669 : vector<16xi1>, vector<16xi32>
        %masked_sort3A_751 = arith.constant dense<true> : vector<16xi1>
        %masked_sort3A_752, %masked_sort3A_753, %masked_sort3A_754 = tpu.sort %select_n3A_749, %select_n3A_750 masked %masked_sort3A_751 : (vector<16xf32>, vector<16xi32>, vector<16xi1>) -> (vector<16xi1>, vector<16xf32>, vector<16xi32>)
        %sub3A_755 = arith.subf %get3A_678, %gather3A_451 : vector<16xf32>
        %sub3A_756 = arith.subf %get3A_680, %gather3A_455 : vector<16xf32>
        %sub3A_757 = arith.subf %get3A_682, %gather3A_459 : vector<16xf32>
        %mul3A_758 = arith.mulf %sub3A_755, %sub3A_755 : vector<16xf32>
        %mul3A_759 = arith.mulf %sub3A_756, %sub3A_756 : vector<16xf32>
        %add3A_760 = arith.addf %mul3A_758, %mul3A_759 : vector<16xf32>
        %mul3A_761 = arith.mulf %sub3A_757, %sub3A_757 : vector<16xf32>
        %add3A_762 = arith.addf %add3A_760, %mul3A_761 : vector<16xf32>
        %ge3A_763 = arith.cmpi sge, %add3A_675, %gather3A_431 : vector<16xi32>
        %lt3A_764 = arith.cmpi slt, %add3A_675, %gather3A_447 : vector<16xi32>
        %and3A_765 = arith.andi %ge3A_763, %lt3A_764 : vector<16xi1>
        %jit3A_766 = arith.constant 0x7F800000 : f32
        %broadcast_in_dim3A_767 = vector.broadcast %jit3A_766 : f32 to vector<16xf32>
        %select_n3A_768 = arith.select %and3A_765, %add3A_762, %broadcast_in_dim3A_767 : vector<16xi1>, vector<16xf32>
        %masked_sort3A_769 = arith.constant dense<true> : vector<16xi1>
        %masked_sort3A_770, %masked_sort3A_771, %masked_sort3A_772 = tpu.sort %select_n3A_768, %add3A_675 masked %masked_sort3A_769 {descending = true} : (vector<16xf32>, vector<16xi32>, vector<16xi1>) -> (vector<16xi1>, vector<16xf32>, vector<16xi32>)
        %lt3A_773 = arith.cmpf olt, %masked_sort3A_771, %while3A_666 : vector<16xf32>
        %select_n3A_774 = arith.select %lt3A_773, %masked_sort3A_771, %while3A_666 : vector<16xi1>, vector<16xf32>
        %select_n3A_775 = arith.select %lt3A_773, %masked_sort3A_772, %while3A_670 : vector<16xi1>, vector<16xi32>
        %masked_sort3A_776 = arith.constant dense<true> : vector<16xi1>
        %masked_sort3A_777, %masked_sort3A_778, %masked_sort3A_779 = tpu.sort %select_n3A_774, %select_n3A_775 masked %masked_sort3A_776 : (vector<16xf32>, vector<16xi32>, vector<16xi1>) -> (vector<16xi1>, vector<16xf32>, vector<16xi32>)
        scf.yield %masked_sort3A_703, %masked_sort3A_728, %masked_sort3A_753, %masked_sort3A_778, %masked_sort3A_704, %masked_sort3A_729, %masked_sort3A_754, %masked_sort3A_779 : vector<16xf32>, vector<16xf32>, vector<16xf32>, vector<16xf32>, vector<16xi32>, vector<16xi32>, vector<16xi32>, vector<16xi32>
      }
      %mul3A_597 = arith.constant 4 : i32
      %mul3A_598 = arith.muli %mul3A_597, %scan3A_402 : i32
      %add3A_599 = arith.constant 0 : i32
      %add3A_600 = arith.addi %mul3A_598, %add3A_599 : i32
      %mul3A_601 = arith.constant 16 : i32
      %mul3A_602 = arith.muli %add3A_600, %mul3A_601 : i32
      %swap3A_603 = arith.index_cast %mul3A_602 : i32 to index
      %swap3A_604 = tpu.vector_load %arg35[%swap3A_603] {strides = array<i32>} : memref<1024xf32, #tpu.memory_space<vmem>>, vector<16xf32>,
      tpu.vector_store %arg35[%swap3A_603], %while3A_596#0 {strides = array<i32>} : memref<1024xf32, #tpu.memory_space<vmem>>, vector<16xf32>,
      %mul3A_605 = arith.constant 4 : i32
      %mul3A_606 = arith.muli %mul3A_605, %scan3A_402 : i32
      %add3A_607 = arith.constant 0 : i32
      %add3A_608 = arith.addi %mul3A_606, %add3A_607 : i32
      %mul3A_609 = arith.constant 16 : i32
      %mul3A_610 = arith.muli %add3A_608, %mul3A_609 : i32
      %swap3A_611 = arith.index_cast %mul3A_610 : i32 to index
      %swap3A_612 = tpu.vector_load %arg36[%swap3A_611] {strides = array<i32>} : memref<1024xi32, #tpu.memory_space<vmem>>, vector<16xi32>,
      tpu.vector_store %arg36[%swap3A_611], %while3A_596#4 {strides = array<i32>} : memref<1024xi32, #tpu.memory_space<vmem>>, vector<16xi32>,
      %mul3A_613 = arith.constant 4 : i32
      %mul3A_614 = arith.muli %mul3A_613, %scan3A_402 : i32
      %add3A_615 = arith.constant 1 : i32
      %add3A_616 = arith.addi %mul3A_614, %add3A_615 : i32
      %mul3A_617 = arith.constant 16 : i32
      %mul3A_618 = arith.muli %add3A_616, %mul3A_617 : i32
      %swap3A_619 = arith.index_cast %mul3A_618 : i32 to index
      %swap3A_620 = tpu.vector_load %arg35[%swap3A_619] {strides = array<i32>} : memref<1024xf32, #tpu.memory_space<vmem>>, vector<16xf32>,
      tpu.vector_store %arg35[%swap3A_619], %while3A_596#1 {strides = array<i32>} : memref<1024xf32, #tpu.memory_space<vmem>>, vector<16xf32>,
      %mul3A_621 = arith.constant 4 : i32
      %mul3A_622 = arith.muli %mul3A_621, %scan3A_402 : i32
      %add3A_623 = arith.constant 1 : i32
      %add3A_624 = arith.addi %mul3A_622, %add3A_623 : i32
      %mul3A_625 = arith.constant 16 : i32
      %mul3A_626 = arith.muli %add3A_624, %mul3A_625 : i32
      %swap3A_627 = arith.index_cast %mul3A_626 : i32 to index
      %swap3A_628 = tpu.vector_load %arg36[%swap3A_627] {strides = array<i32>} : memref<1024xi32, #tpu.memory_space<vmem>>, vector<16xi32>,
      tpu.vector_store %arg36[%swap3A_627], %while3A_596#5 {strides = array<i32>} : memref<1024xi32, #tpu.memory_space<vmem>>, vector<16xi32>,
      %mul3A_629 = arith.constant 4 : i32
      %mul3A_630 = arith.muli %mul3A_629, %scan3A_402 : i32
      %add3A_631 = arith.constant 2 : i32
      %add3A_632 = arith.addi %mul3A_630, %add3A_631 : i32
      %mul3A_633 = arith.constant 16 : i32
      %mul3A_634 = arith.muli %add3A_632, %mul3A_633 : i32
      %swap3A_635 = arith.index_cast %mul3A_634 : i32 to index
      %swap3A_636 = tpu.vector_load %arg35[%swap3A_635] {strides = array<i32>} : memref<1024xf32, #tpu.memory_space<vmem>>, vector<16xf32>,
      tpu.vector_store %arg35[%swap3A_635], %while3A_596#2 {strides = array<i32>} : memref<1024xf32, #tpu.memory_space<vmem>>, vector<16xf32>,
      %mul3A_637 = arith.constant 4 : i32
      %mul3A_638 = arith.muli %mul3A_637, %scan3A_402 : i32
      %add3A_639 = arith.constant 2 : i32
      %add3A_640 = arith.addi %mul3A_638, %add3A_639 : i32
      %mul3A_641 = arith.constant 16 : i32
      %mul3A_642 = arith.muli %add3A_640, %mul3A_641 : i32
      %swap3A_643 = arith.index_cast %mul3A_642 : i32 to index
      %swap3A_644 = tpu.vector_load %arg36[%swap3A_643] {strides = array<i32>} : memref<1024xi32, #tpu.memory_space<vmem>>, vector<16xi32>,
      tpu.vector_store %arg36[%swap3A_643], %while3A_596#6 {strides = array<i32>} : memref<1024xi32, #tpu.memory_space<vmem>>, vector<16xi32>,
      %mul3A_645 = arith.constant 4 : i32
      %mul3A_646 = arith.muli %mul3A_645, %scan3A_402 : i32
      %add3A_647 = arith.constant 3 : i32
      %add3A_648 = arith.addi %mul3A_646, %add3A_647 : i32
      %mul3A_649 = arith.constant 16 : i32
      %mul3A_650 = arith.muli %add3A_648, %mul3A_649 : i32
      %swap3A_651 = arith.index_cast %mul3A_650 : i32 to index
      %swap3A_652 = tpu.vector_load %arg35[%swap3A_651] {strides = array<i32>} : memref<1024xf32, #tpu.memory_space<vmem>>, vector<16xf32>,
      tpu.vector_store %arg35[%swap3A_651], %while3A_596#3 {strides = array<i32>} : memref<1024xf32, #tpu.memory_space<vmem>>, vector<16xf32>,
      %mul3A_653 = arith.constant 4 : i32
      %mul3A_654 = arith.muli %mul3A_653, %scan3A_402 : i32
      %add3A_655 = arith.constant 3 : i32
      %add3A_656 = arith.addi %mul3A_654, %add3A_655 : i32
      %mul3A_657 = arith.constant 16 : i32
      %mul3A_658 = arith.muli %add3A_656, %mul3A_657 : i32
      %swap3A_659 = arith.index_cast %mul3A_658 : i32 to index
      %swap3A_660 = tpu.vector_load %arg36[%swap3A_659] {strides = array<i32>} : memref<1024xi32, #tpu.memory_space<vmem>>, vector<16xi32>,
      tpu.vector_store %arg36[%swap3A_659], %while3A_596#7 {strides = array<i32>} : memref<1024xi32, #tpu.memory_space<vmem>>, vector<16xi32>,
      %scan3A_661 = arith.constant 0 : i32
      scf.yield %scan3A_661 : i32
    }
    %scan3A_363 = arith.constant 16 : i32
    %while3A = arith.constant 1 : i32
    %while3A_364 = arith.constant 0 : i32
    %while3A_365 = arith.subi %shift_right_arithmetic3A_321, %while3A : i32
    %while3A_366 = arith.addi %while3A, %while3A_365 : i32
    %while3A_367 = arith.constant 1 : i32
    %while3A_368 = arith.divsi %while3A_365, %while3A_367 : i32
    %while3A_369 = arith.muli %while3A_368, %while3A_367 : i32
    %while3A_370 = arith.addi %while3A, %while3A_369 : i32
    %while3A_371 = arith.constant 1 : i32
    %while3A_372 = scf.for %while3A_402 = %while3A to %while3A_370 step %while3A_371 iter_args(%while3A_403 = %while3A_364) -> (i32)  : i32 {
      %mul3A_404 = arith.constant 2048 : i32
      %mul3A_405 = arith.muli %while3A_402, %mul3A_404 : i32
      %add3A_406 = arith.addi %and3A_312, %mul3A_405 : i32
      %add3A_407 = arith.constant 2048 : i32
      %add3A_408 = arith.addi %add3A_406, %add3A_407 : i32
      %min3A_409 = arith.minsi %add3A_408, %squeeze3A_318 : i32
      %min3A_410 = arith.constant 14336 : i32
      %min3A_411 = arith.minsi %add3A_406, %min3A_410 : i32
      %multiple_of3A_412 = tpu.assume_multiple %min3A_411, 16 : i32
      %dma_start3A_413 = tpu.memref_slice %arg11[%multiple_of3A_412] : memref<16384xf32, #tpu.memory_space<hbm>> -> memref<2048xf32, #tpu.memory_space<hbm>>
      %dma_start3A_414 = tpu.memref_slice %arg11[%multiple_of3A_412] : memref<16384xf32, #tpu.memory_space<hbm>> -> memref<2048xf32, #tpu.memory_space<hbm>>
      tpu.enqueue_dma source(%dma_start3A_414 : memref<2048xf32, #tpu.memory_space<hbm>>) target(%arg28 : memref<2048xf32, #tpu.memory_space<vmem>>) target_semaphore(%arg40 : memref<!tpu.dma_semaphore, #tpu.memory_space<semaphore_mem>>)
      %dma_start3A_415 = tpu.memref_slice %arg12[%multiple_of3A_412] : memref<16384xf32, #tpu.memory_space<hbm>> -> memref<2048xf32, #tpu.memory_space<hbm>>
      %dma_start3A_416 = tpu.memref_slice %arg12[%multiple_of3A_412] : memref<16384xf32, #tpu.memory_space<hbm>> -> memref<2048xf32, #tpu.memory_space<hbm>>
      tpu.enqueue_dma source(%dma_start3A_416 : memref<2048xf32, #tpu.memory_space<hbm>>) target(%arg29 : memref<2048xf32, #tpu.memory_space<vmem>>) target_semaphore(%arg40 : memref<!tpu.dma_semaphore, #tpu.memory_space<semaphore_mem>>)
      %dma_start3A_417 = tpu.memref_slice %arg13[%multiple_of3A_412] : memref<16384xf32, #tpu.memory_space<hbm>> -> memref<2048xf32, #tpu.memory_space<hbm>>
      %dma_start3A_418 = tpu.memref_slice %arg13[%multiple_of3A_412] : memref<16384xf32, #tpu.memory_space<hbm>> -> memref<2048xf32, #tpu.memory_space<hbm>>
      tpu.enqueue_dma source(%dma_start3A_418 : memref<2048xf32, #tpu.memory_space<hbm>>) target(%arg30 : memref<2048xf32, #tpu.memory_space<vmem>>) target_semaphore(%arg40 : memref<!tpu.dma_semaphore, #tpu.memory_space<semaphore_mem>>)
      %dma_wait3A_419 = tpu.memref_slice %arg11[%multiple_of3A_412] : memref<16384xf32, #tpu.memory_space<hbm>> -> memref<2048xf32, #tpu.memory_space<hbm>>
      %dma_wait3A_420 = tpu.memref_slice %arg11[%multiple_of3A_412] : memref<16384xf32, #tpu.memory_space<hbm>> -> memref<2048xf32, #tpu.memory_space<hbm>>
      tpu.wait_dma2 semaphore(%arg40 : memref<!tpu.dma_semaphore, #tpu.memory_space<semaphore_mem>>) src(%dma_wait3A_420 : memref<2048xf32, #tpu.memory_space<hbm>>) dst(%arg28 : memref<2048xf32, #tpu.memory_space<vmem>>)
      %dma_wait3A_421 = tpu.memref_slice %arg12[%multiple_of3A_412] : memref<16384xf32, #tpu.memory_space<hbm>> -> memref<2048xf32, #tpu.memory_space<hbm>>
      %dma_wait3A_422 = tpu.memref_slice %arg12[%multiple_of3A_412] : memref<16384xf32, #tpu.memory_space<hbm>> -> memref<2048xf32, #tpu.memory_space<hbm>>
      tpu.wait_dma2 semaphore(%arg40 : memref<!tpu.dma_semaphore, #tpu.memory_space<semaphore_mem>>) src(%dma_wait3A_422 : memref<2048xf32, #tpu.memory_space<hbm>>) dst(%arg29 : memref<2048xf32, #tpu.memory_space<vmem>>)
      %dma_wait3A_423 = tpu.memref_slice %arg13[%multiple_of3A_412] : memref<16384xf32, #tpu.memory_space<hbm>> -> memref<2048xf32, #tpu.memory_space<hbm>>
      %dma_wait3A_424 = tpu.memref_slice %arg13[%multiple_of3A_412] : memref<16384xf32, #tpu.memory_space<hbm>> -> memref<2048xf32, #tpu.memory_space<hbm>>
      tpu.wait_dma2 semaphore(%arg40 : memref<!tpu.dma_semaphore, #tpu.memory_space<semaphore_mem>>) src(%dma_wait3A_424 : memref<2048xf32, #tpu.memory_space<hbm>>) dst(%arg30 : memref<2048xf32, #tpu.memory_space<vmem>>)
      %scan3A_425 = arith.constant 0 : i32
      %scan3A_426 = arith.constant 0 : i32
      %scan3A_427 = arith.constant 16 : i32
      %scan3A_428 = arith.addi %scan3A_426, %scan3A_427 : i32
      %scan3A_429 = arith.constant 1 : i32
      %scan3A_430 = scf.for %scan3A_433 = %scan3A_426 to %scan3A_428 step %scan3A_429 iter_args(%scan3A_434 = %scan3A_425) -> (i32)  : i32 {
        %mul3A_435 = arith.constant 4 : i32
        %mul3A_436 = arith.muli %mul3A_435, %scan3A_433 : i32
        %add3A_437 = arith.constant 0 : i32
        %add3A_438 = arith.addi %mul3A_436, %add3A_437 : i32
        %broadcast_in_dim3A_439 = vector.broadcast %add3A_438 : i32 to vector<16xi32>
        %mul3A_440 = arith.constant 4 : i32
        %mul3A_441 = arith.muli %mul3A_440, %scan3A_433 : i32
        %add3A_442 = arith.constant 1 : i32
        %add3A_443 = arith.addi %mul3A_441, %add3A_442 : i32
        %broadcast_in_dim3A_444 = vector.broadcast %add3A_443 : i32 to vector<16xi32>
        %mul3A_445 = arith.constant 4 : i32
        %mul3A_446 = arith.muli %mul3A_445, %scan3A_433 : i32
        %add3A_447 = arith.constant 2 : i32
        %add3A_448 = arith.addi %mul3A_446, %add3A_447 : i32
        %broadcast_in_dim3A_449 = vector.broadcast %add3A_448 : i32 to vector<16xi32>
        %mul3A_450 = arith.constant 4 : i32
        %mul3A_451 = arith.muli %mul3A_450, %scan3A_433 : i32
        %add3A_452 = arith.constant 3 : i32
        %add3A_453 = arith.addi %mul3A_451, %add3A_452 : i32
        %broadcast_in_dim3A_454 = vector.broadcast %add3A_453 : i32 to vector<16xi32>
        %gather3A_455 = tpu.vector_load_idx %arg25[%broadcast_in_dim3A_439] : memref<64xi32, #tpu.memory_space<vmem>>[vector<16xi32>], vector<16xi32>,
        %gather3A_456 = tpu.vector_load_idx %arg25[%broadcast_in_dim3A_444] : memref<64xi32, #tpu.memory_space<vmem>>[vector<16xi32>], vector<16xi32>,
        %gather3A_457 = tpu.vector_load_idx %arg25[%broadcast_in_dim3A_449] : memref<64xi32, #tpu.memory_space<vmem>>[vector<16xi32>], vector<16xi32>,
        %gather3A_458 = tpu.vector_load_idx %arg25[%broadcast_in_dim3A_454] : memref<64xi32, #tpu.memory_space<vmem>>[vector<16xi32>], vector<16xi32>,
        %gather3A_459 = tpu.vector_load_idx %arg27[%gather3A_455] : memref<48xi32, #tpu.memory_space<vmem>>[vector<16xi32>], vector<16xi32>,
        %gather3A_460 = tpu.vector_load_idx %arg27[%gather3A_456] : memref<48xi32, #tpu.memory_space<vmem>>[vector<16xi32>], vector<16xi32>,
        %gather3A_461 = tpu.vector_load_idx %arg27[%gather3A_457] : memref<48xi32, #tpu.memory_space<vmem>>[vector<16xi32>], vector<16xi32>,
        %gather3A_462 = tpu.vector_load_idx %arg27[%gather3A_458] : memref<48xi32, #tpu.memory_space<vmem>>[vector<16xi32>], vector<16xi32>,
        %add3A_463 = arith.constant 1 : i32
        %add3A_464 = vector.broadcast %add3A_463 : i32 to vector<16xi32>
        %add3A_465 = arith.addi %gather3A_455, %add3A_464 : vector<16xi32>
        %gather3A_466 = tpu.vector_load_idx %arg27[%add3A_465] : memref<48xi32, #tpu.memory_space<vmem>>[vector<16xi32>], vector<16xi32>,
        %add3A_467 = arith.constant 1 : i32
        %add3A_468 = vector.broadcast %add3A_467 : i32 to vector<16xi32>
        %add3A_469 = arith.addi %gather3A_456, %add3A_468 : vector<16xi32>
        %gather3A_470 = tpu.vector_load_idx %arg27[%add3A_469] : memref<48xi32, #tpu.memory_space<vmem>>[vector<16xi32>], vector<16xi32>,
        %add3A_471 = arith.constant 1 : i32
        %add3A_472 = vector.broadcast %add3A_471 : i32 to vector<16xi32>
        %add3A_473 = arith.addi %gather3A_457, %add3A_472 : vector<16xi32>
        %gather3A_474 = tpu.vector_load_idx %arg27[%add3A_473] : memref<48xi32, #tpu.memory_space<vmem>>[vector<16xi32>], vector<16xi32>,
        %add3A_475 = arith.constant 1 : i32
        %add3A_476 = vector.broadcast %add3A_475 : i32 to vector<16xi32>
        %add3A_477 = arith.addi %gather3A_458, %add3A_476 : vector<16xi32>
        %gather3A_478 = tpu.vector_load_idx %arg27[%add3A_477] : memref<48xi32, #tpu.memory_space<vmem>>[vector<16xi32>], vector<16xi32>,
        %gather3A_479 = tpu.vector_load_idx %arg22[%broadcast_in_dim3A_439] : memref<64xf32, #tpu.memory_space<vmem>>[vector<16xi32>], vector<16xf32>,
        %gather3A_480 = tpu.vector_load_idx %arg22[%broadcast_in_dim3A_444] : memref<64xf32, #tpu.memory_space<vmem>>[vector<16xi32>], vector<16xf32>,
        %gather3A_481 = tpu.vector_load_idx %arg22[%broadcast_in_dim3A_449] : memref<64xf32, #tpu.memory_space<vmem>>[vector<16xi32>], vector<16xf32>,
        %gather3A_482 = tpu.vector_load_idx %arg22[%broadcast_in_dim3A_454] : memref<64xf32, #tpu.memory_space<vmem>>[vector<16xi32>], vector<16xf32>,
        %gather3A_483 = tpu.vector_load_idx %arg23[%broadcast_in_dim3A_439] : memref<64xf32, #tpu.memory_space<vmem>>[vector<16xi32>], vector<16xf32>,
        %gather3A_484 = tpu.vector_load_idx %arg23[%broadcast_in_dim3A_444] : memref<64xf32, #tpu.memory_space<vmem>>[vector<16xi32>], vector<16xf32>,
        %gather3A_485 = tpu.vector_load_idx %arg23[%broadcast_in_dim3A_449] : memref<64xf32, #tpu.memory_space<vmem>>[vector<16xi32>], vector<16xf32>,
        %gather3A_486 = tpu.vector_load_idx %arg23[%broadcast_in_dim3A_454] : memref<64xf32, #tpu.memory_space<vmem>>[vector<16xi32>], vector<16xf32>,
        %gather3A_487 = tpu.vector_load_idx %arg24[%broadcast_in_dim3A_439] : memref<64xf32, #tpu.memory_space<vmem>>[vector<16xi32>], vector<16xf32>,
        %gather3A_488 = tpu.vector_load_idx %arg24[%broadcast_in_dim3A_444] : memref<64xf32, #tpu.memory_space<vmem>>[vector<16xi32>], vector<16xf32>,
        %gather3A_489 = tpu.vector_load_idx %arg24[%broadcast_in_dim3A_449] : memref<64xf32, #tpu.memory_space<vmem>>[vector<16xi32>], vector<16xf32>,
        %gather3A_490 = tpu.vector_load_idx %arg24[%broadcast_in_dim3A_454] : memref<64xf32, #tpu.memory_space<vmem>>[vector<16xi32>], vector<16xf32>,
        %slice3A_491 = vector.extract_strided_slice %gather3A_459 {offsets = [0], sizes = [1], strides = [1]} : vector<16xi32> to vector<1xi32>
        %squeeze3A_492 = vector.extract %slice3A_491[0] : i32 from vector<1xi32>
        %and3A_493 = arith.constant -16 : i32
        %and3A_494 = arith.andi %squeeze3A_492, %and3A_493 : i32
        %max3A = arith.maxsi %and3A_494, %add3A_406 : i32
        %slice3A_495 = vector.extract_strided_slice %gather3A_478 {offsets = [0], sizes = [1], strides = [1]} : vector<16xi32> to vector<1xi32>
        %squeeze3A_496 = vector.extract %slice3A_495[0] : i32 from vector<1xi32>
        %min3A_497 = arith.minsi %squeeze3A_496, %min3A_409 : i32
        %sub3A_498 = arith.subi %min3A_497, %max3A : i32
        %add3A_499 = arith.constant 15 : i32
        %add3A_500 = arith.addi %sub3A_498, %add3A_499 : i32
        %max3A_501 = arith.constant 0 : i32
        %max3A_502 = arith.maxsi %add3A_500, %max3A_501 : i32
        %shift_right_arithmetic3A_503 = arith.constant 4 : i32
        %shift_right_arithmetic3A_504 = arith.shrsi %max3A_502, %shift_right_arithmetic3A_503 : i32
        %slice3A_505 = vector.extract_strided_slice %gather3A_462 {offsets = [0], sizes = [1], strides = [1]} : vector<16xi32> to vector<1xi32>
        %squeeze3A_506 = vector.extract %slice3A_505[0] : i32 from vector<1xi32>
        %add3A_507 = arith.constant 16 : i32
        %add3A_508 = arith.addi %squeeze3A_506, %add3A_507 : i32
        %sub3A_509 = arith.constant 1 : i32
        %sub3A_510 = arith.subi %add3A_508, %sub3A_509 : i32
        %and3A_511 = arith.constant -16 : i32
        %and3A_512 = arith.andi %sub3A_510, %and3A_511 : i32
        %max3A_513 = arith.maxsi %max3A, %and3A_512 : i32
        %slice3A_514 = vector.extract_strided_slice %gather3A_466 {offsets = [0], sizes = [1], strides = [1]} : vector<16xi32> to vector<1xi32>
        %squeeze3A_515 = vector.extract %slice3A_514[0] : i32 from vector<1xi32>
        %sub3A_516 = arith.constant 16 : i32
        %sub3A_517 = arith.subi %squeeze3A_515, %sub3A_516 : i32
        %and3A_518 = arith.constant -16 : i32
        %and3A_519 = arith.andi %sub3A_517, %and3A_518 : i32
        %add3A_520 = arith.constant 16 : i32
        %add3A_521 = arith.addi %and3A_519, %add3A_520 : i32
        %max3A_522 = arith.maxsi %max3A_513, %add3A_521 : i32
        %sub3A_523 = arith.subi %max3A_513, %max3A : i32
        %shift_right_arithmetic3A_524 = arith.constant 4 : i32
        %shift_right_arithmetic3A_525 = arith.shrsi %sub3A_523, %shift_right_arithmetic3A_524 : i32
        %max3A_526 = arith.constant 0 : i32
        %max3A_527 = arith.maxsi %shift_right_arithmetic3A_525, %max3A_526 : i32
        %min3A_528 = arith.minsi %max3A_527, %shift_right_arithmetic3A_504 : i32
        %sub3A_529 = arith.subi %max3A_522, %max3A : i32
        %shift_right_arithmetic3A_530 = arith.constant 4 : i32
        %shift_right_arithmetic3A_531 = arith.shrsi %sub3A_529, %shift_right_arithmetic3A_530 : i32
        %max3A_532 = arith.maxsi %shift_right_arithmetic3A_531, %min3A_528 : i32
        %min3A_533 = arith.minsi %max3A_532, %shift_right_arithmetic3A_504 : i32
        %mul3A_534 = arith.constant 4 : i32
        %mul3A_535 = arith.muli %mul3A_534, %scan3A_433 : i32
        %add3A_536 = arith.constant 0 : i32
        %add3A_537 = arith.addi %mul3A_535, %add3A_536 : i32
        %mul3A_538 = arith.constant 16 : i32
        %mul3A_539 = arith.muli %add3A_537, %mul3A_538 : i32
        %get3A = arith.index_cast %mul3A_539 : i32 to index
        %get3A_540 = tpu.vector_load %arg35[%get3A] {strides = array<i32>} : memref<1024xf32, #tpu.memory_space<vmem>>, vector<16xf32>,
        %mul3A_541 = arith.constant 4 : i32
        %mul3A_542 = arith.muli %mul3A_541, %scan3A_433 : i32
        %add3A_543 = arith.constant 1 : i32
        %add3A_544 = arith.addi %mul3A_542, %add3A_543 : i32
        %mul3A_545 = arith.constant 16 : i32
        %mul3A_546 = arith.muli %add3A_544, %mul3A_545 : i32
        %get3A_547 = arith.index_cast %mul3A_546 : i32 to index
        %get3A_548 = tpu.vector_load %arg35[%get3A_547] {strides = array<i32>} : memref<1024xf32, #tpu.memory_space<vmem>>, vector<16xf32>,
        %mul3A_549 = arith.constant 4 : i32
        %mul3A_550 = arith.muli %mul3A_549, %scan3A_433 : i32
        %add3A_551 = arith.constant 2 : i32
        %add3A_552 = arith.addi %mul3A_550, %add3A_551 : i32
        %mul3A_553 = arith.constant 16 : i32
        %mul3A_554 = arith.muli %add3A_552, %mul3A_553 : i32
        %get3A_555 = arith.index_cast %mul3A_554 : i32 to index
        %get3A_556 = tpu.vector_load %arg35[%get3A_555] {strides = array<i32>} : memref<1024xf32, #tpu.memory_space<vmem>>, vector<16xf32>,
        %mul3A_557 = arith.constant 4 : i32
        %mul3A_558 = arith.muli %mul3A_557, %scan3A_433 : i32
        %add3A_559 = arith.constant 3 : i32
        %add3A_560 = arith.addi %mul3A_558, %add3A_559 : i32
        %mul3A_561 = arith.constant 16 : i32
        %mul3A_562 = arith.muli %add3A_560, %mul3A_561 : i32
        %get3A_563 = arith.index_cast %mul3A_562 : i32 to index
        %get3A_564 = tpu.vector_load %arg35[%get3A_563] {strides = array<i32>} : memref<1024xf32, #tpu.memory_space<vmem>>, vector<16xf32>,
        %mul3A_565 = arith.constant 4 : i32
        %mul3A_566 = arith.muli %mul3A_565, %scan3A_433 : i32
        %add3A_567 = arith.constant 0 : i32
        %add3A_568 = arith.addi %mul3A_566, %add3A_567 : i32
        %mul3A_569 = arith.constant 16 : i32
        %mul3A_570 = arith.muli %add3A_568, %mul3A_569 : i32
        %get3A_571 = arith.index_cast %mul3A_570 : i32 to index
        %get3A_572 = tpu.vector_load %arg36[%get3A_571] {strides = array<i32>} : memref<1024xi32, #tpu.memory_space<vmem>>, vector<16xi32>,
        %mul3A_573 = arith.constant 4 : i32
        %mul3A_574 = arith.muli %mul3A_573, %scan3A_433 : i32
        %add3A_575 = arith.constant 1 : i32
        %add3A_576 = arith.addi %mul3A_574, %add3A_575 : i32
        %mul3A_577 = arith.constant 16 : i32
        %mul3A_578 = arith.muli %add3A_576, %mul3A_577 : i32
        %get3A_579 = arith.index_cast %mul3A_578 : i32 to index
        %get3A_580 = tpu.vector_load %arg36[%get3A_579] {strides = array<i32>} : memref<1024xi32, #tpu.memory_space<vmem>>, vector<16xi32>,
        %mul3A_581 = arith.constant 4 : i32
        %mul3A_582 = arith.muli %mul3A_581, %scan3A_433 : i32
        %add3A_583 = arith.constant 2 : i32
        %add3A_584 = arith.addi %mul3A_582, %add3A_583 : i32
        %mul3A_585 = arith.constant 16 : i32
        %mul3A_586 = arith.muli %add3A_584, %mul3A_585 : i32
        %get3A_587 = arith.index_cast %mul3A_586 : i32 to index
        %get3A_588 = tpu.vector_load %arg36[%get3A_587] {strides = array<i32>} : memref<1024xi32, #tpu.memory_space<vmem>>, vector<16xi32>,
        %mul3A_589 = arith.constant 4 : i32
        %mul3A_590 = arith.muli %mul3A_589, %scan3A_433 : i32
        %add3A_591 = arith.constant 3 : i32
        %add3A_592 = arith.addi %mul3A_590, %add3A_591 : i32
        %mul3A_593 = arith.constant 16 : i32
        %mul3A_594 = arith.muli %add3A_592, %mul3A_593 : i32
        %get3A_595 = arith.index_cast %mul3A_594 : i32 to index
        %get3A_596 = tpu.vector_load %arg36[%get3A_595] {strides = array<i32>} : memref<1024xi32, #tpu.memory_space<vmem>>, vector<16xi32>,
        %while3A_597 = arith.constant 0 : i32
        %while3A_598 = arith.subi %min3A_528, %while3A_597 : i32
        %while3A_599 = arith.addi %while3A_597, %while3A_598 : i32
        %while3A_600 = arith.constant 1 : i32
        %while3A_601 = arith.divsi %while3A_598, %while3A_600 : i32
        %while3A_602 = arith.muli %while3A_601, %while3A_600 : i32
        %while3A_603 = arith.addi %while3A_597, %while3A_602 : i32
        %while3A_604 = arith.constant 1 : i32
        %while3A_605:8 = scf.for %while3A_693 = %while3A_597 to %while3A_603 step %while3A_604 iter_args(%while3A_694 = %get3A_540, %while3A_695 = %get3A_548, %while3A_696 = %get3A_556, %while3A_697 = %get3A_564, %while3A_698 = %get3A_572, %while3A_699 = %get3A_580, %while3A_700 = %get3A_588, %while3A_701 = %get3A_596) -> (vector<16xf32>, vector<16xf32>, vector<16xf32>, vector<16xf32>, vector<16xi32>, vector<16xi32>, vector<16xi32>, vector<16xi32>)  : i32 {
          %mul3A_702 = arith.constant 16 : i32
          %mul3A_703 = arith.muli %while3A_693, %mul3A_702 : i32
          %add3A_704 = arith.addi %max3A, %mul3A_703 : i32
          %add3A_705 = vector.broadcast %add3A_704 : i32 to vector<16xi32>
          %add3A_706 = arith.addi %iota3A, %add3A_705 : vector<16xi32>
          %sub3A_707 = arith.subi %add3A_704, %multiple_of3A_412 : i32
          %get3A_708 = arith.index_cast %sub3A_707 : i32 to index
          %get3A_709 = tpu.vector_load %arg28[%get3A_708] {strides = array<i32>} : memref<2048xf32, #tpu.memory_space<vmem>>, vector<16xf32>,
          %get3A_710 = arith.index_cast %sub3A_707 : i32 to index
          %get3A_711 = tpu.vector_load %arg29[%get3A_710] {strides = array<i32>} : memref<2048xf32, #tpu.memory_space<vmem>>, vector<16xf32>,
          %get3A_712 = arith.index_cast %sub3A_707 : i32 to index
          %get3A_713 = tpu.vector_load %arg30[%get3A_712] {strides = array<i32>} : memref<2048xf32, #tpu.memory_space<vmem>>, vector<16xf32>,
          %sub3A_714 = arith.subf %get3A_709, %gather3A_479 : vector<16xf32>
          %sub3A_715 = arith.subf %get3A_711, %gather3A_483 : vector<16xf32>
          %sub3A_716 = arith.subf %get3A_713, %gather3A_487 : vector<16xf32>
          %mul3A_717 = arith.mulf %sub3A_714, %sub3A_714 : vector<16xf32>
          %mul3A_718 = arith.mulf %sub3A_715, %sub3A_715 : vector<16xf32>
          %add3A_719 = arith.addf %mul3A_717, %mul3A_718 : vector<16xf32>
          %mul3A_720 = arith.mulf %sub3A_716, %sub3A_716 : vector<16xf32>
          %add3A_721 = arith.addf %add3A_719, %mul3A_720 : vector<16xf32>
          %ge3A = arith.cmpi sge, %add3A_706, %gather3A_459 : vector<16xi32>
          %lt3A_722 = arith.cmpi slt, %add3A_706, %gather3A_466 : vector<16xi32>
          %and3A_723 = arith.andi %ge3A, %lt3A_722 : vector<16xi1>
          %jit3A = arith.constant 0x7F800000 : f32
          %broadcast_in_dim3A_724 = vector.broadcast %jit3A : f32 to vector<16xf32>
          %select_n3A_725 = arith.select %and3A_723, %add3A_721, %broadcast_in_dim3A_724 : vector<16xi1>, vector<16xf32>
          %masked_sort3A = arith.constant dense<true> : vector<16xi1>
          %masked_sort3A_726, %masked_sort3A_727, %masked_sort3A_728 = tpu.sort %select_n3A_725, %add3A_706 masked %masked_sort3A {descending = true} : (vector<16xf32>, vector<16xi32>, vector<16xi1>) -> (vector<16xi1>, vector<16xf32>, vector<16xi32>)
          %lt3A_729 = arith.cmpf olt, %masked_sort3A_727, %while3A_694 : vector<16xf32>
          %select_n3A_730 = arith.select %lt3A_729, %masked_sort3A_727, %while3A_694 : vector<16xi1>, vector<16xf32>
          %select_n3A_731 = arith.select %lt3A_729, %masked_sort3A_728, %while3A_698 : vector<16xi1>, vector<16xi32>
          %masked_sort3A_732 = arith.constant dense<true> : vector<16xi1>
          %masked_sort3A_733, %masked_sort3A_734, %masked_sort3A_735 = tpu.sort %select_n3A_730, %select_n3A_731 masked %masked_sort3A_732 : (vector<16xf32>, vector<16xi32>, vector<16xi1>) -> (vector<16xi1>, vector<16xf32>, vector<16xi32>)
          %sub3A_736 = arith.subf %get3A_709, %gather3A_480 : vector<16xf32>
          %sub3A_737 = arith.subf %get3A_711, %gather3A_484 : vector<16xf32>
          %sub3A_738 = arith.subf %get3A_713, %gather3A_488 : vector<16xf32>
          %mul3A_739 = arith.mulf %sub3A_736, %sub3A_736 : vector<16xf32>
          %mul3A_740 = arith.mulf %sub3A_737, %sub3A_737 : vector<16xf32>
          %add3A_741 = arith.addf %mul3A_739, %mul3A_740 : vector<16xf32>
          %mul3A_742 = arith.mulf %sub3A_738, %sub3A_738 : vector<16xf32>
          %add3A_743 = arith.addf %add3A_741, %mul3A_742 : vector<16xf32>
          %ge3A_744 = arith.cmpi sge, %add3A_706, %gather3A_460 : vector<16xi32>
          %lt3A_745 = arith.cmpi slt, %add3A_706, %gather3A_470 : vector<16xi32>
          %and3A_746 = arith.andi %ge3A_744, %lt3A_745 : vector<16xi1>
          %jit3A_747 = arith.constant 0x7F800000 : f32
          %broadcast_in_dim3A_748 = vector.broadcast %jit3A_747 : f32 to vector<16xf32>
          %select_n3A_749 = arith.select %and3A_746, %add3A_743, %broadcast_in_dim3A_748 : vector<16xi1>, vector<16xf32>
          %masked_sort3A_750 = arith.constant dense<true> : vector<16xi1>
          %masked_sort3A_751, %masked_sort3A_752, %masked_sort3A_753 = tpu.sort %select_n3A_749, %add3A_706 masked %masked_sort3A_750 {descending = true} : (vector<16xf32>, vector<16xi32>, vector<16xi1>) -> (vector<16xi1>, vector<16xf32>, vector<16xi32>)
          %lt3A_754 = arith.cmpf olt, %masked_sort3A_752, %while3A_695 : vector<16xf32>
          %select_n3A_755 = arith.select %lt3A_754, %masked_sort3A_752, %while3A_695 : vector<16xi1>, vector<16xf32>
          %select_n3A_756 = arith.select %lt3A_754, %masked_sort3A_753, %while3A_699 : vector<16xi1>, vector<16xi32>
          %masked_sort3A_757 = arith.constant dense<true> : vector<16xi1>
          %masked_sort3A_758, %masked_sort3A_759, %masked_sort3A_760 = tpu.sort %select_n3A_755, %select_n3A_756 masked %masked_sort3A_757 : (vector<16xf32>, vector<16xi32>, vector<16xi1>) -> (vector<16xi1>, vector<16xf32>, vector<16xi32>)
          %sub3A_761 = arith.subf %get3A_709, %gather3A_481 : vector<16xf32>
          %sub3A_762 = arith.subf %get3A_711, %gather3A_485 : vector<16xf32>
          %sub3A_763 = arith.subf %get3A_713, %gather3A_489 : vector<16xf32>
          %mul3A_764 = arith.mulf %sub3A_761, %sub3A_761 : vector<16xf32>
          %mul3A_765 = arith.mulf %sub3A_762, %sub3A_762 : vector<16xf32>
          %add3A_766 = arith.addf %mul3A_764, %mul3A_765 : vector<16xf32>
          %mul3A_767 = arith.mulf %sub3A_763, %sub3A_763 : vector<16xf32>
          %add3A_768 = arith.addf %add3A_766, %mul3A_767 : vector<16xf32>
          %ge3A_769 = arith.cmpi sge, %add3A_706, %gather3A_461 : vector<16xi32>
          %lt3A_770 = arith.cmpi slt, %add3A_706, %gather3A_474 : vector<16xi32>
          %and3A_771 = arith.andi %ge3A_769, %lt3A_770 : vector<16xi1>
          %jit3A_772 = arith.constant 0x7F800000 : f32
          %broadcast_in_dim3A_773 = vector.broadcast %jit3A_772 : f32 to vector<16xf32>
          %select_n3A_774 = arith.select %and3A_771, %add3A_768, %broadcast_in_dim3A_773 : vector<16xi1>, vector<16xf32>
          %masked_sort3A_775 = arith.constant dense<true> : vector<16xi1>
          %masked_sort3A_776, %masked_sort3A_777, %masked_sort3A_778 = tpu.sort %select_n3A_774, %add3A_706 masked %masked_sort3A_775 {descending = true} : (vector<16xf32>, vector<16xi32>, vector<16xi1>) -> (vector<16xi1>, vector<16xf32>, vector<16xi32>)
          %lt3A_779 = arith.cmpf olt, %masked_sort3A_777, %while3A_696 : vector<16xf32>
          %select_n3A_780 = arith.select %lt3A_779, %masked_sort3A_777, %while3A_696 : vector<16xi1>, vector<16xf32>
          %select_n3A_781 = arith.select %lt3A_779, %masked_sort3A_778, %while3A_700 : vector<16xi1>, vector<16xi32>
          %masked_sort3A_782 = arith.constant dense<true> : vector<16xi1>
          %masked_sort3A_783, %masked_sort3A_784, %masked_sort3A_785 = tpu.sort %select_n3A_780, %select_n3A_781 masked %masked_sort3A_782 : (vector<16xf32>, vector<16xi32>, vector<16xi1>) -> (vector<16xi1>, vector<16xf32>, vector<16xi32>)
          %sub3A_786 = arith.subf %get3A_709, %gather3A_482 : vector<16xf32>
          %sub3A_787 = arith.subf %get3A_711, %gather3A_486 : vector<16xf32>
          %sub3A_788 = arith.subf %get3A_713, %gather3A_490 : vector<16xf32>
          %mul3A_789 = arith.mulf %sub3A_786, %sub3A_786 : vector<16xf32>
          %mul3A_790 = arith.mulf %sub3A_787, %sub3A_787 : vector<16xf32>
          %add3A_791 = arith.addf %mul3A_789, %mul3A_790 : vector<16xf32>
          %mul3A_792 = arith.mulf %sub3A_788, %sub3A_788 : vector<16xf32>
          %add3A_793 = arith.addf %add3A_791, %mul3A_792 : vector<16xf32>
          %ge3A_794 = arith.cmpi sge, %add3A_706, %gather3A_462 : vector<16xi32>
          %lt3A_795 = arith.cmpi slt, %add3A_706, %gather3A_478 : vector<16xi32>
          %and3A_796 = arith.andi %ge3A_794, %lt3A_795 : vector<16xi1>
          %jit3A_797 = arith.constant 0x7F800000 : f32
          %broadcast_in_dim3A_798 = vector.broadcast %jit3A_797 : f32 to vector<16xf32>
          %select_n3A_799 = arith.select %and3A_796, %add3A_793, %broadcast_in_dim3A_798 : vector<16xi1>, vector<16xf32>
          %masked_sort3A_800 = arith.constant dense<true> : vector<16xi1>
          %masked_sort3A_801, %masked_sort3A_802, %masked_sort3A_803 = tpu.sort %select_n3A_799, %add3A_706 masked %masked_sort3A_800 {descending = true} : (vector<16xf32>, vector<16xi32>, vector<16xi1>) -> (vector<16xi1>, vector<16xf32>, vector<16xi32>)
          %lt3A_804 = arith.cmpf olt, %masked_sort3A_802, %while3A_697 : vector<16xf32>
          %select_n3A_805 = arith.select %lt3A_804, %masked_sort3A_802, %while3A_697 : vector<16xi1>, vector<16xf32>
          %select_n3A_806 = arith.select %lt3A_804, %masked_sort3A_803, %while3A_701 : vector<16xi1>, vector<16xi32>
          %masked_sort3A_807 = arith.constant dense<true> : vector<16xi1>
          %masked_sort3A_808, %masked_sort3A_809, %masked_sort3A_810 = tpu.sort %select_n3A_805, %select_n3A_806 masked %masked_sort3A_807 : (vector<16xf32>, vector<16xi32>, vector<16xi1>) -> (vector<16xi1>, vector<16xf32>, vector<16xi32>)
          scf.yield %masked_sort3A_734, %masked_sort3A_759, %masked_sort3A_784, %masked_sort3A_809, %masked_sort3A_735, %masked_sort3A_760, %masked_sort3A_785, %masked_sort3A_810 : vector<16xf32>, vector<16xf32>, vector<16xf32>, vector<16xf32>, vector<16xi32>, vector<16xi32>, vector<16xi32>, vector<16xi32>
        }
        %while3A_606 = arith.constant 1 : i32
        %while3A_607:8 = scf.for %while3A_693 = %while3A_603 to %while3A_599 step %while3A_606 iter_args(%while3A_694 = %while3A_605#0, %while3A_695 = %while3A_605#1, %while3A_696 = %while3A_605#2, %while3A_697 = %while3A_605#3, %while3A_698 = %while3A_605#4, %while3A_699 = %while3A_605#5, %while3A_700 = %while3A_605#6, %while3A_701 = %while3A_605#7) -> (vector<16xf32>, vector<16xf32>, vector<16xf32>, vector<16xf32>, vector<16xi32>, vector<16xi32>, vector<16xi32>, vector<16xi32>)  : i32 {
          %mul3A_702 = arith.constant 16 : i32
          %mul3A_703 = arith.muli %while3A_693, %mul3A_702 : i32
          %add3A_704 = arith.addi %max3A, %mul3A_703 : i32
          %add3A_705 = vector.broadcast %add3A_704 : i32 to vector<16xi32>
          %add3A_706 = arith.addi %iota3A, %add3A_705 : vector<16xi32>
          %sub3A_707 = arith.subi %add3A_704, %multiple_of3A_412 : i32
          %get3A_708 = arith.index_cast %sub3A_707 : i32 to index
          %get3A_709 = tpu.vector_load %arg28[%get3A_708] {strides = array<i32>} : memref<2048xf32, #tpu.memory_space<vmem>>, vector<16xf32>,
          %get3A_710 = arith.index_cast %sub3A_707 : i32 to index
          %get3A_711 = tpu.vector_load %arg29[%get3A_710] {strides = array<i32>} : memref<2048xf32, #tpu.memory_space<vmem>>, vector<16xf32>,
          %get3A_712 = arith.index_cast %sub3A_707 : i32 to index
          %get3A_713 = tpu.vector_load %arg30[%get3A_712] {strides = array<i32>} : memref<2048xf32, #tpu.memory_space<vmem>>, vector<16xf32>,
          %sub3A_714 = arith.subf %get3A_709, %gather3A_479 : vector<16xf32>
          %sub3A_715 = arith.subf %get3A_711, %gather3A_483 : vector<16xf32>
          %sub3A_716 = arith.subf %get3A_713, %gather3A_487 : vector<16xf32>
          %mul3A_717 = arith.mulf %sub3A_714, %sub3A_714 : vector<16xf32>
          %mul3A_718 = arith.mulf %sub3A_715, %sub3A_715 : vector<16xf32>
          %add3A_719 = arith.addf %mul3A_717, %mul3A_718 : vector<16xf32>
          %mul3A_720 = arith.mulf %sub3A_716, %sub3A_716 : vector<16xf32>
          %add3A_721 = arith.addf %add3A_719, %mul3A_720 : vector<16xf32>
          %ge3A = arith.cmpi sge, %add3A_706, %gather3A_459 : vector<16xi32>
          %lt3A_722 = arith.cmpi slt, %add3A_706, %gather3A_466 : vector<16xi32>
          %and3A_723 = arith.andi %ge3A, %lt3A_722 : vector<16xi1>
          %jit3A = arith.constant 0x7F800000 : f32
          %broadcast_in_dim3A_724 = vector.broadcast %jit3A : f32 to vector<16xf32>
          %select_n3A_725 = arith.select %and3A_723, %add3A_721, %broadcast_in_dim3A_724 : vector<16xi1>, vector<16xf32>
          %masked_sort3A = arith.constant dense<true> : vector<16xi1>
          %masked_sort3A_726, %masked_sort3A_727, %masked_sort3A_728 = tpu.sort %select_n3A_725, %add3A_706 masked %masked_sort3A {descending = true} : (vector<16xf32>, vector<16xi32>, vector<16xi1>) -> (vector<16xi1>, vector<16xf32>, vector<16xi32>)
          %lt3A_729 = arith.cmpf olt, %masked_sort3A_727, %while3A_694 : vector<16xf32>
          %select_n3A_730 = arith.select %lt3A_729, %masked_sort3A_727, %while3A_694 : vector<16xi1>, vector<16xf32>
          %select_n3A_731 = arith.select %lt3A_729, %masked_sort3A_728, %while3A_698 : vector<16xi1>, vector<16xi32>
          %masked_sort3A_732 = arith.constant dense<true> : vector<16xi1>
          %masked_sort3A_733, %masked_sort3A_734, %masked_sort3A_735 = tpu.sort %select_n3A_730, %select_n3A_731 masked %masked_sort3A_732 : (vector<16xf32>, vector<16xi32>, vector<16xi1>) -> (vector<16xi1>, vector<16xf32>, vector<16xi32>)
          %sub3A_736 = arith.subf %get3A_709, %gather3A_480 : vector<16xf32>
          %sub3A_737 = arith.subf %get3A_711, %gather3A_484 : vector<16xf32>
          %sub3A_738 = arith.subf %get3A_713, %gather3A_488 : vector<16xf32>
          %mul3A_739 = arith.mulf %sub3A_736, %sub3A_736 : vector<16xf32>
          %mul3A_740 = arith.mulf %sub3A_737, %sub3A_737 : vector<16xf32>
          %add3A_741 = arith.addf %mul3A_739, %mul3A_740 : vector<16xf32>
          %mul3A_742 = arith.mulf %sub3A_738, %sub3A_738 : vector<16xf32>
          %add3A_743 = arith.addf %add3A_741, %mul3A_742 : vector<16xf32>
          %ge3A_744 = arith.cmpi sge, %add3A_706, %gather3A_460 : vector<16xi32>
          %lt3A_745 = arith.cmpi slt, %add3A_706, %gather3A_470 : vector<16xi32>
          %and3A_746 = arith.andi %ge3A_744, %lt3A_745 : vector<16xi1>
          %jit3A_747 = arith.constant 0x7F800000 : f32
          %broadcast_in_dim3A_748 = vector.broadcast %jit3A_747 : f32 to vector<16xf32>
          %select_n3A_749 = arith.select %and3A_746, %add3A_743, %broadcast_in_dim3A_748 : vector<16xi1>, vector<16xf32>
          %masked_sort3A_750 = arith.constant dense<true> : vector<16xi1>
          %masked_sort3A_751, %masked_sort3A_752, %masked_sort3A_753 = tpu.sort %select_n3A_749, %add3A_706 masked %masked_sort3A_750 {descending = true} : (vector<16xf32>, vector<16xi32>, vector<16xi1>) -> (vector<16xi1>, vector<16xf32>, vector<16xi32>)
          %lt3A_754 = arith.cmpf olt, %masked_sort3A_752, %while3A_695 : vector<16xf32>
          %select_n3A_755 = arith.select %lt3A_754, %masked_sort3A_752, %while3A_695 : vector<16xi1>, vector<16xf32>
          %select_n3A_756 = arith.select %lt3A_754, %masked_sort3A_753, %while3A_699 : vector<16xi1>, vector<16xi32>
          %masked_sort3A_757 = arith.constant dense<true> : vector<16xi1>
          %masked_sort3A_758, %masked_sort3A_759, %masked_sort3A_760 = tpu.sort %select_n3A_755, %select_n3A_756 masked %masked_sort3A_757 : (vector<16xf32>, vector<16xi32>, vector<16xi1>) -> (vector<16xi1>, vector<16xf32>, vector<16xi32>)
          %sub3A_761 = arith.subf %get3A_709, %gather3A_481 : vector<16xf32>
          %sub3A_762 = arith.subf %get3A_711, %gather3A_485 : vector<16xf32>
          %sub3A_763 = arith.subf %get3A_713, %gather3A_489 : vector<16xf32>
          %mul3A_764 = arith.mulf %sub3A_761, %sub3A_761 : vector<16xf32>
          %mul3A_765 = arith.mulf %sub3A_762, %sub3A_762 : vector<16xf32>
          %add3A_766 = arith.addf %mul3A_764, %mul3A_765 : vector<16xf32>
          %mul3A_767 = arith.mulf %sub3A_763, %sub3A_763 : vector<16xf32>
          %add3A_768 = arith.addf %add3A_766, %mul3A_767 : vector<16xf32>
          %ge3A_769 = arith.cmpi sge, %add3A_706, %gather3A_461 : vector<16xi32>
          %lt3A_770 = arith.cmpi slt, %add3A_706, %gather3A_474 : vector<16xi32>
          %and3A_771 = arith.andi %ge3A_769, %lt3A_770 : vector<16xi1>
          %jit3A_772 = arith.constant 0x7F800000 : f32
          %broadcast_in_dim3A_773 = vector.broadcast %jit3A_772 : f32 to vector<16xf32>
          %select_n3A_774 = arith.select %and3A_771, %add3A_768, %broadcast_in_dim3A_773 : vector<16xi1>, vector<16xf32>
          %masked_sort3A_775 = arith.constant dense<true> : vector<16xi1>
          %masked_sort3A_776, %masked_sort3A_777, %masked_sort3A_778 = tpu.sort %select_n3A_774, %add3A_706 masked %masked_sort3A_775 {descending = true} : (vector<16xf32>, vector<16xi32>, vector<16xi1>) -> (vector<16xi1>, vector<16xf32>, vector<16xi32>)
          %lt3A_779 = arith.cmpf olt, %masked_sort3A_777, %while3A_696 : vector<16xf32>
          %select_n3A_780 = arith.select %lt3A_779, %masked_sort3A_777, %while3A_696 : vector<16xi1>, vector<16xf32>
          %select_n3A_781 = arith.select %lt3A_779, %masked_sort3A_778, %while3A_700 : vector<16xi1>, vector<16xi32>
          %masked_sort3A_782 = arith.constant dense<true> : vector<16xi1>
          %masked_sort3A_783, %masked_sort3A_784, %masked_sort3A_785 = tpu.sort %select_n3A_780, %select_n3A_781 masked %masked_sort3A_782 : (vector<16xf32>, vector<16xi32>, vector<16xi1>) -> (vector<16xi1>, vector<16xf32>, vector<16xi32>)
          %sub3A_786 = arith.subf %get3A_709, %gather3A_482 : vector<16xf32>
          %sub3A_787 = arith.subf %get3A_711, %gather3A_486 : vector<16xf32>
          %sub3A_788 = arith.subf %get3A_713, %gather3A_490 : vector<16xf32>
          %mul3A_789 = arith.mulf %sub3A_786, %sub3A_786 : vector<16xf32>
          %mul3A_790 = arith.mulf %sub3A_787, %sub3A_787 : vector<16xf32>
          %add3A_791 = arith.addf %mul3A_789, %mul3A_790 : vector<16xf32>
          %mul3A_792 = arith.mulf %sub3A_788, %sub3A_788 : vector<16xf32>
          %add3A_793 = arith.addf %add3A_791, %mul3A_792 : vector<16xf32>
          %ge3A_794 = arith.cmpi sge, %add3A_706, %gather3A_462 : vector<16xi32>
          %lt3A_795 = arith.cmpi slt, %add3A_706, %gather3A_478 : vector<16xi32>
          %and3A_796 = arith.andi %ge3A_794, %lt3A_795 : vector<16xi1>
          %jit3A_797 = arith.constant 0x7F800000 : f32
          %broadcast_in_dim3A_798 = vector.broadcast %jit3A_797 : f32 to vector<16xf32>
          %select_n3A_799 = arith.select %and3A_796, %add3A_793, %broadcast_in_dim3A_798 : vector<16xi1>, vector<16xf32>
          %masked_sort3A_800 = arith.constant dense<true> : vector<16xi1>
          %masked_sort3A_801, %masked_sort3A_802, %masked_sort3A_803 = tpu.sort %select_n3A_799, %add3A_706 masked %masked_sort3A_800 {descending = true} : (vector<16xf32>, vector<16xi32>, vector<16xi1>) -> (vector<16xi1>, vector<16xf32>, vector<16xi32>)
          %lt3A_804 = arith.cmpf olt, %masked_sort3A_802, %while3A_697 : vector<16xf32>
          %select_n3A_805 = arith.select %lt3A_804, %masked_sort3A_802, %while3A_697 : vector<16xi1>, vector<16xf32>
          %select_n3A_806 = arith.select %lt3A_804, %masked_sort3A_803, %while3A_701 : vector<16xi1>, vector<16xi32>
          %masked_sort3A_807 = arith.constant dense<true> : vector<16xi1>
          %masked_sort3A_808, %masked_sort3A_809, %masked_sort3A_810 = tpu.sort %select_n3A_805, %select_n3A_806 masked %masked_sort3A_807 : (vector<16xf32>, vector<16xi32>, vector<16xi1>) -> (vector<16xi1>, vector<16xf32>, vector<16xi32>)
          scf.yield %masked_sort3A_734, %masked_sort3A_759, %masked_sort3A_784, %masked_sort3A_809, %masked_sort3A_735, %masked_sort3A_760, %masked_sort3A_785, %masked_sort3A_810 : vector<16xf32>, vector<16xf32>, vector<16xf32>, vector<16xf32>, vector<16xi32>, vector<16xi32>, vector<16xi32>, vector<16xi32>
        }
        %while3A_608 = arith.subi %min3A_533, %min3A_528 : i32
        %while3A_609 = arith.addi %min3A_528, %while3A_608 : i32
        %while3A_610 = arith.constant 1 : i32
        %while3A_611 = arith.divsi %while3A_608, %while3A_610 : i32
        %while3A_612 = arith.muli %while3A_611, %while3A_610 : i32
        %while3A_613 = arith.addi %min3A_528, %while3A_612 : i32
        %while3A_614 = arith.constant 1 : i32
        %while3A_615:8 = scf.for %while3A_693 = %min3A_528 to %while3A_613 step %while3A_614 iter_args(%while3A_694 = %while3A_607#0, %while3A_695 = %while3A_607#1, %while3A_696 = %while3A_607#2, %while3A_697 = %while3A_607#3, %while3A_698 = %while3A_607#4, %while3A_699 = %while3A_607#5, %while3A_700 = %while3A_607#6, %while3A_701 = %while3A_607#7) -> (vector<16xf32>, vector<16xf32>, vector<16xf32>, vector<16xf32>, vector<16xi32>, vector<16xi32>, vector<16xi32>, vector<16xi32>)  : i32 {
          %mul3A_702 = arith.constant 16 : i32
          %mul3A_703 = arith.muli %while3A_693, %mul3A_702 : i32
          %add3A_704 = arith.addi %max3A, %mul3A_703 : i32
          %add3A_705 = vector.broadcast %add3A_704 : i32 to vector<16xi32>
          %add3A_706 = arith.addi %iota3A, %add3A_705 : vector<16xi32>
          %sub3A_707 = arith.subi %add3A_704, %multiple_of3A_412 : i32
          %get3A_708 = arith.index_cast %sub3A_707 : i32 to index
          %get3A_709 = tpu.vector_load %arg28[%get3A_708] {strides = array<i32>} : memref<2048xf32, #tpu.memory_space<vmem>>, vector<16xf32>,
          %get3A_710 = arith.index_cast %sub3A_707 : i32 to index
          %get3A_711 = tpu.vector_load %arg29[%get3A_710] {strides = array<i32>} : memref<2048xf32, #tpu.memory_space<vmem>>, vector<16xf32>,
          %get3A_712 = arith.index_cast %sub3A_707 : i32 to index
          %get3A_713 = tpu.vector_load %arg30[%get3A_712] {strides = array<i32>} : memref<2048xf32, #tpu.memory_space<vmem>>, vector<16xf32>,
          %sub3A_714 = arith.subf %get3A_709, %gather3A_479 : vector<16xf32>
          %sub3A_715 = arith.subf %get3A_711, %gather3A_483 : vector<16xf32>
          %sub3A_716 = arith.subf %get3A_713, %gather3A_487 : vector<16xf32>
          %mul3A_717 = arith.mulf %sub3A_714, %sub3A_714 : vector<16xf32>
          %mul3A_718 = arith.mulf %sub3A_715, %sub3A_715 : vector<16xf32>
          %add3A_719 = arith.addf %mul3A_717, %mul3A_718 : vector<16xf32>
          %mul3A_720 = arith.mulf %sub3A_716, %sub3A_716 : vector<16xf32>
          %add3A_721 = arith.addf %add3A_719, %mul3A_720 : vector<16xf32>
          %masked_sort3A = arith.constant dense<true> : vector<16xi1>
          %masked_sort3A_722, %masked_sort3A_723, %masked_sort3A_724 = tpu.sort %add3A_721, %add3A_706 masked %masked_sort3A {descending = true} : (vector<16xf32>, vector<16xi32>, vector<16xi1>) -> (vector<16xi1>, vector<16xf32>, vector<16xi32>)
          %lt3A_725 = arith.cmpf olt, %masked_sort3A_723, %while3A_694 : vector<16xf32>
          %select_n3A_726 = arith.select %lt3A_725, %masked_sort3A_723, %while3A_694 : vector<16xi1>, vector<16xf32>
          %select_n3A_727 = arith.select %lt3A_725, %masked_sort3A_724, %while3A_698 : vector<16xi1>, vector<16xi32>
          %masked_sort3A_728 = arith.constant dense<true> : vector<16xi1>
          %masked_sort3A_729, %masked_sort3A_730, %masked_sort3A_731 = tpu.sort %select_n3A_726, %select_n3A_727 masked %masked_sort3A_728 : (vector<16xf32>, vector<16xi32>, vector<16xi1>) -> (vector<16xi1>, vector<16xf32>, vector<16xi32>)
          %sub3A_732 = arith.subf %get3A_709, %gather3A_480 : vector<16xf32>
          %sub3A_733 = arith.subf %get3A_711, %gather3A_484 : vector<16xf32>
          %sub3A_734 = arith.subf %get3A_713, %gather3A_488 : vector<16xf32>
          %mul3A_735 = arith.mulf %sub3A_732, %sub3A_732 : vector<16xf32>
          %mul3A_736 = arith.mulf %sub3A_733, %sub3A_733 : vector<16xf32>
          %add3A_737 = arith.addf %mul3A_735, %mul3A_736 : vector<16xf32>
          %mul3A_738 = arith.mulf %sub3A_734, %sub3A_734 : vector<16xf32>
          %add3A_739 = arith.addf %add3A_737, %mul3A_738 : vector<16xf32>
          %masked_sort3A_740 = arith.constant dense<true> : vector<16xi1>
          %masked_sort3A_741, %masked_sort3A_742, %masked_sort3A_743 = tpu.sort %add3A_739, %add3A_706 masked %masked_sort3A_740 {descending = true} : (vector<16xf32>, vector<16xi32>, vector<16xi1>) -> (vector<16xi1>, vector<16xf32>, vector<16xi32>)
          %lt3A_744 = arith.cmpf olt, %masked_sort3A_742, %while3A_695 : vector<16xf32>
          %select_n3A_745 = arith.select %lt3A_744, %masked_sort3A_742, %while3A_695 : vector<16xi1>, vector<16xf32>
          %select_n3A_746 = arith.select %lt3A_744, %masked_sort3A_743, %while3A_699 : vector<16xi1>, vector<16xi32>
          %masked_sort3A_747 = arith.constant dense<true> : vector<16xi1>
          %masked_sort3A_748, %masked_sort3A_749, %masked_sort3A_750 = tpu.sort %select_n3A_745, %select_n3A_746 masked %masked_sort3A_747 : (vector<16xf32>, vector<16xi32>, vector<16xi1>) -> (vector<16xi1>, vector<16xf32>, vector<16xi32>)
          %sub3A_751 = arith.subf %get3A_709, %gather3A_481 : vector<16xf32>
          %sub3A_752 = arith.subf %get3A_711, %gather3A_485 : vector<16xf32>
          %sub3A_753 = arith.subf %get3A_713, %gather3A_489 : vector<16xf32>
          %mul3A_754 = arith.mulf %sub3A_751, %sub3A_751 : vector<16xf32>
          %mul3A_755 = arith.mulf %sub3A_752, %sub3A_752 : vector<16xf32>
          %add3A_756 = arith.addf %mul3A_754, %mul3A_755 : vector<16xf32>
          %mul3A_757 = arith.mulf %sub3A_753, %sub3A_753 : vector<16xf32>
          %add3A_758 = arith.addf %add3A_756, %mul3A_757 : vector<16xf32>
          %masked_sort3A_759 = arith.constant dense<true> : vector<16xi1>
          %masked_sort3A_760, %masked_sort3A_761, %masked_sort3A_762 = tpu.sort %add3A_758, %add3A_706 masked %masked_sort3A_759 {descending = true} : (vector<16xf32>, vector<16xi32>, vector<16xi1>) -> (vector<16xi1>, vector<16xf32>, vector<16xi32>)
          %lt3A_763 = arith.cmpf olt, %masked_sort3A_761, %while3A_696 : vector<16xf32>
          %select_n3A_764 = arith.select %lt3A_763, %masked_sort3A_761, %while3A_696 : vector<16xi1>, vector<16xf32>
          %select_n3A_765 = arith.select %lt3A_763, %masked_sort3A_762, %while3A_700 : vector<16xi1>, vector<16xi32>
          %masked_sort3A_766 = arith.constant dense<true> : vector<16xi1>
          %masked_sort3A_767, %masked_sort3A_768, %masked_sort3A_769 = tpu.sort %select_n3A_764, %select_n3A_765 masked %masked_sort3A_766 : (vector<16xf32>, vector<16xi32>, vector<16xi1>) -> (vector<16xi1>, vector<16xf32>, vector<16xi32>)
          %sub3A_770 = arith.subf %get3A_709, %gather3A_482 : vector<16xf32>
          %sub3A_771 = arith.subf %get3A_711, %gather3A_486 : vector<16xf32>
          %sub3A_772 = arith.subf %get3A_713, %gather3A_490 : vector<16xf32>
          %mul3A_773 = arith.mulf %sub3A_770, %sub3A_770 : vector<16xf32>
          %mul3A_774 = arith.mulf %sub3A_771, %sub3A_771 : vector<16xf32>
          %add3A_775 = arith.addf %mul3A_773, %mul3A_774 : vector<16xf32>
          %mul3A_776 = arith.mulf %sub3A_772, %sub3A_772 : vector<16xf32>
          %add3A_777 = arith.addf %add3A_775, %mul3A_776 : vector<16xf32>
          %masked_sort3A_778 = arith.constant dense<true> : vector<16xi1>
          %masked_sort3A_779, %masked_sort3A_780, %masked_sort3A_781 = tpu.sort %add3A_777, %add3A_706 masked %masked_sort3A_778 {descending = true} : (vector<16xf32>, vector<16xi32>, vector<16xi1>) -> (vector<16xi1>, vector<16xf32>, vector<16xi32>)
          %lt3A_782 = arith.cmpf olt, %masked_sort3A_780, %while3A_697 : vector<16xf32>
          %select_n3A_783 = arith.select %lt3A_782, %masked_sort3A_780, %while3A_697 : vector<16xi1>, vector<16xf32>
          %select_n3A_784 = arith.select %lt3A_782, %masked_sort3A_781, %while3A_701 : vector<16xi1>, vector<16xi32>
          %masked_sort3A_785 = arith.constant dense<true> : vector<16xi1>
          %masked_sort3A_786, %masked_sort3A_787, %masked_sort3A_788 = tpu.sort %select_n3A_783, %select_n3A_784 masked %masked_sort3A_785 : (vector<16xf32>, vector<16xi32>, vector<16xi1>) -> (vector<16xi1>, vector<16xf32>, vector<16xi32>)
          scf.yield %masked_sort3A_730, %masked_sort3A_749, %masked_sort3A_768, %masked_sort3A_787, %masked_sort3A_731, %masked_sort3A_750, %masked_sort3A_769, %masked_sort3A_788 : vector<16xf32>, vector<16xf32>, vector<16xf32>, vector<16xf32>, vector<16xi32>, vector<16xi32>, vector<16xi32>, vector<16xi32>
        }
        %while3A_616 = arith.constant 1 : i32
        %while3A_617:8 = scf.for %while3A_693 = %while3A_613 to %while3A_609 step %while3A_616 iter_args(%while3A_694 = %while3A_615#0, %while3A_695 = %while3A_615#1, %while3A_696 = %while3A_615#2, %while3A_697 = %while3A_615#3, %while3A_698 = %while3A_615#4, %while3A_699 = %while3A_615#5, %while3A_700 = %while3A_615#6, %while3A_701 = %while3A_615#7) -> (vector<16xf32>, vector<16xf32>, vector<16xf32>, vector<16xf32>, vector<16xi32>, vector<16xi32>, vector<16xi32>, vector<16xi32>)  : i32 {
          %mul3A_702 = arith.constant 16 : i32
          %mul3A_703 = arith.muli %while3A_693, %mul3A_702 : i32
          %add3A_704 = arith.addi %max3A, %mul3A_703 : i32
          %add3A_705 = vector.broadcast %add3A_704 : i32 to vector<16xi32>
          %add3A_706 = arith.addi %iota3A, %add3A_705 : vector<16xi32>
          %sub3A_707 = arith.subi %add3A_704, %multiple_of3A_412 : i32
          %get3A_708 = arith.index_cast %sub3A_707 : i32 to index
          %get3A_709 = tpu.vector_load %arg28[%get3A_708] {strides = array<i32>} : memref<2048xf32, #tpu.memory_space<vmem>>, vector<16xf32>,
          %get3A_710 = arith.index_cast %sub3A_707 : i32 to index
          %get3A_711 = tpu.vector_load %arg29[%get3A_710] {strides = array<i32>} : memref<2048xf32, #tpu.memory_space<vmem>>, vector<16xf32>,
          %get3A_712 = arith.index_cast %sub3A_707 : i32 to index
          %get3A_713 = tpu.vector_load %arg30[%get3A_712] {strides = array<i32>} : memref<2048xf32, #tpu.memory_space<vmem>>, vector<16xf32>,
          %sub3A_714 = arith.subf %get3A_709, %gather3A_479 : vector<16xf32>
          %sub3A_715 = arith.subf %get3A_711, %gather3A_483 : vector<16xf32>
          %sub3A_716 = arith.subf %get3A_713, %gather3A_487 : vector<16xf32>
          %mul3A_717 = arith.mulf %sub3A_714, %sub3A_714 : vector<16xf32>
          %mul3A_718 = arith.mulf %sub3A_715, %sub3A_715 : vector<16xf32>
          %add3A_719 = arith.addf %mul3A_717, %mul3A_718 : vector<16xf32>
          %mul3A_720 = arith.mulf %sub3A_716, %sub3A_716 : vector<16xf32>
          %add3A_721 = arith.addf %add3A_719, %mul3A_720 : vector<16xf32>
          %masked_sort3A = arith.constant dense<true> : vector<16xi1>
          %masked_sort3A_722, %masked_sort3A_723, %masked_sort3A_724 = tpu.sort %add3A_721, %add3A_706 masked %masked_sort3A {descending = true} : (vector<16xf32>, vector<16xi32>, vector<16xi1>) -> (vector<16xi1>, vector<16xf32>, vector<16xi32>)
          %lt3A_725 = arith.cmpf olt, %masked_sort3A_723, %while3A_694 : vector<16xf32>
          %select_n3A_726 = arith.select %lt3A_725, %masked_sort3A_723, %while3A_694 : vector<16xi1>, vector<16xf32>
          %select_n3A_727 = arith.select %lt3A_725, %masked_sort3A_724, %while3A_698 : vector<16xi1>, vector<16xi32>
          %masked_sort3A_728 = arith.constant dense<true> : vector<16xi1>
          %masked_sort3A_729, %masked_sort3A_730, %masked_sort3A_731 = tpu.sort %select_n3A_726, %select_n3A_727 masked %masked_sort3A_728 : (vector<16xf32>, vector<16xi32>, vector<16xi1>) -> (vector<16xi1>, vector<16xf32>, vector<16xi32>)
          %sub3A_732 = arith.subf %get3A_709, %gather3A_480 : vector<16xf32>
          %sub3A_733 = arith.subf %get3A_711, %gather3A_484 : vector<16xf32>
          %sub3A_734 = arith.subf %get3A_713, %gather3A_488 : vector<16xf32>
          %mul3A_735 = arith.mulf %sub3A_732, %sub3A_732 : vector<16xf32>
          %mul3A_736 = arith.mulf %sub3A_733, %sub3A_733 : vector<16xf32>
          %add3A_737 = arith.addf %mul3A_735, %mul3A_736 : vector<16xf32>
          %mul3A_738 = arith.mulf %sub3A_734, %sub3A_734 : vector<16xf32>
          %add3A_739 = arith.addf %add3A_737, %mul3A_738 : vector<16xf32>
          %masked_sort3A_740 = arith.constant dense<true> : vector<16xi1>
          %masked_sort3A_741, %masked_sort3A_742, %masked_sort3A_743 = tpu.sort %add3A_739, %add3A_706 masked %masked_sort3A_740 {descending = true} : (vector<16xf32>, vector<16xi32>, vector<16xi1>) -> (vector<16xi1>, vector<16xf32>, vector<16xi32>)
          %lt3A_744 = arith.cmpf olt, %masked_sort3A_742, %while3A_695 : vector<16xf32>
          %select_n3A_745 = arith.select %lt3A_744, %masked_sort3A_742, %while3A_695 : vector<16xi1>, vector<16xf32>
          %select_n3A_746 = arith.select %lt3A_744, %masked_sort3A_743, %while3A_699 : vector<16xi1>, vector<16xi32>
          %masked_sort3A_747 = arith.constant dense<true> : vector<16xi1>
          %masked_sort3A_748, %masked_sort3A_749, %masked_sort3A_750 = tpu.sort %select_n3A_745, %select_n3A_746 masked %masked_sort3A_747 : (vector<16xf32>, vector<16xi32>, vector<16xi1>) -> (vector<16xi1>, vector<16xf32>, vector<16xi32>)
          %sub3A_751 = arith.subf %get3A_709, %gather3A_481 : vector<16xf32>
          %sub3A_752 = arith.subf %get3A_711, %gather3A_485 : vector<16xf32>
          %sub3A_753 = arith.subf %get3A_713, %gather3A_489 : vector<16xf32>
          %mul3A_754 = arith.mulf %sub3A_751, %sub3A_751 : vector<16xf32>
          %mul3A_755 = arith.mulf %sub3A_752, %sub3A_752 : vector<16xf32>
          %add3A_756 = arith.addf %mul3A_754, %mul3A_755 : vector<16xf32>
          %mul3A_757 = arith.mulf %sub3A_753, %sub3A_753 : vector<16xf32>
          %add3A_758 = arith.addf %add3A_756, %mul3A_757 : vector<16xf32>
          %masked_sort3A_759 = arith.constant dense<true> : vector<16xi1>
          %masked_sort3A_760, %masked_sort3A_761, %masked_sort3A_762 = tpu.sort %add3A_758, %add3A_706 masked %masked_sort3A_759 {descending = true} : (vector<16xf32>, vector<16xi32>, vector<16xi1>) -> (vector<16xi1>, vector<16xf32>, vector<16xi32>)
          %lt3A_763 = arith.cmpf olt, %masked_sort3A_761, %while3A_696 : vector<16xf32>
          %select_n3A_764 = arith.select %lt3A_763, %masked_sort3A_761, %while3A_696 : vector<16xi1>, vector<16xf32>
          %select_n3A_765 = arith.select %lt3A_763, %masked_sort3A_762, %while3A_700 : vector<16xi1>, vector<16xi32>
          %masked_sort3A_766 = arith.constant dense<true> : vector<16xi1>
          %masked_sort3A_767, %masked_sort3A_768, %masked_sort3A_769 = tpu.sort %select_n3A_764, %select_n3A_765 masked %masked_sort3A_766 : (vector<16xf32>, vector<16xi32>, vector<16xi1>) -> (vector<16xi1>, vector<16xf32>, vector<16xi32>)
          %sub3A_770 = arith.subf %get3A_709, %gather3A_482 : vector<16xf32>
          %sub3A_771 = arith.subf %get3A_711, %gather3A_486 : vector<16xf32>
          %sub3A_772 = arith.subf %get3A_713, %gather3A_490 : vector<16xf32>
          %mul3A_773 = arith.mulf %sub3A_770, %sub3A_770 : vector<16xf32>
          %mul3A_774 = arith.mulf %sub3A_771, %sub3A_771 : vector<16xf32>
          %add3A_775 = arith.addf %mul3A_773, %mul3A_774 : vector<16xf32>
          %mul3A_776 = arith.mulf %sub3A_772, %sub3A_772 : vector<16xf32>
          %add3A_777 = arith.addf %add3A_775, %mul3A_776 : vector<16xf32>
          %masked_sort3A_778 = arith.constant dense<true> : vector<16xi1>
          %masked_sort3A_779, %masked_sort3A_780, %masked_sort3A_781 = tpu.sort %add3A_777, %add3A_706 masked %masked_sort3A_778 {descending = true} : (vector<16xf32>, vector<16xi32>, vector<16xi1>) -> (vector<16xi1>, vector<16xf32>, vector<16xi32>)
          %lt3A_782 = arith.cmpf olt, %masked_sort3A_780, %while3A_697 : vector<16xf32>
          %select_n3A_783 = arith.select %lt3A_782, %masked_sort3A_780, %while3A_697 : vector<16xi1>, vector<16xf32>
          %select_n3A_784 = arith.select %lt3A_782, %masked_sort3A_781, %while3A_701 : vector<16xi1>, vector<16xi32>
          %masked_sort3A_785 = arith.constant dense<true> : vector<16xi1>
          %masked_sort3A_786, %masked_sort3A_787, %masked_sort3A_788 = tpu.sort %select_n3A_783, %select_n3A_784 masked %masked_sort3A_785 : (vector<16xf32>, vector<16xi32>, vector<16xi1>) -> (vector<16xi1>, vector<16xf32>, vector<16xi32>)
          scf.yield %masked_sort3A_730, %masked_sort3A_749, %masked_sort3A_768, %masked_sort3A_787, %masked_sort3A_731, %masked_sort3A_750, %masked_sort3A_769, %masked_sort3A_788 : vector<16xf32>, vector<16xf32>, vector<16xf32>, vector<16xf32>, vector<16xi32>, vector<16xi32>, vector<16xi32>, vector<16xi32>
        }
        %while3A_618 = arith.subi %shift_right_arithmetic3A_504, %min3A_533 : i32
        %while3A_619 = arith.addi %min3A_533, %while3A_618 : i32
        %while3A_620 = arith.constant 1 : i32
        %while3A_621 = arith.divsi %while3A_618, %while3A_620 : i32
        %while3A_622 = arith.muli %while3A_621, %while3A_620 : i32
        %while3A_623 = arith.addi %min3A_533, %while3A_622 : i32
        %while3A_624 = arith.constant 1 : i32
        %while3A_625:8 = scf.for %while3A_693 = %min3A_533 to %while3A_623 step %while3A_624 iter_args(%while3A_694 = %while3A_617#0, %while3A_695 = %while3A_617#1, %while3A_696 = %while3A_617#2, %while3A_697 = %while3A_617#3, %while3A_698 = %while3A_617#4, %while3A_699 = %while3A_617#5, %while3A_700 = %while3A_617#6, %while3A_701 = %while3A_617#7) -> (vector<16xf32>, vector<16xf32>, vector<16xf32>, vector<16xf32>, vector<16xi32>, vector<16xi32>, vector<16xi32>, vector<16xi32>)  : i32 {
          %mul3A_702 = arith.constant 16 : i32
          %mul3A_703 = arith.muli %while3A_693, %mul3A_702 : i32
          %add3A_704 = arith.addi %max3A, %mul3A_703 : i32
          %add3A_705 = vector.broadcast %add3A_704 : i32 to vector<16xi32>
          %add3A_706 = arith.addi %iota3A, %add3A_705 : vector<16xi32>
          %sub3A_707 = arith.subi %add3A_704, %multiple_of3A_412 : i32
          %get3A_708 = arith.index_cast %sub3A_707 : i32 to index
          %get3A_709 = tpu.vector_load %arg28[%get3A_708] {strides = array<i32>} : memref<2048xf32, #tpu.memory_space<vmem>>, vector<16xf32>,
          %get3A_710 = arith.index_cast %sub3A_707 : i32 to index
          %get3A_711 = tpu.vector_load %arg29[%get3A_710] {strides = array<i32>} : memref<2048xf32, #tpu.memory_space<vmem>>, vector<16xf32>,
          %get3A_712 = arith.index_cast %sub3A_707 : i32 to index
          %get3A_713 = tpu.vector_load %arg30[%get3A_712] {strides = array<i32>} : memref<2048xf32, #tpu.memory_space<vmem>>, vector<16xf32>,
          %sub3A_714 = arith.subf %get3A_709, %gather3A_479 : vector<16xf32>
          %sub3A_715 = arith.subf %get3A_711, %gather3A_483 : vector<16xf32>
          %sub3A_716 = arith.subf %get3A_713, %gather3A_487 : vector<16xf32>
          %mul3A_717 = arith.mulf %sub3A_714, %sub3A_714 : vector<16xf32>
          %mul3A_718 = arith.mulf %sub3A_715, %sub3A_715 : vector<16xf32>
          %add3A_719 = arith.addf %mul3A_717, %mul3A_718 : vector<16xf32>
          %mul3A_720 = arith.mulf %sub3A_716, %sub3A_716 : vector<16xf32>
          %add3A_721 = arith.addf %add3A_719, %mul3A_720 : vector<16xf32>
          %ge3A = arith.cmpi sge, %add3A_706, %gather3A_459 : vector<16xi32>
          %lt3A_722 = arith.cmpi slt, %add3A_706, %gather3A_466 : vector<16xi32>
          %and3A_723 = arith.andi %ge3A, %lt3A_722 : vector<16xi1>
          %jit3A = arith.constant 0x7F800000 : f32
          %broadcast_in_dim3A_724 = vector.broadcast %jit3A : f32 to vector<16xf32>
          %select_n3A_725 = arith.select %and3A_723, %add3A_721, %broadcast_in_dim3A_724 : vector<16xi1>, vector<16xf32>
          %masked_sort3A = arith.constant dense<true> : vector<16xi1>
          %masked_sort3A_726, %masked_sort3A_727, %masked_sort3A_728 = tpu.sort %select_n3A_725, %add3A_706 masked %masked_sort3A {descending = true} : (vector<16xf32>, vector<16xi32>, vector<16xi1>) -> (vector<16xi1>, vector<16xf32>, vector<16xi32>)
          %lt3A_729 = arith.cmpf olt, %masked_sort3A_727, %while3A_694 : vector<16xf32>
          %select_n3A_730 = arith.select %lt3A_729, %masked_sort3A_727, %while3A_694 : vector<16xi1>, vector<16xf32>
          %select_n3A_731 = arith.select %lt3A_729, %masked_sort3A_728, %while3A_698 : vector<16xi1>, vector<16xi32>
          %masked_sort3A_732 = arith.constant dense<true> : vector<16xi1>
          %masked_sort3A_733, %masked_sort3A_734, %masked_sort3A_735 = tpu.sort %select_n3A_730, %select_n3A_731 masked %masked_sort3A_732 : (vector<16xf32>, vector<16xi32>, vector<16xi1>) -> (vector<16xi1>, vector<16xf32>, vector<16xi32>)
          %sub3A_736 = arith.subf %get3A_709, %gather3A_480 : vector<16xf32>
          %sub3A_737 = arith.subf %get3A_711, %gather3A_484 : vector<16xf32>
          %sub3A_738 = arith.subf %get3A_713, %gather3A_488 : vector<16xf32>
          %mul3A_739 = arith.mulf %sub3A_736, %sub3A_736 : vector<16xf32>
          %mul3A_740 = arith.mulf %sub3A_737, %sub3A_737 : vector<16xf32>
          %add3A_741 = arith.addf %mul3A_739, %mul3A_740 : vector<16xf32>
          %mul3A_742 = arith.mulf %sub3A_738, %sub3A_738 : vector<16xf32>
          %add3A_743 = arith.addf %add3A_741, %mul3A_742 : vector<16xf32>
          %ge3A_744 = arith.cmpi sge, %add3A_706, %gather3A_460 : vector<16xi32>
          %lt3A_745 = arith.cmpi slt, %add3A_706, %gather3A_470 : vector<16xi32>
          %and3A_746 = arith.andi %ge3A_744, %lt3A_745 : vector<16xi1>
          %jit3A_747 = arith.constant 0x7F800000 : f32
          %broadcast_in_dim3A_748 = vector.broadcast %jit3A_747 : f32 to vector<16xf32>
          %select_n3A_749 = arith.select %and3A_746, %add3A_743, %broadcast_in_dim3A_748 : vector<16xi1>, vector<16xf32>
          %masked_sort3A_750 = arith.constant dense<true> : vector<16xi1>
          %masked_sort3A_751, %masked_sort3A_752, %masked_sort3A_753 = tpu.sort %select_n3A_749, %add3A_706 masked %masked_sort3A_750 {descending = true} : (vector<16xf32>, vector<16xi32>, vector<16xi1>) -> (vector<16xi1>, vector<16xf32>, vector<16xi32>)
          %lt3A_754 = arith.cmpf olt, %masked_sort3A_752, %while3A_695 : vector<16xf32>
          %select_n3A_755 = arith.select %lt3A_754, %masked_sort3A_752, %while3A_695 : vector<16xi1>, vector<16xf32>
          %select_n3A_756 = arith.select %lt3A_754, %masked_sort3A_753, %while3A_699 : vector<16xi1>, vector<16xi32>
          %masked_sort3A_757 = arith.constant dense<true> : vector<16xi1>
          %masked_sort3A_758, %masked_sort3A_759, %masked_sort3A_760 = tpu.sort %select_n3A_755, %select_n3A_756 masked %masked_sort3A_757 : (vector<16xf32>, vector<16xi32>, vector<16xi1>) -> (vector<16xi1>, vector<16xf32>, vector<16xi32>)
          %sub3A_761 = arith.subf %get3A_709, %gather3A_481 : vector<16xf32>
          %sub3A_762 = arith.subf %get3A_711, %gather3A_485 : vector<16xf32>
          %sub3A_763 = arith.subf %get3A_713, %gather3A_489 : vector<16xf32>
          %mul3A_764 = arith.mulf %sub3A_761, %sub3A_761 : vector<16xf32>
          %mul3A_765 = arith.mulf %sub3A_762, %sub3A_762 : vector<16xf32>
          %add3A_766 = arith.addf %mul3A_764, %mul3A_765 : vector<16xf32>
          %mul3A_767 = arith.mulf %sub3A_763, %sub3A_763 : vector<16xf32>
          %add3A_768 = arith.addf %add3A_766, %mul3A_767 : vector<16xf32>
          %ge3A_769 = arith.cmpi sge, %add3A_706, %gather3A_461 : vector<16xi32>
          %lt3A_770 = arith.cmpi slt, %add3A_706, %gather3A_474 : vector<16xi32>
          %and3A_771 = arith.andi %ge3A_769, %lt3A_770 : vector<16xi1>
          %jit3A_772 = arith.constant 0x7F800000 : f32
          %broadcast_in_dim3A_773 = vector.broadcast %jit3A_772 : f32 to vector<16xf32>
          %select_n3A_774 = arith.select %and3A_771, %add3A_768, %broadcast_in_dim3A_773 : vector<16xi1>, vector<16xf32>
          %masked_sort3A_775 = arith.constant dense<true> : vector<16xi1>
          %masked_sort3A_776, %masked_sort3A_777, %masked_sort3A_778 = tpu.sort %select_n3A_774, %add3A_706 masked %masked_sort3A_775 {descending = true} : (vector<16xf32>, vector<16xi32>, vector<16xi1>) -> (vector<16xi1>, vector<16xf32>, vector<16xi32>)
          %lt3A_779 = arith.cmpf olt, %masked_sort3A_777, %while3A_696 : vector<16xf32>
          %select_n3A_780 = arith.select %lt3A_779, %masked_sort3A_777, %while3A_696 : vector<16xi1>, vector<16xf32>
          %select_n3A_781 = arith.select %lt3A_779, %masked_sort3A_778, %while3A_700 : vector<16xi1>, vector<16xi32>
          %masked_sort3A_782 = arith.constant dense<true> : vector<16xi1>
          %masked_sort3A_783, %masked_sort3A_784, %masked_sort3A_785 = tpu.sort %select_n3A_780, %select_n3A_781 masked %masked_sort3A_782 : (vector<16xf32>, vector<16xi32>, vector<16xi1>) -> (vector<16xi1>, vector<16xf32>, vector<16xi32>)
          %sub3A_786 = arith.subf %get3A_709, %gather3A_482 : vector<16xf32>
          %sub3A_787 = arith.subf %get3A_711, %gather3A_486 : vector<16xf32>
          %sub3A_788 = arith.subf %get3A_713, %gather3A_490 : vector<16xf32>
          %mul3A_789 = arith.mulf %sub3A_786, %sub3A_786 : vector<16xf32>
          %mul3A_790 = arith.mulf %sub3A_787, %sub3A_787 : vector<16xf32>
          %add3A_791 = arith.addf %mul3A_789, %mul3A_790 : vector<16xf32>
          %mul3A_792 = arith.mulf %sub3A_788, %sub3A_788 : vector<16xf32>
          %add3A_793 = arith.addf %add3A_791, %mul3A_792 : vector<16xf32>
          %ge3A_794 = arith.cmpi sge, %add3A_706, %gather3A_462 : vector<16xi32>
          %lt3A_795 = arith.cmpi slt, %add3A_706, %gather3A_478 : vector<16xi32>
          %and3A_796 = arith.andi %ge3A_794, %lt3A_795 : vector<16xi1>
          %jit3A_797 = arith.constant 0x7F800000 : f32
          %broadcast_in_dim3A_798 = vector.broadcast %jit3A_797 : f32 to vector<16xf32>
          %select_n3A_799 = arith.select %and3A_796, %add3A_793, %broadcast_in_dim3A_798 : vector<16xi1>, vector<16xf32>
          %masked_sort3A_800 = arith.constant dense<true> : vector<16xi1>
          %masked_sort3A_801, %masked_sort3A_802, %masked_sort3A_803 = tpu.sort %select_n3A_799, %add3A_706 masked %masked_sort3A_800 {descending = true} : (vector<16xf32>, vector<16xi32>, vector<16xi1>) -> (vector<16xi1>, vector<16xf32>, vector<16xi32>)
          %lt3A_804 = arith.cmpf olt, %masked_sort3A_802, %while3A_697 : vector<16xf32>
          %select_n3A_805 = arith.select %lt3A_804, %masked_sort3A_802, %while3A_697 : vector<16xi1>, vector<16xf32>
          %select_n3A_806 = arith.select %lt3A_804, %masked_sort3A_803, %while3A_701 : vector<16xi1>, vector<16xi32>
          %masked_sort3A_807 = arith.constant dense<true> : vector<16xi1>
          %masked_sort3A_808, %masked_sort3A_809, %masked_sort3A_810 = tpu.sort %select_n3A_805, %select_n3A_806 masked %masked_sort3A_807 : (vector<16xf32>, vector<16xi32>, vector<16xi1>) -> (vector<16xi1>, vector<16xf32>, vector<16xi32>)
          scf.yield %masked_sort3A_734, %masked_sort3A_759, %masked_sort3A_784, %masked_sort3A_809, %masked_sort3A_735, %masked_sort3A_760, %masked_sort3A_785, %masked_sort3A_810 : vector<16xf32>, vector<16xf32>, vector<16xf32>, vector<16xf32>, vector<16xi32>, vector<16xi32>, vector<16xi32>, vector<16xi32>
        }
        %while3A_626 = arith.constant 1 : i32
        %while3A_627:8 = scf.for %while3A_693 = %while3A_623 to %while3A_619 step %while3A_626 iter_args(%while3A_694 = %while3A_625#0, %while3A_695 = %while3A_625#1, %while3A_696 = %while3A_625#2, %while3A_697 = %while3A_625#3, %while3A_698 = %while3A_625#4, %while3A_699 = %while3A_625#5, %while3A_700 = %while3A_625#6, %while3A_701 = %while3A_625#7) -> (vector<16xf32>, vector<16xf32>, vector<16xf32>, vector<16xf32>, vector<16xi32>, vector<16xi32>, vector<16xi32>, vector<16xi32>)  : i32 {
          %mul3A_702 = arith.constant 16 : i32
          %mul3A_703 = arith.muli %while3A_693, %mul3A_702 : i32
          %add3A_704 = arith.addi %max3A, %mul3A_703 : i32
          %add3A_705 = vector.broadcast %add3A_704 : i32 to vector<16xi32>
          %add3A_706 = arith.addi %iota3A, %add3A_705 : vector<16xi32>
          %sub3A_707 = arith.subi %add3A_704, %multiple_of3A_412 : i32
          %get3A_708 = arith.index_cast %sub3A_707 : i32 to index
          %get3A_709 = tpu.vector_load %arg28[%get3A_708] {strides = array<i32>} : memref<2048xf32, #tpu.memory_space<vmem>>, vector<16xf32>,
          %get3A_710 = arith.index_cast %sub3A_707 : i32 to index
          %get3A_711 = tpu.vector_load %arg29[%get3A_710] {strides = array<i32>} : memref<2048xf32, #tpu.memory_space<vmem>>, vector<16xf32>,
          %get3A_712 = arith.index_cast %sub3A_707 : i32 to index
          %get3A_713 = tpu.vector_load %arg30[%get3A_712] {strides = array<i32>} : memref<2048xf32, #tpu.memory_space<vmem>>, vector<16xf32>,
          %sub3A_714 = arith.subf %get3A_709, %gather3A_479 : vector<16xf32>
          %sub3A_715 = arith.subf %get3A_711, %gather3A_483 : vector<16xf32>
          %sub3A_716 = arith.subf %get3A_713, %gather3A_487 : vector<16xf32>
          %mul3A_717 = arith.mulf %sub3A_714, %sub3A_714 : vector<16xf32>
          %mul3A_718 = arith.mulf %sub3A_715, %sub3A_715 : vector<16xf32>
          %add3A_719 = arith.addf %mul3A_717, %mul3A_718 : vector<16xf32>
          %mul3A_720 = arith.mulf %sub3A_716, %sub3A_716 : vector<16xf32>
          %add3A_721 = arith.addf %add3A_719, %mul3A_720 : vector<16xf32>
          %ge3A = arith.cmpi sge, %add3A_706, %gather3A_459 : vector<16xi32>
          %lt3A_722 = arith.cmpi slt, %add3A_706, %gather3A_466 : vector<16xi32>
          %and3A_723 = arith.andi %ge3A, %lt3A_722 : vector<16xi1>
          %jit3A = arith.constant 0x7F800000 : f32
          %broadcast_in_dim3A_724 = vector.broadcast %jit3A : f32 to vector<16xf32>
          %select_n3A_725 = arith.select %and3A_723, %add3A_721, %broadcast_in_dim3A_724 : vector<16xi1>, vector<16xf32>
          %masked_sort3A = arith.constant dense<true> : vector<16xi1>
          %masked_sort3A_726, %masked_sort3A_727, %masked_sort3A_728 = tpu.sort %select_n3A_725, %add3A_706 masked %masked_sort3A {descending = true} : (vector<16xf32>, vector<16xi32>, vector<16xi1>) -> (vector<16xi1>, vector<16xf32>, vector<16xi32>)
          %lt3A_729 = arith.cmpf olt, %masked_sort3A_727, %while3A_694 : vector<16xf32>
          %select_n3A_730 = arith.select %lt3A_729, %masked_sort3A_727, %while3A_694 : vector<16xi1>, vector<16xf32>
          %select_n3A_731 = arith.select %lt3A_729, %masked_sort3A_728, %while3A_698 : vector<16xi1>, vector<16xi32>
          %masked_sort3A_732 = arith.constant dense<true> : vector<16xi1>
          %masked_sort3A_733, %masked_sort3A_734, %masked_sort3A_735 = tpu.sort %select_n3A_730, %select_n3A_731 masked %masked_sort3A_732 : (vector<16xf32>, vector<16xi32>, vector<16xi1>) -> (vector<16xi1>, vector<16xf32>, vector<16xi32>)
          %sub3A_736 = arith.subf %get3A_709, %gather3A_480 : vector<16xf32>
          %sub3A_737 = arith.subf %get3A_711, %gather3A_484 : vector<16xf32>
          %sub3A_738 = arith.subf %get3A_713, %gather3A_488 : vector<16xf32>
          %mul3A_739 = arith.mulf %sub3A_736, %sub3A_736 : vector<16xf32>
          %mul3A_740 = arith.mulf %sub3A_737, %sub3A_737 : vector<16xf32>
          %add3A_741 = arith.addf %mul3A_739, %mul3A_740 : vector<16xf32>
          %mul3A_742 = arith.mulf %sub3A_738, %sub3A_738 : vector<16xf32>
          %add3A_743 = arith.addf %add3A_741, %mul3A_742 : vector<16xf32>
          %ge3A_744 = arith.cmpi sge, %add3A_706, %gather3A_460 : vector<16xi32>
          %lt3A_745 = arith.cmpi slt, %add3A_706, %gather3A_470 : vector<16xi32>
          %and3A_746 = arith.andi %ge3A_744, %lt3A_745 : vector<16xi1>
          %jit3A_747 = arith.constant 0x7F800000 : f32
          %broadcast_in_dim3A_748 = vector.broadcast %jit3A_747 : f32 to vector<16xf32>
          %select_n3A_749 = arith.select %and3A_746, %add3A_743, %broadcast_in_dim3A_748 : vector<16xi1>, vector<16xf32>
          %masked_sort3A_750 = arith.constant dense<true> : vector<16xi1>
          %masked_sort3A_751, %masked_sort3A_752, %masked_sort3A_753 = tpu.sort %select_n3A_749, %add3A_706 masked %masked_sort3A_750 {descending = true} : (vector<16xf32>, vector<16xi32>, vector<16xi1>) -> (vector<16xi1>, vector<16xf32>, vector<16xi32>)
          %lt3A_754 = arith.cmpf olt, %masked_sort3A_752, %while3A_695 : vector<16xf32>
          %select_n3A_755 = arith.select %lt3A_754, %masked_sort3A_752, %while3A_695 : vector<16xi1>, vector<16xf32>
          %select_n3A_756 = arith.select %lt3A_754, %masked_sort3A_753, %while3A_699 : vector<16xi1>, vector<16xi32>
          %masked_sort3A_757 = arith.constant dense<true> : vector<16xi1>
          %masked_sort3A_758, %masked_sort3A_759, %masked_sort3A_760 = tpu.sort %select_n3A_755, %select_n3A_756 masked %masked_sort3A_757 : (vector<16xf32>, vector<16xi32>, vector<16xi1>) -> (vector<16xi1>, vector<16xf32>, vector<16xi32>)
          %sub3A_761 = arith.subf %get3A_709, %gather3A_481 : vector<16xf32>
          %sub3A_762 = arith.subf %get3A_711, %gather3A_485 : vector<16xf32>
          %sub3A_763 = arith.subf %get3A_713, %gather3A_489 : vector<16xf32>
          %mul3A_764 = arith.mulf %sub3A_761, %sub3A_761 : vector<16xf32>
          %mul3A_765 = arith.mulf %sub3A_762, %sub3A_762 : vector<16xf32>
          %add3A_766 = arith.addf %mul3A_764, %mul3A_765 : vector<16xf32>
          %mul3A_767 = arith.mulf %sub3A_763, %sub3A_763 : vector<16xf32>
          %add3A_768 = arith.addf %add3A_766, %mul3A_767 : vector<16xf32>
          %ge3A_769 = arith.cmpi sge, %add3A_706, %gather3A_461 : vector<16xi32>
          %lt3A_770 = arith.cmpi slt, %add3A_706, %gather3A_474 : vector<16xi32>
          %and3A_771 = arith.andi %ge3A_769, %lt3A_770 : vector<16xi1>
          %jit3A_772 = arith.constant 0x7F800000 : f32
          %broadcast_in_dim3A_773 = vector.broadcast %jit3A_772 : f32 to vector<16xf32>
          %select_n3A_774 = arith.select %and3A_771, %add3A_768, %broadcast_in_dim3A_773 : vector<16xi1>, vector<16xf32>
          %masked_sort3A_775 = arith.constant dense<true> : vector<16xi1>
          %masked_sort3A_776, %masked_sort3A_777, %masked_sort3A_778 = tpu.sort %select_n3A_774, %add3A_706 masked %masked_sort3A_775 {descending = true} : (vector<16xf32>, vector<16xi32>, vector<16xi1>) -> (vector<16xi1>, vector<16xf32>, vector<16xi32>)
          %lt3A_779 = arith.cmpf olt, %masked_sort3A_777, %while3A_696 : vector<16xf32>
          %select_n3A_780 = arith.select %lt3A_779, %masked_sort3A_777, %while3A_696 : vector<16xi1>, vector<16xf32>
          %select_n3A_781 = arith.select %lt3A_779, %masked_sort3A_778, %while3A_700 : vector<16xi1>, vector<16xi32>
          %masked_sort3A_782 = arith.constant dense<true> : vector<16xi1>
          %masked_sort3A_783, %masked_sort3A_784, %masked_sort3A_785 = tpu.sort %select_n3A_780, %select_n3A_781 masked %masked_sort3A_782 : (vector<16xf32>, vector<16xi32>, vector<16xi1>) -> (vector<16xi1>, vector<16xf32>, vector<16xi32>)
          %sub3A_786 = arith.subf %get3A_709, %gather3A_482 : vector<16xf32>
          %sub3A_787 = arith.subf %get3A_711, %gather3A_486 : vector<16xf32>
          %sub3A_788 = arith.subf %get3A_713, %gather3A_490 : vector<16xf32>
          %mul3A_789 = arith.mulf %sub3A_786, %sub3A_786 : vector<16xf32>
          %mul3A_790 = arith.mulf %sub3A_787, %sub3A_787 : vector<16xf32>
          %add3A_791 = arith.addf %mul3A_789, %mul3A_790 : vector<16xf32>
          %mul3A_792 = arith.mulf %sub3A_788, %sub3A_788 : vector<16xf32>
          %add3A_793 = arith.addf %add3A_791, %mul3A_792 : vector<16xf32>
          %ge3A_794 = arith.cmpi sge, %add3A_706, %gather3A_462 : vector<16xi32>
          %lt3A_795 = arith.cmpi slt, %add3A_706, %gather3A_478 : vector<16xi32>
          %and3A_796 = arith.andi %ge3A_794, %lt3A_795 : vector<16xi1>
          %jit3A_797 = arith.constant 0x7F800000 : f32
          %broadcast_in_dim3A_798 = vector.broadcast %jit3A_797 : f32 to vector<16xf32>
          %select_n3A_799 = arith.select %and3A_796, %add3A_793, %broadcast_in_dim3A_798 : vector<16xi1>, vector<16xf32>
          %masked_sort3A_800 = arith.constant dense<true> : vector<16xi1>
          %masked_sort3A_801, %masked_sort3A_802, %masked_sort3A_803 = tpu.sort %select_n3A_799, %add3A_706 masked %masked_sort3A_800 {descending = true} : (vector<16xf32>, vector<16xi32>, vector<16xi1>) -> (vector<16xi1>, vector<16xf32>, vector<16xi32>)
          %lt3A_804 = arith.cmpf olt, %masked_sort3A_802, %while3A_697 : vector<16xf32>
          %select_n3A_805 = arith.select %lt3A_804, %masked_sort3A_802, %while3A_697 : vector<16xi1>, vector<16xf32>
          %select_n3A_806 = arith.select %lt3A_804, %masked_sort3A_803, %while3A_701 : vector<16xi1>, vector<16xi32>
          %masked_sort3A_807 = arith.constant dense<true> : vector<16xi1>
          %masked_sort3A_808, %masked_sort3A_809, %masked_sort3A_810 = tpu.sort %select_n3A_805, %select_n3A_806 masked %masked_sort3A_807 : (vector<16xf32>, vector<16xi32>, vector<16xi1>) -> (vector<16xi1>, vector<16xf32>, vector<16xi32>)
          scf.yield %masked_sort3A_734, %masked_sort3A_759, %masked_sort3A_784, %masked_sort3A_809, %masked_sort3A_735, %masked_sort3A_760, %masked_sort3A_785, %masked_sort3A_810 : vector<16xf32>, vector<16xf32>, vector<16xf32>, vector<16xf32>, vector<16xi32>, vector<16xi32>, vector<16xi32>, vector<16xi32>
        }
        %mul3A_628 = arith.constant 4 : i32
        %mul3A_629 = arith.muli %mul3A_628, %scan3A_433 : i32
        %add3A_630 = arith.constant 0 : i32
        %add3A_631 = arith.addi %mul3A_629, %add3A_630 : i32
        %mul3A_632 = arith.constant 16 : i32
        %mul3A_633 = arith.muli %add3A_631, %mul3A_632 : i32
        %swap3A_634 = arith.index_cast %mul3A_633 : i32 to index
        %swap3A_635 = tpu.vector_load %arg35[%swap3A_634] {strides = array<i32>} : memref<1024xf32, #tpu.memory_space<vmem>>, vector<16xf32>,
        tpu.vector_store %arg35[%swap3A_634], %while3A_627#0 {strides = array<i32>} : memref<1024xf32, #tpu.memory_space<vmem>>, vector<16xf32>,
        %mul3A_636 = arith.constant 4 : i32
        %mul3A_637 = arith.muli %mul3A_636, %scan3A_433 : i32
        %add3A_638 = arith.constant 0 : i32
        %add3A_639 = arith.addi %mul3A_637, %add3A_638 : i32
        %mul3A_640 = arith.constant 16 : i32
        %mul3A_641 = arith.muli %add3A_639, %mul3A_640 : i32
        %swap3A_642 = arith.index_cast %mul3A_641 : i32 to index
        %swap3A_643 = tpu.vector_load %arg36[%swap3A_642] {strides = array<i32>} : memref<1024xi32, #tpu.memory_space<vmem>>, vector<16xi32>,
        tpu.vector_store %arg36[%swap3A_642], %while3A_627#4 {strides = array<i32>} : memref<1024xi32, #tpu.memory_space<vmem>>, vector<16xi32>,
        %mul3A_644 = arith.constant 4 : i32
        %mul3A_645 = arith.muli %mul3A_644, %scan3A_433 : i32
        %add3A_646 = arith.constant 1 : i32
        %add3A_647 = arith.addi %mul3A_645, %add3A_646 : i32
        %mul3A_648 = arith.constant 16 : i32
        %mul3A_649 = arith.muli %add3A_647, %mul3A_648 : i32
        %swap3A_650 = arith.index_cast %mul3A_649 : i32 to index
        %swap3A_651 = tpu.vector_load %arg35[%swap3A_650] {strides = array<i32>} : memref<1024xf32, #tpu.memory_space<vmem>>, vector<16xf32>,
        tpu.vector_store %arg35[%swap3A_650], %while3A_627#1 {strides = array<i32>} : memref<1024xf32, #tpu.memory_space<vmem>>, vector<16xf32>,
        %mul3A_652 = arith.constant 4 : i32
        %mul3A_653 = arith.muli %mul3A_652, %scan3A_433 : i32
        %add3A_654 = arith.constant 1 : i32
        %add3A_655 = arith.addi %mul3A_653, %add3A_654 : i32
        %mul3A_656 = arith.constant 16 : i32
        %mul3A_657 = arith.muli %add3A_655, %mul3A_656 : i32
        %swap3A_658 = arith.index_cast %mul3A_657 : i32 to index
        %swap3A_659 = tpu.vector_load %arg36[%swap3A_658] {strides = array<i32>} : memref<1024xi32, #tpu.memory_space<vmem>>, vector<16xi32>,
        tpu.vector_store %arg36[%swap3A_658], %while3A_627#5 {strides = array<i32>} : memref<1024xi32, #tpu.memory_space<vmem>>, vector<16xi32>,
        %mul3A_660 = arith.constant 4 : i32
        %mul3A_661 = arith.muli %mul3A_660, %scan3A_433 : i32
        %add3A_662 = arith.constant 2 : i32
        %add3A_663 = arith.addi %mul3A_661, %add3A_662 : i32
        %mul3A_664 = arith.constant 16 : i32
        %mul3A_665 = arith.muli %add3A_663, %mul3A_664 : i32
        %swap3A_666 = arith.index_cast %mul3A_665 : i32 to index
        %swap3A_667 = tpu.vector_load %arg35[%swap3A_666] {strides = array<i32>} : memref<1024xf32, #tpu.memory_space<vmem>>, vector<16xf32>,
        tpu.vector_store %arg35[%swap3A_666], %while3A_627#2 {strides = array<i32>} : memref<1024xf32, #tpu.memory_space<vmem>>, vector<16xf32>,
        %mul3A_668 = arith.constant 4 : i32
        %mul3A_669 = arith.muli %mul3A_668, %scan3A_433 : i32
        %add3A_670 = arith.constant 2 : i32
        %add3A_671 = arith.addi %mul3A_669, %add3A_670 : i32
        %mul3A_672 = arith.constant 16 : i32
        %mul3A_673 = arith.muli %add3A_671, %mul3A_672 : i32
        %swap3A_674 = arith.index_cast %mul3A_673 : i32 to index
        %swap3A_675 = tpu.vector_load %arg36[%swap3A_674] {strides = array<i32>} : memref<1024xi32, #tpu.memory_space<vmem>>, vector<16xi32>,
        tpu.vector_store %arg36[%swap3A_674], %while3A_627#6 {strides = array<i32>} : memref<1024xi32, #tpu.memory_space<vmem>>, vector<16xi32>,
        %mul3A_676 = arith.constant 4 : i32
        %mul3A_677 = arith.muli %mul3A_676, %scan3A_433 : i32
        %add3A_678 = arith.constant 3 : i32
        %add3A_679 = arith.addi %mul3A_677, %add3A_678 : i32
        %mul3A_680 = arith.constant 16 : i32
        %mul3A_681 = arith.muli %add3A_679, %mul3A_680 : i32
        %swap3A_682 = arith.index_cast %mul3A_681 : i32 to index
        %swap3A_683 = tpu.vector_load %arg35[%swap3A_682] {strides = array<i32>} : memref<1024xf32, #tpu.memory_space<vmem>>, vector<16xf32>,
        tpu.vector_store %arg35[%swap3A_682], %while3A_627#3 {strides = array<i32>} : memref<1024xf32, #tpu.memory_space<vmem>>, vector<16xf32>,
        %mul3A_684 = arith.constant 4 : i32
        %mul3A_685 = arith.muli %mul3A_684, %scan3A_433 : i32
        %add3A_686 = arith.constant 3 : i32
        %add3A_687 = arith.addi %mul3A_685, %add3A_686 : i32
        %mul3A_688 = arith.constant 16 : i32
        %mul3A_689 = arith.muli %add3A_687, %mul3A_688 : i32
        %swap3A_690 = arith.index_cast %mul3A_689 : i32 to index
        %swap3A_691 = tpu.vector_load %arg36[%swap3A_690] {strides = array<i32>} : memref<1024xi32, #tpu.memory_space<vmem>>, vector<16xi32>,
        tpu.vector_store %arg36[%swap3A_690], %while3A_627#7 {strides = array<i32>} : memref<1024xi32, #tpu.memory_space<vmem>>, vector<16xi32>,
        %scan3A_692 = arith.constant 0 : i32
        scf.yield %scan3A_692 : i32
      }
      %scan3A_431 = arith.constant 16 : i32
      %while3A_432 = arith.constant 0 : i32
      scf.yield %while3A_432 : i32
    }
    %while3A_373 = arith.constant 1 : i32
    %while3A_374 = scf.for %while3A_402 = %while3A_370 to %while3A_366 step %while3A_373 iter_args(%while3A_403 = %while3A_372) -> (i32)  : i32 {
      %mul3A_404 = arith.constant 2048 : i32
      %mul3A_405 = arith.muli %while3A_402, %mul3A_404 : i32
      %add3A_406 = arith.addi %and3A_312, %mul3A_405 : i32
      %add3A_407 = arith.constant 2048 : i32
      %add3A_408 = arith.addi %add3A_406, %add3A_407 : i32
      %min3A_409 = arith.minsi %add3A_408, %squeeze3A_318 : i32
      %min3A_410 = arith.constant 14336 : i32
      %min3A_411 = arith.minsi %add3A_406, %min3A_410 : i32
      %multiple_of3A_412 = tpu.assume_multiple %min3A_411, 16 : i32
      %dma_start3A_413 = tpu.memref_slice %arg11[%multiple_of3A_412] : memref<16384xf32, #tpu.memory_space<hbm>> -> memref<2048xf32, #tpu.memory_space<hbm>>
      %dma_start3A_414 = tpu.memref_slice %arg11[%multiple_of3A_412] : memref<16384xf32, #tpu.memory_space<hbm>> -> memref<2048xf32, #tpu.memory_space<hbm>>
      tpu.enqueue_dma source(%dma_start3A_414 : memref<2048xf32, #tpu.memory_space<hbm>>) target(%arg28 : memref<2048xf32, #tpu.memory_space<vmem>>) target_semaphore(%arg40 : memref<!tpu.dma_semaphore, #tpu.memory_space<semaphore_mem>>)
      %dma_start3A_415 = tpu.memref_slice %arg12[%multiple_of3A_412] : memref<16384xf32, #tpu.memory_space<hbm>> -> memref<2048xf32, #tpu.memory_space<hbm>>
      %dma_start3A_416 = tpu.memref_slice %arg12[%multiple_of3A_412] : memref<16384xf32, #tpu.memory_space<hbm>> -> memref<2048xf32, #tpu.memory_space<hbm>>
      tpu.enqueue_dma source(%dma_start3A_416 : memref<2048xf32, #tpu.memory_space<hbm>>) target(%arg29 : memref<2048xf32, #tpu.memory_space<vmem>>) target_semaphore(%arg40 : memref<!tpu.dma_semaphore, #tpu.memory_space<semaphore_mem>>)
      %dma_start3A_417 = tpu.memref_slice %arg13[%multiple_of3A_412] : memref<16384xf32, #tpu.memory_space<hbm>> -> memref<2048xf32, #tpu.memory_space<hbm>>
      %dma_start3A_418 = tpu.memref_slice %arg13[%multiple_of3A_412] : memref<16384xf32, #tpu.memory_space<hbm>> -> memref<2048xf32, #tpu.memory_space<hbm>>
      tpu.enqueue_dma source(%dma_start3A_418 : memref<2048xf32, #tpu.memory_space<hbm>>) target(%arg30 : memref<2048xf32, #tpu.memory_space<vmem>>) target_semaphore(%arg40 : memref<!tpu.dma_semaphore, #tpu.memory_space<semaphore_mem>>)
      %dma_wait3A_419 = tpu.memref_slice %arg11[%multiple_of3A_412] : memref<16384xf32, #tpu.memory_space<hbm>> -> memref<2048xf32, #tpu.memory_space<hbm>>
      %dma_wait3A_420 = tpu.memref_slice %arg11[%multiple_of3A_412] : memref<16384xf32, #tpu.memory_space<hbm>> -> memref<2048xf32, #tpu.memory_space<hbm>>
      tpu.wait_dma2 semaphore(%arg40 : memref<!tpu.dma_semaphore, #tpu.memory_space<semaphore_mem>>) src(%dma_wait3A_420 : memref<2048xf32, #tpu.memory_space<hbm>>) dst(%arg28 : memref<2048xf32, #tpu.memory_space<vmem>>)
      %dma_wait3A_421 = tpu.memref_slice %arg12[%multiple_of3A_412] : memref<16384xf32, #tpu.memory_space<hbm>> -> memref<2048xf32, #tpu.memory_space<hbm>>
      %dma_wait3A_422 = tpu.memref_slice %arg12[%multiple_of3A_412] : memref<16384xf32, #tpu.memory_space<hbm>> -> memref<2048xf32, #tpu.memory_space<hbm>>
      tpu.wait_dma2 semaphore(%arg40 : memref<!tpu.dma_semaphore, #tpu.memory_space<semaphore_mem>>) src(%dma_wait3A_422 : memref<2048xf32, #tpu.memory_space<hbm>>) dst(%arg29 : memref<2048xf32, #tpu.memory_space<vmem>>)
      %dma_wait3A_423 = tpu.memref_slice %arg13[%multiple_of3A_412] : memref<16384xf32, #tpu.memory_space<hbm>> -> memref<2048xf32, #tpu.memory_space<hbm>>
      %dma_wait3A_424 = tpu.memref_slice %arg13[%multiple_of3A_412] : memref<16384xf32, #tpu.memory_space<hbm>> -> memref<2048xf32, #tpu.memory_space<hbm>>
      tpu.wait_dma2 semaphore(%arg40 : memref<!tpu.dma_semaphore, #tpu.memory_space<semaphore_mem>>) src(%dma_wait3A_424 : memref<2048xf32, #tpu.memory_space<hbm>>) dst(%arg30 : memref<2048xf32, #tpu.memory_space<vmem>>)
      %scan3A_425 = arith.constant 0 : i32
      %scan3A_426 = arith.constant 0 : i32
      %scan3A_427 = arith.constant 16 : i32
      %scan3A_428 = arith.addi %scan3A_426, %scan3A_427 : i32
      %scan3A_429 = arith.constant 1 : i32
      %scan3A_430 = scf.for %scan3A_433 = %scan3A_426 to %scan3A_428 step %scan3A_429 iter_args(%scan3A_434 = %scan3A_425) -> (i32)  : i32 {
        %mul3A_435 = arith.constant 4 : i32
        %mul3A_436 = arith.muli %mul3A_435, %scan3A_433 : i32
        %add3A_437 = arith.constant 0 : i32
        %add3A_438 = arith.addi %mul3A_436, %add3A_437 : i32
        %broadcast_in_dim3A_439 = vector.broadcast %add3A_438 : i32 to vector<16xi32>
        %mul3A_440 = arith.constant 4 : i32
        %mul3A_441 = arith.muli %mul3A_440, %scan3A_433 : i32
        %add3A_442 = arith.constant 1 : i32
        %add3A_443 = arith.addi %mul3A_441, %add3A_442 : i32
        %broadcast_in_dim3A_444 = vector.broadcast %add3A_443 : i32 to vector<16xi32>
        %mul3A_445 = arith.constant 4 : i32
        %mul3A_446 = arith.muli %mul3A_445, %scan3A_433 : i32
        %add3A_447 = arith.constant 2 : i32
        %add3A_448 = arith.addi %mul3A_446, %add3A_447 : i32
        %broadcast_in_dim3A_449 = vector.broadcast %add3A_448 : i32 to vector<16xi32>
        %mul3A_450 = arith.constant 4 : i32
        %mul3A_451 = arith.muli %mul3A_450, %scan3A_433 : i32
        %add3A_452 = arith.constant 3 : i32
        %add3A_453 = arith.addi %mul3A_451, %add3A_452 : i32
        %broadcast_in_dim3A_454 = vector.broadcast %add3A_453 : i32 to vector<16xi32>
        %gather3A_455 = tpu.vector_load_idx %arg25[%broadcast_in_dim3A_439] : memref<64xi32, #tpu.memory_space<vmem>>[vector<16xi32>], vector<16xi32>,
        %gather3A_456 = tpu.vector_load_idx %arg25[%broadcast_in_dim3A_444] : memref<64xi32, #tpu.memory_space<vmem>>[vector<16xi32>], vector<16xi32>,
        %gather3A_457 = tpu.vector_load_idx %arg25[%broadcast_in_dim3A_449] : memref<64xi32, #tpu.memory_space<vmem>>[vector<16xi32>], vector<16xi32>,
        %gather3A_458 = tpu.vector_load_idx %arg25[%broadcast_in_dim3A_454] : memref<64xi32, #tpu.memory_space<vmem>>[vector<16xi32>], vector<16xi32>,
        %gather3A_459 = tpu.vector_load_idx %arg27[%gather3A_455] : memref<48xi32, #tpu.memory_space<vmem>>[vector<16xi32>], vector<16xi32>,
        %gather3A_460 = tpu.vector_load_idx %arg27[%gather3A_456] : memref<48xi32, #tpu.memory_space<vmem>>[vector<16xi32>], vector<16xi32>,
        %gather3A_461 = tpu.vector_load_idx %arg27[%gather3A_457] : memref<48xi32, #tpu.memory_space<vmem>>[vector<16xi32>], vector<16xi32>,
        %gather3A_462 = tpu.vector_load_idx %arg27[%gather3A_458] : memref<48xi32, #tpu.memory_space<vmem>>[vector<16xi32>], vector<16xi32>,
        %add3A_463 = arith.constant 1 : i32
        %add3A_464 = vector.broadcast %add3A_463 : i32 to vector<16xi32>
        %add3A_465 = arith.addi %gather3A_455, %add3A_464 : vector<16xi32>
        %gather3A_466 = tpu.vector_load_idx %arg27[%add3A_465] : memref<48xi32, #tpu.memory_space<vmem>>[vector<16xi32>], vector<16xi32>,
        %add3A_467 = arith.constant 1 : i32
        %add3A_468 = vector.broadcast %add3A_467 : i32 to vector<16xi32>
        %add3A_469 = arith.addi %gather3A_456, %add3A_468 : vector<16xi32>
        %gather3A_470 = tpu.vector_load_idx %arg27[%add3A_469] : memref<48xi32, #tpu.memory_space<vmem>>[vector<16xi32>], vector<16xi32>,
        %add3A_471 = arith.constant 1 : i32
        %add3A_472 = vector.broadcast %add3A_471 : i32 to vector<16xi32>
        %add3A_473 = arith.addi %gather3A_457, %add3A_472 : vector<16xi32>
        %gather3A_474 = tpu.vector_load_idx %arg27[%add3A_473] : memref<48xi32, #tpu.memory_space<vmem>>[vector<16xi32>], vector<16xi32>,
        %add3A_475 = arith.constant 1 : i32
        %add3A_476 = vector.broadcast %add3A_475 : i32 to vector<16xi32>
        %add3A_477 = arith.addi %gather3A_458, %add3A_476 : vector<16xi32>
        %gather3A_478 = tpu.vector_load_idx %arg27[%add3A_477] : memref<48xi32, #tpu.memory_space<vmem>>[vector<16xi32>], vector<16xi32>,
        %gather3A_479 = tpu.vector_load_idx %arg22[%broadcast_in_dim3A_439] : memref<64xf32, #tpu.memory_space<vmem>>[vector<16xi32>], vector<16xf32>,
        %gather3A_480 = tpu.vector_load_idx %arg22[%broadcast_in_dim3A_444] : memref<64xf32, #tpu.memory_space<vmem>>[vector<16xi32>], vector<16xf32>,
        %gather3A_481 = tpu.vector_load_idx %arg22[%broadcast_in_dim3A_449] : memref<64xf32, #tpu.memory_space<vmem>>[vector<16xi32>], vector<16xf32>,
        %gather3A_482 = tpu.vector_load_idx %arg22[%broadcast_in_dim3A_454] : memref<64xf32, #tpu.memory_space<vmem>>[vector<16xi32>], vector<16xf32>,
        %gather3A_483 = tpu.vector_load_idx %arg23[%broadcast_in_dim3A_439] : memref<64xf32, #tpu.memory_space<vmem>>[vector<16xi32>], vector<16xf32>,
        %gather3A_484 = tpu.vector_load_idx %arg23[%broadcast_in_dim3A_444] : memref<64xf32, #tpu.memory_space<vmem>>[vector<16xi32>], vector<16xf32>,
        %gather3A_485 = tpu.vector_load_idx %arg23[%broadcast_in_dim3A_449] : memref<64xf32, #tpu.memory_space<vmem>>[vector<16xi32>], vector<16xf32>,
        %gather3A_486 = tpu.vector_load_idx %arg23[%broadcast_in_dim3A_454] : memref<64xf32, #tpu.memory_space<vmem>>[vector<16xi32>], vector<16xf32>,
        %gather3A_487 = tpu.vector_load_idx %arg24[%broadcast_in_dim3A_439] : memref<64xf32, #tpu.memory_space<vmem>>[vector<16xi32>], vector<16xf32>,
        %gather3A_488 = tpu.vector_load_idx %arg24[%broadcast_in_dim3A_444] : memref<64xf32, #tpu.memory_space<vmem>>[vector<16xi32>], vector<16xf32>,
        %gather3A_489 = tpu.vector_load_idx %arg24[%broadcast_in_dim3A_449] : memref<64xf32, #tpu.memory_space<vmem>>[vector<16xi32>], vector<16xf32>,
        %gather3A_490 = tpu.vector_load_idx %arg24[%broadcast_in_dim3A_454] : memref<64xf32, #tpu.memory_space<vmem>>[vector<16xi32>], vector<16xf32>,
        %slice3A_491 = vector.extract_strided_slice %gather3A_459 {offsets = [0], sizes = [1], strides = [1]} : vector<16xi32> to vector<1xi32>
        %squeeze3A_492 = vector.extract %slice3A_491[0] : i32 from vector<1xi32>
        %and3A_493 = arith.constant -16 : i32
        %and3A_494 = arith.andi %squeeze3A_492, %and3A_493 : i32
        %max3A = arith.maxsi %and3A_494, %add3A_406 : i32
        %slice3A_495 = vector.extract_strided_slice %gather3A_478 {offsets = [0], sizes = [1], strides = [1]} : vector<16xi32> to vector<1xi32>
        %squeeze3A_496 = vector.extract %slice3A_495[0] : i32 from vector<1xi32>
        %min3A_497 = arith.minsi %squeeze3A_496, %min3A_409 : i32
        %sub3A_498 = arith.subi %min3A_497, %max3A : i32
        %add3A_499 = arith.constant 15 : i32
        %add3A_500 = arith.addi %sub3A_498, %add3A_499 : i32
        %max3A_501 = arith.constant 0 : i32
        %max3A_502 = arith.maxsi %add3A_500, %max3A_501 : i32
        %shift_right_arithmetic3A_503 = arith.constant 4 : i32
        %shift_right_arithmetic3A_504 = arith.shrsi %max3A_502, %shift_right_arithmetic3A_503 : i32
        %slice3A_505 = vector.extract_strided_slice %gather3A_462 {offsets = [0], sizes = [1], strides = [1]} : vector<16xi32> to vector<1xi32>
        %squeeze3A_506 = vector.extract %slice3A_505[0] : i32 from vector<1xi32>
        %add3A_507 = arith.constant 16 : i32
        %add3A_508 = arith.addi %squeeze3A_506, %add3A_507 : i32
        %sub3A_509 = arith.constant 1 : i32
        %sub3A_510 = arith.subi %add3A_508, %sub3A_509 : i32
        %and3A_511 = arith.constant -16 : i32
        %and3A_512 = arith.andi %sub3A_510, %and3A_511 : i32
        %max3A_513 = arith.maxsi %max3A, %and3A_512 : i32
        %slice3A_514 = vector.extract_strided_slice %gather3A_466 {offsets = [0], sizes = [1], strides = [1]} : vector<16xi32> to vector<1xi32>
        %squeeze3A_515 = vector.extract %slice3A_514[0] : i32 from vector<1xi32>
        %sub3A_516 = arith.constant 16 : i32
        %sub3A_517 = arith.subi %squeeze3A_515, %sub3A_516 : i32
        %and3A_518 = arith.constant -16 : i32
        %and3A_519 = arith.andi %sub3A_517, %and3A_518 : i32
        %add3A_520 = arith.constant 16 : i32
        %add3A_521 = arith.addi %and3A_519, %add3A_520 : i32
        %max3A_522 = arith.maxsi %max3A_513, %add3A_521 : i32
        %sub3A_523 = arith.subi %max3A_513, %max3A : i32
        %shift_right_arithmetic3A_524 = arith.constant 4 : i32
        %shift_right_arithmetic3A_525 = arith.shrsi %sub3A_523, %shift_right_arithmetic3A_524 : i32
        %max3A_526 = arith.constant 0 : i32
        %max3A_527 = arith.maxsi %shift_right_arithmetic3A_525, %max3A_526 : i32
        %min3A_528 = arith.minsi %max3A_527, %shift_right_arithmetic3A_504 : i32
        %sub3A_529 = arith.subi %max3A_522, %max3A : i32
        %shift_right_arithmetic3A_530 = arith.constant 4 : i32
        %shift_right_arithmetic3A_531 = arith.shrsi %sub3A_529, %shift_right_arithmetic3A_530 : i32
        %max3A_532 = arith.maxsi %shift_right_arithmetic3A_531, %min3A_528 : i32
        %min3A_533 = arith.minsi %max3A_532, %shift_right_arithmetic3A_504 : i32
        %mul3A_534 = arith.constant 4 : i32
        %mul3A_535 = arith.muli %mul3A_534, %scan3A_433 : i32
        %add3A_536 = arith.constant 0 : i32
        %add3A_537 = arith.addi %mul3A_535, %add3A_536 : i32
        %mul3A_538 = arith.constant 16 : i32
        %mul3A_539 = arith.muli %add3A_537, %mul3A_538 : i32
        %get3A = arith.index_cast %mul3A_539 : i32 to index
        %get3A_540 = tpu.vector_load %arg35[%get3A] {strides = array<i32>} : memref<1024xf32, #tpu.memory_space<vmem>>, vector<16xf32>,
        %mul3A_541 = arith.constant 4 : i32
        %mul3A_542 = arith.muli %mul3A_541, %scan3A_433 : i32
        %add3A_543 = arith.constant 1 : i32
        %add3A_544 = arith.addi %mul3A_542, %add3A_543 : i32
        %mul3A_545 = arith.constant 16 : i32
        %mul3A_546 = arith.muli %add3A_544, %mul3A_545 : i32
        %get3A_547 = arith.index_cast %mul3A_546 : i32 to index
        %get3A_548 = tpu.vector_load %arg35[%get3A_547] {strides = array<i32>} : memref<1024xf32, #tpu.memory_space<vmem>>, vector<16xf32>,
        %mul3A_549 = arith.constant 4 : i32
        %mul3A_550 = arith.muli %mul3A_549, %scan3A_433 : i32
        %add3A_551 = arith.constant 2 : i32
        %add3A_552 = arith.addi %mul3A_550, %add3A_551 : i32
        %mul3A_553 = arith.constant 16 : i32
        %mul3A_554 = arith.muli %add3A_552, %mul3A_553 : i32
        %get3A_555 = arith.index_cast %mul3A_554 : i32 to index
        %get3A_556 = tpu.vector_load %arg35[%get3A_555] {strides = array<i32>} : memref<1024xf32, #tpu.memory_space<vmem>>, vector<16xf32>,
        %mul3A_557 = arith.constant 4 : i32
        %mul3A_558 = arith.muli %mul3A_557, %scan3A_433 : i32
        %add3A_559 = arith.constant 3 : i32
        %add3A_560 = arith.addi %mul3A_558, %add3A_559 : i32
        %mul3A_561 = arith.constant 16 : i32
        %mul3A_562 = arith.muli %add3A_560, %mul3A_561 : i32
        %get3A_563 = arith.index_cast %mul3A_562 : i32 to index
        %get3A_564 = tpu.vector_load %arg35[%get3A_563] {strides = array<i32>} : memref<1024xf32, #tpu.memory_space<vmem>>, vector<16xf32>,
        %mul3A_565 = arith.constant 4 : i32
        %mul3A_566 = arith.muli %mul3A_565, %scan3A_433 : i32
        %add3A_567 = arith.constant 0 : i32
        %add3A_568 = arith.addi %mul3A_566, %add3A_567 : i32
        %mul3A_569 = arith.constant 16 : i32
        %mul3A_570 = arith.muli %add3A_568, %mul3A_569 : i32
        %get3A_571 = arith.index_cast %mul3A_570 : i32 to index
        %get3A_572 = tpu.vector_load %arg36[%get3A_571] {strides = array<i32>} : memref<1024xi32, #tpu.memory_space<vmem>>, vector<16xi32>,
        %mul3A_573 = arith.constant 4 : i32
        %mul3A_574 = arith.muli %mul3A_573, %scan3A_433 : i32
        %add3A_575 = arith.constant 1 : i32
        %add3A_576 = arith.addi %mul3A_574, %add3A_575 : i32
        %mul3A_577 = arith.constant 16 : i32
        %mul3A_578 = arith.muli %add3A_576, %mul3A_577 : i32
        %get3A_579 = arith.index_cast %mul3A_578 : i32 to index
        %get3A_580 = tpu.vector_load %arg36[%get3A_579] {strides = array<i32>} : memref<1024xi32, #tpu.memory_space<vmem>>, vector<16xi32>,
        %mul3A_581 = arith.constant 4 : i32
        %mul3A_582 = arith.muli %mul3A_581, %scan3A_433 : i32
        %add3A_583 = arith.constant 2 : i32
        %add3A_584 = arith.addi %mul3A_582, %add3A_583 : i32
        %mul3A_585 = arith.constant 16 : i32
        %mul3A_586 = arith.muli %add3A_584, %mul3A_585 : i32
        %get3A_587 = arith.index_cast %mul3A_586 : i32 to index
        %get3A_588 = tpu.vector_load %arg36[%get3A_587] {strides = array<i32>} : memref<1024xi32, #tpu.memory_space<vmem>>, vector<16xi32>,
        %mul3A_589 = arith.constant 4 : i32
        %mul3A_590 = arith.muli %mul3A_589, %scan3A_433 : i32
        %add3A_591 = arith.constant 3 : i32
        %add3A_592 = arith.addi %mul3A_590, %add3A_591 : i32
        %mul3A_593 = arith.constant 16 : i32
        %mul3A_594 = arith.muli %add3A_592, %mul3A_593 : i32
        %get3A_595 = arith.index_cast %mul3A_594 : i32 to index
        %get3A_596 = tpu.vector_load %arg36[%get3A_595] {strides = array<i32>} : memref<1024xi32, #tpu.memory_space<vmem>>, vector<16xi32>,
        %while3A_597 = arith.constant 0 : i32
        %while3A_598 = arith.subi %min3A_528, %while3A_597 : i32
        %while3A_599 = arith.addi %while3A_597, %while3A_598 : i32
        %while3A_600 = arith.constant 1 : i32
        %while3A_601 = arith.divsi %while3A_598, %while3A_600 : i32
        %while3A_602 = arith.muli %while3A_601, %while3A_600 : i32
        %while3A_603 = arith.addi %while3A_597, %while3A_602 : i32
        %while3A_604 = arith.constant 1 : i32
        %while3A_605:8 = scf.for %while3A_693 = %while3A_597 to %while3A_603 step %while3A_604 iter_args(%while3A_694 = %get3A_540, %while3A_695 = %get3A_548, %while3A_696 = %get3A_556, %while3A_697 = %get3A_564, %while3A_698 = %get3A_572, %while3A_699 = %get3A_580, %while3A_700 = %get3A_588, %while3A_701 = %get3A_596) -> (vector<16xf32>, vector<16xf32>, vector<16xf32>, vector<16xf32>, vector<16xi32>, vector<16xi32>, vector<16xi32>, vector<16xi32>)  : i32 {
          %mul3A_702 = arith.constant 16 : i32
          %mul3A_703 = arith.muli %while3A_693, %mul3A_702 : i32
          %add3A_704 = arith.addi %max3A, %mul3A_703 : i32
          %add3A_705 = vector.broadcast %add3A_704 : i32 to vector<16xi32>
          %add3A_706 = arith.addi %iota3A, %add3A_705 : vector<16xi32>
          %sub3A_707 = arith.subi %add3A_704, %multiple_of3A_412 : i32
          %get3A_708 = arith.index_cast %sub3A_707 : i32 to index
          %get3A_709 = tpu.vector_load %arg28[%get3A_708] {strides = array<i32>} : memref<2048xf32, #tpu.memory_space<vmem>>, vector<16xf32>,
          %get3A_710 = arith.index_cast %sub3A_707 : i32 to index
          %get3A_711 = tpu.vector_load %arg29[%get3A_710] {strides = array<i32>} : memref<2048xf32, #tpu.memory_space<vmem>>, vector<16xf32>,
          %get3A_712 = arith.index_cast %sub3A_707 : i32 to index
          %get3A_713 = tpu.vector_load %arg30[%get3A_712] {strides = array<i32>} : memref<2048xf32, #tpu.memory_space<vmem>>, vector<16xf32>,
          %sub3A_714 = arith.subf %get3A_709, %gather3A_479 : vector<16xf32>
          %sub3A_715 = arith.subf %get3A_711, %gather3A_483 : vector<16xf32>
          %sub3A_716 = arith.subf %get3A_713, %gather3A_487 : vector<16xf32>
          %mul3A_717 = arith.mulf %sub3A_714, %sub3A_714 : vector<16xf32>
          %mul3A_718 = arith.mulf %sub3A_715, %sub3A_715 : vector<16xf32>
          %add3A_719 = arith.addf %mul3A_717, %mul3A_718 : vector<16xf32>
          %mul3A_720 = arith.mulf %sub3A_716, %sub3A_716 : vector<16xf32>
          %add3A_721 = arith.addf %add3A_719, %mul3A_720 : vector<16xf32>
          %ge3A = arith.cmpi sge, %add3A_706, %gather3A_459 : vector<16xi32>
          %lt3A_722 = arith.cmpi slt, %add3A_706, %gather3A_466 : vector<16xi32>
          %and3A_723 = arith.andi %ge3A, %lt3A_722 : vector<16xi1>
          %jit3A = arith.constant 0x7F800000 : f32
          %broadcast_in_dim3A_724 = vector.broadcast %jit3A : f32 to vector<16xf32>
          %select_n3A_725 = arith.select %and3A_723, %add3A_721, %broadcast_in_dim3A_724 : vector<16xi1>, vector<16xf32>
          %masked_sort3A = arith.constant dense<true> : vector<16xi1>
          %masked_sort3A_726, %masked_sort3A_727, %masked_sort3A_728 = tpu.sort %select_n3A_725, %add3A_706 masked %masked_sort3A {descending = true} : (vector<16xf32>, vector<16xi32>, vector<16xi1>) -> (vector<16xi1>, vector<16xf32>, vector<16xi32>)
          %lt3A_729 = arith.cmpf olt, %masked_sort3A_727, %while3A_694 : vector<16xf32>
          %select_n3A_730 = arith.select %lt3A_729, %masked_sort3A_727, %while3A_694 : vector<16xi1>, vector<16xf32>
          %select_n3A_731 = arith.select %lt3A_729, %masked_sort3A_728, %while3A_698 : vector<16xi1>, vector<16xi32>
          %masked_sort3A_732 = arith.constant dense<true> : vector<16xi1>
          %masked_sort3A_733, %masked_sort3A_734, %masked_sort3A_735 = tpu.sort %select_n3A_730, %select_n3A_731 masked %masked_sort3A_732 : (vector<16xf32>, vector<16xi32>, vector<16xi1>) -> (vector<16xi1>, vector<16xf32>, vector<16xi32>)
          %sub3A_736 = arith.subf %get3A_709, %gather3A_480 : vector<16xf32>
          %sub3A_737 = arith.subf %get3A_711, %gather3A_484 : vector<16xf32>
          %sub3A_738 = arith.subf %get3A_713, %gather3A_488 : vector<16xf32>
          %mul3A_739 = arith.mulf %sub3A_736, %sub3A_736 : vector<16xf32>
          %mul3A_740 = arith.mulf %sub3A_737, %sub3A_737 : vector<16xf32>
          %add3A_741 = arith.addf %mul3A_739, %mul3A_740 : vector<16xf32>
          %mul3A_742 = arith.mulf %sub3A_738, %sub3A_738 : vector<16xf32>
          %add3A_743 = arith.addf %add3A_741, %mul3A_742 : vector<16xf32>
          %ge3A_744 = arith.cmpi sge, %add3A_706, %gather3A_460 : vector<16xi32>
          %lt3A_745 = arith.cmpi slt, %add3A_706, %gather3A_470 : vector<16xi32>
          %and3A_746 = arith.andi %ge3A_744, %lt3A_745 : vector<16xi1>
          %jit3A_747 = arith.constant 0x7F800000 : f32
          %broadcast_in_dim3A_748 = vector.broadcast %jit3A_747 : f32 to vector<16xf32>
          %select_n3A_749 = arith.select %and3A_746, %add3A_743, %broadcast_in_dim3A_748 : vector<16xi1>, vector<16xf32>
          %masked_sort3A_750 = arith.constant dense<true> : vector<16xi1>
          %masked_sort3A_751, %masked_sort3A_752, %masked_sort3A_753 = tpu.sort %select_n3A_749, %add3A_706 masked %masked_sort3A_750 {descending = true} : (vector<16xf32>, vector<16xi32>, vector<16xi1>) -> (vector<16xi1>, vector<16xf32>, vector<16xi32>)
          %lt3A_754 = arith.cmpf olt, %masked_sort3A_752, %while3A_695 : vector<16xf32>
          %select_n3A_755 = arith.select %lt3A_754, %masked_sort3A_752, %while3A_695 : vector<16xi1>, vector<16xf32>
          %select_n3A_756 = arith.select %lt3A_754, %masked_sort3A_753, %while3A_699 : vector<16xi1>, vector<16xi32>
          %masked_sort3A_757 = arith.constant dense<true> : vector<16xi1>
          %masked_sort3A_758, %masked_sort3A_759, %masked_sort3A_760 = tpu.sort %select_n3A_755, %select_n3A_756 masked %masked_sort3A_757 : (vector<16xf32>, vector<16xi32>, vector<16xi1>) -> (vector<16xi1>, vector<16xf32>, vector<16xi32>)
          %sub3A_761 = arith.subf %get3A_709, %gather3A_481 : vector<16xf32>
          %sub3A_762 = arith.subf %get3A_711, %gather3A_485 : vector<16xf32>
          %sub3A_763 = arith.subf %get3A_713, %gather3A_489 : vector<16xf32>
          %mul3A_764 = arith.mulf %sub3A_761, %sub3A_761 : vector<16xf32>
          %mul3A_765 = arith.mulf %sub3A_762, %sub3A_762 : vector<16xf32>
          %add3A_766 = arith.addf %mul3A_764, %mul3A_765 : vector<16xf32>
          %mul3A_767 = arith.mulf %sub3A_763, %sub3A_763 : vector<16xf32>
          %add3A_768 = arith.addf %add3A_766, %mul3A_767 : vector<16xf32>
          %ge3A_769 = arith.cmpi sge, %add3A_706, %gather3A_461 : vector<16xi32>
          %lt3A_770 = arith.cmpi slt, %add3A_706, %gather3A_474 : vector<16xi32>
          %and3A_771 = arith.andi %ge3A_769, %lt3A_770 : vector<16xi1>
          %jit3A_772 = arith.constant 0x7F800000 : f32
          %broadcast_in_dim3A_773 = vector.broadcast %jit3A_772 : f32 to vector<16xf32>
          %select_n3A_774 = arith.select %and3A_771, %add3A_768, %broadcast_in_dim3A_773 : vector<16xi1>, vector<16xf32>
          %masked_sort3A_775 = arith.constant dense<true> : vector<16xi1>
          %masked_sort3A_776, %masked_sort3A_777, %masked_sort3A_778 = tpu.sort %select_n3A_774, %add3A_706 masked %masked_sort3A_775 {descending = true} : (vector<16xf32>, vector<16xi32>, vector<16xi1>) -> (vector<16xi1>, vector<16xf32>, vector<16xi32>)
          %lt3A_779 = arith.cmpf olt, %masked_sort3A_777, %while3A_696 : vector<16xf32>
          %select_n3A_780 = arith.select %lt3A_779, %masked_sort3A_777, %while3A_696 : vector<16xi1>, vector<16xf32>
          %select_n3A_781 = arith.select %lt3A_779, %masked_sort3A_778, %while3A_700 : vector<16xi1>, vector<16xi32>
          %masked_sort3A_782 = arith.constant dense<true> : vector<16xi1>
          %masked_sort3A_783, %masked_sort3A_784, %masked_sort3A_785 = tpu.sort %select_n3A_780, %select_n3A_781 masked %masked_sort3A_782 : (vector<16xf32>, vector<16xi32>, vector<16xi1>) -> (vector<16xi1>, vector<16xf32>, vector<16xi32>)
          %sub3A_786 = arith.subf %get3A_709, %gather3A_482 : vector<16xf32>
          %sub3A_787 = arith.subf %get3A_711, %gather3A_486 : vector<16xf32>
          %sub3A_788 = arith.subf %get3A_713, %gather3A_490 : vector<16xf32>
          %mul3A_789 = arith.mulf %sub3A_786, %sub3A_786 : vector<16xf32>
          %mul3A_790 = arith.mulf %sub3A_787, %sub3A_787 : vector<16xf32>
          %add3A_791 = arith.addf %mul3A_789, %mul3A_790 : vector<16xf32>
          %mul3A_792 = arith.mulf %sub3A_788, %sub3A_788 : vector<16xf32>
          %add3A_793 = arith.addf %add3A_791, %mul3A_792 : vector<16xf32>
          %ge3A_794 = arith.cmpi sge, %add3A_706, %gather3A_462 : vector<16xi32>
          %lt3A_795 = arith.cmpi slt, %add3A_706, %gather3A_478 : vector<16xi32>
          %and3A_796 = arith.andi %ge3A_794, %lt3A_795 : vector<16xi1>
          %jit3A_797 = arith.constant 0x7F800000 : f32
          %broadcast_in_dim3A_798 = vector.broadcast %jit3A_797 : f32 to vector<16xf32>
          %select_n3A_799 = arith.select %and3A_796, %add3A_793, %broadcast_in_dim3A_798 : vector<16xi1>, vector<16xf32>
          %masked_sort3A_800 = arith.constant dense<true> : vector<16xi1>
          %masked_sort3A_801, %masked_sort3A_802, %masked_sort3A_803 = tpu.sort %select_n3A_799, %add3A_706 masked %masked_sort3A_800 {descending = true} : (vector<16xf32>, vector<16xi32>, vector<16xi1>) -> (vector<16xi1>, vector<16xf32>, vector<16xi32>)
          %lt3A_804 = arith.cmpf olt, %masked_sort3A_802, %while3A_697 : vector<16xf32>
          %select_n3A_805 = arith.select %lt3A_804, %masked_sort3A_802, %while3A_697 : vector<16xi1>, vector<16xf32>
          %select_n3A_806 = arith.select %lt3A_804, %masked_sort3A_803, %while3A_701 : vector<16xi1>, vector<16xi32>
          %masked_sort3A_807 = arith.constant dense<true> : vector<16xi1>
          %masked_sort3A_808, %masked_sort3A_809, %masked_sort3A_810 = tpu.sort %select_n3A_805, %select_n3A_806 masked %masked_sort3A_807 : (vector<16xf32>, vector<16xi32>, vector<16xi1>) -> (vector<16xi1>, vector<16xf32>, vector<16xi32>)
          scf.yield %masked_sort3A_734, %masked_sort3A_759, %masked_sort3A_784, %masked_sort3A_809, %masked_sort3A_735, %masked_sort3A_760, %masked_sort3A_785, %masked_sort3A_810 : vector<16xf32>, vector<16xf32>, vector<16xf32>, vector<16xf32>, vector<16xi32>, vector<16xi32>, vector<16xi32>, vector<16xi32>
        }
        %while3A_606 = arith.constant 1 : i32
        %while3A_607:8 = scf.for %while3A_693 = %while3A_603 to %while3A_599 step %while3A_606 iter_args(%while3A_694 = %while3A_605#0, %while3A_695 = %while3A_605#1, %while3A_696 = %while3A_605#2, %while3A_697 = %while3A_605#3, %while3A_698 = %while3A_605#4, %while3A_699 = %while3A_605#5, %while3A_700 = %while3A_605#6, %while3A_701 = %while3A_605#7) -> (vector<16xf32>, vector<16xf32>, vector<16xf32>, vector<16xf32>, vector<16xi32>, vector<16xi32>, vector<16xi32>, vector<16xi32>)  : i32 {
          %mul3A_702 = arith.constant 16 : i32
          %mul3A_703 = arith.muli %while3A_693, %mul3A_702 : i32
          %add3A_704 = arith.addi %max3A, %mul3A_703 : i32
          %add3A_705 = vector.broadcast %add3A_704 : i32 to vector<16xi32>
          %add3A_706 = arith.addi %iota3A, %add3A_705 : vector<16xi32>
          %sub3A_707 = arith.subi %add3A_704, %multiple_of3A_412 : i32
          %get3A_708 = arith.index_cast %sub3A_707 : i32 to index
          %get3A_709 = tpu.vector_load %arg28[%get3A_708] {strides = array<i32>} : memref<2048xf32, #tpu.memory_space<vmem>>, vector<16xf32>,
          %get3A_710 = arith.index_cast %sub3A_707 : i32 to index
          %get3A_711 = tpu.vector_load %arg29[%get3A_710] {strides = array<i32>} : memref<2048xf32, #tpu.memory_space<vmem>>, vector<16xf32>,
          %get3A_712 = arith.index_cast %sub3A_707 : i32 to index
          %get3A_713 = tpu.vector_load %arg30[%get3A_712] {strides = array<i32>} : memref<2048xf32, #tpu.memory_space<vmem>>, vector<16xf32>,
          %sub3A_714 = arith.subf %get3A_709, %gather3A_479 : vector<16xf32>
          %sub3A_715 = arith.subf %get3A_711, %gather3A_483 : vector<16xf32>
          %sub3A_716 = arith.subf %get3A_713, %gather3A_487 : vector<16xf32>
          %mul3A_717 = arith.mulf %sub3A_714, %sub3A_714 : vector<16xf32>
          %mul3A_718 = arith.mulf %sub3A_715, %sub3A_715 : vector<16xf32>
          %add3A_719 = arith.addf %mul3A_717, %mul3A_718 : vector<16xf32>
          %mul3A_720 = arith.mulf %sub3A_716, %sub3A_716 : vector<16xf32>
          %add3A_721 = arith.addf %add3A_719, %mul3A_720 : vector<16xf32>
          %ge3A = arith.cmpi sge, %add3A_706, %gather3A_459 : vector<16xi32>
          %lt3A_722 = arith.cmpi slt, %add3A_706, %gather3A_466 : vector<16xi32>
          %and3A_723 = arith.andi %ge3A, %lt3A_722 : vector<16xi1>
          %jit3A = arith.constant 0x7F800000 : f32
          %broadcast_in_dim3A_724 = vector.broadcast %jit3A : f32 to vector<16xf32>
          %select_n3A_725 = arith.select %and3A_723, %add3A_721, %broadcast_in_dim3A_724 : vector<16xi1>, vector<16xf32>
          %masked_sort3A = arith.constant dense<true> : vector<16xi1>
          %masked_sort3A_726, %masked_sort3A_727, %masked_sort3A_728 = tpu.sort %select_n3A_725, %add3A_706 masked %masked_sort3A {descending = true} : (vector<16xf32>, vector<16xi32>, vector<16xi1>) -> (vector<16xi1>, vector<16xf32>, vector<16xi32>)
          %lt3A_729 = arith.cmpf olt, %masked_sort3A_727, %while3A_694 : vector<16xf32>
          %select_n3A_730 = arith.select %lt3A_729, %masked_sort3A_727, %while3A_694 : vector<16xi1>, vector<16xf32>
          %select_n3A_731 = arith.select %lt3A_729, %masked_sort3A_728, %while3A_698 : vector<16xi1>, vector<16xi32>
          %masked_sort3A_732 = arith.constant dense<true> : vector<16xi1>
          %masked_sort3A_733, %masked_sort3A_734, %masked_sort3A_735 = tpu.sort %select_n3A_730, %select_n3A_731 masked %masked_sort3A_732 : (vector<16xf32>, vector<16xi32>, vector<16xi1>) -> (vector<16xi1>, vector<16xf32>, vector<16xi32>)
          %sub3A_736 = arith.subf %get3A_709, %gather3A_480 : vector<16xf32>
          %sub3A_737 = arith.subf %get3A_711, %gather3A_484 : vector<16xf32>
          %sub3A_738 = arith.subf %get3A_713, %gather3A_488 : vector<16xf32>
          %mul3A_739 = arith.mulf %sub3A_736, %sub3A_736 : vector<16xf32>
          %mul3A_740 = arith.mulf %sub3A_737, %sub3A_737 : vector<16xf32>
          %add3A_741 = arith.addf %mul3A_739, %mul3A_740 : vector<16xf32>
          %mul3A_742 = arith.mulf %sub3A_738, %sub3A_738 : vector<16xf32>
          %add3A_743 = arith.addf %add3A_741, %mul3A_742 : vector<16xf32>
          %ge3A_744 = arith.cmpi sge, %add3A_706, %gather3A_460 : vector<16xi32>
          %lt3A_745 = arith.cmpi slt, %add3A_706, %gather3A_470 : vector<16xi32>
          %and3A_746 = arith.andi %ge3A_744, %lt3A_745 : vector<16xi1>
          %jit3A_747 = arith.constant 0x7F800000 : f32
          %broadcast_in_dim3A_748 = vector.broadcast %jit3A_747 : f32 to vector<16xf32>
          %select_n3A_749 = arith.select %and3A_746, %add3A_743, %broadcast_in_dim3A_748 : vector<16xi1>, vector<16xf32>
          %masked_sort3A_750 = arith.constant dense<true> : vector<16xi1>
          %masked_sort3A_751, %masked_sort3A_752, %masked_sort3A_753 = tpu.sort %select_n3A_749, %add3A_706 masked %masked_sort3A_750 {descending = true} : (vector<16xf32>, vector<16xi32>, vector<16xi1>) -> (vector<16xi1>, vector<16xf32>, vector<16xi32>)
          %lt3A_754 = arith.cmpf olt, %masked_sort3A_752, %while3A_695 : vector<16xf32>
          %select_n3A_755 = arith.select %lt3A_754, %masked_sort3A_752, %while3A_695 : vector<16xi1>, vector<16xf32>
          %select_n3A_756 = arith.select %lt3A_754, %masked_sort3A_753, %while3A_699 : vector<16xi1>, vector<16xi32>
          %masked_sort3A_757 = arith.constant dense<true> : vector<16xi1>
          %masked_sort3A_758, %masked_sort3A_759, %masked_sort3A_760 = tpu.sort %select_n3A_755, %select_n3A_756 masked %masked_sort3A_757 : (vector<16xf32>, vector<16xi32>, vector<16xi1>) -> (vector<16xi1>, vector<16xf32>, vector<16xi32>)
          %sub3A_761 = arith.subf %get3A_709, %gather3A_481 : vector<16xf32>
          %sub3A_762 = arith.subf %get3A_711, %gather3A_485 : vector<16xf32>
          %sub3A_763 = arith.subf %get3A_713, %gather3A_489 : vector<16xf32>
          %mul3A_764 = arith.mulf %sub3A_761, %sub3A_761 : vector<16xf32>
          %mul3A_765 = arith.mulf %sub3A_762, %sub3A_762 : vector<16xf32>
          %add3A_766 = arith.addf %mul3A_764, %mul3A_765 : vector<16xf32>
          %mul3A_767 = arith.mulf %sub3A_763, %sub3A_763 : vector<16xf32>
          %add3A_768 = arith.addf %add3A_766, %mul3A_767 : vector<16xf32>
          %ge3A_769 = arith.cmpi sge, %add3A_706, %gather3A_461 : vector<16xi32>
          %lt3A_770 = arith.cmpi slt, %add3A_706, %gather3A_474 : vector<16xi32>
          %and3A_771 = arith.andi %ge3A_769, %lt3A_770 : vector<16xi1>
          %jit3A_772 = arith.constant 0x7F800000 : f32
          %broadcast_in_dim3A_773 = vector.broadcast %jit3A_772 : f32 to vector<16xf32>
          %select_n3A_774 = arith.select %and3A_771, %add3A_768, %broadcast_in_dim3A_773 : vector<16xi1>, vector<16xf32>
          %masked_sort3A_775 = arith.constant dense<true> : vector<16xi1>
          %masked_sort3A_776, %masked_sort3A_777, %masked_sort3A_778 = tpu.sort %select_n3A_774, %add3A_706 masked %masked_sort3A_775 {descending = true} : (vector<16xf32>, vector<16xi32>, vector<16xi1>) -> (vector<16xi1>, vector<16xf32>, vector<16xi32>)
          %lt3A_779 = arith.cmpf olt, %masked_sort3A_777, %while3A_696 : vector<16xf32>
          %select_n3A_780 = arith.select %lt3A_779, %masked_sort3A_777, %while3A_696 : vector<16xi1>, vector<16xf32>
          %select_n3A_781 = arith.select %lt3A_779, %masked_sort3A_778, %while3A_700 : vector<16xi1>, vector<16xi32>
          %masked_sort3A_782 = arith.constant dense<true> : vector<16xi1>
          %masked_sort3A_783, %masked_sort3A_784, %masked_sort3A_785 = tpu.sort %select_n3A_780, %select_n3A_781 masked %masked_sort3A_782 : (vector<16xf32>, vector<16xi32>, vector<16xi1>) -> (vector<16xi1>, vector<16xf32>, vector<16xi32>)
          %sub3A_786 = arith.subf %get3A_709, %gather3A_482 : vector<16xf32>
          %sub3A_787 = arith.subf %get3A_711, %gather3A_486 : vector<16xf32>
          %sub3A_788 = arith.subf %get3A_713, %gather3A_490 : vector<16xf32>
          %mul3A_789 = arith.mulf %sub3A_786, %sub3A_786 : vector<16xf32>
          %mul3A_790 = arith.mulf %sub3A_787, %sub3A_787 : vector<16xf32>
          %add3A_791 = arith.addf %mul3A_789, %mul3A_790 : vector<16xf32>
          %mul3A_792 = arith.mulf %sub3A_788, %sub3A_788 : vector<16xf32>
          %add3A_793 = arith.addf %add3A_791, %mul3A_792 : vector<16xf32>
          %ge3A_794 = arith.cmpi sge, %add3A_706, %gather3A_462 : vector<16xi32>
          %lt3A_795 = arith.cmpi slt, %add3A_706, %gather3A_478 : vector<16xi32>
          %and3A_796 = arith.andi %ge3A_794, %lt3A_795 : vector<16xi1>
          %jit3A_797 = arith.constant 0x7F800000 : f32
          %broadcast_in_dim3A_798 = vector.broadcast %jit3A_797 : f32 to vector<16xf32>
          %select_n3A_799 = arith.select %and3A_796, %add3A_793, %broadcast_in_dim3A_798 : vector<16xi1>, vector<16xf32>
          %masked_sort3A_800 = arith.constant dense<true> : vector<16xi1>
          %masked_sort3A_801, %masked_sort3A_802, %masked_sort3A_803 = tpu.sort %select_n3A_799, %add3A_706 masked %masked_sort3A_800 {descending = true} : (vector<16xf32>, vector<16xi32>, vector<16xi1>) -> (vector<16xi1>, vector<16xf32>, vector<16xi32>)
          %lt3A_804 = arith.cmpf olt, %masked_sort3A_802, %while3A_697 : vector<16xf32>
          %select_n3A_805 = arith.select %lt3A_804, %masked_sort3A_802, %while3A_697 : vector<16xi1>, vector<16xf32>
          %select_n3A_806 = arith.select %lt3A_804, %masked_sort3A_803, %while3A_701 : vector<16xi1>, vector<16xi32>
          %masked_sort3A_807 = arith.constant dense<true> : vector<16xi1>
          %masked_sort3A_808, %masked_sort3A_809, %masked_sort3A_810 = tpu.sort %select_n3A_805, %select_n3A_806 masked %masked_sort3A_807 : (vector<16xf32>, vector<16xi32>, vector<16xi1>) -> (vector<16xi1>, vector<16xf32>, vector<16xi32>)
          scf.yield %masked_sort3A_734, %masked_sort3A_759, %masked_sort3A_784, %masked_sort3A_809, %masked_sort3A_735, %masked_sort3A_760, %masked_sort3A_785, %masked_sort3A_810 : vector<16xf32>, vector<16xf32>, vector<16xf32>, vector<16xf32>, vector<16xi32>, vector<16xi32>, vector<16xi32>, vector<16xi32>
        }
        %while3A_608 = arith.subi %min3A_533, %min3A_528 : i32
        %while3A_609 = arith.addi %min3A_528, %while3A_608 : i32
        %while3A_610 = arith.constant 1 : i32
        %while3A_611 = arith.divsi %while3A_608, %while3A_610 : i32
        %while3A_612 = arith.muli %while3A_611, %while3A_610 : i32
        %while3A_613 = arith.addi %min3A_528, %while3A_612 : i32
        %while3A_614 = arith.constant 1 : i32
        %while3A_615:8 = scf.for %while3A_693 = %min3A_528 to %while3A_613 step %while3A_614 iter_args(%while3A_694 = %while3A_607#0, %while3A_695 = %while3A_607#1, %while3A_696 = %while3A_607#2, %while3A_697 = %while3A_607#3, %while3A_698 = %while3A_607#4, %while3A_699 = %while3A_607#5, %while3A_700 = %while3A_607#6, %while3A_701 = %while3A_607#7) -> (vector<16xf32>, vector<16xf32>, vector<16xf32>, vector<16xf32>, vector<16xi32>, vector<16xi32>, vector<16xi32>, vector<16xi32>)  : i32 {
          %mul3A_702 = arith.constant 16 : i32
          %mul3A_703 = arith.muli %while3A_693, %mul3A_702 : i32
          %add3A_704 = arith.addi %max3A, %mul3A_703 : i32
          %add3A_705 = vector.broadcast %add3A_704 : i32 to vector<16xi32>
          %add3A_706 = arith.addi %iota3A, %add3A_705 : vector<16xi32>
          %sub3A_707 = arith.subi %add3A_704, %multiple_of3A_412 : i32
          %get3A_708 = arith.index_cast %sub3A_707 : i32 to index
          %get3A_709 = tpu.vector_load %arg28[%get3A_708] {strides = array<i32>} : memref<2048xf32, #tpu.memory_space<vmem>>, vector<16xf32>,
          %get3A_710 = arith.index_cast %sub3A_707 : i32 to index
          %get3A_711 = tpu.vector_load %arg29[%get3A_710] {strides = array<i32>} : memref<2048xf32, #tpu.memory_space<vmem>>, vector<16xf32>,
          %get3A_712 = arith.index_cast %sub3A_707 : i32 to index
          %get3A_713 = tpu.vector_load %arg30[%get3A_712] {strides = array<i32>} : memref<2048xf32, #tpu.memory_space<vmem>>, vector<16xf32>,
          %sub3A_714 = arith.subf %get3A_709, %gather3A_479 : vector<16xf32>
          %sub3A_715 = arith.subf %get3A_711, %gather3A_483 : vector<16xf32>
          %sub3A_716 = arith.subf %get3A_713, %gather3A_487 : vector<16xf32>
          %mul3A_717 = arith.mulf %sub3A_714, %sub3A_714 : vector<16xf32>
          %mul3A_718 = arith.mulf %sub3A_715, %sub3A_715 : vector<16xf32>
          %add3A_719 = arith.addf %mul3A_717, %mul3A_718 : vector<16xf32>
          %mul3A_720 = arith.mulf %sub3A_716, %sub3A_716 : vector<16xf32>
          %add3A_721 = arith.addf %add3A_719, %mul3A_720 : vector<16xf32>
          %masked_sort3A = arith.constant dense<true> : vector<16xi1>
          %masked_sort3A_722, %masked_sort3A_723, %masked_sort3A_724 = tpu.sort %add3A_721, %add3A_706 masked %masked_sort3A {descending = true} : (vector<16xf32>, vector<16xi32>, vector<16xi1>) -> (vector<16xi1>, vector<16xf32>, vector<16xi32>)
          %lt3A_725 = arith.cmpf olt, %masked_sort3A_723, %while3A_694 : vector<16xf32>
          %select_n3A_726 = arith.select %lt3A_725, %masked_sort3A_723, %while3A_694 : vector<16xi1>, vector<16xf32>
          %select_n3A_727 = arith.select %lt3A_725, %masked_sort3A_724, %while3A_698 : vector<16xi1>, vector<16xi32>
          %masked_sort3A_728 = arith.constant dense<true> : vector<16xi1>
          %masked_sort3A_729, %masked_sort3A_730, %masked_sort3A_731 = tpu.sort %select_n3A_726, %select_n3A_727 masked %masked_sort3A_728 : (vector<16xf32>, vector<16xi32>, vector<16xi1>) -> (vector<16xi1>, vector<16xf32>, vector<16xi32>)
          %sub3A_732 = arith.subf %get3A_709, %gather3A_480 : vector<16xf32>
          %sub3A_733 = arith.subf %get3A_711, %gather3A_484 : vector<16xf32>
          %sub3A_734 = arith.subf %get3A_713, %gather3A_488 : vector<16xf32>
          %mul3A_735 = arith.mulf %sub3A_732, %sub3A_732 : vector<16xf32>
          %mul3A_736 = arith.mulf %sub3A_733, %sub3A_733 : vector<16xf32>
          %add3A_737 = arith.addf %mul3A_735, %mul3A_736 : vector<16xf32>
          %mul3A_738 = arith.mulf %sub3A_734, %sub3A_734 : vector<16xf32>
          %add3A_739 = arith.addf %add3A_737, %mul3A_738 : vector<16xf32>
          %masked_sort3A_740 = arith.constant dense<true> : vector<16xi1>
          %masked_sort3A_741, %masked_sort3A_742, %masked_sort3A_743 = tpu.sort %add3A_739, %add3A_706 masked %masked_sort3A_740 {descending = true} : (vector<16xf32>, vector<16xi32>, vector<16xi1>) -> (vector<16xi1>, vector<16xf32>, vector<16xi32>)
          %lt3A_744 = arith.cmpf olt, %masked_sort3A_742, %while3A_695 : vector<16xf32>
          %select_n3A_745 = arith.select %lt3A_744, %masked_sort3A_742, %while3A_695 : vector<16xi1>, vector<16xf32>
          %select_n3A_746 = arith.select %lt3A_744, %masked_sort3A_743, %while3A_699 : vector<16xi1>, vector<16xi32>
          %masked_sort3A_747 = arith.constant dense<true> : vector<16xi1>
          %masked_sort3A_748, %masked_sort3A_749, %masked_sort3A_750 = tpu.sort %select_n3A_745, %select_n3A_746 masked %masked_sort3A_747 : (vector<16xf32>, vector<16xi32>, vector<16xi1>) -> (vector<16xi1>, vector<16xf32>, vector<16xi32>)
          %sub3A_751 = arith.subf %get3A_709, %gather3A_481 : vector<16xf32>
          %sub3A_752 = arith.subf %get3A_711, %gather3A_485 : vector<16xf32>
          %sub3A_753 = arith.subf %get3A_713, %gather3A_489 : vector<16xf32>
          %mul3A_754 = arith.mulf %sub3A_751, %sub3A_751 : vector<16xf32>
          %mul3A_755 = arith.mulf %sub3A_752, %sub3A_752 : vector<16xf32>
          %add3A_756 = arith.addf %mul3A_754, %mul3A_755 : vector<16xf32>
          %mul3A_757 = arith.mulf %sub3A_753, %sub3A_753 : vector<16xf32>
          %add3A_758 = arith.addf %add3A_756, %mul3A_757 : vector<16xf32>
          %masked_sort3A_759 = arith.constant dense<true> : vector<16xi1>
          %masked_sort3A_760, %masked_sort3A_761, %masked_sort3A_762 = tpu.sort %add3A_758, %add3A_706 masked %masked_sort3A_759 {descending = true} : (vector<16xf32>, vector<16xi32>, vector<16xi1>) -> (vector<16xi1>, vector<16xf32>, vector<16xi32>)
          %lt3A_763 = arith.cmpf olt, %masked_sort3A_761, %while3A_696 : vector<16xf32>
          %select_n3A_764 = arith.select %lt3A_763, %masked_sort3A_761, %while3A_696 : vector<16xi1>, vector<16xf32>
          %select_n3A_765 = arith.select %lt3A_763, %masked_sort3A_762, %while3A_700 : vector<16xi1>, vector<16xi32>
          %masked_sort3A_766 = arith.constant dense<true> : vector<16xi1>
          %masked_sort3A_767, %masked_sort3A_768, %masked_sort3A_769 = tpu.sort %select_n3A_764, %select_n3A_765 masked %masked_sort3A_766 : (vector<16xf32>, vector<16xi32>, vector<16xi1>) -> (vector<16xi1>, vector<16xf32>, vector<16xi32>)
          %sub3A_770 = arith.subf %get3A_709, %gather3A_482 : vector<16xf32>
          %sub3A_771 = arith.subf %get3A_711, %gather3A_486 : vector<16xf32>
          %sub3A_772 = arith.subf %get3A_713, %gather3A_490 : vector<16xf32>
          %mul3A_773 = arith.mulf %sub3A_770, %sub3A_770 : vector<16xf32>
          %mul3A_774 = arith.mulf %sub3A_771, %sub3A_771 : vector<16xf32>
          %add3A_775 = arith.addf %mul3A_773, %mul3A_774 : vector<16xf32>
          %mul3A_776 = arith.mulf %sub3A_772, %sub3A_772 : vector<16xf32>
          %add3A_777 = arith.addf %add3A_775, %mul3A_776 : vector<16xf32>
          %masked_sort3A_778 = arith.constant dense<true> : vector<16xi1>
          %masked_sort3A_779, %masked_sort3A_780, %masked_sort3A_781 = tpu.sort %add3A_777, %add3A_706 masked %masked_sort3A_778 {descending = true} : (vector<16xf32>, vector<16xi32>, vector<16xi1>) -> (vector<16xi1>, vector<16xf32>, vector<16xi32>)
          %lt3A_782 = arith.cmpf olt, %masked_sort3A_780, %while3A_697 : vector<16xf32>
          %select_n3A_783 = arith.select %lt3A_782, %masked_sort3A_780, %while3A_697 : vector<16xi1>, vector<16xf32>
          %select_n3A_784 = arith.select %lt3A_782, %masked_sort3A_781, %while3A_701 : vector<16xi1>, vector<16xi32>
          %masked_sort3A_785 = arith.constant dense<true> : vector<16xi1>
          %masked_sort3A_786, %masked_sort3A_787, %masked_sort3A_788 = tpu.sort %select_n3A_783, %select_n3A_784 masked %masked_sort3A_785 : (vector<16xf32>, vector<16xi32>, vector<16xi1>) -> (vector<16xi1>, vector<16xf32>, vector<16xi32>)
          scf.yield %masked_sort3A_730, %masked_sort3A_749, %masked_sort3A_768, %masked_sort3A_787, %masked_sort3A_731, %masked_sort3A_750, %masked_sort3A_769, %masked_sort3A_788 : vector<16xf32>, vector<16xf32>, vector<16xf32>, vector<16xf32>, vector<16xi32>, vector<16xi32>, vector<16xi32>, vector<16xi32>
        }
        %while3A_616 = arith.constant 1 : i32
        %while3A_617:8 = scf.for %while3A_693 = %while3A_613 to %while3A_609 step %while3A_616 iter_args(%while3A_694 = %while3A_615#0, %while3A_695 = %while3A_615#1, %while3A_696 = %while3A_615#2, %while3A_697 = %while3A_615#3, %while3A_698 = %while3A_615#4, %while3A_699 = %while3A_615#5, %while3A_700 = %while3A_615#6, %while3A_701 = %while3A_615#7) -> (vector<16xf32>, vector<16xf32>, vector<16xf32>, vector<16xf32>, vector<16xi32>, vector<16xi32>, vector<16xi32>, vector<16xi32>)  : i32 {
          %mul3A_702 = arith.constant 16 : i32
          %mul3A_703 = arith.muli %while3A_693, %mul3A_702 : i32
          %add3A_704 = arith.addi %max3A, %mul3A_703 : i32
          %add3A_705 = vector.broadcast %add3A_704 : i32 to vector<16xi32>
          %add3A_706 = arith.addi %iota3A, %add3A_705 : vector<16xi32>
          %sub3A_707 = arith.subi %add3A_704, %multiple_of3A_412 : i32
          %get3A_708 = arith.index_cast %sub3A_707 : i32 to index
          %get3A_709 = tpu.vector_load %arg28[%get3A_708] {strides = array<i32>} : memref<2048xf32, #tpu.memory_space<vmem>>, vector<16xf32>,
          %get3A_710 = arith.index_cast %sub3A_707 : i32 to index
          %get3A_711 = tpu.vector_load %arg29[%get3A_710] {strides = array<i32>} : memref<2048xf32, #tpu.memory_space<vmem>>, vector<16xf32>,
          %get3A_712 = arith.index_cast %sub3A_707 : i32 to index
          %get3A_713 = tpu.vector_load %arg30[%get3A_712] {strides = array<i32>} : memref<2048xf32, #tpu.memory_space<vmem>>, vector<16xf32>,
          %sub3A_714 = arith.subf %get3A_709, %gather3A_479 : vector<16xf32>
          %sub3A_715 = arith.subf %get3A_711, %gather3A_483 : vector<16xf32>
          %sub3A_716 = arith.subf %get3A_713, %gather3A_487 : vector<16xf32>
          %mul3A_717 = arith.mulf %sub3A_714, %sub3A_714 : vector<16xf32>
          %mul3A_718 = arith.mulf %sub3A_715, %sub3A_715 : vector<16xf32>
          %add3A_719 = arith.addf %mul3A_717, %mul3A_718 : vector<16xf32>
          %mul3A_720 = arith.mulf %sub3A_716, %sub3A_716 : vector<16xf32>
          %add3A_721 = arith.addf %add3A_719, %mul3A_720 : vector<16xf32>
          %masked_sort3A = arith.constant dense<true> : vector<16xi1>
          %masked_sort3A_722, %masked_sort3A_723, %masked_sort3A_724 = tpu.sort %add3A_721, %add3A_706 masked %masked_sort3A {descending = true} : (vector<16xf32>, vector<16xi32>, vector<16xi1>) -> (vector<16xi1>, vector<16xf32>, vector<16xi32>)
          %lt3A_725 = arith.cmpf olt, %masked_sort3A_723, %while3A_694 : vector<16xf32>
          %select_n3A_726 = arith.select %lt3A_725, %masked_sort3A_723, %while3A_694 : vector<16xi1>, vector<16xf32>
          %select_n3A_727 = arith.select %lt3A_725, %masked_sort3A_724, %while3A_698 : vector<16xi1>, vector<16xi32>
          %masked_sort3A_728 = arith.constant dense<true> : vector<16xi1>
          %masked_sort3A_729, %masked_sort3A_730, %masked_sort3A_731 = tpu.sort %select_n3A_726, %select_n3A_727 masked %masked_sort3A_728 : (vector<16xf32>, vector<16xi32>, vector<16xi1>) -> (vector<16xi1>, vector<16xf32>, vector<16xi32>)
          %sub3A_732 = arith.subf %get3A_709, %gather3A_480 : vector<16xf32>
          %sub3A_733 = arith.subf %get3A_711, %gather3A_484 : vector<16xf32>
          %sub3A_734 = arith.subf %get3A_713, %gather3A_488 : vector<16xf32>
          %mul3A_735 = arith.mulf %sub3A_732, %sub3A_732 : vector<16xf32>
          %mul3A_736 = arith.mulf %sub3A_733, %sub3A_733 : vector<16xf32>
          %add3A_737 = arith.addf %mul3A_735, %mul3A_736 : vector<16xf32>
          %mul3A_738 = arith.mulf %sub3A_734, %sub3A_734 : vector<16xf32>
          %add3A_739 = arith.addf %add3A_737, %mul3A_738 : vector<16xf32>
          %masked_sort3A_740 = arith.constant dense<true> : vector<16xi1>
          %masked_sort3A_741, %masked_sort3A_742, %masked_sort3A_743 = tpu.sort %add3A_739, %add3A_706 masked %masked_sort3A_740 {descending = true} : (vector<16xf32>, vector<16xi32>, vector<16xi1>) -> (vector<16xi1>, vector<16xf32>, vector<16xi32>)
          %lt3A_744 = arith.cmpf olt, %masked_sort3A_742, %while3A_695 : vector<16xf32>
          %select_n3A_745 = arith.select %lt3A_744, %masked_sort3A_742, %while3A_695 : vector<16xi1>, vector<16xf32>
          %select_n3A_746 = arith.select %lt3A_744, %masked_sort3A_743, %while3A_699 : vector<16xi1>, vector<16xi32>
          %masked_sort3A_747 = arith.constant dense<true> : vector<16xi1>
          %masked_sort3A_748, %masked_sort3A_749, %masked_sort3A_750 = tpu.sort %select_n3A_745, %select_n3A_746 masked %masked_sort3A_747 : (vector<16xf32>, vector<16xi32>, vector<16xi1>) -> (vector<16xi1>, vector<16xf32>, vector<16xi32>)
          %sub3A_751 = arith.subf %get3A_709, %gather3A_481 : vector<16xf32>
          %sub3A_752 = arith.subf %get3A_711, %gather3A_485 : vector<16xf32>
          %sub3A_753 = arith.subf %get3A_713, %gather3A_489 : vector<16xf32>
          %mul3A_754 = arith.mulf %sub3A_751, %sub3A_751 : vector<16xf32>
          %mul3A_755 = arith.mulf %sub3A_752, %sub3A_752 : vector<16xf32>
          %add3A_756 = arith.addf %mul3A_754, %mul3A_755 : vector<16xf32>
          %mul3A_757 = arith.mulf %sub3A_753, %sub3A_753 : vector<16xf32>
          %add3A_758 = arith.addf %add3A_756, %mul3A_757 : vector<16xf32>
          %masked_sort3A_759 = arith.constant dense<true> : vector<16xi1>
          %masked_sort3A_760, %masked_sort3A_761, %masked_sort3A_762 = tpu.sort %add3A_758, %add3A_706 masked %masked_sort3A_759 {descending = true} : (vector<16xf32>, vector<16xi32>, vector<16xi1>) -> (vector<16xi1>, vector<16xf32>, vector<16xi32>)
          %lt3A_763 = arith.cmpf olt, %masked_sort3A_761, %while3A_696 : vector<16xf32>
          %select_n3A_764 = arith.select %lt3A_763, %masked_sort3A_761, %while3A_696 : vector<16xi1>, vector<16xf32>
          %select_n3A_765 = arith.select %lt3A_763, %masked_sort3A_762, %while3A_700 : vector<16xi1>, vector<16xi32>
          %masked_sort3A_766 = arith.constant dense<true> : vector<16xi1>
          %masked_sort3A_767, %masked_sort3A_768, %masked_sort3A_769 = tpu.sort %select_n3A_764, %select_n3A_765 masked %masked_sort3A_766 : (vector<16xf32>, vector<16xi32>, vector<16xi1>) -> (vector<16xi1>, vector<16xf32>, vector<16xi32>)
          %sub3A_770 = arith.subf %get3A_709, %gather3A_482 : vector<16xf32>
          %sub3A_771 = arith.subf %get3A_711, %gather3A_486 : vector<16xf32>
          %sub3A_772 = arith.subf %get3A_713, %gather3A_490 : vector<16xf32>
          %mul3A_773 = arith.mulf %sub3A_770, %sub3A_770 : vector<16xf32>
          %mul3A_774 = arith.mulf %sub3A_771, %sub3A_771 : vector<16xf32>
          %add3A_775 = arith.addf %mul3A_773, %mul3A_774 : vector<16xf32>
          %mul3A_776 = arith.mulf %sub3A_772, %sub3A_772 : vector<16xf32>
          %add3A_777 = arith.addf %add3A_775, %mul3A_776 : vector<16xf32>
          %masked_sort3A_778 = arith.constant dense<true> : vector<16xi1>
          %masked_sort3A_779, %masked_sort3A_780, %masked_sort3A_781 = tpu.sort %add3A_777, %add3A_706 masked %masked_sort3A_778 {descending = true} : (vector<16xf32>, vector<16xi32>, vector<16xi1>) -> (vector<16xi1>, vector<16xf32>, vector<16xi32>)
          %lt3A_782 = arith.cmpf olt, %masked_sort3A_780, %while3A_697 : vector<16xf32>
          %select_n3A_783 = arith.select %lt3A_782, %masked_sort3A_780, %while3A_697 : vector<16xi1>, vector<16xf32>
          %select_n3A_784 = arith.select %lt3A_782, %masked_sort3A_781, %while3A_701 : vector<16xi1>, vector<16xi32>
          %masked_sort3A_785 = arith.constant dense<true> : vector<16xi1>
          %masked_sort3A_786, %masked_sort3A_787, %masked_sort3A_788 = tpu.sort %select_n3A_783, %select_n3A_784 masked %masked_sort3A_785 : (vector<16xf32>, vector<16xi32>, vector<16xi1>) -> (vector<16xi1>, vector<16xf32>, vector<16xi32>)
          scf.yield %masked_sort3A_730, %masked_sort3A_749, %masked_sort3A_768, %masked_sort3A_787, %masked_sort3A_731, %masked_sort3A_750, %masked_sort3A_769, %masked_sort3A_788 : vector<16xf32>, vector<16xf32>, vector<16xf32>, vector<16xf32>, vector<16xi32>, vector<16xi32>, vector<16xi32>, vector<16xi32>
        }
        %while3A_618 = arith.subi %shift_right_arithmetic3A_504, %min3A_533 : i32
        %while3A_619 = arith.addi %min3A_533, %while3A_618 : i32
        %while3A_620 = arith.constant 1 : i32
        %while3A_621 = arith.divsi %while3A_618, %while3A_620 : i32
        %while3A_622 = arith.muli %while3A_621, %while3A_620 : i32
        %while3A_623 = arith.addi %min3A_533, %while3A_622 : i32
        %while3A_624 = arith.constant 1 : i32
        %while3A_625:8 = scf.for %while3A_693 = %min3A_533 to %while3A_623 step %while3A_624 iter_args(%while3A_694 = %while3A_617#0, %while3A_695 = %while3A_617#1, %while3A_696 = %while3A_617#2, %while3A_697 = %while3A_617#3, %while3A_698 = %while3A_617#4, %while3A_699 = %while3A_617#5, %while3A_700 = %while3A_617#6, %while3A_701 = %while3A_617#7) -> (vector<16xf32>, vector<16xf32>, vector<16xf32>, vector<16xf32>, vector<16xi32>, vector<16xi32>, vector<16xi32>, vector<16xi32>)  : i32 {
          %mul3A_702 = arith.constant 16 : i32
          %mul3A_703 = arith.muli %while3A_693, %mul3A_702 : i32
          %add3A_704 = arith.addi %max3A, %mul3A_703 : i32
          %add3A_705 = vector.broadcast %add3A_704 : i32 to vector<16xi32>
          %add3A_706 = arith.addi %iota3A, %add3A_705 : vector<16xi32>
          %sub3A_707 = arith.subi %add3A_704, %multiple_of3A_412 : i32
          %get3A_708 = arith.index_cast %sub3A_707 : i32 to index
          %get3A_709 = tpu.vector_load %arg28[%get3A_708] {strides = array<i32>} : memref<2048xf32, #tpu.memory_space<vmem>>, vector<16xf32>,
          %get3A_710 = arith.index_cast %sub3A_707 : i32 to index
          %get3A_711 = tpu.vector_load %arg29[%get3A_710] {strides = array<i32>} : memref<2048xf32, #tpu.memory_space<vmem>>, vector<16xf32>,
          %get3A_712 = arith.index_cast %sub3A_707 : i32 to index
          %get3A_713 = tpu.vector_load %arg30[%get3A_712] {strides = array<i32>} : memref<2048xf32, #tpu.memory_space<vmem>>, vector<16xf32>,
          %sub3A_714 = arith.subf %get3A_709, %gather3A_479 : vector<16xf32>
          %sub3A_715 = arith.subf %get3A_711, %gather3A_483 : vector<16xf32>
          %sub3A_716 = arith.subf %get3A_713, %gather3A_487 : vector<16xf32>
          %mul3A_717 = arith.mulf %sub3A_714, %sub3A_714 : vector<16xf32>
          %mul3A_718 = arith.mulf %sub3A_715, %sub3A_715 : vector<16xf32>
          %add3A_719 = arith.addf %mul3A_717, %mul3A_718 : vector<16xf32>
          %mul3A_720 = arith.mulf %sub3A_716, %sub3A_716 : vector<16xf32>
          %add3A_721 = arith.addf %add3A_719, %mul3A_720 : vector<16xf32>
          %ge3A = arith.cmpi sge, %add3A_706, %gather3A_459 : vector<16xi32>
          %lt3A_722 = arith.cmpi slt, %add3A_706, %gather3A_466 : vector<16xi32>
          %and3A_723 = arith.andi %ge3A, %lt3A_722 : vector<16xi1>
          %jit3A = arith.constant 0x7F800000 : f32
          %broadcast_in_dim3A_724 = vector.broadcast %jit3A : f32 to vector<16xf32>
          %select_n3A_725 = arith.select %and3A_723, %add3A_721, %broadcast_in_dim3A_724 : vector<16xi1>, vector<16xf32>
          %masked_sort3A = arith.constant dense<true> : vector<16xi1>
          %masked_sort3A_726, %masked_sort3A_727, %masked_sort3A_728 = tpu.sort %select_n3A_725, %add3A_706 masked %masked_sort3A {descending = true} : (vector<16xf32>, vector<16xi32>, vector<16xi1>) -> (vector<16xi1>, vector<16xf32>, vector<16xi32>)
          %lt3A_729 = arith.cmpf olt, %masked_sort3A_727, %while3A_694 : vector<16xf32>
          %select_n3A_730 = arith.select %lt3A_729, %masked_sort3A_727, %while3A_694 : vector<16xi1>, vector<16xf32>
          %select_n3A_731 = arith.select %lt3A_729, %masked_sort3A_728, %while3A_698 : vector<16xi1>, vector<16xi32>
          %masked_sort3A_732 = arith.constant dense<true> : vector<16xi1>
          %masked_sort3A_733, %masked_sort3A_734, %masked_sort3A_735 = tpu.sort %select_n3A_730, %select_n3A_731 masked %masked_sort3A_732 : (vector<16xf32>, vector<16xi32>, vector<16xi1>) -> (vector<16xi1>, vector<16xf32>, vector<16xi32>)
          %sub3A_736 = arith.subf %get3A_709, %gather3A_480 : vector<16xf32>
          %sub3A_737 = arith.subf %get3A_711, %gather3A_484 : vector<16xf32>
          %sub3A_738 = arith.subf %get3A_713, %gather3A_488 : vector<16xf32>
          %mul3A_739 = arith.mulf %sub3A_736, %sub3A_736 : vector<16xf32>
          %mul3A_740 = arith.mulf %sub3A_737, %sub3A_737 : vector<16xf32>
          %add3A_741 = arith.addf %mul3A_739, %mul3A_740 : vector<16xf32>
          %mul3A_742 = arith.mulf %sub3A_738, %sub3A_738 : vector<16xf32>
          %add3A_743 = arith.addf %add3A_741, %mul3A_742 : vector<16xf32>
          %ge3A_744 = arith.cmpi sge, %add3A_706, %gather3A_460 : vector<16xi32>
          %lt3A_745 = arith.cmpi slt, %add3A_706, %gather3A_470 : vector<16xi32>
          %and3A_746 = arith.andi %ge3A_744, %lt3A_745 : vector<16xi1>
          %jit3A_747 = arith.constant 0x7F800000 : f32
          %broadcast_in_dim3A_748 = vector.broadcast %jit3A_747 : f32 to vector<16xf32>
          %select_n3A_749 = arith.select %and3A_746, %add3A_743, %broadcast_in_dim3A_748 : vector<16xi1>, vector<16xf32>
          %masked_sort3A_750 = arith.constant dense<true> : vector<16xi1>
          %masked_sort3A_751, %masked_sort3A_752, %masked_sort3A_753 = tpu.sort %select_n3A_749, %add3A_706 masked %masked_sort3A_750 {descending = true} : (vector<16xf32>, vector<16xi32>, vector<16xi1>) -> (vector<16xi1>, vector<16xf32>, vector<16xi32>)
          %lt3A_754 = arith.cmpf olt, %masked_sort3A_752, %while3A_695 : vector<16xf32>
          %select_n3A_755 = arith.select %lt3A_754, %masked_sort3A_752, %while3A_695 : vector<16xi1>, vector<16xf32>
          %select_n3A_756 = arith.select %lt3A_754, %masked_sort3A_753, %while3A_699 : vector<16xi1>, vector<16xi32>
          %masked_sort3A_757 = arith.constant dense<true> : vector<16xi1>
          %masked_sort3A_758, %masked_sort3A_759, %masked_sort3A_760 = tpu.sort %select_n3A_755, %select_n3A_756 masked %masked_sort3A_757 : (vector<16xf32>, vector<16xi32>, vector<16xi1>) -> (vector<16xi1>, vector<16xf32>, vector<16xi32>)
          %sub3A_761 = arith.subf %get3A_709, %gather3A_481 : vector<16xf32>
          %sub3A_762 = arith.subf %get3A_711, %gather3A_485 : vector<16xf32>
          %sub3A_763 = arith.subf %get3A_713, %gather3A_489 : vector<16xf32>
          %mul3A_764 = arith.mulf %sub3A_761, %sub3A_761 : vector<16xf32>
          %mul3A_765 = arith.mulf %sub3A_762, %sub3A_762 : vector<16xf32>
          %add3A_766 = arith.addf %mul3A_764, %mul3A_765 : vector<16xf32>
          %mul3A_767 = arith.mulf %sub3A_763, %sub3A_763 : vector<16xf32>
          %add3A_768 = arith.addf %add3A_766, %mul3A_767 : vector<16xf32>
          %ge3A_769 = arith.cmpi sge, %add3A_706, %gather3A_461 : vector<16xi32>
          %lt3A_770 = arith.cmpi slt, %add3A_706, %gather3A_474 : vector<16xi32>
          %and3A_771 = arith.andi %ge3A_769, %lt3A_770 : vector<16xi1>
          %jit3A_772 = arith.constant 0x7F800000 : f32
          %broadcast_in_dim3A_773 = vector.broadcast %jit3A_772 : f32 to vector<16xf32>
          %select_n3A_774 = arith.select %and3A_771, %add3A_768, %broadcast_in_dim3A_773 : vector<16xi1>, vector<16xf32>
          %masked_sort3A_775 = arith.constant dense<true> : vector<16xi1>
          %masked_sort3A_776, %masked_sort3A_777, %masked_sort3A_778 = tpu.sort %select_n3A_774, %add3A_706 masked %masked_sort3A_775 {descending = true} : (vector<16xf32>, vector<16xi32>, vector<16xi1>) -> (vector<16xi1>, vector<16xf32>, vector<16xi32>)
          %lt3A_779 = arith.cmpf olt, %masked_sort3A_777, %while3A_696 : vector<16xf32>
          %select_n3A_780 = arith.select %lt3A_779, %masked_sort3A_777, %while3A_696 : vector<16xi1>, vector<16xf32>
          %select_n3A_781 = arith.select %lt3A_779, %masked_sort3A_778, %while3A_700 : vector<16xi1>, vector<16xi32>
          %masked_sort3A_782 = arith.constant dense<true> : vector<16xi1>
          %masked_sort3A_783, %masked_sort3A_784, %masked_sort3A_785 = tpu.sort %select_n3A_780, %select_n3A_781 masked %masked_sort3A_782 : (vector<16xf32>, vector<16xi32>, vector<16xi1>) -> (vector<16xi1>, vector<16xf32>, vector<16xi32>)
          %sub3A_786 = arith.subf %get3A_709, %gather3A_482 : vector<16xf32>
          %sub3A_787 = arith.subf %get3A_711, %gather3A_486 : vector<16xf32>
          %sub3A_788 = arith.subf %get3A_713, %gather3A_490 : vector<16xf32>
          %mul3A_789 = arith.mulf %sub3A_786, %sub3A_786 : vector<16xf32>
          %mul3A_790 = arith.mulf %sub3A_787, %sub3A_787 : vector<16xf32>
          %add3A_791 = arith.addf %mul3A_789, %mul3A_790 : vector<16xf32>
          %mul3A_792 = arith.mulf %sub3A_788, %sub3A_788 : vector<16xf32>
          %add3A_793 = arith.addf %add3A_791, %mul3A_792 : vector<16xf32>
          %ge3A_794 = arith.cmpi sge, %add3A_706, %gather3A_462 : vector<16xi32>
          %lt3A_795 = arith.cmpi slt, %add3A_706, %gather3A_478 : vector<16xi32>
          %and3A_796 = arith.andi %ge3A_794, %lt3A_795 : vector<16xi1>
          %jit3A_797 = arith.constant 0x7F800000 : f32
          %broadcast_in_dim3A_798 = vector.broadcast %jit3A_797 : f32 to vector<16xf32>
          %select_n3A_799 = arith.select %and3A_796, %add3A_793, %broadcast_in_dim3A_798 : vector<16xi1>, vector<16xf32>
          %masked_sort3A_800 = arith.constant dense<true> : vector<16xi1>
          %masked_sort3A_801, %masked_sort3A_802, %masked_sort3A_803 = tpu.sort %select_n3A_799, %add3A_706 masked %masked_sort3A_800 {descending = true} : (vector<16xf32>, vector<16xi32>, vector<16xi1>) -> (vector<16xi1>, vector<16xf32>, vector<16xi32>)
          %lt3A_804 = arith.cmpf olt, %masked_sort3A_802, %while3A_697 : vector<16xf32>
          %select_n3A_805 = arith.select %lt3A_804, %masked_sort3A_802, %while3A_697 : vector<16xi1>, vector<16xf32>
          %select_n3A_806 = arith.select %lt3A_804, %masked_sort3A_803, %while3A_701 : vector<16xi1>, vector<16xi32>
          %masked_sort3A_807 = arith.constant dense<true> : vector<16xi1>
          %masked_sort3A_808, %masked_sort3A_809, %masked_sort3A_810 = tpu.sort %select_n3A_805, %select_n3A_806 masked %masked_sort3A_807 : (vector<16xf32>, vector<16xi32>, vector<16xi1>) -> (vector<16xi1>, vector<16xf32>, vector<16xi32>)
          scf.yield %masked_sort3A_734, %masked_sort3A_759, %masked_sort3A_784, %masked_sort3A_809, %masked_sort3A_735, %masked_sort3A_760, %masked_sort3A_785, %masked_sort3A_810 : vector<16xf32>, vector<16xf32>, vector<16xf32>, vector<16xf32>, vector<16xi32>, vector<16xi32>, vector<16xi32>, vector<16xi32>
        }
        %while3A_626 = arith.constant 1 : i32
        %while3A_627:8 = scf.for %while3A_693 = %while3A_623 to %while3A_619 step %while3A_626 iter_args(%while3A_694 = %while3A_625#0, %while3A_695 = %while3A_625#1, %while3A_696 = %while3A_625#2, %while3A_697 = %while3A_625#3, %while3A_698 = %while3A_625#4, %while3A_699 = %while3A_625#5, %while3A_700 = %while3A_625#6, %while3A_701 = %while3A_625#7) -> (vector<16xf32>, vector<16xf32>, vector<16xf32>, vector<16xf32>, vector<16xi32>, vector<16xi32>, vector<16xi32>, vector<16xi32>)  : i32 {
          %mul3A_702 = arith.constant 16 : i32
          %mul3A_703 = arith.muli %while3A_693, %mul3A_702 : i32
          %add3A_704 = arith.addi %max3A, %mul3A_703 : i32
          %add3A_705 = vector.broadcast %add3A_704 : i32 to vector<16xi32>
          %add3A_706 = arith.addi %iota3A, %add3A_705 : vector<16xi32>
          %sub3A_707 = arith.subi %add3A_704, %multiple_of3A_412 : i32
          %get3A_708 = arith.index_cast %sub3A_707 : i32 to index
          %get3A_709 = tpu.vector_load %arg28[%get3A_708] {strides = array<i32>} : memref<2048xf32, #tpu.memory_space<vmem>>, vector<16xf32>,
          %get3A_710 = arith.index_cast %sub3A_707 : i32 to index
          %get3A_711 = tpu.vector_load %arg29[%get3A_710] {strides = array<i32>} : memref<2048xf32, #tpu.memory_space<vmem>>, vector<16xf32>,
          %get3A_712 = arith.index_cast %sub3A_707 : i32 to index
          %get3A_713 = tpu.vector_load %arg30[%get3A_712] {strides = array<i32>} : memref<2048xf32, #tpu.memory_space<vmem>>, vector<16xf32>,
          %sub3A_714 = arith.subf %get3A_709, %gather3A_479 : vector<16xf32>
          %sub3A_715 = arith.subf %get3A_711, %gather3A_483 : vector<16xf32>
          %sub3A_716 = arith.subf %get3A_713, %gather3A_487 : vector<16xf32>
          %mul3A_717 = arith.mulf %sub3A_714, %sub3A_714 : vector<16xf32>
          %mul3A_718 = arith.mulf %sub3A_715, %sub3A_715 : vector<16xf32>
          %add3A_719 = arith.addf %mul3A_717, %mul3A_718 : vector<16xf32>
          %mul3A_720 = arith.mulf %sub3A_716, %sub3A_716 : vector<16xf32>
          %add3A_721 = arith.addf %add3A_719, %mul3A_720 : vector<16xf32>
          %ge3A = arith.cmpi sge, %add3A_706, %gather3A_459 : vector<16xi32>
          %lt3A_722 = arith.cmpi slt, %add3A_706, %gather3A_466 : vector<16xi32>
          %and3A_723 = arith.andi %ge3A, %lt3A_722 : vector<16xi1>
          %jit3A = arith.constant 0x7F800000 : f32
          %broadcast_in_dim3A_724 = vector.broadcast %jit3A : f32 to vector<16xf32>
          %select_n3A_725 = arith.select %and3A_723, %add3A_721, %broadcast_in_dim3A_724 : vector<16xi1>, vector<16xf32>
          %masked_sort3A = arith.constant dense<true> : vector<16xi1>
          %masked_sort3A_726, %masked_sort3A_727, %masked_sort3A_728 = tpu.sort %select_n3A_725, %add3A_706 masked %masked_sort3A {descending = true} : (vector<16xf32>, vector<16xi32>, vector<16xi1>) -> (vector<16xi1>, vector<16xf32>, vector<16xi32>)
          %lt3A_729 = arith.cmpf olt, %masked_sort3A_727, %while3A_694 : vector<16xf32>
          %select_n3A_730 = arith.select %lt3A_729, %masked_sort3A_727, %while3A_694 : vector<16xi1>, vector<16xf32>
          %select_n3A_731 = arith.select %lt3A_729, %masked_sort3A_728, %while3A_698 : vector<16xi1>, vector<16xi32>
          %masked_sort3A_732 = arith.constant dense<true> : vector<16xi1>
          %masked_sort3A_733, %masked_sort3A_734, %masked_sort3A_735 = tpu.sort %select_n3A_730, %select_n3A_731 masked %masked_sort3A_732 : (vector<16xf32>, vector<16xi32>, vector<16xi1>) -> (vector<16xi1>, vector<16xf32>, vector<16xi32>)
          %sub3A_736 = arith.subf %get3A_709, %gather3A_480 : vector<16xf32>
          %sub3A_737 = arith.subf %get3A_711, %gather3A_484 : vector<16xf32>
          %sub3A_738 = arith.subf %get3A_713, %gather3A_488 : vector<16xf32>
          %mul3A_739 = arith.mulf %sub3A_736, %sub3A_736 : vector<16xf32>
          %mul3A_740 = arith.mulf %sub3A_737, %sub3A_737 : vector<16xf32>
          %add3A_741 = arith.addf %mul3A_739, %mul3A_740 : vector<16xf32>
          %mul3A_742 = arith.mulf %sub3A_738, %sub3A_738 : vector<16xf32>
          %add3A_743 = arith.addf %add3A_741, %mul3A_742 : vector<16xf32>
          %ge3A_744 = arith.cmpi sge, %add3A_706, %gather3A_460 : vector<16xi32>
          %lt3A_745 = arith.cmpi slt, %add3A_706, %gather3A_470 : vector<16xi32>
          %and3A_746 = arith.andi %ge3A_744, %lt3A_745 : vector<16xi1>
          %jit3A_747 = arith.constant 0x7F800000 : f32
          %broadcast_in_dim3A_748 = vector.broadcast %jit3A_747 : f32 to vector<16xf32>
          %select_n3A_749 = arith.select %and3A_746, %add3A_743, %broadcast_in_dim3A_748 : vector<16xi1>, vector<16xf32>
          %masked_sort3A_750 = arith.constant dense<true> : vector<16xi1>
          %masked_sort3A_751, %masked_sort3A_752, %masked_sort3A_753 = tpu.sort %select_n3A_749, %add3A_706 masked %masked_sort3A_750 {descending = true} : (vector<16xf32>, vector<16xi32>, vector<16xi1>) -> (vector<16xi1>, vector<16xf32>, vector<16xi32>)
          %lt3A_754 = arith.cmpf olt, %masked_sort3A_752, %while3A_695 : vector<16xf32>
          %select_n3A_755 = arith.select %lt3A_754, %masked_sort3A_752, %while3A_695 : vector<16xi1>, vector<16xf32>
          %select_n3A_756 = arith.select %lt3A_754, %masked_sort3A_753, %while3A_699 : vector<16xi1>, vector<16xi32>
          %masked_sort3A_757 = arith.constant dense<true> : vector<16xi1>
          %masked_sort3A_758, %masked_sort3A_759, %masked_sort3A_760 = tpu.sort %select_n3A_755, %select_n3A_756 masked %masked_sort3A_757 : (vector<16xf32>, vector<16xi32>, vector<16xi1>) -> (vector<16xi1>, vector<16xf32>, vector<16xi32>)
          %sub3A_761 = arith.subf %get3A_709, %gather3A_481 : vector<16xf32>
          %sub3A_762 = arith.subf %get3A_711, %gather3A_485 : vector<16xf32>
          %sub3A_763 = arith.subf %get3A_713, %gather3A_489 : vector<16xf32>
          %mul3A_764 = arith.mulf %sub3A_761, %sub3A_761 : vector<16xf32>
          %mul3A_765 = arith.mulf %sub3A_762, %sub3A_762 : vector<16xf32>
          %add3A_766 = arith.addf %mul3A_764, %mul3A_765 : vector<16xf32>
          %mul3A_767 = arith.mulf %sub3A_763, %sub3A_763 : vector<16xf32>
          %add3A_768 = arith.addf %add3A_766, %mul3A_767 : vector<16xf32>
          %ge3A_769 = arith.cmpi sge, %add3A_706, %gather3A_461 : vector<16xi32>
          %lt3A_770 = arith.cmpi slt, %add3A_706, %gather3A_474 : vector<16xi32>
          %and3A_771 = arith.andi %ge3A_769, %lt3A_770 : vector<16xi1>
          %jit3A_772 = arith.constant 0x7F800000 : f32
          %broadcast_in_dim3A_773 = vector.broadcast %jit3A_772 : f32 to vector<16xf32>
          %select_n3A_774 = arith.select %and3A_771, %add3A_768, %broadcast_in_dim3A_773 : vector<16xi1>, vector<16xf32>
          %masked_sort3A_775 = arith.constant dense<true> : vector<16xi1>
          %masked_sort3A_776, %masked_sort3A_777, %masked_sort3A_778 = tpu.sort %select_n3A_774, %add3A_706 masked %masked_sort3A_775 {descending = true} : (vector<16xf32>, vector<16xi32>, vector<16xi1>) -> (vector<16xi1>, vector<16xf32>, vector<16xi32>)
          %lt3A_779 = arith.cmpf olt, %masked_sort3A_777, %while3A_696 : vector<16xf32>
          %select_n3A_780 = arith.select %lt3A_779, %masked_sort3A_777, %while3A_696 : vector<16xi1>, vector<16xf32>
          %select_n3A_781 = arith.select %lt3A_779, %masked_sort3A_778, %while3A_700 : vector<16xi1>, vector<16xi32>
          %masked_sort3A_782 = arith.constant dense<true> : vector<16xi1>
          %masked_sort3A_783, %masked_sort3A_784, %masked_sort3A_785 = tpu.sort %select_n3A_780, %select_n3A_781 masked %masked_sort3A_782 : (vector<16xf32>, vector<16xi32>, vector<16xi1>) -> (vector<16xi1>, vector<16xf32>, vector<16xi32>)
          %sub3A_786 = arith.subf %get3A_709, %gather3A_482 : vector<16xf32>
          %sub3A_787 = arith.subf %get3A_711, %gather3A_486 : vector<16xf32>
          %sub3A_788 = arith.subf %get3A_713, %gather3A_490 : vector<16xf32>
          %mul3A_789 = arith.mulf %sub3A_786, %sub3A_786 : vector<16xf32>
          %mul3A_790 = arith.mulf %sub3A_787, %sub3A_787 : vector<16xf32>
          %add3A_791 = arith.addf %mul3A_789, %mul3A_790 : vector<16xf32>
          %mul3A_792 = arith.mulf %sub3A_788, %sub3A_788 : vector<16xf32>
          %add3A_793 = arith.addf %add3A_791, %mul3A_792 : vector<16xf32>
          %ge3A_794 = arith.cmpi sge, %add3A_706, %gather3A_462 : vector<16xi32>
          %lt3A_795 = arith.cmpi slt, %add3A_706, %gather3A_478 : vector<16xi32>
          %and3A_796 = arith.andi %ge3A_794, %lt3A_795 : vector<16xi1>
          %jit3A_797 = arith.constant 0x7F800000 : f32
          %broadcast_in_dim3A_798 = vector.broadcast %jit3A_797 : f32 to vector<16xf32>
          %select_n3A_799 = arith.select %and3A_796, %add3A_793, %broadcast_in_dim3A_798 : vector<16xi1>, vector<16xf32>
          %masked_sort3A_800 = arith.constant dense<true> : vector<16xi1>
          %masked_sort3A_801, %masked_sort3A_802, %masked_sort3A_803 = tpu.sort %select_n3A_799, %add3A_706 masked %masked_sort3A_800 {descending = true} : (vector<16xf32>, vector<16xi32>, vector<16xi1>) -> (vector<16xi1>, vector<16xf32>, vector<16xi32>)
          %lt3A_804 = arith.cmpf olt, %masked_sort3A_802, %while3A_697 : vector<16xf32>
          %select_n3A_805 = arith.select %lt3A_804, %masked_sort3A_802, %while3A_697 : vector<16xi1>, vector<16xf32>
          %select_n3A_806 = arith.select %lt3A_804, %masked_sort3A_803, %while3A_701 : vector<16xi1>, vector<16xi32>
          %masked_sort3A_807 = arith.constant dense<true> : vector<16xi1>
          %masked_sort3A_808, %masked_sort3A_809, %masked_sort3A_810 = tpu.sort %select_n3A_805, %select_n3A_806 masked %masked_sort3A_807 : (vector<16xf32>, vector<16xi32>, vector<16xi1>) -> (vector<16xi1>, vector<16xf32>, vector<16xi32>)
          scf.yield %masked_sort3A_734, %masked_sort3A_759, %masked_sort3A_784, %masked_sort3A_809, %masked_sort3A_735, %masked_sort3A_760, %masked_sort3A_785, %masked_sort3A_810 : vector<16xf32>, vector<16xf32>, vector<16xf32>, vector<16xf32>, vector<16xi32>, vector<16xi32>, vector<16xi32>, vector<16xi32>
        }
        %mul3A_628 = arith.constant 4 : i32
        %mul3A_629 = arith.muli %mul3A_628, %scan3A_433 : i32
        %add3A_630 = arith.constant 0 : i32
        %add3A_631 = arith.addi %mul3A_629, %add3A_630 : i32
        %mul3A_632 = arith.constant 16 : i32
        %mul3A_633 = arith.muli %add3A_631, %mul3A_632 : i32
        %swap3A_634 = arith.index_cast %mul3A_633 : i32 to index
        %swap3A_635 = tpu.vector_load %arg35[%swap3A_634] {strides = array<i32>} : memref<1024xf32, #tpu.memory_space<vmem>>, vector<16xf32>,
        tpu.vector_store %arg35[%swap3A_634], %while3A_627#0 {strides = array<i32>} : memref<1024xf32, #tpu.memory_space<vmem>>, vector<16xf32>,
        %mul3A_636 = arith.constant 4 : i32
        %mul3A_637 = arith.muli %mul3A_636, %scan3A_433 : i32
        %add3A_638 = arith.constant 0 : i32
        %add3A_639 = arith.addi %mul3A_637, %add3A_638 : i32
        %mul3A_640 = arith.constant 16 : i32
        %mul3A_641 = arith.muli %add3A_639, %mul3A_640 : i32
        %swap3A_642 = arith.index_cast %mul3A_641 : i32 to index
        %swap3A_643 = tpu.vector_load %arg36[%swap3A_642] {strides = array<i32>} : memref<1024xi32, #tpu.memory_space<vmem>>, vector<16xi32>,
        tpu.vector_store %arg36[%swap3A_642], %while3A_627#4 {strides = array<i32>} : memref<1024xi32, #tpu.memory_space<vmem>>, vector<16xi32>,
        %mul3A_644 = arith.constant 4 : i32
        %mul3A_645 = arith.muli %mul3A_644, %scan3A_433 : i32
        %add3A_646 = arith.constant 1 : i32
        %add3A_647 = arith.addi %mul3A_645, %add3A_646 : i32
        %mul3A_648 = arith.constant 16 : i32
        %mul3A_649 = arith.muli %add3A_647, %mul3A_648 : i32
        %swap3A_650 = arith.index_cast %mul3A_649 : i32 to index
        %swap3A_651 = tpu.vector_load %arg35[%swap3A_650] {strides = array<i32>} : memref<1024xf32, #tpu.memory_space<vmem>>, vector<16xf32>,
        tpu.vector_store %arg35[%swap3A_650], %while3A_627#1 {strides = array<i32>} : memref<1024xf32, #tpu.memory_space<vmem>>, vector<16xf32>,
        %mul3A_652 = arith.constant 4 : i32
        %mul3A_653 = arith.muli %mul3A_652, %scan3A_433 : i32
        %add3A_654 = arith.constant 1 : i32
        %add3A_655 = arith.addi %mul3A_653, %add3A_654 : i32
        %mul3A_656 = arith.constant 16 : i32
        %mul3A_657 = arith.muli %add3A_655, %mul3A_656 : i32
        %swap3A_658 = arith.index_cast %mul3A_657 : i32 to index
        %swap3A_659 = tpu.vector_load %arg36[%swap3A_658] {strides = array<i32>} : memref<1024xi32, #tpu.memory_space<vmem>>, vector<16xi32>,
        tpu.vector_store %arg36[%swap3A_658], %while3A_627#5 {strides = array<i32>} : memref<1024xi32, #tpu.memory_space<vmem>>, vector<16xi32>,
        %mul3A_660 = arith.constant 4 : i32
        %mul3A_661 = arith.muli %mul3A_660, %scan3A_433 : i32
        %add3A_662 = arith.constant 2 : i32
        %add3A_663 = arith.addi %mul3A_661, %add3A_662 : i32
        %mul3A_664 = arith.constant 16 : i32
        %mul3A_665 = arith.muli %add3A_663, %mul3A_664 : i32
        %swap3A_666 = arith.index_cast %mul3A_665 : i32 to index
        %swap3A_667 = tpu.vector_load %arg35[%swap3A_666] {strides = array<i32>} : memref<1024xf32, #tpu.memory_space<vmem>>, vector<16xf32>,
        tpu.vector_store %arg35[%swap3A_666], %while3A_627#2 {strides = array<i32>} : memref<1024xf32, #tpu.memory_space<vmem>>, vector<16xf32>,
        %mul3A_668 = arith.constant 4 : i32
        %mul3A_669 = arith.muli %mul3A_668, %scan3A_433 : i32
        %add3A_670 = arith.constant 2 : i32
        %add3A_671 = arith.addi %mul3A_669, %add3A_670 : i32
        %mul3A_672 = arith.constant 16 : i32
        %mul3A_673 = arith.muli %add3A_671, %mul3A_672 : i32
        %swap3A_674 = arith.index_cast %mul3A_673 : i32 to index
        %swap3A_675 = tpu.vector_load %arg36[%swap3A_674] {strides = array<i32>} : memref<1024xi32, #tpu.memory_space<vmem>>, vector<16xi32>,
        tpu.vector_store %arg36[%swap3A_674], %while3A_627#6 {strides = array<i32>} : memref<1024xi32, #tpu.memory_space<vmem>>, vector<16xi32>,
        %mul3A_676 = arith.constant 4 : i32
        %mul3A_677 = arith.muli %mul3A_676, %scan3A_433 : i32
        %add3A_678 = arith.constant 3 : i32
        %add3A_679 = arith.addi %mul3A_677, %add3A_678 : i32
        %mul3A_680 = arith.constant 16 : i32
        %mul3A_681 = arith.muli %add3A_679, %mul3A_680 : i32
        %swap3A_682 = arith.index_cast %mul3A_681 : i32 to index
        %swap3A_683 = tpu.vector_load %arg35[%swap3A_682] {strides = array<i32>} : memref<1024xf32, #tpu.memory_space<vmem>>, vector<16xf32>,
        tpu.vector_store %arg35[%swap3A_682], %while3A_627#3 {strides = array<i32>} : memref<1024xf32, #tpu.memory_space<vmem>>, vector<16xf32>,
        %mul3A_684 = arith.constant 4 : i32
        %mul3A_685 = arith.muli %mul3A_684, %scan3A_433 : i32
        %add3A_686 = arith.constant 3 : i32
        %add3A_687 = arith.addi %mul3A_685, %add3A_686 : i32
        %mul3A_688 = arith.constant 16 : i32
        %mul3A_689 = arith.muli %add3A_687, %mul3A_688 : i32
        %swap3A_690 = arith.index_cast %mul3A_689 : i32 to index
        %swap3A_691 = tpu.vector_load %arg36[%swap3A_690] {strides = array<i32>} : memref<1024xi32, #tpu.memory_space<vmem>>, vector<16xi32>,
        tpu.vector_store %arg36[%swap3A_690], %while3A_627#7 {strides = array<i32>} : memref<1024xi32, #tpu.memory_space<vmem>>, vector<16xi32>,
        %scan3A_692 = arith.constant 0 : i32
        scf.yield %scan3A_692 : i32
      }
      %scan3A_431 = arith.constant 16 : i32
      %while3A_432 = arith.constant 0 : i32
      scf.yield %while3A_432 : i32
    }
    %dma_wait3A_375 = tpu.memref_slice %arg8[%multiple_of3A_326] : memref<16384xf32, #tpu.memory_space<hbm>> -> memref<2048xf32, #tpu.memory_space<hbm>>
    %dma_wait3A_376 = tpu.memref_slice %arg8[%multiple_of3A_326] : memref<16384xf32, #tpu.memory_space<hbm>> -> memref<2048xf32, #tpu.memory_space<hbm>>
    tpu.wait_dma2 semaphore(%arg41 : memref<!tpu.dma_semaphore, #tpu.memory_space<semaphore_mem>>) src(%dma_wait3A_376 : memref<2048xf32, #tpu.memory_space<hbm>>) dst(%arg31 : memref<2048xf32, #tpu.memory_space<vmem>>)
    %dma_wait3A_377 = tpu.memref_slice %arg9[%multiple_of3A_326] : memref<16384xf32, #tpu.memory_space<hbm>> -> memref<2048xf32, #tpu.memory_space<hbm>>
    %dma_wait3A_378 = tpu.memref_slice %arg9[%multiple_of3A_326] : memref<16384xf32, #tpu.memory_space<hbm>> -> memref<2048xf32, #tpu.memory_space<hbm>>
    tpu.wait_dma2 semaphore(%arg41 : memref<!tpu.dma_semaphore, #tpu.memory_space<semaphore_mem>>) src(%dma_wait3A_378 : memref<2048xf32, #tpu.memory_space<hbm>>) dst(%arg32 : memref<2048xf32, #tpu.memory_space<vmem>>)
    %dma_wait3A_379 = tpu.memref_slice %arg10[%multiple_of3A_326] : memref<16384xf32, #tpu.memory_space<hbm>> -> memref<2048xf32, #tpu.memory_space<hbm>>
    %dma_wait3A_380 = tpu.memref_slice %arg10[%multiple_of3A_326] : memref<16384xf32, #tpu.memory_space<hbm>> -> memref<2048xf32, #tpu.memory_space<hbm>>
    tpu.wait_dma2 semaphore(%arg41 : memref<!tpu.dma_semaphore, #tpu.memory_space<semaphore_mem>>) src(%dma_wait3A_380 : memref<2048xf32, #tpu.memory_space<hbm>>) dst(%arg33 : memref<2048xf32, #tpu.memory_space<vmem>>)
    %scan3A_381 = arith.constant 0 : i32
    %scan3A_382 = arith.constant 64 : i32
    %scan3A_383 = arith.addi %scan3A_381, %scan3A_382 : i32
    %scan3A_384 = arith.constant 1 : i32
    %scan3A_385:2 = scf.for %scan3A_402 = %scan3A_381 to %scan3A_383 step %scan3A_384 iter_args(%scan3A_403 = %broadcast_in_dim3A_20, %scan3A_404 = %broadcast_in_dim3A_20) -> (vector<16xf32>, vector<16xf32>)  : i32 {
      %broadcast_in_dim3A_405 = vector.broadcast %scan3A_402 : i32 to vector<16xi32>
      %mul3A_406 = arith.constant 16 : i32
      %mul3A_407 = arith.muli %scan3A_402, %mul3A_406 : i32
      %get3A = arith.index_cast %mul3A_407 : i32 to index
      %get3A_408 = tpu.vector_load %arg35[%get3A] {strides = array<i32>} : memref<1024xf32, #tpu.memory_space<vmem>>, vector<16xf32>,
      %mul3A_409 = arith.constant 16 : i32
      %mul3A_410 = arith.muli %scan3A_402, %mul3A_409 : i32
      %get3A_411 = arith.index_cast %mul3A_410 : i32 to index
      %get3A_412 = tpu.vector_load %arg36[%get3A_411] {strides = array<i32>} : memref<1024xi32, #tpu.memory_space<vmem>>, vector<16xi32>,
      %gather3A_413 = tpu.vector_load_idx %arg25[%broadcast_in_dim3A_405] : memref<64xi32, #tpu.memory_space<vmem>>[vector<16xi32>], vector<16xi32>,
      %gather3A_414 = tpu.vector_load_idx %arg26[%gather3A_413] : memref<32xf32, #tpu.memory_space<vmem>>[vector<16xi32>], vector<16xf32>,
      %ge3A = vector.broadcast %and3A_312 : i32 to vector<16xi32>
      %ge3A_415 = arith.cmpi sge, %get3A_412, %ge3A : vector<16xi32>
      %lt3A_416 = vector.broadcast %min3A : i32 to vector<16xi32>
      %lt3A_417 = arith.cmpi slt, %get3A_412, %lt3A_416 : vector<16xi32>
      %and3A_418 = arith.andi %ge3A_415, %lt3A_417 : vector<16xi1>
      %sub3A_419 = vector.broadcast %multiple_of3A_326 : i32 to vector<16xi32>
      %sub3A_420 = arith.subi %get3A_412, %sub3A_419 : vector<16xi32>
      %jit3A = arith.constant 0 : i32
      %broadcast_in_dim3A_421 = vector.broadcast %jit3A : i32 to vector<16xi32>
      %select_n3A_422 = arith.select %and3A_418, %sub3A_420, %broadcast_in_dim3A_421 : vector<16xi1>, vector<16xi32>
      %gather3A_423 = tpu.vector_load_idx %arg19[%broadcast_in_dim3A_405] : memref<64xf32, #tpu.memory_space<vmem>>[vector<16xi32>], vector<16xf32>,
      %gather3A_424 = tpu.vector_load_idx %arg31[%select_n3A_422] : memref<2048xf32, #tpu.memory_space<vmem>>[vector<16xi32>], vector<16xf32>,
      %sub3A_425 = arith.subf %gather3A_423, %gather3A_424 : vector<16xf32>
      %gather3A_426 = tpu.vector_load_idx %arg20[%broadcast_in_dim3A_405] : memref<64xf32, #tpu.memory_space<vmem>>[vector<16xi32>], vector<16xf32>,
      %gather3A_427 = tpu.vector_load_idx %arg32[%select_n3A_422] : memref<2048xf32, #tpu.memory_space<vmem>>[vector<16xi32>], vector<16xf32>,
      %sub3A_428 = arith.subf %gather3A_426, %gather3A_427 : vector<16xf32>
      %gather3A_429 = tpu.vector_load_idx %arg21[%broadcast_in_dim3A_405] : memref<64xf32, #tpu.memory_space<vmem>>[vector<16xi32>], vector<16xf32>,
      %gather3A_430 = tpu.vector_load_idx %arg33[%select_n3A_422] : memref<2048xf32, #tpu.memory_space<vmem>>[vector<16xi32>], vector<16xf32>,
      %sub3A_431 = arith.subf %gather3A_429, %gather3A_430 : vector<16xf32>
      %mul3A_432 = arith.mulf %sub3A_425, %sub3A_425 : vector<16xf32>
      %mul3A_433 = arith.mulf %sub3A_428, %sub3A_428 : vector<16xf32>
      %add3A_434 = arith.addf %mul3A_432, %mul3A_433 : vector<16xf32>
      %mul3A_435 = arith.mulf %sub3A_431, %sub3A_431 : vector<16xf32>
      %add3A_436 = arith.addf %add3A_434, %mul3A_435 : vector<16xf32>
      %min3A_437 = arith.constant 1.000000e+08 : f32
      %min3A_438 = vector.broadcast %min3A_437 : f32 to vector<16xf32>
      %min3A_439 = arith.minimumf %get3A_408, %min3A_438 : vector<16xf32>
      %max3A = arith.constant 9.99999993E-9 : f32
      %max3A_440 = vector.broadcast %max3A : f32 to vector<16xf32>
      %max3A_441 = arith.maximumf %add3A_436, %max3A_440 : vector<16xf32>
      %bitcast3A = vector.bitcast %max3A_441 : vector<16xf32> to vector<16xi32>
      %shift_right_arithmetic3A_442 = arith.constant 1 : i32
      %shift_right_arithmetic3A_443 = vector.broadcast %shift_right_arithmetic3A_442 : i32 to vector<16xi32>
      %shift_right_arithmetic3A_444 = arith.shrsi %bitcast3A, %shift_right_arithmetic3A_443 : vector<16xi32>
      %sub3A_445 = arith.constant 1597463007 : i32
      %sub3A_446 = vector.broadcast %sub3A_445 : i32 to vector<16xi32>
      %sub3A_447 = arith.subi %sub3A_446, %shift_right_arithmetic3A_444 : vector<16xi32>
      %bitcast3A_448 = vector.bitcast %sub3A_447 : vector<16xi32> to vector<16xf32>
      %mul3A_449 = arith.constant 5.000000e-01 : f32
      %mul3A_450 = vector.broadcast %mul3A_449 : f32 to vector<16xf32>
      %mul3A_451 = arith.mulf %mul3A_450, %max3A_441 : vector<16xf32>
      %mul3A_452 = arith.mulf %mul3A_451, %bitcast3A_448 : vector<16xf32>
      %mul3A_453 = arith.mulf %mul3A_452, %bitcast3A_448 : vector<16xf32>
      %sub3A_454 = arith.constant 1.500000e+00 : f32
      %sub3A_455 = vector.broadcast %sub3A_454 : f32 to vector<16xf32>
      %sub3A_456 = arith.subf %sub3A_455, %mul3A_453 : vector<16xf32>
      %mul3A_457 = arith.mulf %bitcast3A_448, %sub3A_456 : vector<16xf32>
      %mul3A_458 = arith.constant 5.000000e-01 : f32
      %mul3A_459 = vector.broadcast %mul3A_458 : f32 to vector<16xf32>
      %mul3A_460 = arith.mulf %mul3A_459, %max3A_441 : vector<16xf32>
      %mul3A_461 = arith.mulf %mul3A_460, %mul3A_457 : vector<16xf32>
      %mul3A_462 = arith.mulf %mul3A_461, %mul3A_457 : vector<16xf32>
      %sub3A_463 = arith.constant 1.500000e+00 : f32
      %sub3A_464 = vector.broadcast %sub3A_463 : f32 to vector<16xf32>
      %sub3A_465 = arith.subf %sub3A_464, %mul3A_462 : vector<16xf32>
      %mul3A_466 = arith.mulf %mul3A_457, %sub3A_465 : vector<16xf32>
      %mul3A_467 = arith.constant 5.000000e-01 : f32
      %mul3A_468 = vector.broadcast %mul3A_467 : f32 to vector<16xf32>
      %mul3A_469 = arith.mulf %mul3A_468, %max3A_441 : vector<16xf32>
      %mul3A_470 = arith.mulf %mul3A_469, %mul3A_466 : vector<16xf32>
      %mul3A_471 = arith.mulf %mul3A_470, %mul3A_466 : vector<16xf32>
      %sub3A_472 = arith.constant 1.500000e+00 : f32
      %sub3A_473 = vector.broadcast %sub3A_472 : f32 to vector<16xf32>
      %sub3A_474 = arith.subf %sub3A_473, %mul3A_471 : vector<16xf32>
      %mul3A_475 = arith.mulf %mul3A_466, %sub3A_474 : vector<16xf32>
      %mul3A_476 = arith.mulf %max3A_441, %mul3A_475 : vector<16xf32>
      %max3A_477 = arith.constant 9.99999993E-9 : f32
      %max3A_478 = vector.broadcast %max3A_477 : f32 to vector<16xf32>
      %max3A_479 = arith.maximumf %min3A_439, %max3A_478 : vector<16xf32>
      %bitcast3A_480 = vector.bitcast %max3A_479 : vector<16xf32> to vector<16xi32>
      %shift_right_arithmetic3A_481 = arith.constant 1 : i32
      %shift_right_arithmetic3A_482 = vector.broadcast %shift_right_arithmetic3A_481 : i32 to vector<16xi32>
      %shift_right_arithmetic3A_483 = arith.shrsi %bitcast3A_480, %shift_right_arithmetic3A_482 : vector<16xi32>
      %sub3A_484 = arith.constant 1597463007 : i32
      %sub3A_485 = vector.broadcast %sub3A_484 : i32 to vector<16xi32>
      %sub3A_486 = arith.subi %sub3A_485, %shift_right_arithmetic3A_483 : vector<16xi32>
      %bitcast3A_487 = vector.bitcast %sub3A_486 : vector<16xi32> to vector<16xf32>
      %mul3A_488 = arith.constant 5.000000e-01 : f32
      %mul3A_489 = vector.broadcast %mul3A_488 : f32 to vector<16xf32>
      %mul3A_490 = arith.mulf %mul3A_489, %max3A_479 : vector<16xf32>
      %mul3A_491 = arith.mulf %mul3A_490, %bitcast3A_487 : vector<16xf32>
      %mul3A_492 = arith.mulf %mul3A_491, %bitcast3A_487 : vector<16xf32>
      %sub3A_493 = arith.constant 1.500000e+00 : f32
      %sub3A_494 = vector.broadcast %sub3A_493 : f32 to vector<16xf32>
      %sub3A_495 = arith.subf %sub3A_494, %mul3A_492 : vector<16xf32>
      %mul3A_496 = arith.mulf %bitcast3A_487, %sub3A_495 : vector<16xf32>
      %mul3A_497 = arith.constant 5.000000e-01 : f32
      %mul3A_498 = vector.broadcast %mul3A_497 : f32 to vector<16xf32>
      %mul3A_499 = arith.mulf %mul3A_498, %max3A_479 : vector<16xf32>
      %mul3A_500 = arith.mulf %mul3A_499, %mul3A_496 : vector<16xf32>
      %mul3A_501 = arith.mulf %mul3A_500, %mul3A_496 : vector<16xf32>
      %sub3A_502 = arith.constant 1.500000e+00 : f32
      %sub3A_503 = vector.broadcast %sub3A_502 : f32 to vector<16xf32>
      %sub3A_504 = arith.subf %sub3A_503, %mul3A_501 : vector<16xf32>
      %mul3A_505 = arith.mulf %mul3A_496, %sub3A_504 : vector<16xf32>
      %mul3A_506 = arith.constant 5.000000e-01 : f32
      %mul3A_507 = vector.broadcast %mul3A_506 : f32 to vector<16xf32>
      %mul3A_508 = arith.mulf %mul3A_507, %max3A_479 : vector<16xf32>
      %mul3A_509 = arith.mulf %mul3A_508, %mul3A_505 : vector<16xf32>
      %mul3A_510 = arith.mulf %mul3A_509, %mul3A_505 : vector<16xf32>
      %sub3A_511 = arith.constant 1.500000e+00 : f32
      %sub3A_512 = vector.broadcast %sub3A_511 : f32 to vector<16xf32>
      %sub3A_513 = arith.subf %sub3A_512, %mul3A_510 : vector<16xf32>
      %mul3A_514 = arith.mulf %mul3A_505, %sub3A_513 : vector<16xf32>
      %mul3A_515 = arith.mulf %max3A_479, %mul3A_514 : vector<16xf32>
      %sub3A_516 = arith.subf %mul3A_476, %mul3A_515 : vector<16xf32>
      %sub3A_517 = arith.subf %mul3A_476, %mul3A_515 : vector<16xf32>
      %mul3A_518 = arith.mulf %sub3A_516, %sub3A_517 : vector<16xf32>
      %le3A = arith.constant 2.025000e+01 : f32
      %le3A_519 = vector.broadcast %le3A : f32 to vector<16xf32>
      %le3A_520 = arith.cmpf ole, %get3A_408, %le3A_519 : vector<16xf32>
      %lt3A_521 = arith.constant 15 : i32
      %lt3A_522 = vector.broadcast %lt3A_521 : i32 to vector<16xi32>
      %lt3A_523 = arith.cmpi slt, %iota3A, %lt3A_522 : vector<16xi32>
      %and3A_524 = arith.andi %le3A_520, %lt3A_523 : vector<16xi1>
      %and3A_525 = arith.andi %and3A_524, %and3A_418 : vector<16xi1>
      %mul3A_526 = arith.mulf %mul3A_518, %gather3A_414 : vector<16xf32>
      %jit3A_527 = arith.constant 0.000000e+00 : f32
      %broadcast_in_dim3A_528 = vector.broadcast %jit3A_527 : f32 to vector<16xf32>
      %select_n3A_529 = arith.select %and3A_525, %mul3A_526, %broadcast_in_dim3A_528 : vector<16xi1>, vector<16xf32>
      %add3A_530 = arith.addf %scan3A_403, %select_n3A_529 : vector<16xf32>
      %jit3A_531 = arith.constant 1.000000e+00 : f32
      %jit3A_532 = arith.constant 0.000000e+00 : f32
      %broadcast_in_dim3A_533 = vector.broadcast %jit3A_531 : f32 to vector<16xf32>
      %broadcast_in_dim3A_534 = vector.broadcast %jit3A_532 : f32 to vector<16xf32>
      %select_n3A_535 = arith.select %and3A_525, %broadcast_in_dim3A_533, %broadcast_in_dim3A_534 : vector<16xi1>, vector<16xf32>
      %add3A_536 = arith.addf %scan3A_404, %select_n3A_535 : vector<16xf32>
      scf.yield %add3A_530, %add3A_536 : vector<16xf32>, vector<16xf32>
    }
    %scan3A_386 = arith.constant 64 : i32
    %while3A_387 = arith.constant 1 : i32
    %while3A_388 = arith.subi %shift_right_arithmetic3A_321, %while3A_387 : i32
    %while3A_389 = arith.addi %while3A_387, %while3A_388 : i32
    %while3A_390 = arith.constant 1 : i32
    %while3A_391 = arith.divsi %while3A_388, %while3A_390 : i32
    %while3A_392 = arith.muli %while3A_391, %while3A_390 : i32
    %while3A_393 = arith.addi %while3A_387, %while3A_392 : i32
    %while3A_394 = arith.constant 1 : i32
    %while3A_395:2 = scf.for %while3A_402 = %while3A_387 to %while3A_393 step %while3A_394 iter_args(%while3A_403 = %scan3A_385#0, %while3A_404 = %scan3A_385#1) -> (vector<16xf32>, vector<16xf32>)  : i32 {
      %mul3A_405 = arith.constant 2048 : i32
      %mul3A_406 = arith.muli %while3A_402, %mul3A_405 : i32
      %add3A_407 = arith.addi %and3A_312, %mul3A_406 : i32
      %add3A_408 = arith.constant 2048 : i32
      %add3A_409 = arith.addi %add3A_407, %add3A_408 : i32
      %min3A_410 = arith.minsi %add3A_409, %squeeze3A_318 : i32
      %min3A_411 = arith.constant 14336 : i32
      %min3A_412 = arith.minsi %add3A_407, %min3A_411 : i32
      %multiple_of3A_413 = tpu.assume_multiple %min3A_412, 16 : i32
      %dma_start3A_414 = tpu.memref_slice %arg8[%multiple_of3A_413] : memref<16384xf32, #tpu.memory_space<hbm>> -> memref<2048xf32, #tpu.memory_space<hbm>>
      %dma_start3A_415 = tpu.memref_slice %arg8[%multiple_of3A_413] : memref<16384xf32, #tpu.memory_space<hbm>> -> memref<2048xf32, #tpu.memory_space<hbm>>
      tpu.enqueue_dma source(%dma_start3A_415 : memref<2048xf32, #tpu.memory_space<hbm>>) target(%arg31 : memref<2048xf32, #tpu.memory_space<vmem>>) target_semaphore(%arg41 : memref<!tpu.dma_semaphore, #tpu.memory_space<semaphore_mem>>)
      %dma_start3A_416 = tpu.memref_slice %arg9[%multiple_of3A_413] : memref<16384xf32, #tpu.memory_space<hbm>> -> memref<2048xf32, #tpu.memory_space<hbm>>
      %dma_start3A_417 = tpu.memref_slice %arg9[%multiple_of3A_413] : memref<16384xf32, #tpu.memory_space<hbm>> -> memref<2048xf32, #tpu.memory_space<hbm>>
      tpu.enqueue_dma source(%dma_start3A_417 : memref<2048xf32, #tpu.memory_space<hbm>>) target(%arg32 : memref<2048xf32, #tpu.memory_space<vmem>>) target_semaphore(%arg41 : memref<!tpu.dma_semaphore, #tpu.memory_space<semaphore_mem>>)
      %dma_start3A_418 = tpu.memref_slice %arg10[%multiple_of3A_413] : memref<16384xf32, #tpu.memory_space<hbm>> -> memref<2048xf32, #tpu.memory_space<hbm>>
      %dma_start3A_419 = tpu.memref_slice %arg10[%multiple_of3A_413] : memref<16384xf32, #tpu.memory_space<hbm>> -> memref<2048xf32, #tpu.memory_space<hbm>>
      tpu.enqueue_dma source(%dma_start3A_419 : memref<2048xf32, #tpu.memory_space<hbm>>) target(%arg33 : memref<2048xf32, #tpu.memory_space<vmem>>) target_semaphore(%arg41 : memref<!tpu.dma_semaphore, #tpu.memory_space<semaphore_mem>>)
      %dma_wait3A_420 = tpu.memref_slice %arg8[%multiple_of3A_413] : memref<16384xf32, #tpu.memory_space<hbm>> -> memref<2048xf32, #tpu.memory_space<hbm>>
      %dma_wait3A_421 = tpu.memref_slice %arg8[%multiple_of3A_413] : memref<16384xf32, #tpu.memory_space<hbm>> -> memref<2048xf32, #tpu.memory_space<hbm>>
      tpu.wait_dma2 semaphore(%arg41 : memref<!tpu.dma_semaphore, #tpu.memory_space<semaphore_mem>>) src(%dma_wait3A_421 : memref<2048xf32, #tpu.memory_space<hbm>>) dst(%arg31 : memref<2048xf32, #tpu.memory_space<vmem>>)
      %dma_wait3A_422 = tpu.memref_slice %arg9[%multiple_of3A_413] : memref<16384xf32, #tpu.memory_space<hbm>> -> memref<2048xf32, #tpu.memory_space<hbm>>
      %dma_wait3A_423 = tpu.memref_slice %arg9[%multiple_of3A_413] : memref<16384xf32, #tpu.memory_space<hbm>> -> memref<2048xf32, #tpu.memory_space<hbm>>
      tpu.wait_dma2 semaphore(%arg41 : memref<!tpu.dma_semaphore, #tpu.memory_space<semaphore_mem>>) src(%dma_wait3A_423 : memref<2048xf32, #tpu.memory_space<hbm>>) dst(%arg32 : memref<2048xf32, #tpu.memory_space<vmem>>)
      %dma_wait3A_424 = tpu.memref_slice %arg10[%multiple_of3A_413] : memref<16384xf32, #tpu.memory_space<hbm>> -> memref<2048xf32, #tpu.memory_space<hbm>>
      %dma_wait3A_425 = tpu.memref_slice %arg10[%multiple_of3A_413] : memref<16384xf32, #tpu.memory_space<hbm>> -> memref<2048xf32, #tpu.memory_space<hbm>>
      tpu.wait_dma2 semaphore(%arg41 : memref<!tpu.dma_semaphore, #tpu.memory_space<semaphore_mem>>) src(%dma_wait3A_425 : memref<2048xf32, #tpu.memory_space<hbm>>) dst(%arg33 : memref<2048xf32, #tpu.memory_space<vmem>>)
      %scan3A_426 = arith.constant 0 : i32
      %scan3A_427 = arith.constant 64 : i32
      %scan3A_428 = arith.addi %scan3A_426, %scan3A_427 : i32
      %scan3A_429 = arith.constant 1 : i32
      %scan3A_430:2 = scf.for %scan3A_432 = %scan3A_426 to %scan3A_428 step %scan3A_429 iter_args(%scan3A_433 = %while3A_403, %scan3A_434 = %while3A_404) -> (vector<16xf32>, vector<16xf32>)  : i32 {
        %broadcast_in_dim3A_435 = vector.broadcast %scan3A_432 : i32 to vector<16xi32>
        %mul3A_436 = arith.constant 16 : i32
        %mul3A_437 = arith.muli %scan3A_432, %mul3A_436 : i32
        %get3A = arith.index_cast %mul3A_437 : i32 to index
        %get3A_438 = tpu.vector_load %arg35[%get3A] {strides = array<i32>} : memref<1024xf32, #tpu.memory_space<vmem>>, vector<16xf32>,
        %mul3A_439 = arith.constant 16 : i32
        %mul3A_440 = arith.muli %scan3A_432, %mul3A_439 : i32
        %get3A_441 = arith.index_cast %mul3A_440 : i32 to index
        %get3A_442 = tpu.vector_load %arg36[%get3A_441] {strides = array<i32>} : memref<1024xi32, #tpu.memory_space<vmem>>, vector<16xi32>,
        %gather3A_443 = tpu.vector_load_idx %arg25[%broadcast_in_dim3A_435] : memref<64xi32, #tpu.memory_space<vmem>>[vector<16xi32>], vector<16xi32>,
        %gather3A_444 = tpu.vector_load_idx %arg26[%gather3A_443] : memref<32xf32, #tpu.memory_space<vmem>>[vector<16xi32>], vector<16xf32>,
        %ge3A = vector.broadcast %add3A_407 : i32 to vector<16xi32>
        %ge3A_445 = arith.cmpi sge, %get3A_442, %ge3A : vector<16xi32>
        %lt3A_446 = vector.broadcast %min3A_410 : i32 to vector<16xi32>
        %lt3A_447 = arith.cmpi slt, %get3A_442, %lt3A_446 : vector<16xi32>
        %and3A_448 = arith.andi %ge3A_445, %lt3A_447 : vector<16xi1>
        %sub3A_449 = vector.broadcast %multiple_of3A_413 : i32 to vector<16xi32>
        %sub3A_450 = arith.subi %get3A_442, %sub3A_449 : vector<16xi32>
        %jit3A = arith.constant 0 : i32
        %broadcast_in_dim3A_451 = vector.broadcast %jit3A : i32 to vector<16xi32>
        %select_n3A_452 = arith.select %and3A_448, %sub3A_450, %broadcast_in_dim3A_451 : vector<16xi1>, vector<16xi32>
        %gather3A_453 = tpu.vector_load_idx %arg19[%broadcast_in_dim3A_435] : memref<64xf32, #tpu.memory_space<vmem>>[vector<16xi32>], vector<16xf32>,
        %gather3A_454 = tpu.vector_load_idx %arg31[%select_n3A_452] : memref<2048xf32, #tpu.memory_space<vmem>>[vector<16xi32>], vector<16xf32>,
        %sub3A_455 = arith.subf %gather3A_453, %gather3A_454 : vector<16xf32>
        %gather3A_456 = tpu.vector_load_idx %arg20[%broadcast_in_dim3A_435] : memref<64xf32, #tpu.memory_space<vmem>>[vector<16xi32>], vector<16xf32>,
        %gather3A_457 = tpu.vector_load_idx %arg32[%select_n3A_452] : memref<2048xf32, #tpu.memory_space<vmem>>[vector<16xi32>], vector<16xf32>,
        %sub3A_458 = arith.subf %gather3A_456, %gather3A_457 : vector<16xf32>
        %gather3A_459 = tpu.vector_load_idx %arg21[%broadcast_in_dim3A_435] : memref<64xf32, #tpu.memory_space<vmem>>[vector<16xi32>], vector<16xf32>,
        %gather3A_460 = tpu.vector_load_idx %arg33[%select_n3A_452] : memref<2048xf32, #tpu.memory_space<vmem>>[vector<16xi32>], vector<16xf32>,
        %sub3A_461 = arith.subf %gather3A_459, %gather3A_460 : vector<16xf32>
        %mul3A_462 = arith.mulf %sub3A_455, %sub3A_455 : vector<16xf32>
        %mul3A_463 = arith.mulf %sub3A_458, %sub3A_458 : vector<16xf32>
        %add3A_464 = arith.addf %mul3A_462, %mul3A_463 : vector<16xf32>
        %mul3A_465 = arith.mulf %sub3A_461, %sub3A_461 : vector<16xf32>
        %add3A_466 = arith.addf %add3A_464, %mul3A_465 : vector<16xf32>
        %min3A_467 = arith.constant 1.000000e+08 : f32
        %min3A_468 = vector.broadcast %min3A_467 : f32 to vector<16xf32>
        %min3A_469 = arith.minimumf %get3A_438, %min3A_468 : vector<16xf32>
        %max3A = arith.constant 9.99999993E-9 : f32
        %max3A_470 = vector.broadcast %max3A : f32 to vector<16xf32>
        %max3A_471 = arith.maximumf %add3A_466, %max3A_470 : vector<16xf32>
        %bitcast3A = vector.bitcast %max3A_471 : vector<16xf32> to vector<16xi32>
        %shift_right_arithmetic3A_472 = arith.constant 1 : i32
        %shift_right_arithmetic3A_473 = vector.broadcast %shift_right_arithmetic3A_472 : i32 to vector<16xi32>
        %shift_right_arithmetic3A_474 = arith.shrsi %bitcast3A, %shift_right_arithmetic3A_473 : vector<16xi32>
        %sub3A_475 = arith.constant 1597463007 : i32
        %sub3A_476 = vector.broadcast %sub3A_475 : i32 to vector<16xi32>
        %sub3A_477 = arith.subi %sub3A_476, %shift_right_arithmetic3A_474 : vector<16xi32>
        %bitcast3A_478 = vector.bitcast %sub3A_477 : vector<16xi32> to vector<16xf32>
        %mul3A_479 = arith.constant 5.000000e-01 : f32
        %mul3A_480 = vector.broadcast %mul3A_479 : f32 to vector<16xf32>
        %mul3A_481 = arith.mulf %mul3A_480, %max3A_471 : vector<16xf32>
        %mul3A_482 = arith.mulf %mul3A_481, %bitcast3A_478 : vector<16xf32>
        %mul3A_483 = arith.mulf %mul3A_482, %bitcast3A_478 : vector<16xf32>
        %sub3A_484 = arith.constant 1.500000e+00 : f32
        %sub3A_485 = vector.broadcast %sub3A_484 : f32 to vector<16xf32>
        %sub3A_486 = arith.subf %sub3A_485, %mul3A_483 : vector<16xf32>
        %mul3A_487 = arith.mulf %bitcast3A_478, %sub3A_486 : vector<16xf32>
        %mul3A_488 = arith.constant 5.000000e-01 : f32
        %mul3A_489 = vector.broadcast %mul3A_488 : f32 to vector<16xf32>
        %mul3A_490 = arith.mulf %mul3A_489, %max3A_471 : vector<16xf32>
        %mul3A_491 = arith.mulf %mul3A_490, %mul3A_487 : vector<16xf32>
        %mul3A_492 = arith.mulf %mul3A_491, %mul3A_487 : vector<16xf32>
        %sub3A_493 = arith.constant 1.500000e+00 : f32
        %sub3A_494 = vector.broadcast %sub3A_493 : f32 to vector<16xf32>
        %sub3A_495 = arith.subf %sub3A_494, %mul3A_492 : vector<16xf32>
        %mul3A_496 = arith.mulf %mul3A_487, %sub3A_495 : vector<16xf32>
        %mul3A_497 = arith.constant 5.000000e-01 : f32
        %mul3A_498 = vector.broadcast %mul3A_497 : f32 to vector<16xf32>
        %mul3A_499 = arith.mulf %mul3A_498, %max3A_471 : vector<16xf32>
        %mul3A_500 = arith.mulf %mul3A_499, %mul3A_496 : vector<16xf32>
        %mul3A_501 = arith.mulf %mul3A_500, %mul3A_496 : vector<16xf32>
        %sub3A_502 = arith.constant 1.500000e+00 : f32
        %sub3A_503 = vector.broadcast %sub3A_502 : f32 to vector<16xf32>
        %sub3A_504 = arith.subf %sub3A_503, %mul3A_501 : vector<16xf32>
        %mul3A_505 = arith.mulf %mul3A_496, %sub3A_504 : vector<16xf32>
        %mul3A_506 = arith.mulf %max3A_471, %mul3A_505 : vector<16xf32>
        %max3A_507 = arith.constant 9.99999993E-9 : f32
        %max3A_508 = vector.broadcast %max3A_507 : f32 to vector<16xf32>
        %max3A_509 = arith.maximumf %min3A_469, %max3A_508 : vector<16xf32>
        %bitcast3A_510 = vector.bitcast %max3A_509 : vector<16xf32> to vector<16xi32>
        %shift_right_arithmetic3A_511 = arith.constant 1 : i32
        %shift_right_arithmetic3A_512 = vector.broadcast %shift_right_arithmetic3A_511 : i32 to vector<16xi32>
        %shift_right_arithmetic3A_513 = arith.shrsi %bitcast3A_510, %shift_right_arithmetic3A_512 : vector<16xi32>
        %sub3A_514 = arith.constant 1597463007 : i32
        %sub3A_515 = vector.broadcast %sub3A_514 : i32 to vector<16xi32>
        %sub3A_516 = arith.subi %sub3A_515, %shift_right_arithmetic3A_513 : vector<16xi32>
        %bitcast3A_517 = vector.bitcast %sub3A_516 : vector<16xi32> to vector<16xf32>
        %mul3A_518 = arith.constant 5.000000e-01 : f32
        %mul3A_519 = vector.broadcast %mul3A_518 : f32 to vector<16xf32>
        %mul3A_520 = arith.mulf %mul3A_519, %max3A_509 : vector<16xf32>
        %mul3A_521 = arith.mulf %mul3A_520, %bitcast3A_517 : vector<16xf32>
        %mul3A_522 = arith.mulf %mul3A_521, %bitcast3A_517 : vector<16xf32>
        %sub3A_523 = arith.constant 1.500000e+00 : f32
        %sub3A_524 = vector.broadcast %sub3A_523 : f32 to vector<16xf32>
        %sub3A_525 = arith.subf %sub3A_524, %mul3A_522 : vector<16xf32>
        %mul3A_526 = arith.mulf %bitcast3A_517, %sub3A_525 : vector<16xf32>
        %mul3A_527 = arith.constant 5.000000e-01 : f32
        %mul3A_528 = vector.broadcast %mul3A_527 : f32 to vector<16xf32>
        %mul3A_529 = arith.mulf %mul3A_528, %max3A_509 : vector<16xf32>
        %mul3A_530 = arith.mulf %mul3A_529, %mul3A_526 : vector<16xf32>
        %mul3A_531 = arith.mulf %mul3A_530, %mul3A_526 : vector<16xf32>
        %sub3A_532 = arith.constant 1.500000e+00 : f32
        %sub3A_533 = vector.broadcast %sub3A_532 : f32 to vector<16xf32>
        %sub3A_534 = arith.subf %sub3A_533, %mul3A_531 : vector<16xf32>
        %mul3A_535 = arith.mulf %mul3A_526, %sub3A_534 : vector<16xf32>
        %mul3A_536 = arith.constant 5.000000e-01 : f32
        %mul3A_537 = vector.broadcast %mul3A_536 : f32 to vector<16xf32>
        %mul3A_538 = arith.mulf %mul3A_537, %max3A_509 : vector<16xf32>
        %mul3A_539 = arith.mulf %mul3A_538, %mul3A_535 : vector<16xf32>
        %mul3A_540 = arith.mulf %mul3A_539, %mul3A_535 : vector<16xf32>
        %sub3A_541 = arith.constant 1.500000e+00 : f32
        %sub3A_542 = vector.broadcast %sub3A_541 : f32 to vector<16xf32>
        %sub3A_543 = arith.subf %sub3A_542, %mul3A_540 : vector<16xf32>
        %mul3A_544 = arith.mulf %mul3A_535, %sub3A_543 : vector<16xf32>
        %mul3A_545 = arith.mulf %max3A_509, %mul3A_544 : vector<16xf32>
        %sub3A_546 = arith.subf %mul3A_506, %mul3A_545 : vector<16xf32>
        %sub3A_547 = arith.subf %mul3A_506, %mul3A_545 : vector<16xf32>
        %mul3A_548 = arith.mulf %sub3A_546, %sub3A_547 : vector<16xf32>
        %le3A = arith.constant 2.025000e+01 : f32
        %le3A_549 = vector.broadcast %le3A : f32 to vector<16xf32>
        %le3A_550 = arith.cmpf ole, %get3A_438, %le3A_549 : vector<16xf32>
        %lt3A_551 = arith.constant 15 : i32
        %lt3A_552 = vector.broadcast %lt3A_551 : i32 to vector<16xi32>
        %lt3A_553 = arith.cmpi slt, %iota3A, %lt3A_552 : vector<16xi32>
        %and3A_554 = arith.andi %le3A_550, %lt3A_553 : vector<16xi1>
        %and3A_555 = arith.andi %and3A_554, %and3A_448 : vector<16xi1>
        %mul3A_556 = arith.mulf %mul3A_548, %gather3A_444 : vector<16xf32>
        %jit3A_557 = arith.constant 0.000000e+00 : f32
        %broadcast_in_dim3A_558 = vector.broadcast %jit3A_557 : f32 to vector<16xf32>
        %select_n3A_559 = arith.select %and3A_555, %mul3A_556, %broadcast_in_dim3A_558 : vector<16xi1>, vector<16xf32>
        %add3A_560 = arith.addf %scan3A_433, %select_n3A_559 : vector<16xf32>
        %jit3A_561 = arith.constant 1.000000e+00 : f32
        %jit3A_562 = arith.constant 0.000000e+00 : f32
        %broadcast_in_dim3A_563 = vector.broadcast %jit3A_561 : f32 to vector<16xf32>
        %broadcast_in_dim3A_564 = vector.broadcast %jit3A_562 : f32 to vector<16xf32>
        %select_n3A_565 = arith.select %and3A_555, %broadcast_in_dim3A_563, %broadcast_in_dim3A_564 : vector<16xi1>, vector<16xf32>
        %add3A_566 = arith.addf %scan3A_434, %select_n3A_565 : vector<16xf32>
        scf.yield %add3A_560, %add3A_566 : vector<16xf32>, vector<16xf32>
      }
      %scan3A_431 = arith.constant 64 : i32
      scf.yield %scan3A_430#0, %scan3A_430#1 : vector<16xf32>, vector<16xf32>
    }
    %while3A_396 = arith.constant 1 : i32
    %while3A_397:2 = scf.for %while3A_402 = %while3A_393 to %while3A_389 step %while3A_396 iter_args(%while3A_403 = %while3A_395#0, %while3A_404 = %while3A_395#1) -> (vector<16xf32>, vector<16xf32>)  : i32 {
      %mul3A_405 = arith.constant 2048 : i32
      %mul3A_406 = arith.muli %while3A_402, %mul3A_405 : i32
      %add3A_407 = arith.addi %and3A_312, %mul3A_406 : i32
      %add3A_408 = arith.constant 2048 : i32
      %add3A_409 = arith.addi %add3A_407, %add3A_408 : i32
      %min3A_410 = arith.minsi %add3A_409, %squeeze3A_318 : i32
      %min3A_411 = arith.constant 14336 : i32
      %min3A_412 = arith.minsi %add3A_407, %min3A_411 : i32
      %multiple_of3A_413 = tpu.assume_multiple %min3A_412, 16 : i32
      %dma_start3A_414 = tpu.memref_slice %arg8[%multiple_of3A_413] : memref<16384xf32, #tpu.memory_space<hbm>> -> memref<2048xf32, #tpu.memory_space<hbm>>
      %dma_start3A_415 = tpu.memref_slice %arg8[%multiple_of3A_413] : memref<16384xf32, #tpu.memory_space<hbm>> -> memref<2048xf32, #tpu.memory_space<hbm>>
      tpu.enqueue_dma source(%dma_start3A_415 : memref<2048xf32, #tpu.memory_space<hbm>>) target(%arg31 : memref<2048xf32, #tpu.memory_space<vmem>>) target_semaphore(%arg41 : memref<!tpu.dma_semaphore, #tpu.memory_space<semaphore_mem>>)
      %dma_start3A_416 = tpu.memref_slice %arg9[%multiple_of3A_413] : memref<16384xf32, #tpu.memory_space<hbm>> -> memref<2048xf32, #tpu.memory_space<hbm>>
      %dma_start3A_417 = tpu.memref_slice %arg9[%multiple_of3A_413] : memref<16384xf32, #tpu.memory_space<hbm>> -> memref<2048xf32, #tpu.memory_space<hbm>>
      tpu.enqueue_dma source(%dma_start3A_417 : memref<2048xf32, #tpu.memory_space<hbm>>) target(%arg32 : memref<2048xf32, #tpu.memory_space<vmem>>) target_semaphore(%arg41 : memref<!tpu.dma_semaphore, #tpu.memory_space<semaphore_mem>>)
      %dma_start3A_418 = tpu.memref_slice %arg10[%multiple_of3A_413] : memref<16384xf32, #tpu.memory_space<hbm>> -> memref<2048xf32, #tpu.memory_space<hbm>>
      %dma_start3A_419 = tpu.memref_slice %arg10[%multiple_of3A_413] : memref<16384xf32, #tpu.memory_space<hbm>> -> memref<2048xf32, #tpu.memory_space<hbm>>
      tpu.enqueue_dma source(%dma_start3A_419 : memref<2048xf32, #tpu.memory_space<hbm>>) target(%arg33 : memref<2048xf32, #tpu.memory_space<vmem>>) target_semaphore(%arg41 : memref<!tpu.dma_semaphore, #tpu.memory_space<semaphore_mem>>)
      %dma_wait3A_420 = tpu.memref_slice %arg8[%multiple_of3A_413] : memref<16384xf32, #tpu.memory_space<hbm>> -> memref<2048xf32, #tpu.memory_space<hbm>>
      %dma_wait3A_421 = tpu.memref_slice %arg8[%multiple_of3A_413] : memref<16384xf32, #tpu.memory_space<hbm>> -> memref<2048xf32, #tpu.memory_space<hbm>>
      tpu.wait_dma2 semaphore(%arg41 : memref<!tpu.dma_semaphore, #tpu.memory_space<semaphore_mem>>) src(%dma_wait3A_421 : memref<2048xf32, #tpu.memory_space<hbm>>) dst(%arg31 : memref<2048xf32, #tpu.memory_space<vmem>>)
      %dma_wait3A_422 = tpu.memref_slice %arg9[%multiple_of3A_413] : memref<16384xf32, #tpu.memory_space<hbm>> -> memref<2048xf32, #tpu.memory_space<hbm>>
      %dma_wait3A_423 = tpu.memref_slice %arg9[%multiple_of3A_413] : memref<16384xf32, #tpu.memory_space<hbm>> -> memref<2048xf32, #tpu.memory_space<hbm>>
      tpu.wait_dma2 semaphore(%arg41 : memref<!tpu.dma_semaphore, #tpu.memory_space<semaphore_mem>>) src(%dma_wait3A_423 : memref<2048xf32, #tpu.memory_space<hbm>>) dst(%arg32 : memref<2048xf32, #tpu.memory_space<vmem>>)
      %dma_wait3A_424 = tpu.memref_slice %arg10[%multiple_of3A_413] : memref<16384xf32, #tpu.memory_space<hbm>> -> memref<2048xf32, #tpu.memory_space<hbm>>
      %dma_wait3A_425 = tpu.memref_slice %arg10[%multiple_of3A_413] : memref<16384xf32, #tpu.memory_space<hbm>> -> memref<2048xf32, #tpu.memory_space<hbm>>
      tpu.wait_dma2 semaphore(%arg41 : memref<!tpu.dma_semaphore, #tpu.memory_space<semaphore_mem>>) src(%dma_wait3A_425 : memref<2048xf32, #tpu.memory_space<hbm>>) dst(%arg33 : memref<2048xf32, #tpu.memory_space<vmem>>)
      %scan3A_426 = arith.constant 0 : i32
      %scan3A_427 = arith.constant 64 : i32
      %scan3A_428 = arith.addi %scan3A_426, %scan3A_427 : i32
      %scan3A_429 = arith.constant 1 : i32
      %scan3A_430:2 = scf.for %scan3A_432 = %scan3A_426 to %scan3A_428 step %scan3A_429 iter_args(%scan3A_433 = %while3A_403, %scan3A_434 = %while3A_404) -> (vector<16xf32>, vector<16xf32>)  : i32 {
        %broadcast_in_dim3A_435 = vector.broadcast %scan3A_432 : i32 to vector<16xi32>
        %mul3A_436 = arith.constant 16 : i32
        %mul3A_437 = arith.muli %scan3A_432, %mul3A_436 : i32
        %get3A = arith.index_cast %mul3A_437 : i32 to index
        %get3A_438 = tpu.vector_load %arg35[%get3A] {strides = array<i32>} : memref<1024xf32, #tpu.memory_space<vmem>>, vector<16xf32>,
        %mul3A_439 = arith.constant 16 : i32
        %mul3A_440 = arith.muli %scan3A_432, %mul3A_439 : i32
        %get3A_441 = arith.index_cast %mul3A_440 : i32 to index
        %get3A_442 = tpu.vector_load %arg36[%get3A_441] {strides = array<i32>} : memref<1024xi32, #tpu.memory_space<vmem>>, vector<16xi32>,
        %gather3A_443 = tpu.vector_load_idx %arg25[%broadcast_in_dim3A_435] : memref<64xi32, #tpu.memory_space<vmem>>[vector<16xi32>], vector<16xi32>,
        %gather3A_444 = tpu.vector_load_idx %arg26[%gather3A_443] : memref<32xf32, #tpu.memory_space<vmem>>[vector<16xi32>], vector<16xf32>,
        %ge3A = vector.broadcast %add3A_407 : i32 to vector<16xi32>
        %ge3A_445 = arith.cmpi sge, %get3A_442, %ge3A : vector<16xi32>
        %lt3A_446 = vector.broadcast %min3A_410 : i32 to vector<16xi32>
        %lt3A_447 = arith.cmpi slt, %get3A_442, %lt3A_446 : vector<16xi32>
        %and3A_448 = arith.andi %ge3A_445, %lt3A_447 : vector<16xi1>
        %sub3A_449 = vector.broadcast %multiple_of3A_413 : i32 to vector<16xi32>
        %sub3A_450 = arith.subi %get3A_442, %sub3A_449 : vector<16xi32>
        %jit3A = arith.constant 0 : i32
        %broadcast_in_dim3A_451 = vector.broadcast %jit3A : i32 to vector<16xi32>
        %select_n3A_452 = arith.select %and3A_448, %sub3A_450, %broadcast_in_dim3A_451 : vector<16xi1>, vector<16xi32>
        %gather3A_453 = tpu.vector_load_idx %arg19[%broadcast_in_dim3A_435] : memref<64xf32, #tpu.memory_space<vmem>>[vector<16xi32>], vector<16xf32>,
        %gather3A_454 = tpu.vector_load_idx %arg31[%select_n3A_452] : memref<2048xf32, #tpu.memory_space<vmem>>[vector<16xi32>], vector<16xf32>,
        %sub3A_455 = arith.subf %gather3A_453, %gather3A_454 : vector<16xf32>
        %gather3A_456 = tpu.vector_load_idx %arg20[%broadcast_in_dim3A_435] : memref<64xf32, #tpu.memory_space<vmem>>[vector<16xi32>], vector<16xf32>,
        %gather3A_457 = tpu.vector_load_idx %arg32[%select_n3A_452] : memref<2048xf32, #tpu.memory_space<vmem>>[vector<16xi32>], vector<16xf32>,
        %sub3A_458 = arith.subf %gather3A_456, %gather3A_457 : vector<16xf32>
        %gather3A_459 = tpu.vector_load_idx %arg21[%broadcast_in_dim3A_435] : memref<64xf32, #tpu.memory_space<vmem>>[vector<16xi32>], vector<16xf32>,
        %gather3A_460 = tpu.vector_load_idx %arg33[%select_n3A_452] : memref<2048xf32, #tpu.memory_space<vmem>>[vector<16xi32>], vector<16xf32>,
        %sub3A_461 = arith.subf %gather3A_459, %gather3A_460 : vector<16xf32>
        %mul3A_462 = arith.mulf %sub3A_455, %sub3A_455 : vector<16xf32>
        %mul3A_463 = arith.mulf %sub3A_458, %sub3A_458 : vector<16xf32>
        %add3A_464 = arith.addf %mul3A_462, %mul3A_463 : vector<16xf32>
        %mul3A_465 = arith.mulf %sub3A_461, %sub3A_461 : vector<16xf32>
        %add3A_466 = arith.addf %add3A_464, %mul3A_465 : vector<16xf32>
        %min3A_467 = arith.constant 1.000000e+08 : f32
        %min3A_468 = vector.broadcast %min3A_467 : f32 to vector<16xf32>
        %min3A_469 = arith.minimumf %get3A_438, %min3A_468 : vector<16xf32>
        %max3A = arith.constant 9.99999993E-9 : f32
        %max3A_470 = vector.broadcast %max3A : f32 to vector<16xf32>
        %max3A_471 = arith.maximumf %add3A_466, %max3A_470 : vector<16xf32>
        %bitcast3A = vector.bitcast %max3A_471 : vector<16xf32> to vector<16xi32>
        %shift_right_arithmetic3A_472 = arith.constant 1 : i32
        %shift_right_arithmetic3A_473 = vector.broadcast %shift_right_arithmetic3A_472 : i32 to vector<16xi32>
        %shift_right_arithmetic3A_474 = arith.shrsi %bitcast3A, %shift_right_arithmetic3A_473 : vector<16xi32>
        %sub3A_475 = arith.constant 1597463007 : i32
        %sub3A_476 = vector.broadcast %sub3A_475 : i32 to vector<16xi32>
        %sub3A_477 = arith.subi %sub3A_476, %shift_right_arithmetic3A_474 : vector<16xi32>
        %bitcast3A_478 = vector.bitcast %sub3A_477 : vector<16xi32> to vector<16xf32>
        %mul3A_479 = arith.constant 5.000000e-01 : f32
        %mul3A_480 = vector.broadcast %mul3A_479 : f32 to vector<16xf32>
        %mul3A_481 = arith.mulf %mul3A_480, %max3A_471 : vector<16xf32>
        %mul3A_482 = arith.mulf %mul3A_481, %bitcast3A_478 : vector<16xf32>
        %mul3A_483 = arith.mulf %mul3A_482, %bitcast3A_478 : vector<16xf32>
        %sub3A_484 = arith.constant 1.500000e+00 : f32
        %sub3A_485 = vector.broadcast %sub3A_484 : f32 to vector<16xf32>
        %sub3A_486 = arith.subf %sub3A_485, %mul3A_483 : vector<16xf32>
        %mul3A_487 = arith.mulf %bitcast3A_478, %sub3A_486 : vector<16xf32>
        %mul3A_488 = arith.constant 5.000000e-01 : f32
        %mul3A_489 = vector.broadcast %mul3A_488 : f32 to vector<16xf32>
        %mul3A_490 = arith.mulf %mul3A_489, %max3A_471 : vector<16xf32>
        %mul3A_491 = arith.mulf %mul3A_490, %mul3A_487 : vector<16xf32>
        %mul3A_492 = arith.mulf %mul3A_491, %mul3A_487 : vector<16xf32>
        %sub3A_493 = arith.constant 1.500000e+00 : f32
        %sub3A_494 = vector.broadcast %sub3A_493 : f32 to vector<16xf32>
        %sub3A_495 = arith.subf %sub3A_494, %mul3A_492 : vector<16xf32>
        %mul3A_496 = arith.mulf %mul3A_487, %sub3A_495 : vector<16xf32>
        %mul3A_497 = arith.constant 5.000000e-01 : f32
        %mul3A_498 = vector.broadcast %mul3A_497 : f32 to vector<16xf32>
        %mul3A_499 = arith.mulf %mul3A_498, %max3A_471 : vector<16xf32>
        %mul3A_500 = arith.mulf %mul3A_499, %mul3A_496 : vector<16xf32>
        %mul3A_501 = arith.mulf %mul3A_500, %mul3A_496 : vector<16xf32>
        %sub3A_502 = arith.constant 1.500000e+00 : f32
        %sub3A_503 = vector.broadcast %sub3A_502 : f32 to vector<16xf32>
        %sub3A_504 = arith.subf %sub3A_503, %mul3A_501 : vector<16xf32>
        %mul3A_505 = arith.mulf %mul3A_496, %sub3A_504 : vector<16xf32>
        %mul3A_506 = arith.mulf %max3A_471, %mul3A_505 : vector<16xf32>
        %max3A_507 = arith.constant 9.99999993E-9 : f32
        %max3A_508 = vector.broadcast %max3A_507 : f32 to vector<16xf32>
        %max3A_509 = arith.maximumf %min3A_469, %max3A_508 : vector<16xf32>
        %bitcast3A_510 = vector.bitcast %max3A_509 : vector<16xf32> to vector<16xi32>
        %shift_right_arithmetic3A_511 = arith.constant 1 : i32
        %shift_right_arithmetic3A_512 = vector.broadcast %shift_right_arithmetic3A_511 : i32 to vector<16xi32>
        %shift_right_arithmetic3A_513 = arith.shrsi %bitcast3A_510, %shift_right_arithmetic3A_512 : vector<16xi32>
        %sub3A_514 = arith.constant 1597463007 : i32
        %sub3A_515 = vector.broadcast %sub3A_514 : i32 to vector<16xi32>
        %sub3A_516 = arith.subi %sub3A_515, %shift_right_arithmetic3A_513 : vector<16xi32>
        %bitcast3A_517 = vector.bitcast %sub3A_516 : vector<16xi32> to vector<16xf32>
        %mul3A_518 = arith.constant 5.000000e-01 : f32
        %mul3A_519 = vector.broadcast %mul3A_518 : f32 to vector<16xf32>
        %mul3A_520 = arith.mulf %mul3A_519, %max3A_509 : vector<16xf32>
        %mul3A_521 = arith.mulf %mul3A_520, %bitcast3A_517 : vector<16xf32>
        %mul3A_522 = arith.mulf %mul3A_521, %bitcast3A_517 : vector<16xf32>
        %sub3A_523 = arith.constant 1.500000e+00 : f32
        %sub3A_524 = vector.broadcast %sub3A_523 : f32 to vector<16xf32>
        %sub3A_525 = arith.subf %sub3A_524, %mul3A_522 : vector<16xf32>
        %mul3A_526 = arith.mulf %bitcast3A_517, %sub3A_525 : vector<16xf32>
        %mul3A_527 = arith.constant 5.000000e-01 : f32
        %mul3A_528 = vector.broadcast %mul3A_527 : f32 to vector<16xf32>
        %mul3A_529 = arith.mulf %mul3A_528, %max3A_509 : vector<16xf32>
        %mul3A_530 = arith.mulf %mul3A_529, %mul3A_526 : vector<16xf32>
        %mul3A_531 = arith.mulf %mul3A_530, %mul3A_526 : vector<16xf32>
        %sub3A_532 = arith.constant 1.500000e+00 : f32
        %sub3A_533 = vector.broadcast %sub3A_532 : f32 to vector<16xf32>
        %sub3A_534 = arith.subf %sub3A_533, %mul3A_531 : vector<16xf32>
        %mul3A_535 = arith.mulf %mul3A_526, %sub3A_534 : vector<16xf32>
        %mul3A_536 = arith.constant 5.000000e-01 : f32
        %mul3A_537 = vector.broadcast %mul3A_536 : f32 to vector<16xf32>
        %mul3A_538 = arith.mulf %mul3A_537, %max3A_509 : vector<16xf32>
        %mul3A_539 = arith.mulf %mul3A_538, %mul3A_535 : vector<16xf32>
        %mul3A_540 = arith.mulf %mul3A_539, %mul3A_535 : vector<16xf32>
        %sub3A_541 = arith.constant 1.500000e+00 : f32
        %sub3A_542 = vector.broadcast %sub3A_541 : f32 to vector<16xf32>
        %sub3A_543 = arith.subf %sub3A_542, %mul3A_540 : vector<16xf32>
        %mul3A_544 = arith.mulf %mul3A_535, %sub3A_543 : vector<16xf32>
        %mul3A_545 = arith.mulf %max3A_509, %mul3A_544 : vector<16xf32>
        %sub3A_546 = arith.subf %mul3A_506, %mul3A_545 : vector<16xf32>
        %sub3A_547 = arith.subf %mul3A_506, %mul3A_545 : vector<16xf32>
        %mul3A_548 = arith.mulf %sub3A_546, %sub3A_547 : vector<16xf32>
        %le3A = arith.constant 2.025000e+01 : f32
        %le3A_549 = vector.broadcast %le3A : f32 to vector<16xf32>
        %le3A_550 = arith.cmpf ole, %get3A_438, %le3A_549 : vector<16xf32>
        %lt3A_551 = arith.constant 15 : i32
        %lt3A_552 = vector.broadcast %lt3A_551 : i32 to vector<16xi32>
        %lt3A_553 = arith.cmpi slt, %iota3A, %lt3A_552 : vector<16xi32>
        %and3A_554 = arith.andi %le3A_550, %lt3A_553 : vector<16xi1>
        %and3A_555 = arith.andi %and3A_554, %and3A_448 : vector<16xi1>
        %mul3A_556 = arith.mulf %mul3A_548, %gather3A_444 : vector<16xf32>
        %jit3A_557 = arith.constant 0.000000e+00 : f32
        %broadcast_in_dim3A_558 = vector.broadcast %jit3A_557 : f32 to vector<16xf32>
        %select_n3A_559 = arith.select %and3A_555, %mul3A_556, %broadcast_in_dim3A_558 : vector<16xi1>, vector<16xf32>
        %add3A_560 = arith.addf %scan3A_433, %select_n3A_559 : vector<16xf32>
        %jit3A_561 = arith.constant 1.000000e+00 : f32
        %jit3A_562 = arith.constant 0.000000e+00 : f32
        %broadcast_in_dim3A_563 = vector.broadcast %jit3A_561 : f32 to vector<16xf32>
        %broadcast_in_dim3A_564 = vector.broadcast %jit3A_562 : f32 to vector<16xf32>
        %select_n3A_565 = arith.select %and3A_555, %broadcast_in_dim3A_563, %broadcast_in_dim3A_564 : vector<16xi1>, vector<16xf32>
        %add3A_566 = arith.addf %scan3A_434, %select_n3A_565 : vector<16xf32>
        scf.yield %add3A_560, %add3A_566 : vector<16xf32>, vector<16xf32>
      }
      %scan3A_431 = arith.constant 64 : i32
      scf.yield %scan3A_430#0, %scan3A_430#1 : vector<16xf32>, vector<16xf32>
    }
    %swap3A_398 = arith.constant 0 : index
    %swap3A_399 = tpu.vector_load %arg37[%swap3A_398] {strides = array<i32>} : memref<16xf32, #tpu.memory_space<vmem>>, vector<16xf32>,
    tpu.vector_store %arg37[%swap3A_398], %while3A_397#0 {strides = array<i32>} : memref<16xf32, #tpu.memory_space<vmem>>, vector<16xf32>,
    "tpu.region"() ({
      %run_scoped3A = tpu.sem_alloc : memref<!tpu.dma_semaphore, #tpu.memory_space<semaphore_mem>>
      %dma_start3A_402 = arith.constant 0 : i32
      %dma_start3A_403 = tpu.memref_slice %arg17[%add3A, %dma_start3A_402] : memref<32x16xf32, #tpu.memory_space<hbm>> -> memref<1x16xf32, #tpu.memory_space<hbm>>
      %dma_start3A_404 = tpu.memref_squeeze %dma_start3A_403 : memref<1x16xf32, #tpu.memory_space<hbm>> -> memref<16xf32, #tpu.memory_space<hbm>>
      %dma_start3A_405 = arith.constant 0 : i32
      %dma_start3A_406 = tpu.memref_slice %arg17[%add3A, %dma_start3A_405] : memref<32x16xf32, #tpu.memory_space<hbm>> -> memref<1x16xf32, #tpu.memory_space<hbm>>
      %dma_start3A_407 = tpu.memref_squeeze %dma_start3A_406 : memref<1x16xf32, #tpu.memory_space<hbm>> -> memref<16xf32, #tpu.memory_space<hbm>>
      tpu.enqueue_dma source(%arg37 : memref<16xf32, #tpu.memory_space<vmem>>) target(%dma_start3A_407 : memref<16xf32, #tpu.memory_space<hbm>>) target_semaphore(%run_scoped3A : memref<!tpu.dma_semaphore, #tpu.memory_space<semaphore_mem>>)
      %dma_wait3A_408 = arith.constant 0 : i32
      %dma_wait3A_409 = tpu.memref_slice %arg17[%add3A, %dma_wait3A_408] : memref<32x16xf32, #tpu.memory_space<hbm>> -> memref<1x16xf32, #tpu.memory_space<hbm>>
      %dma_wait3A_410 = tpu.memref_squeeze %dma_wait3A_409 : memref<1x16xf32, #tpu.memory_space<hbm>> -> memref<16xf32, #tpu.memory_space<hbm>>
      %dma_wait3A_411 = arith.constant 0 : i32
      %dma_wait3A_412 = tpu.memref_slice %arg17[%add3A, %dma_wait3A_411] : memref<32x16xf32, #tpu.memory_space<hbm>> -> memref<1x16xf32, #tpu.memory_space<hbm>>
      %dma_wait3A_413 = tpu.memref_squeeze %dma_wait3A_412 : memref<1x16xf32, #tpu.memory_space<hbm>> -> memref<16xf32, #tpu.memory_space<hbm>>
      tpu.wait_dma2 semaphore(%run_scoped3A : memref<!tpu.dma_semaphore, #tpu.memory_space<semaphore_mem>>) src(%arg37 : memref<16xf32, #tpu.memory_space<vmem>>) dst(%dma_wait3A_413 : memref<16xf32, #tpu.memory_space<hbm>>)
      tpu.yield
    }) : () -> ()
    %swap3A_400 = arith.constant 0 : index
    %swap3A_401 = tpu.vector_load %arg37[%swap3A_400] {strides = array<i32>} : memref<16xf32, #tpu.memory_space<vmem>>, vector<16xf32>,
    tpu.vector_store %arg37[%swap3A_400], %while3A_397#1 {strides = array<i32>} : memref<16xf32, #tpu.memory_space<vmem>>, vector<16xf32>,
    "tpu.region"() ({
      %run_scoped3A = tpu.sem_alloc : memref<!tpu.dma_semaphore, #tpu.memory_space<semaphore_mem>>
      %dma_start3A_402 = arith.constant 0 : i32
      %dma_start3A_403 = tpu.memref_slice %arg18[%add3A, %dma_start3A_402] : memref<32x16xf32, #tpu.memory_space<hbm>> -> memref<1x16xf32, #tpu.memory_space<hbm>>
      %dma_start3A_404 = tpu.memref_squeeze %dma_start3A_403 : memref<1x16xf32, #tpu.memory_space<hbm>> -> memref<16xf32, #tpu.memory_space<hbm>>
      %dma_start3A_405 = arith.constant 0 : i32
      %dma_start3A_406 = tpu.memref_slice %arg18[%add3A, %dma_start3A_405] : memref<32x16xf32, #tpu.memory_space<hbm>> -> memref<1x16xf32, #tpu.memory_space<hbm>>
      %dma_start3A_407 = tpu.memref_squeeze %dma_start3A_406 : memref<1x16xf32, #tpu.memory_space<hbm>> -> memref<16xf32, #tpu.memory_space<hbm>>
      tpu.enqueue_dma source(%arg37 : memref<16xf32, #tpu.memory_space<vmem>>) target(%dma_start3A_407 : memref<16xf32, #tpu.memory_space<hbm>>) target_semaphore(%run_scoped3A : memref<!tpu.dma_semaphore, #tpu.memory_space<semaphore_mem>>)
      %dma_wait3A_408 = arith.constant 0 : i32
      %dma_wait3A_409 = tpu.memref_slice %arg18[%add3A, %dma_wait3A_408] : memref<32x16xf32, #tpu.memory_space<hbm>> -> memref<1x16xf32, #tpu.memory_space<hbm>>
      %dma_wait3A_410 = tpu.memref_squeeze %dma_wait3A_409 : memref<1x16xf32, #tpu.memory_space<hbm>> -> memref<16xf32, #tpu.memory_space<hbm>>
      %dma_wait3A_411 = arith.constant 0 : i32
      %dma_wait3A_412 = tpu.memref_slice %arg18[%add3A, %dma_wait3A_411] : memref<32x16xf32, #tpu.memory_space<hbm>> -> memref<1x16xf32, #tpu.memory_space<hbm>>
      %dma_wait3A_413 = tpu.memref_squeeze %dma_wait3A_412 : memref<1x16xf32, #tpu.memory_space<hbm>> -> memref<16xf32, #tpu.memory_space<hbm>>
      tpu.wait_dma2 semaphore(%run_scoped3A : memref<!tpu.dma_semaphore, #tpu.memory_space<semaphore_mem>>) src(%arg37 : memref<16xf32, #tpu.memory_space<vmem>>) dst(%dma_wait3A_413 : memref<16xf32, #tpu.memory_space<hbm>>)
      tpu.yield
    }) : () -> ()
    return
  }
}

</mosaic_0001>

<sc_bundles>
// kernel: _run.3.cloned.1.call-start
scs
__scs_entry_jumppad:
0x0: {  	(pc) =	sbr.rel $0x88, $3  }
0x1: {  	(tag) =	ssettag $0x0;
	lr =	simm.s32 $0x1  }
0x2: {  	[smem:$0x3F92] =	sst lr;
	_ =	strace $0xD0000000  }
0x3: {  	_ = 	snop  }
0x4: {  	_ = 	snop  }
0x5: {  	_ = 	snop  }
0x6: {  	_ = 	snop  }
0x7: {  	_ = 	snop  }
__scs_overlays_trampoline_lowered:
0x8: {  	[smem:$0x3FA1] =	sst s0  }
0x9: {  	[smem:$0x3FA2] =	sst s1  }
0xa: {  	[smem:$0x3FA3] =	sst s2  }
0xb: {  	[smem:$0x3FA4] =	sst s3  }
0xc: {  	[smem:$0x3FA5] =	sst s4  }
0xd: {  	[smem:$0x3FA6] =	sst s5  }
0xe: {  	[smem:$0x3FA7] =	sst s6  }
0xf: {  	[smem:$0x3FA8] =	sst s7  }
0x10: {  	[smem:$0x3FA9] =	sst s8  }
0x11: {  	[smem:$0x3FAA] =	sst s9;
	s0 =	simm.s32 @!p0 $0x0  }
0x12: {  	s1 =	sld [smem:$0x3F90];
	s0 =	simm.s32 @p0 $0x1  }
0x13: {  	[smem:$0x3FAB] =	sst s0;
	s0 =	simm.s32 @!p1 $0x0  }
0x14: {  	s2 =	sld [smem:$0x3F8F];
	s0 =	simm.s32 @p1 $0x1  }
0x15: {  	[smem:$0x3FAC] =	sst s0;
	s0 =	simm.s32 @!p2 $0x0  }
0x16: {  	s3 =	sld [smem:$0x3FDB];
	s0 =	simm.s32 @p2 $0x1  }
0x17: {  	s4 =	simm.s32 $0x1BF5;
	[smem:$0x3FAE] =	sst s0  }
0x18: {  	s0 =	sld [smem:$0x3F91];
	_ =	swait.ge [sflag:s4], $0x0  }
0x19: {  	s7 =	sld [smem:$0x3F92]  }
0x1a: {  	s8 =	sadd.s32 $0xFFFFE003, lr  }
0x1b: {  	s9 =	sadd.s32 $0xFFFFFEF7, lr;
	s5 =	simm.s32 $0xFFFFFFFF;
	p2 =	slt.u32 s8, $0xFFFFF086  }
0x1c: {  	p1 =	slt.u32 s9, $0xF7A;
	s5 =	simm.s32 @!p2 $0x0  }
0x1d: {  	s5 =	simm.s32 @p1 $0x1;
	p0 =	seq.s32 s7, s2  }
0x1e: {  	s7 =	smul.u32 @!p0 $0xF7A, s2;
	p2 =	seq.s32 @!p0 s5, $0x0  }
0x1f: {  	s9 =	smul.u32 $0xF7A, s1;
	s8 =	simm.s32 @!p0 $0x1BF5;
	p2 =	por !p2, p0  }
0x20: {  	[sflag:s8] =	ssyncset.s32 @!p0 $0xFFFFF086;
	s6 =	sadd.s32 @!p0 s3, s7;
	s7 =	simm.s32 @!p0 $0x108  }
0x21: {  	s3 =	sadd.s32 s3, s9;
	s6 =	sadd.s32 @!p0 $0x88, s6;
	s7 =	simm.s32 @p2 $0x1082  }
0x22: {  	[simem:s7], [sflag:s8] =	dma.local @!p0 [hbm:s6], $0xF7A  }
0x23: {  	s9 =	sor.u32 $0xD0000000, s2;
	s6 =	simm.s32 $0x108;
	_ =	swait.ge @!p0 [sflag:s8], $0x0  }
0x24: {  	s3 =	sadd.s32 $0x88, s3;
	s6 =	simm.s32 @!p1 $0x1082;
	[sflag:s4] =	ssyncset.s32 $0xFFFFF086  }
0x25: {  	[simem:s6], [sflag:s4] =	dma.local [hbm:s3], $0xF7A  }
0x26: {  	[smem:$0x3F92] =	sst s1;
	(tag) =	ssettag s2;
	_ =	strace s9  }
0x27: {  	s1 =	sld [smem:$0x3FA2]  }
0x28: {  	s2 =	sld [smem:$0x3FA3]  }
0x29: {  	s4 =	sld [smem:$0x3FA5]  }
0x2a: {  	p0 =	seq.s32 s5, $0x0;
	s5 =	sld [smem:$0x3FA6]  }
0x2b: {  	s6 =	sld [smem:$0x3FA7]  }
0x2c: {  	s7 =	sld [smem:$0x3FA8]  }
0x2d: {  	s3 =	simm.s32 $0x108;
	s8 =	sld [smem:$0x3FA9]  }
0x2e: {  	s3 =	simm.s32 @!p0 $0x1082;
	s9 =	sld [smem:$0x3FAA]  }
0x2f: {  	lr =	sadd.s32 s0, s3;
	s0 =	sld [smem:$0x3FA1]  }
0x30: {  	s3 =	sld [smem:$0x3FA4]  }
0x31: {  	[smem:$0x3FAD] =	sst s10  }
0x32: {  	s10 =	sld [smem:$0x3FAB];
	_ =	sdelay $0x3  }
0x33: {  	p0 =	seq.s32 s10, $0x1;
	s10 =	sld [smem:$0x3FAD];
	_ =	sdelay $0x3  }
0x34: {  	[smem:$0x3FAD] =	sst s10  }
0x35: {  	s10 =	sld [smem:$0x3FAC];
	_ =	sdelay $0x3  }
0x36: {  	p1 =	seq.s32 s10, $0x1;
	s10 =	sld [smem:$0x3FAD];
	_ =	sdelay $0x3  }
0x37: {  	[smem:$0x3FAD] =	sst s10  }
0x38: {  	s10 =	sld [smem:$0x3FAE]  }
0x39: {  	_ = 	snop;
	(pc) =	sbr.ind lr, $3  }
0x3a: {  	_ = 	snop  }
0x3b: {  	_ = 	snop  }
0x3c: {  	p2 =	seq.s32 s10, $0x1;
	s10 =	sld [smem:$0x3FAD]  }
0x3d: {  	_ =	shalt  }
0x3e: {  	_ =	shalt  }
0x3f: {  	_ =	shalt  }
0x40: {  	_ =	shalt  }
0x41: {  	_ =	shalt  }
0x42: {  	_ =	shalt  }
0x43: {  	_ =	shalt  }
0x44: {  	_ =	shalt  }
0x45: {  	_ =	shalt  }
0x46: {  	_ =	shalt  }
0x47: {  	_ =	shalt  }
0x48: {  	_ =	shalt  }
0x49: {  	_ =	shalt  }
0x4a: {  	_ =	shalt  }
0x4b: {  	_ =	shalt  }
0x4c: {  	_ =	shalt  }
0x4d: {  	_ =	shalt  }
0x4e: {  	_ =	shalt  }
0x4f: {  	_ =	shalt  }
0x50: {  	_ =	shalt  }
0x51: {  	_ =	shalt  }
0x52: {  	_ =	shalt  }
0x53: {  	_ =	shalt  }
0x54: {  	_ =	shalt  }
0x55: {  	_ =	shalt  }
0x56: {  	_ =	shalt  }
0x57: {  	_ =	shalt  }
0x58: {  	_ =	shalt  }
0x59: {  	_ =	shalt  }
0x5a: {  	_ =	shalt  }
0x5b: {  	_ =	shalt  }
0x5c: {  	_ =	shalt  }
0x5d: {  	_ =	shalt  }
0x5e: {  	_ =	shalt  }
0x5f: {  	_ =	shalt  }
0x60: {  	_ =	shalt  }
0x61: {  	_ =	shalt  }
0x62: {  	_ =	shalt  }
0x63: {  	_ =	shalt  }
0x64: {  	_ =	shalt  }
0x65: {  	_ =	shalt  }
0x66: {  	_ =	shalt  }
0x67: {  	_ =	shalt  }
0x68: {  	_ =	shalt  }
0x69: {  	_ =	shalt  }
0x6a: {  	_ =	shalt  }
0x6b: {  	_ =	shalt  }
0x6c: {  	_ =	shalt  }
0x6d: {  	_ =	shalt  }
0x6e: {  	_ =	shalt  }
0x6f: {  	_ =	shalt  }
0x70: {  	_ =	shalt  }
0x71: {  	_ =	shalt  }
0x72: {  	_ =	shalt  }
0x73: {  	_ =	shalt  }
0x74: {  	_ =	shalt  }
0x75: {  	_ =	shalt  }
0x76: {  	_ =	shalt  }
0x77: {  	_ =	shalt  }
0x78: {  	_ =	shalt  }
0x79: {  	_ =	shalt  }
0x7a: {  	_ =	shalt  }
0x7b: {  	_ =	shalt  }
0x7c: {  	_ =	shalt  }
0x7d: {  	_ =	shalt  }
0x7e: {  	_ =	shalt  }
0x7f: {  	_ =	shalt  }
0x80: {  	_ =	shalt  }
0x81: {  	_ =	shalt  }
0x82: {  	_ =	shalt  }
0x83: {  	_ =	shalt  }
0x84: {  	_ =	shalt  }
0x85: {  	_ =	shalt  }
0x86: {  	_ =	shalt  }
0x87: {  	_ =	shalt  }
.Lfunc_end0:
.L_simem_size_0:
called_computation_lowered:
.L_overlay_start_0:
0x88: {  	s2 =	sld [smem:$0x3FD9]  }
0x89: {  	s3 =	sld [smem:$0x3FFE];
	_ =	sdelay $0x1  }
0x8a: {  	s1 =	srdreg.scid  }
0x8b: {  	s0 =	sand.u32 $0x1, s1  }
0x8c: {  	s23 =	sshll.u32 s0, $0xA;
	s2 =	sadd.s32 s3, s2  }
0x8d: {  	s2 =	sadd.s32 s2, s23  }
0x8e: {  	[smem:$0x3FB9] =	sst s2  }
0x8f: {  	_ = 	snop  }
0x90: {  	s2 =	sld [smem:$0x3FC9]  }
0x91: {  	s3 =	sld [smem:$0x3FC8]  }
0x92: {  	s4 =	sld [smem:$0x3FC7]  }
0x93: {  	s5 =	sld [smem:$0x3FC6]  }
0x94: {  	s6 =	sld [smem:$0x3FC5]  }
0x95: {  	s7 =	sld [smem:$0x3FC4]  }
0x96: {  	s8 =	sld [smem:$0x3FC3]  }
0x97: {  	s9 =	sld [smem:$0x3FC2]  }
0x98: {  	s10 =	sld [smem:$0x3FC1]  }
0x99: {  	s11 =	sld [smem:$0x3FC0]  }
0x9a: {  	s12 =	sld [smem:$0x3FBF]  }
0x9b: {  	s13 =	sld [smem:$0x3FBE]  }
0x9c: {  	s14 =	sld [smem:$0x3FBD]  }
0x9d: {  	s15 =	sld [smem:$0x3FBC]  }
0x9e: {  	s17 =	sld [smem:$0x3FBB];
	(tm) =	ssettm $0x1  }
0x9f: {  	s16 =	sld [smem:$0x3FFB];
	_ =	sdelay $0x3  }
0xa0: {  	_ =	strace s16  }
0xa1: {  	s16 =	sld [smem:$0x3FFC];
	_ =	sdelay $0x3  }
0xa2: {  	_ =	strace s16  }
0xa3: {  	s16 =	sld [smem:$0x3FFD];
	_ =	sdelay $0x3  }
0xa4: {  	_ =	strace s16  }
0xa5: {  	_ =	strace $0x8FFFFFFF  }
0xa6: {  	s24 =	sld [smem:$0x3FDB];
	_ =	sdelay $0x1  }
0xa7: {  	s18 =	simm.s32 $_scs_section_size  }
0xa8: {  	s19 =	simm.s32 $_size__tile_task_arg_handler_lowered;
	s20 =	simm.s32 $_tile_task_arg_handler_lowered  }
0xa9: {  	s28 =	simm.s32 $0x1BFF;
	s26 =	sshll.u32 s20, $0x1;
	s18 =	sadd.s32 s18, s24  }
0xaa: {  	s21 =	simm.s32 $0x60;
	s25 =	sshll.u32 s19, $0x1;
	s19 =	sadd.s32 s26, s18  }
0xab: {  	[timem:s21], [sflag:s28] =	dma.local [hbm:s19], s25  }
0xac: {  	_ =	swait.ge [sflag:s28], s25  }
0xad: {  	s29 =	simm.s32 $_tile_overlayer_lowered;
	s16 =	ssub.s32 $0x0, s25;
	[sflag:s28] =	ssyncset.done $0x0  }
0xae: {  	s30 =	simm.s32 $_size__tile_overlayer_lowered;
	s19 =	sshll.u32 s29, $0x1;
	[sflag:s28] =	ssyncadd.s32 s16  }
0xaf: {  	s31 =	sshll.u32 s30, $0x1;
	s19 =	sadd.s32 s19, s18;
	s16 =	simm.s32 $0x0  }
0xb0: {  	[timem:s16], [sflag:s28] =	dma.local [hbm:s19], s31  }
0xb1: {  	_ =	swait.ge [sflag:s28], s31  }
0xb2: {  	s22 =	ssub.s32 $0x0, s31;
	[sflag:s28] =	ssyncset.done $0x0  }
0xb3: {  	[sflag:s28] =	ssyncadd.s32 s22;
	_ =	sdelay $0x1  }
0xb4: {  	s23 =	simm.s32 $0x1B8B  }
0xb5: {  	_ =	swait.ge [sflag:s23], $0x1  }
0xb6: {  	[sflag:s23] =	ssyncset.done $0x0  }
0xb7: {  	s25 =	simm.s32 $0x1B8E;
	s24 =	sld [smem:$0x3FFE];
	[sflag:s23] =	ssyncadd.s32 $0xFFFFFFFF  }
0xb8: {  	s26 =	simm.s32 $execute0_lowered;
	[smem:$0x3FD2] =	sst s25  }
0xb9: {  	s20 =	sshll.u32 s26, $0x1;
	_ =	strace $0x80000046;
	[dreg:$0x1] =	wrdreg $0xFFFFFFFF  }
0xba: {  	s18 =	sadd.s32 s18, s20;
	s28 =	simm.s32 $_size_execute0_lowered;
	[dreg:$0x0] =	wrdreg $0x0  }
0xbb: {  	s20 =	sshll.u32 s28, $0x1;
	[dreg:$0x2] =	wrdreg s18  }
0xbc: {  	[dreg:$0x3] =	wrdreg s20  }
0xbd: {  	[dreg:$0x4] =	wrdreg $0xC0  }
0xbe: {  	_ =	task [dreg:s16], $0x5FFFF  }
0xbf: {  	[dreg:$0x1] =	wrdreg $0xFFFFFFFF  }
0xc0: {  	[dreg:$0x0] =	wrdreg $0x30  }
0xc1: {  	[dreg:$0x2] =	wrdreg $0x0  }
0xc2: {  	[dreg:$0x3] =	wrdreg s17  }
0xc3: {  	[dreg:$0x4] =	wrdreg s24  }
0xc4: {  	[dreg:$0x5] =	wrdreg $0x9  }
0xc5: {  	_ =	task [dreg:s16], $0x6FFFF  }
0xc6: {  	[dreg:$0x1] =	wrdreg $0xFFFFFFFF  }
0xc7: {  	[dreg:$0x0] =	wrdreg $0x60  }
0xc8: {  	[dreg:$0x2] =	wrdreg s2  }
0xc9: {  	[dreg:$0x3] =	wrdreg s3  }
0xca: {  	[dreg:$0x4] =	wrdreg s4  }
0xcb: {  	[dreg:$0x5] =	wrdreg s5  }
0xcc: {  	[dreg:$0x6] =	wrdreg s6  }
0xcd: {  	[dreg:$0x7] =	wrdreg s7  }
0xce: {  	[dreg:$0x8] =	wrdreg s8  }
0xcf: {  	[dreg:$0x9] =	wrdreg s9  }
0xd0: {  	[dreg:$0xa] =	wrdreg s10  }
0xd1: {  	[dreg:$0xb] =	wrdreg s11  }
0xd2: {  	[dreg:$0xc] =	wrdreg s12  }
0xd3: {  	[dreg:$0xd] =	wrdreg s13  }
0xd4: {  	[dreg:$0xe] =	wrdreg s14  }
0xd5: {  	[dreg:$0xf] =	wrdreg s15  }
0xd6: {  	_ =	task.clear_ibuf [dreg:s16], $0x10FFFF;
	_ =	strace $0x90000046  }
0xd7: {  	s29 =	simm.s32 $0x9;
	_ =	strace $0x80000048  }
0xd8: {  	_ =	swait.ge [sflag:s29], $0x1  }
0xd9: {  	[sflag:s29] =	ssyncadd.s32 $0xFFFFFFFF  }
0xda: {  	_ =	strace $0x90000048  }
0xdb: {  	_ =	sfence  }
0xdc: {  	s30 =	sld [smem:$0x0];
	_ =	sdelay $0x2  }
0xdd: {  	s31 =	sshll.u32 s1, $0xD;
	s1 =	sshrl.u32 s1, $0x2  }
0xde: {  	s3 =	sand.u32 $0x4000, s31;
	s1 =	sadd.s32 s1, s30  }
0xdf: {  	s0 =	sor.u32 s3, s0;
	s1 =	sshll.u32 s1, $0x11  }
0xe0: {  	s0 =	sor.u32 s1, s0  }
0xe1: {  	s0 =	sadd.s32 $0x8F2B, s0  }
0xe2: {  	[sflag:s0] =	ssyncadd.remote.s32 $0x1  }
0xe3: {  	_ =	sfence.sel $0xFFFF  }
0xe4: {  	[dreg:$0x0] =	wrdreg $0xFFFFFFFF;
	(pc) =	sbr.abs _section_cstart, $3  }
0xe5: {  	[dreg:$0x1] =	wrdreg $0xFFFFFFFF  }
0xe6: {  	_ =	task.clear_ibuf [dreg:s16], $0x2FFFF;
	_ =	strace $0x9FFFFFFF  }
0xe7: {  	(tm) =	ssettm $0x7FFFFFFF  }
tec
_tile_task_arg_handler_lowered:
.L_overlay_start_1:
0x0: {  	(tag) =	ssettag $0x1  }
0x1: {  	s0 =	rddreg [dreg:$0x0]  }
0x2: {  	s1 =	rddreg [dreg:$0x1]  }
0x3: {  	s2 =	rddreg [dreg:$0x2]  }
0x4: {  	s3 =	rddreg [dreg:$0x3]  }
0x5: {  	s4 =	rddreg [dreg:$0x4]  }
0x6: {  	s5 =	rddreg [dreg:$0x5]  }
0x7: {  	s6 =	rddreg [dreg:$0x6]  }
0x8: {  	s7 =	rddreg [dreg:$0x7]  }
0x9: {  	s8 =	rddreg [dreg:$0x8]  }
0xa: {  	s9 =	rddreg [dreg:$0x9]  }
0xb: {  	s10 =	rddreg [dreg:$0xa]  }
0xc: {  	s11 =	rddreg [dreg:$0xb]  }
0xd: {  	s12 =	rddreg [dreg:$0xc]  }
0xe: {  	s13 =	rddreg [dreg:$0xd]  }
0xf: {  	[smem:s0] =	sst s1  }
0x10: {  	[smem:s0+$0x1] =	sst s2  }
0x11: {  	[smem:s0+$0x2] =	sst s3  }
0x12: {  	[smem:s0+$0x3] =	sst s4  }
0x13: {  	[smem:s0+$0x4] =	sst s5  }
0x14: {  	[smem:s0+$0x5] =	sst s6  }
0x15: {  	[smem:s0+$0x6] =	sst s7  }
0x16: {  	[smem:s0+$0x7] =	sst s8  }
0x17: {  	[smem:s0+$0x8] =	sst s9  }
0x18: {  	[smem:s0+$0x9] =	sst s10  }
0x19: {  	[smem:s0+$0xA] =	sst s11  }
0x1a: {  	[smem:s0+$0xB] =	sst s12  }
0x1b: {  	[smem:s0+$0xC] =	sst s13;
	_ =	shalt  }
.Lfunc_end2:
execute0_lowered:
.L_overlay_start_2:
0x1c: {  	(tag) =	ssettag $0x2  }
0x1d: {  	s0 =	rddreg [dreg:$0x0]  }
0x1e: {  	s1 =	rddreg [dreg:$0x1]  }
0x1f: {  	s2 =	rddreg [dreg:$0x2]  }
0x20: {  	s3 =	rddreg [dreg:$0x3]  }
0x21: {  	s4 =	rddreg [dreg:$0x4]  }
0x22: {  	s5 =	rddreg [dreg:$0x5]  }
0x23: {  	s13 =	rddreg [dreg:$0x6]  }
0x24: {  	s14 =	rddreg [dreg:$0x7]  }
0x25: {  	s15 =	rddreg [dreg:$0x8]  }
0x26: {  	s6 =	rddreg [dreg:$0xc];
	s8 =	simm.s32 $0x0;
	s7 =	srdreg.scid  }
0x27: {  	s11 =	stileid.u32;
	s29 =	simm.s32 $0x380;
	[smem:$0x7FF] =	sst s8  }
0x28: {  	s7 =	sand.u32 $0x1, s7;
	s11 =	sshll.u32 s11, $0x1;
	s9 =	sld [smem:$0x0]  }
0x29: {  	s10 =	ssub.s32 $0x2, s7;
	s12 =	sld [smem:$0x2];
	s7 =	sor.u32 s7, s11  }
0x2a: {  	s21 =	sld [smem:$0x1];
	s22 =	sshrl.u32 s10, $0x1;
	s11 =	sshll.u32 s7, $0x3  }
0x2b: {  	s26 =	sshll.u32 s7, $0x4;
	s7 =	smov.u32 s15;
	[dreg:$0xf] =	wrdreg s9  }
0x2c: {  	s10 =	ssub.s32 s10, s22;
	s6 =	sadd.s32 s6, s11;
	[dreg:$0xe] =	wrdreg s12  }
0x2d: {  	s0 =	sadd.s32 s0, s11;
	_ =	strace $0x80000047;
	[dreg:$0x10] =	wrdreg s6  }
0x2e: {  	s23 =	sadd.s32 s1, s11;
	s24 =	sadd.s32 s2, s11;
	[dreg:$0x11] =	wrdreg s0  }
0x2f: {  	s25 =	sadd.s32 s3, s11;
	s28 =	sadd.s32 s4, s11;
	[dreg:$0x12] =	wrdreg s23  }
0x30: {  	s30 =	sadd.s32 s5, s11;
	s3 =	simm.s32 $0x3480;
	[dreg:$0x13] =	wrdreg s24  }
0x31: {  	s22 =	simm.s32 $0x300;
	s11 =	simm.s32 $0x2480;
	[dreg:$0x14] =	wrdreg s25  }
.Ltmp0:
0x32: {  	s1 =	simm.s32 $0x0;
	[dreg:$0x15] =	wrdreg s28;
	(pc) =	sbr.rel .LBB3_1-.Ltmp0, $4  }
0x33: {  	s31 =	smax.u32 s10, $0x1;
	s10 =	simm.s32 $0x1C80;
	[dreg:$0x16] =	wrdreg s30  }
0x34: {  	v0 =	vimm.f32 $+Inf;
	v1 =	vimm.s32 $0x0;
	s12 =	simm.s32 $0x2C80;
	s0 =	sadd.s32 s21, s26;
	[dreg:$0x19] =	wrdreg s31  }
0x35: {  	v2 =	vimm.s32 $0x1FFF;
	v3 =	vlaneseq.u32;
	v4 =	vimm.s32 $0x3F;
	s6 =	smov.u32 s14;
	[dreg:$0x17] =	wrdreg s0;
	s0 =	sadd.s32 $0x200, s0  }
0x36: {  	v6 =	vimm.s32 $0x4000;
	v7 =	vimm.f32 $0.0e+00;
	v5 =	vor.u32 $0x10, v3;
	s23 =	simm.s32 $0x80;
	s24 =	simm.s32 $0x100;
	[dreg:$0x18] =	wrdreg s0  }
.LBB3_72:
0x37: {  	[tilespmem:$0x7C80] =	vst v9;
	s0 =	rddreg [dreg:$0x18];
	s1 =	simm.s32 $0x7C80;
	s2 =	simm.s32 $0x5  }
0x38: {  	[hbm4b:s0+s8] =	stream.linear.scatter [tilespmem:s1], [sflag:$0x5], $0x80, $0x38;
	[tilespmem:$0x7D00] =	vst v63  }
0x39: {  	_ =	swait.ge [sflag:s2], $0x80  }
0x3a: {  	[sflag:s2] =	ssyncset.done $0x0  }
0x3b: {  	[sflag:s2] =	ssyncadd.s32 $0xFFFFFF80  }
0x3c: {  	s28 =	rddreg [dreg:$0x17];
	[tilespmem:$0x7C80] =	vst v8  }
0x3d: {  	[hbm4b:s28+s8] =	stream.linear.scatter [tilespmem:s1], [sflag:$0x5], $0x80, $0x38;
	[tilespmem:$0x7D00] =	vst v63  }
0x3e: {  	_ =	swait.ge [sflag:s2], $0x80  }
0x3f: {  	s30 =	rddreg [dreg:$0x1a]  }
0x40: {  	s31 =	rddreg [dreg:$0x19];
	s1 =	sadd.s32 $0x1, s30  }
0x41: {  	p0 =	sne.s32 s1, s31  }
.Ltmp1:
0x42: {  	_ = 	snop;
	(pc) =	sbr.rel @!p0 .LBB3_73-.Ltmp1, $3  }
0x43: {  	_ =	sdelay $0x1  }
0x44: {  	[sflag:s2] =	ssyncset.done $0x0  }
0x45: {  	s3 =	simm.s32 $0x3480;
	[sflag:s2] =	ssyncadd.s32 $0xFFFFFF80  }
.LBB3_1:
0x46: {  	[dreg:$0x1a] =	wrdreg s1  }
0x47: {  	s0 =	rddreg [dreg:$0xd]  }
0x48: {  	[tilespmem:s3], [sflag:$0x2] =	stream.linear.gather [hbm4b:s0+s8], $0x4000, $0x38;
	[tilespmem:$0x7D00] =	vst v63  }
0x49: {  	s16 =	rddreg [dreg:$0x10]  }
0x4a: {  	[tilespmem:s22], [sflag:$0x2] =	stream.linear.gather [hbm4b:s16+s8], $0x40, $0x38;
	[tilespmem:$0x7D00] =	vst v63  }
0x4b: {  	s17 =	rddreg [dreg:$0x11]  }
0x4c: {  	[tilespmem:s8], [sflag:$0x1] =	stream.linear.gather [hbm4b:s17+s8], $0x40, $0x38;
	[tilespmem:$0x7D00] =	vst v63  }
0x4d: {  	s18 =	rddreg [dreg:$0x12]  }
0x4e: {  	[tilespmem:s23], [sflag:$0x1] =	stream.linear.gather [hbm4b:s18+s8], $0x40, $0x38;
	[tilespmem:$0x7D00] =	vst v63  }
0x4f: {  	s19 =	rddreg [dreg:$0x13]  }
0x50: {  	[tilespmem:s24], [sflag:$0x1] =	stream.linear.gather [hbm4b:s19+s8], $0x40, $0x38;
	[tilespmem:$0x7D00] =	vst v63  }
0x51: {  	s20 =	rddreg [dreg:$0x14];
	s21 =	simm.s32 $0x180  }
0x52: {  	[tilespmem:s21], [sflag:$0x1] =	stream.linear.gather [hbm4b:s20+s8], $0x40, $0x38;
	[tilespmem:$0x7D00] =	vst v63  }
0x53: {  	s25 =	rddreg [dreg:$0x15];
	s26 =	simm.s32 $0x200  }
0x54: {  	[tilespmem:s26], [sflag:$0x1] =	stream.linear.gather [hbm4b:s25+s8], $0x40, $0x38;
	[tilespmem:$0x7D00] =	vst v63  }
0x55: {  	s28 =	rddreg [dreg:$0x16];
	s30 =	simm.s32 $0x280  }
0x56: {  	[tilespmem:s30], [sflag:$0x1] =	stream.linear.gather [hbm4b:s28+s8], $0x40, $0x38;
	[tilespmem:$0x7D00] =	vst v63  }
0x57: {  	s31 =	rddreg [dreg:$0xf];
	s1 =	simm.s32 $0x0;
	s0 =	simm.s32 $0x40  }
0x58: {  	[tilespmem:s29], [sflag:$0x1] =	stream.linear.gather [hbm4b:s31+s8], $0x80, $0x38;
	[tilespmem:$0x7D00] =	vst v63  }
.LBB3_2:
0x59: {  	p0 =	sne.s32 s0, $0xFC0;
	[tilespmem:s1+$0x7480] =	vst v0;
	s2 =	smov.u32 s0;
	s0 =	sadd.s32 $0x40, s0  }
.Ltmp2:
0x5a: {  	[tilespmem:s1+$0x7880] =	vst v1;
	(pc) =	sbr.rel @p0 .LBB3_2-.Ltmp2, $2  }
0x5b: {  	_ =	sdelay $0x2  }
0x5c: {  	s1 =	sshra.s32 s2, $0x2  }
0x5d: {  	[tilespmem:s1+$0x7480] =	vst v0  }
0x5e: {  	[tilespmem:s1+$0x7880] =	vst v1;
	s0 =	simm.s32 $0x2  }
0x5f: {  	_ =	swait.ge [sflag:s0], $0x4000  }
0x60: {  	[sflag:s0] =	ssyncset.done $0x0  }
0x61: {  	[sflag:s0] =	ssyncadd.s32 $0xFFFFC000  }
0x62: {  	_ =	swait.ge [sflag:s0], $0x40  }
0x63: {  	[sflag:s0] =	ssyncset.done $0x0  }
0x64: {  	[sflag:s0] =	ssyncadd.s32 $0xFFFFFFC0  }
0x65: {  	v8 =	vld.idx.msk [tilespmem:v2+s3+$0x0], $0xffff;
	_ =	sdelay $0x4  }
0x66: {  	vm0 =	vlt.s32 v8, v3  }
0x67: {  	v8 =	vsel vm0, $0x2000, v1  }
0x68: {  	v9 =	vor.u32 $0xFFF, v8;
	_ =	sdelay $0x4  }
0x69: {  	v9 =	vld.idx.msk [tilespmem:v9+s3+$0x0], $0xffff;
	_ =	sdelay $0x4  }
0x6a: {  	v38 =	vor.u32 $0x1000, v8;
	vm11 =	vlt.s32 v9, v3  }
0x6b: {  	v8 =	vsel vm11, v38, v8  }
0x6c: {  	v9 =	vor.u32 $0x7FF, v8;
	_ =	sdelay $0x4  }
0x6d: {  	v9 =	vld.idx.msk [tilespmem:v9+s3+$0x0], $0xffff;
	_ =	sdelay $0x4  }
0x6e: {  	v39 =	vor.u32 $0x800, v8;
	vm12 =	vlt.s32 v9, v3  }
0x6f: {  	v8 =	vsel vm12, v39, v8  }
0x70: {  	v9 =	vor.u32 $0x3FF, v8;
	_ =	sdelay $0x4  }
0x71: {  	v9 =	vld.idx.msk [tilespmem:v9+s3+$0x0], $0xffff;
	_ =	sdelay $0x4  }
0x72: {  	v40 =	vor.u32 $0x400, v8;
	vm13 =	vlt.s32 v9, v3  }
0x73: {  	v8 =	vsel vm13, v40, v8  }
0x74: {  	v9 =	vadd.s32 $0x1FF, v8;
	_ =	sdelay $0x4  }
0x75: {  	v9 =	vld.idx.msk [tilespmem:v9+s3+$0x0], $0xffff;
	_ =	sdelay $0x4  }
0x76: {  	v41 =	vadd.s32 $0x200, v8;
	vm14 =	vlt.s32 v9, v3  }
0x77: {  	v8 =	vsel vm14, v41, v8  }
0x78: {  	v9 =	vadd.s32 $0xFF, v8;
	_ =	sdelay $0x4  }
0x79: {  	v9 =	vld.idx.msk [tilespmem:v9+s3+$0x0], $0xffff;
	_ =	sdelay $0x4  }
0x7a: {  	v42 =	vadd.s32 $0x100, v8;
	vm15 =	vlt.s32 v9, v3  }
0x7b: {  	v8 =	vsel vm15, v42, v8  }
0x7c: {  	v9 =	vadd.s32 $0x7F, v8;
	_ =	sdelay $0x4  }
0x7d: {  	v9 =	vld.idx.msk [tilespmem:v9+s3+$0x0], $0xffff;
	_ =	sdelay $0x4  }
0x7e: {  	v43 =	vadd.s32 $0x80, v8;
	vm4 =	vlt.s32 v9, v3  }
0x7f: {  	v8 =	vsel vm4, v43, v8  }
0x80: {  	v9 =	vadd.s32 $0x3F, v8;
	_ =	sdelay $0x4  }
0x81: {  	v9 =	vld.idx.msk [tilespmem:v9+s3+$0x0], $0xffff;
	_ =	sdelay $0x4  }
0x82: {  	v44 =	vadd.s32 $0x40, v8;
	vm5 =	vlt.s32 v9, v3  }
0x83: {  	v8 =	vsel vm5, v44, v8  }
0x84: {  	v9 =	vadd.s32 $0x1F, v8;
	_ =	sdelay $0x4  }
0x85: {  	v9 =	vld.idx.msk [tilespmem:v9+s3+$0x0], $0xffff;
	_ =	sdelay $0x4  }
0x86: {  	v45 =	vadd.s32 $0x20, v8;
	vm6 =	vlt.s32 v9, v3  }
0x87: {  	v8 =	vsel vm6, v45, v8  }
0x88: {  	v9 =	vadd.s32 $0xF, v8;
	_ =	sdelay $0x4  }
0x89: {  	v9 =	vld.idx.msk [tilespmem:v9+s3+$0x0], $0xffff;
	_ =	sdelay $0x4  }
0x8a: {  	v46 =	vadd.s32 $0x10, v8;
	vm7 =	vlt.s32 v9, v3  }
0x8b: {  	v8 =	vsel vm7, v46, v8  }
0x8c: {  	v9 =	vadd.s32 $0x7, v8;
	_ =	sdelay $0x4  }
0x8d: {  	v9 =	vld.idx.msk [tilespmem:v9+s3+$0x0], $0xffff;
	_ =	sdelay $0x4  }
0x8e: {  	v47 =	vadd.s32 $0x8, v8;
	vm8 =	vlt.s32 v9, v3  }
0x8f: {  	v8 =	vsel vm8, v47, v8  }
0x90: {  	v9 =	vadd.s32 $0x3, v8;
	_ =	sdelay $0x4  }
0x91: {  	v9 =	vld.idx.msk [tilespmem:v9+s3+$0x0], $0xffff;
	_ =	sdelay $0x4  }
0x92: {  	v48 =	vadd.s32 $0x4, v8;
	vm9 =	vlt.s32 v9, v3  }
0x93: {  	v8 =	vsel vm9, v48, v8  }
0x94: {  	v9 =	vadd.s32 $0x1, v8;
	_ =	sdelay $0x4  }
0x95: {  	v9 =	vld.idx.msk [tilespmem:v9+s3+$0x0], $0xffff;
	_ =	sdelay $0x4  }
0x96: {  	v49 =	vadd.s32 $0x2, v8;
	vm10 =	vlt.s32 v9, v3  }
0x97: {  	v8 =	vsel vm10, v49, v8;
	_ =	sdelay $0x4  }
0x98: {  	v9 =	vld.idx.msk [tilespmem:v8+s3+$0x0], $0xffff;
	_ =	sdelay $0x4  }
0x99: {  	vm11 =	vlt.s32 v9, v3  }
0x9a: {  	v9 =	vsel vm11, $0x1, v1  }
0x9b: {  	v8 =	vadd.s32 v9, v8;
	_ =	sdelay $0x4  }
0x9c: {  	v9 =	vld.idx.msk [tilespmem:v8+s3+$0x0], $0xffff;
	_ =	sdelay $0x4  }
0x9d: {  	vm12 =	vlt.s32 v9, v3  }
0x9e: {  	v9 =	vsel vm12, $0x1, v1  }
0x9f: {  	v8 =	vadd.s32 v9, v8  }
0xa0: {  	[tilespmem:$0x400] =	vst v8  }
0xa1: {  	v8 =	vld.idx.msk [tilespmem:v2+s3+$0x0], $0xffff;
	_ =	sdelay $0x4  }
0xa2: {  	vm13 =	vlt.s32 v8, v5  }
0xa3: {  	v8 =	vsel vm13, $0x2000, v1  }
0xa4: {  	v50 =	vor.u32 $0xFFF, v8;
	_ =	sdelay $0x4  }
0xa5: {  	v9 =	vld.idx.msk [tilespmem:v50+s3+$0x0], $0xffff;
	_ =	sdelay $0x4  }
0xa6: {  	v51 =	vor.u32 $0x1000, v8;
	vm14 =	vlt.s32 v9, v5  }
0xa7: {  	v8 =	vsel vm14, v51, v8  }
0xa8: {  	v9 =	vor.u32 $0x7FF, v8;
	_ =	sdelay $0x4  }
0xa9: {  	v9 =	vld.idx.msk [tilespmem:v9+s3+$0x0], $0xffff;
	_ =	sdelay $0x4  }
0xaa: {  	v52 =	vor.u32 $0x800, v8;
	vm15 =	vlt.s32 v9, v5  }
0xab: {  	v8 =	vsel vm15, v52, v8  }
0xac: {  	v9 =	vor.u32 $0x3FF, v8;
	_ =	sdelay $0x4  }
0xad: {  	v9 =	vld.idx.msk [tilespmem:v9+s3+$0x0], $0xffff;
	_ =	sdelay $0x4  }
0xae: {  	v53 =	vor.u32 $0x400, v8;
	vm4 =	vlt.s32 v9, v5  }
0xaf: {  	v8 =	vsel vm4, v53, v8  }
0xb0: {  	v9 =	vadd.s32 $0x1FF, v8;
	_ =	sdelay $0x4  }
0xb1: {  	v9 =	vld.idx.msk [tilespmem:v9+s3+$0x0], $0xffff;
	_ =	sdelay $0x4  }
0xb2: {  	v54 =	vadd.s32 $0x200, v8;
	vm5 =	vlt.s32 v9, v5  }
0xb3: {  	v8 =	vsel vm5, v54, v8  }
0xb4: {  	v9 =	vadd.s32 $0xFF, v8;
	_ =	sdelay $0x4  }
0xb5: {  	v9 =	vld.idx.msk [tilespmem:v9+s3+$0x0], $0xffff;
	_ =	sdelay $0x4  }
0xb6: {  	v55 =	vadd.s32 $0x100, v8;
	vm6 =	vlt.s32 v9, v5  }
0xb7: {  	v8 =	vsel vm6, v55, v8  }
0xb8: {  	v9 =	vadd.s32 $0x7F, v8;
	_ =	sdelay $0x4  }
0xb9: {  	v9 =	vld.idx.msk [tilespmem:v9+s3+$0x0], $0xffff;
	_ =	sdelay $0x4  }
0xba: {  	v56 =	vadd.s32 $0x80, v8;
	vm7 =	vlt.s32 v9, v5  }
0xbb: {  	v8 =	vsel vm7, v56, v8  }
0xbc: {  	v9 =	vadd.s32 $0x3F, v8;
	_ =	sdelay $0x4  }
0xbd: {  	v9 =	vld.idx.msk [tilespmem:v9+s3+$0x0], $0xffff;
	_ =	sdelay $0x4  }
0xbe: {  	v57 =	vadd.s32 $0x40, v8;
	vm8 =	vlt.s32 v9, v5  }
0xbf: {  	v8 =	vsel vm8, v57, v8  }
0xc0: {  	v9 =	vadd.s32 $0x1F, v8;
	_ =	sdelay $0x4  }
0xc1: {  	v9 =	vld.idx.msk [tilespmem:v9+s3+$0x0], $0xffff;
	_ =	sdelay $0x4  }
0xc2: {  	v58 =	vadd.s32 $0x20, v8;
	vm9 =	vlt.s32 v9, v5  }
0xc3: {  	v8 =	vsel vm9, v58, v8  }
0xc4: {  	v9 =	vadd.s32 $0xF, v8;
	_ =	sdelay $0x4  }
0xc5: {  	v9 =	vld.idx.msk [tilespmem:v9+s3+$0x0], $0xffff;
	_ =	sdelay $0x4  }
0xc6: {  	v59 =	vadd.s32 $0x10, v8;
	vm10 =	vlt.s32 v9, v5  }
0xc7: {  	v8 =	vsel vm10, v59, v8  }
0xc8: {  	v9 =	vadd.s32 $0x7, v8;
	_ =	sdelay $0x4  }
0xc9: {  	v9 =	vld.idx.msk [tilespmem:v9+s3+$0x0], $0xffff;
	_ =	sdelay $0x4  }
0xca: {  	v60 =	vadd.s32 $0x8, v8;
	vm11 =	vlt.s32 v9, v5  }
0xcb: {  	v8 =	vsel vm11, v60, v8  }
0xcc: {  	v9 =	vadd.s32 $0x3, v8;
	_ =	sdelay $0x4  }
0xcd: {  	v9 =	vld.idx.msk [tilespmem:v9+s3+$0x0], $0xffff;
	_ =	sdelay $0x4  }
0xce: {  	v61 =	vadd.s32 $0x4, v8;
	vm12 =	vlt.s32 v9, v5  }
0xcf: {  	v8 =	vsel vm12, v61, v8  }
0xd0: {  	v9 =	vadd.s32 $0x1, v8;
	_ =	sdelay $0x4  }
0xd1: {  	v9 =	vld.idx.msk [tilespmem:v9+s3+$0x0], $0xffff;
	_ =	sdelay $0x4  }
0xd2: {  	v62 =	vadd.s32 $0x2, v8;
	vm13 =	vlt.s32 v9, v5  }
0xd3: {  	v8 =	vsel vm13, v62, v8;
	_ =	sdelay $0x4  }
0xd4: {  	v9 =	vld.idx.msk [tilespmem:v8+s3+$0x0], $0xffff;
	_ =	sdelay $0x4  }
0xd5: {  	vm14 =	vlt.s32 v9, v5  }
0xd6: {  	v9 =	vsel vm14, $0x1, v1  }
0xd7: {  	v8 =	vadd.s32 v9, v8;
	_ =	sdelay $0x4  }
0xd8: {  	v9 =	vld.idx.msk [tilespmem:v8+s3+$0x0], $0xffff;
	_ =	sdelay $0x4  }
0xd9: {  	vm15 =	vlt.s32 v9, v5  }
0xda: {  	v9 =	vsel vm15, $0x1, v1  }
0xdb: {  	[tilespmem:$0x420] =	vst v6;
	v8 =	vadd.s32 v9, v8  }
0xdc: {  	[tilespmem:$0x410] =	vst v8  }
0xdd: {  	v8 =	vld.msk [tilespmem:s22+$0x0], $0xffff;
	_ =	sdelay $0x6  }
0xde: {  	s4 =	simm.s32 $0x400  }
0xdf: {  	v8 =	vld.idx.msk [tilespmem:v8+s4+$0x0], $0xffff;
	_ =	sdelay $0x4  }
0xe0: {  	v63 =	vld.idx.msk [tilespmem:v4+s22+$0x0], $0xffff;
	(v2sf) =	vpush v8, $0x0;
	_ =	sdelay $0x4  }
0xe1: {  	v8 =	vadd.s32 $0x1, v63;
	_ =	sdelay $0x4  }
0xe2: {  	v8 =	vld.idx.msk [tilespmem:v8+s4+$0x0], $0xffff;
	_ =	sdelay $0x4  }
0xe3: {  	s5 =	spop (v2sf);
	(v2sf) =	vpush v8, $0x0  }
0xe4: {  	s4 =	sand.u32 $0xFFFFFFF0, s5  }
0xe5: {  	p0 =	slt.s32 s4, $0x3800;
	s5 =	smov.u32 s4  }
0xe6: {  	s5 =	simm.s32 @!p0 $0x3800  }
0xe7: {  	s15 =	simm.s32 $0x480;
	s14 =	rddreg [dreg:$0x9];
	s9 =	sshrl.u32 s5, $0x3  }
0xe8: {  	s0 =	simm.s32 $0x0;
	s16 =	rddreg [dreg:$0xa];
	s2 =	sadd.s32 s14, s9  }
0xe9: {  	[tilespmem:s15], [sflag:$0x3] =	stream.linear.gather [hbm4b:s2+s0], $0x800, $0x38;
	[tilespmem:$0x7D00] =	vst v63  }
0xea: {  	s17 =	simm.s32 $0xC80;
	s18 =	rddreg [dreg:$0xb];
	s2 =	sadd.s32 s16, s9  }
0xeb: {  	[tilespmem:s17], [sflag:$0x3] =	stream.linear.gather [hbm4b:s2+s0], $0x800, $0x38;
	[tilespmem:$0x7D00] =	vst v63  }
0xec: {  	s19 =	simm.s32 $0x1480;
	s2 =	sadd.s32 s18, s9  }
0xed: {  	[tilespmem:s19], [sflag:$0x3] =	stream.linear.gather [hbm4b:s2+s0], $0x800, $0x38;
	[tilespmem:$0x7D00] =	vst v63  }
0xee: {  	s20 =	sadd.s32 s13, s9  }
0xef: {  	[tilespmem:s10], [sflag:$0x4] =	stream.linear.gather [hbm4b:s20+s0], $0x800, $0x38;
	[tilespmem:$0x7D00] =	vst v63  }
0xf0: {  	s21 =	sadd.s32 s6, s9  }
0xf1: {  	[tilespmem:s11], [sflag:$0x4] =	stream.linear.gather [hbm4b:s21+s0], $0x800, $0x38;
	[tilespmem:$0x7D00] =	vst v63  }
0xf2: {  	s25 =	simm.s32 $0x1;
	s1 =	sadd.s32 s7, s9;
	s31 =	spop (v2sf)  }
0xf3: {  	[tilespmem:s12], [sflag:$0x4] =	stream.linear.gather [hbm4b:s1+s0], $0x800, $0x38;
	[tilespmem:$0x7D00] =	vst v63  }
0xf4: {  	_ =	swait.ge [sflag:s25], $0x40  }
0xf5: {  	[sflag:s25] =	ssyncset.done $0x0  }
0xf6: {  	[sflag:s25] =	ssyncadd.s32 $0xFFFFFFC0  }
0xf7: {  	_ =	swait.ge [sflag:s25], $0x40  }
0xf8: {  	[sflag:s25] =	ssyncset.done $0x0  }
0xf9: {  	[sflag:s25] =	ssyncadd.s32 $0xFFFFFFC0  }
0xfa: {  	_ =	swait.ge [sflag:s25], $0x40  }
0xfb: {  	[sflag:s25] =	ssyncset.done $0x0  }
0xfc: {  	[sflag:s25] =	ssyncadd.s32 $0xFFFFFFC0  }
0xfd: {  	_ =	swait.ge [sflag:s25], $0x40  }
0xfe: {  	[sflag:s25] =	ssyncset.done $0x0  }
0xff: {  	[sflag:s25] =	ssyncadd.s32 $0xFFFFFFC0  }
0x100: {  	_ =	swait.ge [sflag:s25], $0x40  }
0x101: {  	[sflag:s25] =	ssyncset.done $0x0  }
0x102: {  	[sflag:s25] =	ssyncadd.s32 $0xFFFFFFC0  }
0x103: {  	_ =	swait.ge [sflag:s25], $0x40  }
0x104: {  	[sflag:s25] =	ssyncset.done $0x0  }
0x105: {  	[sflag:s25] =	ssyncadd.s32 $0xFFFFFFC0  }
0x106: {  	_ =	swait.ge [sflag:s25], $0x80  }
0x107: {  	[sflag:s25] =	ssyncset.done $0x0  }
0x108: {  	s26 =	simm.s32 $0x3;
	[sflag:s25] =	ssyncadd.s32 $0xFFFFFF80  }
0x109: {  	s28 =	sshll.u32 s5, $0x2;
	_ =	swait.ge [sflag:s26], $0x800  }
0x10a: {  	s1 =	ssub.s32 $0x0, s28;
	[sflag:s26] =	ssyncset.done $0x0  }
0x10b: {  	s6 =	sadd.s32 $0x800, s4;
	s30 =	sshra.s32 s1, $0x2;
	[sflag:s26] =	ssyncadd.s32 $0xFFFFF800  }
0x10c: {  	p0 =	slt.s32 s6, s31;
	s1 =	sadd.s32 $0x480, s30;
	_ =	swait.ge [sflag:s26], $0x800  }
.Ltmp3:
0x10d: {  	s2 =	sadd.s32 $0xC80, s30;
	[sflag:s26] =	ssyncset.done $0x0;
	(pc) =	sbr.rel .LBB3_4-.Ltmp3, $4  }
0x10e: {  	[dreg:$0x1b] =	wrdreg s4;
	s4 =	smov.u32 s31;
	[sflag:s26] =	ssyncadd.s32 $0xFFFFF800  }
0x10f: {  	s4 =	smov.u32 @p0 s6;
	_ =	swait.ge [sflag:s26], $0x800;
	[dreg:$0x1e] =	wrdreg s6  }
0x110: {  	s3 =	sadd.s32 $0x1480, s30;
	[dreg:$0x1d] =	wrdreg s4;
	[sflag:s26] =	ssyncset.done $0x0  }
0x111: {  	[dreg:$0x1c] =	wrdreg s5;
	s4 =	ssub.s32 $0x0, s5;
	[sflag:s26] =	ssyncadd.s32 $0xFFFFF800  }
.LBB3_25:
0x112: {  	v58 =	vmov v12;
	v53 =	vmov v15;
	v55 =	vmov v13  }
.LBB3_37:
0x113: {  	v17 =	vsel @p1 vm5, v51, v58  }
0x114: {  	(xrf1) =	vsort.ascd.msk.f32 @p1 $0xffff, v17, v57  }
0x115: {  	(xrf1) =	vsort.ascd.msk.f32 @p1 $0xffff, v59, v61;
	_ =	sdelay $0x3  }
0x116: {  	vm11 =	vge.s32 v36, v10;
	v17 =	vadd.f32 v43, v45  }
0x117: {  	vm3 =	vmand vm11, vm3  }
0x118: {  	v17 =	vnsel vm3, $0x7F800000, v17  }
0x119: {  	v10 =	vadd.f32 v54, v52  }
0x11a: {  	v18 =	vadd.f32 v37, v50;
	v19 =	vadd.f32 v40, v38;
	vm3 =	vlt.f32 @p0 v48, v53  }
0x11b: {  	vm0 =	vmand vm0, vm4;
	(xrf1) =	vsort.dscd.msk.f32 $0xffff, v17, v36;
	v23 =	vsel @p0 vm3, v49, v55;
	v17, v20, _ =	vpop @p0 (xrf1)  }
0x11c: {  	v10 =	vnsel vm0, $0x7F800000, v10;
	v18 =	vadd.f32 v41, v18;
	v19 =	vadd.f32 v39, v19;
	v21, v22, _ =	vpop @p1 (xrf1)  }
0x11d: {  	(xrf1) =	vsort.dscd.msk.f32 $0xffff, v10, v36;
	v10 =	vsel @p0 vm3, v48, v53;
	v21 =	vpsel p1, v21, v14  }
0x11e: {  	(xrf1) =	vsort.ascd.msk.f32 @p0 $0xffff, v10, v23;
	v10 =	vpsel p1, v22, v16;
	vm0 =	vlt.f32 @p0 v42, v21  }
0x11f: {  	v18 =	vnsel vm2, $0x7F800000, v18;
	v10 =	vsel @p0 vm0, v44, v10;
	v22, v23, _ =	vpop @p1 (xrf1)  }
0x120: {  	v21 =	vsel @p0 vm0, v42, v21;
	(xrf1) =	vsort.dscd.msk.f32 $0xffff, v18, v36;
	v18 =	vnsel vm1, $0x7F800000, v19;
	v19, v24, _ =	vpop @p1 (xrf1);
	v22 =	vpsel p1, v22, v12  }
0x121: {  	v23 =	vpsel p1, v23, v11;
	(xrf1) =	vsort.dscd.msk.f32 $0xffff, v18, v36;
	v19 =	vpsel p1, v19, v9  }
0x122: {  	vm0 =	vlt.f32 @p0 v17, v22;
	(xrf1) =	vsort.ascd.msk.f32 @p0 $0xffff, v21, v10;
	v10 =	vpsel p1, v24, v8  }
0x123: {  	v25 =	vmovc @p0 v47;
	v17 =	vpsel p0, v17, v0;
	v18 =	vsel @p0 vm0, v20, v23;
	vm0 =	vmmov @p0 vm0  }
0x124: {  	vm1 =	vlt.f32 @p0 v25, v19;
	v20 =	vmovc @p0 v46;
	v18 =	vpsel p0, v18, v0;
	v17 =	vsel @p0 vm0, v17, v22  }
0x125: {  	v19 =	vsel @p0 vm1, v25, v19;
	v10 =	vsel @p0 vm1, v20, v10;
	(xrf1) =	vsort.ascd.msk.f32 @p0 $0xffff, v17, v18  }
0x126: {  	v19 =	vpsel p0, v19, v0;
	v10 =	vpsel p0, v10, v0  }
0x127: {  	(xrf1) =	vsort.ascd.msk.f32 @p0 $0xffff, v19, v10;
	_ =	sdelay $0x3  }
0x128: {  	v10, v17, _ =	vpop (xrf1)  }
0x129: {  	v18, v19, _ =	vpop (xrf1)  }
0x12a: {  	v20, v21, _ =	vpop @p0 (xrf1)  }
0x12b: {  	v61, v60, _ =	vpop (xrf1)  }
0x12c: {  	v63, v62, _ =	vpop (xrf1)  }
0x12d: {  	v15 =	vpsel p0, v20, v15;
	v25, v26, _ =	vpop @p0 (xrf1)  }
0x12e: {  	vm12 =	vlt.f32 v18, v15;
	v16 =	vpsel p0, v26, v16  }
0x12f: {  	v13 =	vpsel p0, v21, v13;
	v15 =	vsel vm12, v18, v15;
	v14 =	vpsel p0, v25, v14  }
0x130: {  	v13 =	vsel vm12, v19, v13;
	vm13 =	vlt.f32 v61, v14;
	v18, v19, _ =	vpop @p0 (xrf1)  }
0x131: {  	(xrf1) =	vsort.ascd.msk.f32 $0xffff, v15, v13;
	v13 =	vsel vm13, v60, v16;
	v12 =	vpsel p0, v18, v12  }
0x132: {  	v14 =	vsel vm13, v61, v14;
	v11 =	vpsel p0, v19, v11;
	v15, v16, _ =	vpop @p0 (xrf1);
	vm14 =	vlt.f32 v63, v12  }
0x133: {  	(xrf1) =	vsort.ascd.msk.f32 $0xffff, v14, v13;
	v9 =	vpsel p0, v15, v9;
	v11 =	vsel vm14, v62, v11  }
0x134: {  	v8 =	vpsel p0, v16, v8;
	v12 =	vsel vm14, v63, v12;
	vm15 =	vlt.f32 v10, v9  }
0x135: {  	(xrf1) =	vsort.ascd.msk.f32 $0xffff, v12, v11;
	v9 =	vsel vm15, v10, v9;
	v8 =	vsel vm15, v17, v8  }
0x136: {  	(xrf1) =	vsort.ascd.msk.f32 $0xffff, v9, v8;
	_ =	sdelay $0xa  }
0x137: {  	v15, v13, _ =	vpop (xrf1)  }
0x138: {  	v14, v16, _ =	vpop (xrf1)  }
0x139: {  	v12, v11, _ =	vpop (xrf1)  }
0x13a: {  	v9, v8, _ =	vpop (xrf1)  }
.LBB3_38:
0x13b: {  	[tilespmem:s6+$0x7480] =	vst v14  }
0x13c: {  	[tilespmem:s6+$0x7880] =	vst v16;
	s0 =	sadd.s32 $0x1, s0  }
0x13d: {  	[tilespmem:s7+$0x7480] =	vst v12;
	p0 =	seq.s32 s0, $0x10  }
.Ltmp4:
0x13e: {  	[tilespmem:s7+$0x7880] =	vst v11;
	(pc) =	sbr.rel @p0 .LBB3_7-.Ltmp4, $4  }
0x13f: {  	[tilespmem:s9+$0x7480] =	vst v15  }
0x140: {  	[tilespmem:s9+$0x7880] =	vst v13  }
0x141: {  	[tilespmem:s13+$0x7480] =	vst v9  }
0x142: {  	[tilespmem:s13+$0x7880] =	vst v8  }
.LBB3_4:
0x143: {  	s5 =	sshll.u32 s0, $0x2  }
0x144: {  	s13 =	sshllo.u32 s0, $0x2;
	v8 =	vmov s5  }
0x145: {  	v9 =	vmov s13;
	v8 =	vbroadcast v8, $0x0;
	_ =	sdelay $0x4  }
0x146: {  	v11 =	vld.idx.msk [tilespmem:v9+s22+$0x0], $0xffff  }
0x147: {  	v13 =	vld.idx.msk [tilespmem:v8+s22+$0x0], $0xffff;
	_ =	sdelay $0x1  }
0x148: {  	s7 =	sor.u32 $0x1, s5  }
0x149: {  	v10 =	vmov s7  }
0x14a: {  	v14 =	vbroadcast v10, $0x0;
	v10 =	vadd.s32 $0x1, v11;
	_ =	sdelay $0x2  }
0x14b: {  	s20 =	simm.s32 $0x400  }
0x14c: {  	v17 =	vld.idx.msk [tilespmem:v13+s20+$0x0], $0xffff  }
0x14d: {  	v18 =	vld.idx.msk [tilespmem:v10+s20+$0x0], $0xffff  }
0x14e: {  	v10 =	vld.idx.msk [tilespmem:v11+s20+$0x0], $0xffff;
	_ =	sdelay $0x2  }
0x14f: {  	(v2sf) =	vpush v17, $0x0  }
0x150: {  	(v2sf) =	vpush v18, $0x0  }
0x151: {  	(v2sf) =	vpush v10, $0x0;
	_ =	sdelay $0x2  }
0x152: {  	s21 =	simm.s32 $0x180  }
0x153: {  	s14 =	simm.s32 $0x200;
	v27 =	vld.idx.msk [tilespmem:v9+s21+$0x0], $0xffff  }
0x154: {  	s17 =	simm.s32 $0x280;
	v31 =	vld.idx.msk [tilespmem:v9+s14+$0x0], $0xffff;
	v11 =	vadd.s32 $0x1, v13  }
0x155: {  	s9 =	sor.u32 $0x2, s5;
	s13 =	sshll.u32 s13, $0x4;
	v35 =	vld.idx.msk [tilespmem:v9+s17+$0x0], $0xffff  }
0x156: {  	v12 =	vmov s9;
	v9 =	vld [tilespmem:s13+$0x7480]  }
0x157: {  	v12 =	vbroadcast v12, $0x0;
	v24 =	vld.idx.msk [tilespmem:v8+s21+$0x0], $0xffff  }
0x158: {  	v28 =	vld.idx.msk [tilespmem:v8+s14+$0x0], $0xffff  }
0x159: {  	v21 =	vld.idx.msk [tilespmem:v11+s20+$0x0], $0xffff  }
0x15a: {  	v32 =	vld.idx.msk [tilespmem:v8+s17+$0x0], $0xffff  }
0x15b: {  	v8 =	vld [tilespmem:s13+$0x7880]  }
0x15c: {  	v15 =	vld.idx.msk [tilespmem:v14+s22+$0x0], $0xffff;
	s25 =	spop (v2sf)  }
0x15d: {  	v16 =	vld.idx.msk [tilespmem:v12+s22+$0x0], $0xffff;
	s6 =	spop (v2sf)  }
0x15e: {  	s5 =	rddreg [dreg:$0x1b];
	v29 =	vld.idx.msk [tilespmem:v14+s14+$0x0], $0xffff;
	(v2sf) =	vpush v21, $0x0;
	s15 =	sand.u32 $0xFFFFFFF0, s25;
	s26 =	spop (v2sf)  }
0x15f: {  	s16 =	rddreg [dreg:$0x1d];
	v30 =	vld.idx.msk [tilespmem:v12+s14+$0x0], $0xffff;
	p0 =	sgt.s32 s15, s5;
	s14 =	sadd.s32 $0xF, s26  }
0x160: {  	v25 =	vld.idx.msk [tilespmem:v14+s21+$0x0], $0xffff;
	s5 =	smov.u32 @p0 s15;
	p0 =	slt.s32 s6, s16;
	s15 =	sand.u32 $0xFFFFFFF0, s14  }
0x161: {  	v26 =	vld.idx.msk [tilespmem:v12+s21+$0x0], $0xffff;
	s16 =	smov.u32 @p0 s6;
	p0 =	sgt.s32 s5, s15  }
0x162: {  	v33 =	vld.idx.msk [tilespmem:v14+s17+$0x0], $0xffff;
	s28 =	ssub.s32 s16, s5;
	s15 =	smov.u32 @p0 s5  }
0x163: {  	s7 =	sshll.u32 s7, $0x4;
	v34 =	vld.idx.msk [tilespmem:v12+s17+$0x0], $0xffff;
	v13 =	vadd.s32 $0x1, v15;
	s14 =	sadd.s32 $0xF, s28;
	s30 =	ssub.s32 s15, s5  }
0x164: {  	v12 =	vld [tilespmem:s7+$0x7480];
	p0 =	sgt.s32 s14, $0x0;
	s17 =	sshra.s32 s30, $0x4  }
0x165: {  	v23 =	vadd.s32 $0x1, v16;
	v19 =	vld.idx.msk [tilespmem:v15+s20+$0x0], $0xffff;
	s14 =	simm.s32 @!p0 $0x0;
	p0 =	sgt.s32 s17, $0x0  }
0x166: {  	s9 =	sshll.u32 s9, $0x4;
	v20 =	vld.idx.msk [tilespmem:v16+s20+$0x0], $0xffff;
	s14 =	sshrl.u32 s14, $0x4;
	s17 =	simm.s32 @!p0 $0x0  }
0x167: {  	v15 =	vld [tilespmem:s9+$0x7480];
	s18 =	smin.u32 s17, s14  }
0x168: {  	v22 =	vld.idx.msk [tilespmem:v13+s20+$0x0], $0xffff;
	p0 =	seq.s32 s18, $0x0  }
.Ltmp5:
0x169: {  	v13 =	vld [tilespmem:s9+$0x7880];
	(pc) =	sbr.rel @p0 .LBB3_13-.Ltmp5, $4  }
0x16a: {  	v23 =	vld.idx.msk [tilespmem:v23+s20+$0x0], $0xffff  }
0x16b: {  	v11 =	vld [tilespmem:s7+$0x7880];
	s6 =	sshll.u32 s0, $0x6  }
0x16c: {  	v14 =	vld [tilespmem:s6+$0x7480]  }
0x16d: {  	v16 =	vld [tilespmem:s6+$0x7880];
	s19 =	spop (v2sf)  }
0x16e: {  	s16 =	sshll.u32 s5, $0x2  }
0x16f: {  	s16 =	sshra.s32 s16, $0x2  }
0x170: {  	s21 =	sadd.s32 s16, s2  }
0x171: {  	s20 =	sadd.s32 s16, s1;
	v38 =	vld [tilespmem:s21+$0x0]  }
0x172: {  	v39 =	vld [tilespmem:s20+$0x0];
	_ =	sdelay $0x1  }
0x173: {  	v36 =	vor.u32 s5, v3;
	s16 =	sadd.s32 s16, s3  }
0x174: {  	vm1 =	vlt.s32 v36, v22;
	vm0 =	vge.s32 v36, v20;
	v40 =	vld [tilespmem:s16+$0x0]  }
0x175: {  	vm2 =	vge.s32 v36, v17;
	vm3 =	vlt.s32 v36, v21;
	v37 =	vsub.f32 v38, v28  }
0x176: {  	vm4 =	vlt.s32 v36, v23;
	v42 =	vsub.f32 v39, v24;
	v41 =	vsub.f32 v38, v29  }
0x177: {  	vm2 =	vmand vm2, vm3;
	v43 =	vsub.f32 v38, v30;
	v44 =	vsub.f32 v39, v27  }
0x178: {  	vm3 =	vge.s32 v36, v19;
	v38 =	vsub.f32 v38, v31;
	v45 =	vsub.f32 v39, v25  }
0x179: {  	v62 =	vsub.f32 v40, v35;
	v47 =	vsub.f32 v40, v32;
	v37 =	vmul.f32 v37, v37  }
0x17a: {  	p2 =	seq.s32 s18, $0x1;
	v39 =	vsub.f32 v39, v26;
	v46 =	vmul.f32 v43, v43;
	v48 =	vmul.f32 v38, v38  }
.Ltmp6:
0x17b: {  	v49 =	vsub.f32 v40, v34;
	v43 =	vmul.f32 v62, v62;
	v44 =	vmul.f32 v44, v44;
	(pc) =	sbr.rel @p2 .LBB3_6-.Ltmp6, $4  }
0x17c: {  	v50 =	vsub.f32 v40, v33;
	v38 =	vmul.f32 v45, v45;
	v40 =	vmul.f32 v41, v41  }
0x17d: {  	vm1 =	vmand vm3, vm1;
	v41 =	vmul.f32 v47, v47;
	v63 =	vmul.f32 v39, v39  }
0x17e: {  	s25 =	sadd.s32 $0xFFFFFFFF, s18;
	p0 =	por $0x0, $0x0;
	vm3 =	vlt.s32 v36, v18;
	v39 =	vmul.f32 v50, v50;
	v50 =	vmul.f32 v42, v42  }
0x17f: {  	p1 =	por $0x0, $0x0;
	s20 =	sadd.s32 $0x10, s20;
	s28 =	sadd.s32 $0x10, s21;
	v54 =	vmul.f32 v49, v49;
	v45 =	vadd.f32 v48, v44;
	v52 =	vadd.f32 v46, v63  }
0x180: {  	_ = 	snop  }
0x181: {  	vm5 =	vge.s32 v36, v10;
	v37 =	vadd.f32 v37, v50;
	v42 =	vadd.f32 v43, v45  }
0x182: {  	v60 =	vadd.f32 v54, v52;
	vm3 =	vmand vm5, vm3  }
0x183: {  	vm0 =	vmand vm0, vm4;
	v37 =	vadd.f32 v41, v37;
	v42 =	vnsel vm3, $0x7F800000, v42  }
0x184: {  	v44 =	vld [tilespmem:s28+$0x0];
	v43 =	vnsel vm0, $0x7F800000, v60;
	(xrf1) =	vsort.dscd.msk.f32 $0xffff, v42, v36  }
0x185: {  	v61 =	vld [tilespmem:s20+$0x0];
	v37 =	vnsel vm2, $0x7F800000, v37;
	(xrf1) =	vsort.dscd.msk.f32 $0xffff, v43, v36  }
0x186: {  	v38 =	vadd.f32 v40, v38;
	s21 =	sadd.s32 $0x10, s5;
	(xrf1) =	vsort.dscd.msk.f32 $0xffff, v37, v36  }
0x187: {  	s30 =	sadd.s32 $0x10, s16;
	v53 =	vor.u32 s21, v3  }
0x188: {  	v62 =	vld [tilespmem:s30+$0x0];
	v38 =	vadd.f32 v39, v38;
	vm4 =	vlt.s32 v53, v23  }
0x189: {  	vm0 =	vge.s32 v53, v20;
	vm3 =	vlt.s32 v53, v21;
	v63 =	vsub.f32 v44, v28  }
0x18a: {  	v48 =	vnsel vm1, $0x7F800000, v38;
	v42 =	vsub.f32 v61, v24;
	v55 =	vsub.f32 v44, v29  }
0x18b: {  	vm1 =	vlt.s32 v53, v22;
	v56 =	vsub.f32 v44, v30;
	v57 =	vsub.f32 v61, v27  }
0x18c: {  	vm2 =	vge.s32 v53, v17;
	v58 =	vsub.f32 v44, v31;
	v59 =	vsub.f32 v61, v25  }
0x18d: {  	v49 =	vsub.f32 v61, v26;
	vm2 =	vmand vm2, vm3;
	v46 =	vsub.f32 v62, v32  }
0x18e: {  	vm3 =	vge.s32 v53, v19;
	v60 =	vsub.f32 v62, v35;
	v47 =	vmul.f32 v58, v58  }
0x18f: {  	p2 =	seq.s32 s25, $0x1;
	v61 =	vsub.f32 v62, v34;
	v62 =	vsub.f32 v62, v33;
	v37 =	vmul.f32 v63, v63  }
.Ltmp7:
0x190: {  	vm1 =	vmand vm3, vm1;
	v51 =	vmul.f32 v56, v56;
	v45 =	vmul.f32 v57, v57;
	(pc) =	sbr.rel @p2 .LBB3_17-.Ltmp7, $4  }
0x191: {  	vm3 =	vlt.s32 v53, v18;
	v38 =	vmul.f32 v59, v59;
	v40 =	vmul.f32 v55, v55  }
0x192: {  	v63 =	vmul.f32 v49, v49;
	v41 =	vmul.f32 v46, v46;
	v45 =	vadd.f32 v47, v45;
	v47, v46, _ =	vpop (xrf1)  }
0x193: {  	s25 =	sadd.s32 $0xFFFFFFFF, s25;
	v50 =	vmul.f32 v42, v42;
	v43 =	vmul.f32 v60, v60;
	(xrf1) =	vsort.dscd.msk.f32 $0xffff, v48, v36;
	v48, v49, _ =	vpop (xrf1)  }
0x194: {  	s26 =	sadd.s32 $0x10, s20;
	s28 =	sadd.s32 $0x10, s28;
	p0 =	por $0x1, $0x1;
	v39 =	vmul.f32 v62, v62;
	v54 =	vmul.f32 v61, v61;
	v52 =	vadd.f32 v51, v63;
	v42, v44, _ =	vpop (xrf1)  }
0x195: {  	v36 =	vadd.f32 v43, v45  }
0x196: {  	vm5 =	vge.s32 v53, v10;
	v37 =	vadd.f32 v37, v50;
	vm0 =	vmand vm0, vm4  }
0x197: {  	v51 =	vld [tilespmem:s28+$0x0];
	v38 =	vadd.f32 v40, v38;
	v56 =	vadd.f32 v54, v52;
	vm3 =	vmand vm5, vm3  }
0x198: {  	v43 =	vld [tilespmem:s26+$0x0];
	vm6 =	vlt.f32 v47, v9;
	v36 =	vnsel vm3, $0x7F800000, v36;
	vm3 =	vlt.f32 v48, v15  }
0x199: {  	s21 =	sadd.s32 $0x10, s21;
	v37 =	vadd.f32 v41, v37;
	v38 =	vadd.f32 v39, v38;
	v57 =	vnsel vm0, $0x7F800000, v56;
	(xrf1) =	vsort.dscd.msk.f32 $0xffff, v36, v53  }
0x19a: {  	v58 =	vsel vm3, v48, v15;
	v59 =	vsel vm3, v49, v13;
	v36 =	vor.u32 s21, v3;
	(xrf1) =	vsort.dscd.msk.f32 $0xffff, v57, v53  }
0x19b: {  	v37 =	vnsel vm2, $0x7F800000, v37;
	v50 =	vnsel vm1, $0x7F800000, v38;
	vm1 =	vlt.s32 v36, v22;
	(xrf1) =	vsort.ascd.msk.f32 $0xffff, v58, v59  }
0x19c: {  	vm0 =	vge.s32 v36, v20;
	v60 =	vsub.f32 v51, v28;
	(xrf1) =	vsort.dscd.msk.f32 $0xffff, v37, v53  }
0x19d: {  	s20 =	sadd.s32 $0x10, s30;
	vm2 =	vlt.f32 v42, v14;
	v48 =	vsub.f32 v43, v24;
	v39 =	vsub.f32 v51, v29  }
0x19e: {  	v41 =	vld [tilespmem:s20+$0x0];
	vm3 =	vge.s32 v36, v17;
	v61 =	vsub.f32 v51, v30;
	v49 =	vsub.f32 v43, v27  }
0x19f: {  	vm4 =	vlt.s32 v36, v23;
	v62 =	vsub.f32 v51, v31;
	v63 =	vsub.f32 v43, v25  }
0x1a0: {  	v44 =	vsel vm2, v44, v16;
	v42 =	vsel vm2, v42, v14;
	vm2 =	vlt.s32 v36, v21  }
0x1a1: {  	v56 =	vsub.f32 v43, v26;
	v59 =	vsel vm6, v47, v9;
	vm2 =	vmand vm3, vm2  }
0x1a2: {  	vm3 =	vge.s32 v36, v19;
	v55 =	vmul.f32 v62, v62;
	v62 =	vmul.f32 v49, v49  }
0x1a3: {  	v37 =	vmul.f32 v60, v60;
	v60 =	vsub.f32 v41, v35;
	v52 =	vmul.f32 v61, v61  }
0x1a4: {  	v61 =	vsub.f32 v41, v32;
	v45 =	vadd.f32 v55, v62;
	v55 =	vmul.f32 v56, v56  }
0x1a5: {  	p2 =	seq.s32 s25, $0x1;
	v38 =	vmul.f32 v63, v63;
	v58 =	vsub.f32 v41, v34;
	v63 =	vsub.f32 v41, v33  }
.Ltmp8:
0x1a6: {  	v40 =	vmul.f32 v39, v39;
	vm1 =	vmand vm3, vm1;
	vm3 =	vlt.s32 v36, v18;
	v51, v54, _ =	vpop (xrf1);
	(pc) =	sbr.rel @p2 .LBB3_19-.Ltmp8, $4  }
0x1a7: {  	v43 =	vmul.f32 v60, v60;
	v41 =	vmul.f32 v61, v61;
	(xrf1) =	vsort.dscd.msk.f32 $0xffff, v50, v53;
	v60, v56, _ =	vpop (xrf1)  }
0x1a8: {  	v39 =	vmul.f32 v63, v63;
	v50 =	vmul.f32 v48, v48;
	(xrf1) =	vsort.ascd.msk.f32 $0xffff, v42, v44;
	v48, v49, _ =	vpop (xrf1)  }
0x1a9: {  	s25 =	sadd.s32 $0xFFFFFFFF, s25;
	v61 =	vsel vm6, v46, v8;
	v52 =	vadd.f32 v52, v55;
	vm5 =	vlt.f32 v51, v12;
	v53, v55, _ =	vpop (xrf1)  }
0x1aa: {  	s26 =	sadd.s32 $0x10, s26;
	s28 =	sadd.s32 $0x10, s28;
	p1 =	por $0x1, $0x1;
	v57 =	vsel vm5, v54, v11;
	v54 =	vmul.f32 v58, v58;
	v58 =	vmov v12;
	v42, v44, _ =	vpop (xrf1)  }
.LBB3_20:
0x1ab: {  	v46 =	vld [tilespmem:s28+$0x0];
	p2 =	seq.s32 s25, $0x1;
	s25 =	sadd.s32 $0xFFFFFFFF, s25;
	v43 =	vadd.f32 v43, v45;
	vm6 =	vge.s32 v36, v10;
	v45 =	vsel vm5, v51, v58;
	v47 =	vmovc v36  }
0x1ac: {  	v36 =	vadd.f32 v37, v50;
	v58 =	vld [tilespmem:s26+$0x0];
	v37 =	vadd.f32 v54, v52;
	vm3 =	vmand vm6, vm3;
	(xrf1) =	vsort.ascd.msk.f32 $0xffff, v45, v57  }
0x1ad: {  	vm0 =	vmand vm0, vm4;
	v54 =	vmovc v60;
	v43 =	vnsel vm3, $0x7F800000, v43;
	vm3 =	vlt.f32 v48, v53;
	(xrf1) =	vsort.ascd.msk.f32 $0xffff, v59, v61  }
0x1ae: {  	v38 =	vadd.f32 v40, v38;
	s20 =	sadd.s32 $0x10, s20;
	v36 =	vadd.f32 v41, v36;
	v37 =	vnsel vm0, $0x7F800000, v37;
	(xrf1) =	vsort.dscd.msk.f32 $0xffff, v43, v47  }
0x1af: {  	v61 =	vmovc v56;
	v41 =	vsel vm3, v49, v55;
	v40 =	vld [tilespmem:s20+$0x0];
	(xrf1) =	vsort.dscd.msk.f32 $0xffff, v37, v47;
	v37 =	vsel vm3, v48, v53  }
0x1b0: {  	s21 =	sadd.s32 $0x10, s21;
	v38 =	vadd.f32 v39, v38;
	v45 =	vnsel vm2, $0x7F800000, v36;
	v43 =	vsub.f32 v46, v28;
	(xrf1) =	vsort.ascd.msk.f32 $0xffff, v37, v41  }
0x1b1: {  	v36 =	vor.u32 s21, v3;
	v39 =	vsub.f32 v46, v29;
	v48 =	vsub.f32 v58, v24;
	(xrf1) =	vsort.dscd.msk.f32 $0xffff, v45, v47  }
0x1b2: {  	v49 =	vnsel vm1, $0x7F800000, v38;
	v41 =	vsub.f32 v46, v30;
	v45 =	vsub.f32 v58, v27  }
0x1b3: {  	vm1 =	vlt.s32 v36, v22;
	v38 =	vsub.f32 v46, v31;
	v37 =	vmul.f32 v43, v43  }
0x1b4: {  	v46 =	vsub.f32 v58, v25;
	v52 =	vmul.f32 v41, v41;
	v41 =	vsub.f32 v40, v35  }
0x1b5: {  	v53 =	vmul.f32 v38, v38;
	v50 =	vsub.f32 v40, v32;
	v51, v55, _ =	vpop (xrf1)  }
0x1b6: {  	vm0 =	vge.s32 v36, v20;
	v56 =	vsub.f32 v58, v26;
	v43 =	vmul.f32 v41, v41;
	v57, v58, _ =	vpop (xrf1)  }
0x1b7: {  	v38 =	vmul.f32 v46, v46;
	v45 =	vmul.f32 v45, v45;
	v46 =	vsub.f32 v40, v34  }
0x1b8: {  	v59 =	vsub.f32 v40, v33;
	v40 =	vmul.f32 v39, v39;
	vm2 =	vlt.f32 v42, v57  }
0x1b9: {  	v45 =	vadd.f32 v53, v45;
	v41 =	vmul.f32 v50, v50;
	v44 =	vsel vm2, v44, v58  }
0x1ba: {  	vm3 =	vge.s32 v36, v17;
	v39 =	vmul.f32 v59, v59;
	v42 =	vsel vm2, v42, v57;
	v58, v53, _ =	vpop (xrf1)  }
.Ltmp9:
0x1bb: {  	v59 =	vmul.f32 v56, v56;
	vm2 =	vlt.s32 v36, v21;
	vm5 =	vlt.f32 v51, v58;
	v62, v63, _ =	vpop (xrf1);
	(pc) =	sbr.rel @!p2 .LBB3_20-.Ltmp9, $4  }
0x1bc: {  	vm2 =	vmand vm3, vm2;
	vm3 =	vge.s32 v36, v19;
	(xrf1) =	vsort.dscd.msk.f32 $0xffff, v49, v47;
	v60, v56, _ =	vpop (xrf1);
	vm6 =	vlt.f32 v54, v62  }
0x1bd: {  	v50 =	vmul.f32 v48, v48;
	vm1 =	vmand vm3, vm1;
	v57 =	vsel vm5, v55, v53;
	v48, v49, _ =	vpop (xrf1);
	(xrf1) =	vsort.ascd.msk.f32 $0xffff, v42, v44  }
0x1be: {  	v52 =	vadd.f32 v52, v59;
	vm3 =	vlt.s32 v36, v18;
	v59 =	vsel vm6, v54, v62;
	v53, v55, _ =	vpop (xrf1)  }
0x1bf: {  	s28 =	sadd.s32 $0x10, s28;
	s26 =	sadd.s32 $0x10, s26;
	vm4 =	vlt.s32 v36, v23;
	v54 =	vmul.f32 v46, v46;
	v61 =	vsel vm6, v61, v63;
	v42, v44, _ =	vpop (xrf1)  }
0x1c0: {  	v47 =	vmov v60;
	v46 =	vmov v56  }
.LBB3_22:
0x1c1: {  	v51 =	vsel @p1 vm5, v51, v58  }
0x1c2: {  	(xrf1) =	vsort.ascd.msk.f32 @p1 $0xffff, v51, v57  }
0x1c3: {  	(xrf1) =	vsort.ascd.msk.f32 @p1 $0xffff, v59, v61;
	_ =	sdelay $0x3  }
0x1c4: {  	v43 =	vadd.f32 v43, v45;
	vm11 =	vge.s32 v36, v10  }
0x1c5: {  	vm3 =	vmand vm11, vm3  }
0x1c6: {  	v52 =	vadd.f32 v54, v52;
	v43 =	vnsel vm3, $0x7F800000, v43  }
0x1c7: {  	v37 =	vadd.f32 v37, v50;
	v38 =	vadd.f32 v40, v38  }
0x1c8: {  	vm0 =	vmand vm0, vm4;
	vm3 =	vlt.f32 @p0 v48, v53  }
0x1c9: {  	v54 =	vnsel vm0, $0x7F800000, v52;
	v37 =	vadd.f32 v41, v37;
	v38 =	vadd.f32 v39, v38;
	(xrf1) =	vsort.dscd.msk.f32 $0xffff, v43, v36;
	v43, v45, _ =	vpop @p0 (xrf1)  }
0x1ca: {  	v40 =	vsel @p0 vm3, v48, v53;
	v49 =	vsel @p0 vm3, v49, v55;
	(xrf1) =	vsort.dscd.msk.f32 $0xffff, v54, v36;
	v41, v48, _ =	vpop @p1 (xrf1)  }
0x1cb: {  	(xrf1) =	vsort.ascd.msk.f32 @p0 $0xffff, v40, v49;
	v39 =	vpsel p1, v41, v14;
	v40 =	vpsel p1, v48, v16  }
0x1cc: {  	v37 =	vnsel vm2, $0x7F800000, v37;
	vm0 =	vlt.f32 @p0 v42, v39  }
0x1cd: {  	v55 =	vnsel vm1, $0x7F800000, v38;
	v38 =	vsel @p0 vm0, v44, v40;
	v39 =	vsel @p0 vm0, v42, v39;
	v41, v48, _ =	vpop @p1 (xrf1)  }
0x1ce: {  	(xrf1) =	vsort.dscd.msk.f32 $0xffff, v37, v36;
	v40, v44, _ =	vpop @p1 (xrf1);
	v41 =	vpsel p1, v41, v12;
	v42 =	vpsel p1, v48, v11  }
0x1cf: {  	(xrf1) =	vsort.dscd.msk.f32 $0xffff, v55, v36;
	v40 =	vpsel p1, v40, v9;
	vm0 =	vlt.f32 @p0 v43, v41  }
0x1d0: {  	(xrf1) =	vsort.ascd.msk.f32 @p0 $0xffff, v39, v38;
	v38 =	vpsel p1, v44, v8;
	v39 =	vpsel p0, v43, v0  }
0x1d1: {  	vm1 =	vlt.f32 @p0 v47, v40;
	v36 =	vsel @p0 vm0, v45, v42;
	vm0 =	vmmov @p0 vm0  }
0x1d2: {  	v37 =	vsel @p0 vm1, v47, v40;
	v36 =	vpsel p0, v36, v0;
	v39 =	vsel @p0 vm0, v39, v41;
	v40 =	vmovc @p0 v46  }
0x1d3: {  	(xrf1) =	vsort.ascd.msk.f32 @p0 $0xffff, v39, v36;
	v38 =	vsel @p0 vm1, v40, v38  }
0x1d4: {  	v37 =	vpsel p0, v37, v0;
	v38 =	vpsel p0, v38, v0  }
0x1d5: {  	(xrf1) =	vsort.ascd.msk.f32 @p0 $0xffff, v37, v38;
	_ =	sdelay $0x3  }
0x1d6: {  	v56, v57, _ =	vpop (xrf1)  }
0x1d7: {  	v59, v58, _ =	vpop (xrf1)  }
0x1d8: {  	v40, v41, _ =	vpop @p0 (xrf1)  }
0x1d9: {  	v60, v61, _ =	vpop (xrf1)  }
0x1da: {  	v63, v62, _ =	vpop (xrf1)  }
0x1db: {  	v15 =	vpsel p0, v40, v15;
	v45, v46, _ =	vpop @p0 (xrf1)  }
0x1dc: {  	vm12 =	vlt.f32 v59, v15;
	v16 =	vpsel p0, v46, v16  }
0x1dd: {  	v13 =	vpsel p0, v41, v13;
	v15 =	vsel vm12, v59, v15;
	v14 =	vpsel p0, v45, v14  }
0x1de: {  	v13 =	vsel vm12, v58, v13;
	vm13 =	vlt.f32 v60, v14;
	v38, v39, _ =	vpop @p0 (xrf1)  }
0x1df: {  	(xrf1) =	vsort.ascd.msk.f32 $0xffff, v15, v13;
	v13 =	vsel vm13, v61, v16;
	v12 =	vpsel p0, v38, v12  }
0x1e0: {  	v14 =	vsel vm13, v60, v14;
	v11 =	vpsel p0, v39, v11;
	vm14 =	vlt.f32 v63, v12;
	v15, v16, _ =	vpop @p0 (xrf1)  }
0x1e1: {  	(xrf1) =	vsort.ascd.msk.f32 $0xffff, v14, v13;
	v11 =	vsel vm14, v62, v11;
	v9 =	vpsel p0, v15, v9  }
0x1e2: {  	v12 =	vsel vm14, v63, v12;
	v8 =	vpsel p0, v16, v8;
	vm15 =	vlt.f32 v56, v9  }
0x1e3: {  	(xrf1) =	vsort.ascd.msk.f32 $0xffff, v12, v11;
	v9 =	vsel vm15, v56, v9;
	v8 =	vsel vm15, v57, v8  }
0x1e4: {  	(xrf1) =	vsort.ascd.msk.f32 $0xffff, v9, v8;
	_ =	sdelay $0xa  }
0x1e5: {  	v15, v13, _ =	vpop (xrf1)  }
0x1e6: {  	v14, v16, _ =	vpop (xrf1)  }
0x1e7: {  	v12, v11, _ =	vpop (xrf1)  }
0x1e8: {  	v9, v8, _ =	vpop (xrf1)  }
.LBB3_13:
0x1e9: {  	s16 =	sand.u32 $0xFFFFFFF0, s19  }
0x1ea: {  	p0 =	sgt.s32 s15, s16  }
0x1eb: {  	s16 =	smov.u32 @p0 s15  }
0x1ec: {  	s15 =	ssub.s32 s16, s5  }
0x1ed: {  	s15 =	sshra.s32 s15, $0x4  }
0x1ee: {  	s19 =	smov.u32 s18;
	p0 =	sgt.s32 s15, s18  }
0x1ef: {  	s19 =	smov.u32 @p0 s15  }
0x1f0: {  	s15 =	smin.u32 s19, s14  }
0x1f1: {  	p0 =	sge.u32 s17, s15  }
.Ltmp10:
0x1f2: {  	_ = 	snop;
	(pc) =	sbr.rel @p0 .LBB3_23-.Ltmp10, $1  }
0x1f3: {  	_ =	sdelay $0x3  }
0x1f4: {  	s16 =	sshll.u32 s18, $0x4  }
0x1f5: {  	s16 =	sadd.s32 s16, s5  }
0x1f6: {  	s17 =	sadd.s32 s4, s16  }
0x1f7: {  	s17 =	sshll.u32 s17, $0x2  }
0x1f8: {  	s21 =	ssub.s32 s15, s18;
	s17 =	sshra.s32 s17, $0x2  }
0x1f9: {  	s18 =	sadd.s32 $0x480, s17;
	s20 =	sadd.s32 $0xC80, s17;
	s17 =	sadd.s32 $0x1480, s17  }
0x1fa: {  	v37 =	vld [tilespmem:s17+$0x0]  }
0x1fb: {  	v42 =	vld [tilespmem:s18+$0x0]  }
0x1fc: {  	v38 =	vld [tilespmem:s20+$0x0];
	_ =	sdelay $0x2  }
0x1fd: {  	v41 =	vsub.f32 v37, v32;
	v40 =	vsub.f32 v37, v33  }
0x1fe: {  	p2 =	seq.s32 s21, $0x1;
	v43 =	vsub.f32 v42, v24;
	v39 =	vsub.f32 v37, v34  }
.Ltmp11:
0x1ff: {  	v36 =	vor.u32 s16, v3;
	v44 =	vsub.f32 v38, v28;
	v45 =	vsub.f32 v42, v25;
	(pc) =	sbr.rel @p2 .LBB3_15-.Ltmp11, $4  }
0x200: {  	v47 =	vsub.f32 v38, v29;
	v50 =	vsub.f32 v42, v26;
	v41 =	vmul.f32 v41, v41  }
0x201: {  	v51 =	vsub.f32 v38, v30;
	v43 =	vmul.f32 v43, v43;
	v49 =	vmul.f32 v44, v44  }
0x202: {  	v46 =	vmul.f32 v45, v45;
	v48 =	vmul.f32 v47, v47;
	v44 =	vsub.f32 v42, v27  }
0x203: {  	p0 =	por $0x0, $0x0;
	p1 =	por $0x0, $0x0;
	s25 =	sadd.s32 $0xFFFFFFFF, s21;
	v45 =	vmul.f32 v50, v50;
	v47 =	vmul.f32 v51, v51;
	v49 =	vadd.f32 v49, v43  }
0x204: {  	_ = 	snop  }
0x205: {  	v41 =	vadd.f32 v41, v49;
	_ =	sdelay $0x1  }
0x206: {  	(xrf1) =	vsort.dscd.msk.f32 $0xffff, v41, v36  }
0x207: {  	v38 =	vsub.f32 v38, v31;
	s17 =	sadd.s32 $0x10, s17  }
0x208: {  	v40 =	vmul.f32 v40, v40;
	v53 =	vsub.f32 v37, v35;
	s18 =	sadd.s32 $0x10, s18;
	v37 =	vld [tilespmem:s17+$0x0]  }
0x209: {  	v43 =	vmul.f32 v44, v44;
	v55 =	vld [tilespmem:s18+$0x0];
	v38 =	vmul.f32 v38, v38  }
0x20a: {  	v42 =	vadd.f32 v48, v46;
	v39 =	vmul.f32 v39, v39;
	s20 =	sadd.s32 $0x10, s20;
	v54 =	vadd.f32 v47, v45  }
0x20b: {  	v41 =	vmul.f32 v53, v53;
	v56 =	vadd.f32 v38, v43;
	v38 =	vld [tilespmem:s20+$0x0]  }
0x20c: {  	v40 =	vadd.f32 v40, v42;
	v39 =	vadd.f32 v39, v54  }
0x20d: {  	v41 =	vadd.f32 v41, v56;
	v57 =	vsub.f32 v37, v32  }
0x20e: {  	(xrf1) =	vsort.dscd.msk.f32 $0xffff, v40, v36;
	v40 =	vsub.f32 v37, v33;
	v58 =	vsub.f32 v55, v24  }
0x20f: {  	p2 =	seq.s32 s25, $0x1;
	(xrf1) =	vsort.dscd.msk.f32 $0xffff, v39, v36;
	v39 =	vsub.f32 v37, v34;
	v60 =	vsub.f32 v55, v25  }
.Ltmp12:
0x210: {  	v62 =	vsub.f32 v55, v26;
	v43 =	vmul.f32 v58, v58;
	v59 =	vsub.f32 v38, v28;
	(pc) =	sbr.rel @p2 .LBB3_27-.Ltmp12, $4  }
0x211: {  	v44 =	vsub.f32 v55, v27;
	(xrf1) =	vsort.dscd.msk.f32 $0xffff, v41, v36;
	v41 =	vmul.f32 v57, v57  }
0x212: {  	s21 =	sadd.s32 $0x10, s16;
	v61 =	vsub.f32 v38, v29;
	v50 =	vsub.f32 v38, v30;
	v63 =	vmul.f32 v59, v59  }
0x213: {  	v36 =	vor.u32 s21, v3;
	v46 =	vmul.f32 v60, v60;
	v45 =	vmul.f32 v62, v62  }
0x214: {  	s25 =	sadd.s32 $0xFFFFFFFF, s25;
	p0 =	por $0x1, $0x1;
	v48 =	vmul.f32 v61, v61;
	v47 =	vmul.f32 v50, v50;
	v49 =	vadd.f32 v63, v43;
	v43, v42, _ =	vpop (xrf1)  }
0x215: {  	_ =	sdelay $0x2  }
0x216: {  	v40 =	vmul.f32 v40, v40;
	v38 =	vsub.f32 v38, v31;
	v46 =	vadd.f32 v48, v46  }
0x217: {  	v39 =	vmul.f32 v39, v39;
	v41 =	vadd.f32 v41, v49;
	v45 =	vadd.f32 v47, v45  }
0x218: {  	v37 =	vsub.f32 v37, v35;
	v40 =	vadd.f32 v40, v46  }
0x219: {  	v44 =	vmul.f32 v44, v44;
	v39 =	vadd.f32 v39, v45;
	(xrf1) =	vsort.dscd.msk.f32 $0xffff, v41, v36  }
0x21a: {  	vm0 =	vlt.f32 v43, v14;
	s18 =	sadd.s32 $0x10, s18;
	v38 =	vmul.f32 v38, v38;
	v59, v58, _ =	vpop (xrf1);
	(xrf1) =	vsort.dscd.msk.f32 $0xffff, v40, v36  }
0x21b: {  	s17 =	sadd.s32 $0x10, s17;
	v49 =	vsel vm0, v43, v14;
	v50 =	vsel vm0, v42, v16;
	v42 =	vld [tilespmem:s18+$0x0];
	v61, v60, _ =	vpop (xrf1);
	(xrf1) =	vsort.dscd.msk.f32 $0xffff, v39, v36  }
0x21c: {  	s20 =	sadd.s32 $0x10, s20;
	v62 =	vmul.f32 v37, v37;
	v37 =	vld [tilespmem:s17+$0x0];
	v63 =	vadd.f32 v38, v44;
	vm13 =	vlt.f32 v59, v12  }
0x21d: {  	v38 =	vld [tilespmem:s20+$0x0];
	v51 =	vsel vm13, v59, v12;
	v52 =	vsel vm13, v58, v11;
	(xrf1) =	vsort.ascd.msk.f32 $0xffff, v49, v50  }
0x21e: {  	v53 =	vadd.f32 v62, v63;
	vm14 =	vlt.f32 v61, v15;
	(xrf1) =	vsort.ascd.msk.f32 $0xffff, v51, v52;
	v54, v55, _ =	vpop (xrf1)  }
0x21f: {  	v41 =	vsel vm14, v61, v15;
	v56 =	vsel vm14, v60, v13;
	vm15 =	vlt.f32 v54, v9  }
0x220: {  	(xrf1) =	vsort.ascd.msk.f32 $0xffff, v41, v56;
	v39 =	vsel vm15, v54, v9;
	v57 =	vsel vm15, v55, v8  }
0x221: {  	v58 =	vsub.f32 v37, v32;
	v59 =	vsub.f32 v42, v24;
	(xrf1) =	vsort.ascd.msk.f32 $0xffff, v39, v57  }
0x222: {  	p2 =	seq.s32 s25, $0x1;
	v62 =	vsub.f32 v38, v29;
	v50 =	vsub.f32 v42, v26;
	(xrf1) =	vsort.dscd.msk.f32 $0xffff, v53, v36  }
.Ltmp13:
0x223: {  	v60 =	vsub.f32 v38, v28;
	v61 =	vsub.f32 v42, v25;
	v43 =	vmul.f32 v59, v59;
	(pc) =	sbr.rel @p2 .LBB3_30-.Ltmp13, $4  }
0x224: {  	v51 =	vsub.f32 v38, v30;
	v41 =	vmul.f32 v58, v58;
	v48 =	vmul.f32 v62, v62  }
0x225: {  	v44 =	vsub.f32 v42, v27;
	v45 =	vmul.f32 v50, v50;
	v63 =	vmul.f32 v60, v60  }
0x226: {  	s21 =	sadd.s32 $0x10, s21;
	v40 =	vsub.f32 v37, v33;
	v46 =	vmul.f32 v61, v61;
	v47 =	vmul.f32 v51, v51  }
0x227: {  	s25 =	sadd.s32 $0xFFFFFFFF, s25;
	p1 =	por $0x1, $0x1;
	v39 =	vsub.f32 v37, v34;
	v36 =	vor.u32 s21, v3;
	v49 =	vadd.f32 v63, v43;
	v43, v42, _ =	vpop (xrf1)  }
.LBB3_29:
0x228: {  	p2 =	seq.s32 s25, $0x1;
	v46 =	vadd.f32 v48, v46;
	v40 =	vmul.f32 v40, v40;
	v38 =	vsub.f32 v38, v31;
	v48, v50, _ =	vpop (xrf1)  }
0x229: {  	v39 =	vmul.f32 v39, v39;
	v53 =	vadd.f32 v41, v49;
	v54 =	vadd.f32 v47, v45;
	v47, v49, _ =	vpop (xrf1)  }
0x22a: {  	v37 =	vsub.f32 v37, v35;
	v44 =	vmul.f32 v44, v44;
	v52 =	vadd.f32 v40, v46  }
0x22b: {  	v38 =	vmul.f32 v38, v38;
	v39 =	vadd.f32 v39, v54;
	(xrf1) =	vsort.dscd.msk.f32 $0xffff, v53, v36;
	v41, v45, _ =	vpop (xrf1)  }
0x22c: {  	v46 =	vmul.f32 v37, v37;
	(xrf1) =	vsort.dscd.msk.f32 $0xffff, v52, v36;
	v40, v51, _ =	vpop (xrf1)  }
0x22d: {  	s17 =	sadd.s32 $0x10, s17;
	v44 =	vadd.f32 v38, v44;
	vm0 =	vlt.f32 v43, v41;
	(xrf1) =	vsort.dscd.msk.f32 $0xffff, v39, v36  }
0x22e: {  	s18 =	sadd.s32 $0x10, s18;
	v38 =	vsel vm0, v43, v41;
	v52 =	vsel vm0, v42, v45;
	vm0 =	vlt.f32 v48, v40;
	v37 =	vld [tilespmem:s17+$0x0];
	v41, v42, _ =	vpop (xrf1)  }
0x22f: {  	s20 =	sadd.s32 $0x10, s20;
	v53 =	vsel vm0, v48, v40;
	v50 =	vsel vm0, v50, v51;
	v43 =	vld [tilespmem:s18+$0x0];
	(xrf1) =	vsort.ascd.msk.f32 $0xffff, v38, v52;
	v39, v48, _ =	vpop (xrf1)  }
0x230: {  	v44 =	vadd.f32 v46, v44;
	vm0 =	vlt.f32 v47, v41;
	v38 =	vld [tilespmem:s20+$0x0];
	(xrf1) =	vsort.ascd.msk.f32 $0xffff, v53, v50;
	v40, v45, _ =	vpop (xrf1)  }
0x231: {  	v41 =	vsel vm0, v47, v41;
	v42 =	vsel vm0, v49, v42;
	vm0 =	vlt.f32 v40, v39  }
0x232: {  	v39 =	vsel vm0, v40, v39;
	v45 =	vsel vm0, v45, v48;
	(xrf1) =	vsort.ascd.msk.f32 $0xffff, v41, v42  }
0x233: {  	v41 =	vsub.f32 v37, v32;
	v40 =	vsub.f32 v37, v33;
	(xrf1) =	vsort.ascd.msk.f32 $0xffff, v39, v45  }
0x234: {  	s21 =	sadd.s32 $0x10, s21;
	v39 =	vsub.f32 v37, v34;
	v42 =	vsub.f32 v43, v24;
	(xrf1) =	vsort.dscd.msk.f32 $0xffff, v44, v36  }
.Ltmp14:
0x235: {  	v36 =	vor.u32 s21, v3;
	v45 =	vsub.f32 v43, v25;
	v44 =	vsub.f32 v38, v28;
	(pc) =	sbr.rel @!p2 .LBB3_29-.Ltmp14, $4  }
0x236: {  	v50 =	vsub.f32 v43, v26;
	v41 =	vmul.f32 v41, v41;
	v47 =	vsub.f32 v38, v29  }
0x237: {  	v51 =	vsub.f32 v38, v30;
	v52 =	vmul.f32 v42, v42;
	v49 =	vmul.f32 v44, v44  }
0x238: {  	v46 =	vmul.f32 v45, v45;
	v48 =	vmul.f32 v47, v47;
	v44 =	vsub.f32 v43, v27  }
0x239: {  	s25 =	sadd.s32 $0xFFFFFFFF, s25;
	v45 =	vmul.f32 v50, v50;
	v47 =	vmul.f32 v51, v51;
	v49 =	vadd.f32 v49, v52;
	v43, v42, _ =	vpop (xrf1)  }
.LBB3_30:
0x23a: {  	_ = 	snop  }
0x23b: {  	v45 =	vadd.f32 v47, v45  }
0x23c: {  	v41 =	vadd.f32 v41, v49  }
0x23d: {  	v46 =	vadd.f32 v48, v46;
	v40 =	vmul.f32 v40, v40  }
0x23e: {  	v48, v50, _ =	vpop @p0 (xrf1);
	v39 =	vmul.f32 v39, v39  }
0x23f: {  	v47, v49, _ =	vpop @p0 (xrf1);
	v40 =	vadd.f32 v40, v46  }
0x240: {  	v39 =	vadd.f32 v39, v45;
	(xrf1) =	vsort.dscd.msk.f32 $0xffff, v41, v36;
	v41, v45, _ =	vpop @p1 (xrf1)  }
0x241: {  	(xrf1) =	vsort.dscd.msk.f32 $0xffff, v40, v36;
	v40 =	vpsel p1, v41, v14  }
0x242: {  	(xrf1) =	vsort.dscd.msk.f32 $0xffff, v39, v36;
	v41, v46, _ =	vpop @p1 (xrf1);
	vm0 =	vlt.f32 @p0 v43, v40  }
0x243: {  	v41 =	vpsel p1, v41, v12;
	v39 =	vsel @p0 vm0, v43, v40;
	v40 =	vpsel p1, v45, v16  }
0x244: {  	v38 =	vsub.f32 v38, v31;
	v40 =	vsel @p0 vm0, v42, v40;
	vm0 =	vlt.f32 @p0 v48, v41  }
0x245: {  	v44 =	vmul.f32 v44, v44;
	v42 =	vpsel p1, v46, v11;
	v41 =	vsel @p0 vm0, v48, v41  }
0x246: {  	v37 =	vsub.f32 v37, v35;
	v43, v45, _ =	vpop @p1 (xrf1);
	v42 =	vsel @p0 vm0, v50, v42;
	(xrf1) =	vsort.ascd.msk.f32 @p0 $0xffff, v39, v40  }
0x247: {  	v38 =	vmul.f32 v38, v38;
	(xrf1) =	vsort.ascd.msk.f32 @p0 $0xffff, v41, v42  }
0x248: {  	v37 =	vmul.f32 v37, v37;
	v39 =	vpsel p1, v43, v15  }
0x249: {  	v38 =	vadd.f32 v38, v44;
	vm0 =	vlt.f32 @p0 v47, v39;
	v42 =	vpsel p1, v45, v13;
	v40, v41, _ =	vpop @p1 (xrf1)  }
0x24a: {  	v39 =	vsel @p0 vm0, v47, v39;
	v42 =	vsel @p0 vm0, v49, v42;
	v43, v44, _ =	vpop @p0 (xrf1);
	v40 =	vpsel p1, v40, v9  }
0x24b: {  	v41 =	vpsel p1, v41, v8;
	(xrf1) =	vsort.ascd.msk.f32 @p0 $0xffff, v39, v42;
	vm0 =	vlt.f32 @p0 v43, v40  }
0x24c: {  	v37 =	vadd.f32 v37, v38;
	v38 =	vsel @p0 vm0, v43, v40;
	v39 =	vsel @p0 vm0, v44, v41  }
0x24d: {  	(xrf1) =	vsort.ascd.msk.f32 @p0 $0xffff, v38, v39  }
0x24e: {  	(xrf1) =	vsort.dscd.msk.f32 $0xffff, v37, v36;
	_ =	sdelay $0x2  }
0x24f: {  	v36, v37, _ =	vpop (xrf1)  }
0x250: {  	v38, v39, _ =	vpop (xrf1)  }
0x251: {  	v62, v63, _ =	vpop (xrf1)  }
0x252: {  	v42, v43, _ =	vpop @p0 (xrf1)  }
0x253: {  	v44, v45, _ =	vpop @p0 (xrf1);
	v14 =	vpsel p0, v42, v14  }
0x254: {  	v16 =	vpsel p0, v43, v16;
	vm13 =	vlt.f32 v36, v14;
	v12 =	vpsel p0, v44, v12  }
0x255: {  	vm1 =	vlt.f32 v38, v12;
	v16 =	vsel vm13, v37, v16  }
0x256: {  	v11 =	vpsel p0, v45, v11;
	v12 =	vsel vm1, v38, v12  }
0x257: {  	v14 =	vsel vm13, v36, v14;
	v11 =	vsel vm1, v39, v11;
	v36, v37, _ =	vpop @p0 (xrf1)  }
0x258: {  	(xrf1) =	vsort.ascd.msk.f32 $0xffff, v14, v16;
	v14 =	vpsel p0, v36, v15  }
0x259: {  	(xrf1) =	vsort.ascd.msk.f32 $0xffff, v12, v11;
	vm14 =	vlt.f32 v62, v14;
	v15, v16, _ =	vpop @p0 (xrf1)  }
0x25a: {  	v13 =	vpsel p0, v37, v13;
	v14 =	vsel vm14, v62, v14;
	v11, v12, _ =	vpop (xrf1);
	v9 =	vpsel p0, v15, v9  }
0x25b: {  	v13 =	vsel vm14, v63, v13;
	v8 =	vpsel p0, v16, v8;
	vm15 =	vlt.f32 v11, v9  }
0x25c: {  	(xrf1) =	vsort.ascd.msk.f32 $0xffff, v14, v13;
	v9 =	vsel vm15, v11, v9;
	v8 =	vsel vm15, v12, v8  }
0x25d: {  	(xrf1) =	vsort.ascd.msk.f32 $0xffff, v9, v8;
	_ =	sdelay $0xa  }
0x25e: {  	v14, v16, _ =	vpop (xrf1)  }
0x25f: {  	v12, v11, _ =	vpop (xrf1)  }
0x260: {  	v15, v13, _ =	vpop (xrf1)  }
0x261: {  	v9, v8, _ =	vpop (xrf1)  }
.LBB3_23:
0x262: {  	p0 =	sge.u32 s19, s14  }
.Ltmp15:
0x263: {  	_ = 	snop;
	(pc) =	sbr.rel @p0 .LBB3_38-.Ltmp15, $1  }
0x264: {  	_ =	sdelay $0x3  }
0x265: {  	s16 =	sshll.u32 s15, $0x4  }
0x266: {  	s5 =	sadd.s32 s16, s5  }
0x267: {  	s16 =	sadd.s32 s4, s5  }
0x268: {  	s16 =	sshll.u32 s16, $0x2  }
0x269: {  	s16 =	sshra.s32 s16, $0x2  }
0x26a: {  	s18 =	sadd.s32 $0xC80, s16  }
0x26b: {  	s19 =	sadd.s32 $0x480, s16;
	v38 =	vld [tilespmem:s18+$0x0]  }
0x26c: {  	v39 =	vld [tilespmem:s19+$0x0];
	_ =	sdelay $0x1  }
0x26d: {  	v36 =	vor.u32 s5, v3;
	s16 =	sadd.s32 $0x1480, s16  }
0x26e: {  	vm1 =	vlt.s32 v36, v22;
	vm0 =	vge.s32 v36, v20;
	v40 =	vld [tilespmem:s16+$0x0]  }
0x26f: {  	vm2 =	vge.s32 v36, v17;
	vm3 =	vlt.s32 v36, v21;
	v37 =	vsub.f32 v38, v28  }
0x270: {  	vm4 =	vlt.s32 v36, v23;
	v42 =	vsub.f32 v39, v24;
	v41 =	vsub.f32 v38, v29  }
0x271: {  	vm2 =	vmand vm2, vm3;
	v43 =	vsub.f32 v38, v30;
	v44 =	vsub.f32 v39, v27  }
0x272: {  	vm3 =	vge.s32 v36, v19;
	v38 =	vsub.f32 v38, v31;
	v45 =	vsub.f32 v39, v25  }
0x273: {  	s17 =	sadd.s32 $0x1, s15;
	v62 =	vsub.f32 v40, v35;
	v47 =	vsub.f32 v40, v32;
	v37 =	vmul.f32 v37, v37  }
0x274: {  	p2 =	slt.u32 s17, s14;
	v39 =	vsub.f32 v39, v26;
	v46 =	vmul.f32 v43, v43;
	v48 =	vmul.f32 v38, v38  }
.Ltmp16:
0x275: {  	v49 =	vsub.f32 v40, v34;
	v43 =	vmul.f32 v62, v62;
	v44 =	vmul.f32 v44, v44;
	(pc) =	sbr.rel @!p2 .LBB3_25-.Ltmp16, $4  }
0x276: {  	v50 =	vsub.f32 v40, v33;
	v38 =	vmul.f32 v45, v45;
	v40 =	vmul.f32 v41, v41  }
0x277: {  	vm1 =	vmand vm3, vm1;
	v41 =	vmul.f32 v47, v47;
	v63 =	vmul.f32 v39, v39  }
0x278: {  	p0 =	por $0x0, $0x0;
	vm3 =	vlt.s32 v36, v18;
	v39 =	vmul.f32 v50, v50;
	v50 =	vmul.f32 v42, v42  }
0x279: {  	p1 =	por $0x0, $0x0;
	s15 =	sadd.s32 $0x10, s19;
	s19 =	sadd.s32 $0x10, s18;
	v54 =	vmul.f32 v49, v49;
	v45 =	vadd.f32 v48, v44;
	v52 =	vadd.f32 v46, v63  }
0x27a: {  	_ = 	snop  }
0x27b: {  	vm5 =	vge.s32 v36, v10;
	v37 =	vadd.f32 v37, v50;
	v42 =	vadd.f32 v43, v45  }
0x27c: {  	v60 =	vadd.f32 v54, v52;
	vm3 =	vmand vm5, vm3  }
0x27d: {  	vm0 =	vmand vm0, vm4;
	v37 =	vadd.f32 v41, v37;
	v42 =	vnsel vm3, $0x7F800000, v42  }
0x27e: {  	v44 =	vld [tilespmem:s19+$0x0];
	v43 =	vnsel vm0, $0x7F800000, v60;
	(xrf1) =	vsort.dscd.msk.f32 $0xffff, v42, v36  }
0x27f: {  	v61 =	vld [tilespmem:s15+$0x0];
	v37 =	vnsel vm2, $0x7F800000, v37;
	(xrf1) =	vsort.dscd.msk.f32 $0xffff, v43, v36  }
0x280: {  	v38 =	vadd.f32 v40, v38;
	(xrf1) =	vsort.dscd.msk.f32 $0xffff, v37, v36  }
0x281: {  	s21 =	sadd.s32 $0x10, s16;
	s20 =	sadd.s32 $0x10, s5  }
0x282: {  	v62 =	vld [tilespmem:s21+$0x0];
	v53 =	vor.u32 s20, v3;
	v38 =	vadd.f32 v39, v38  }
0x283: {  	vm4 =	vlt.s32 v53, v23;
	vm0 =	vge.s32 v53, v20;
	v63 =	vsub.f32 v44, v28  }
0x284: {  	vm3 =	vlt.s32 v53, v21;
	v42 =	vsub.f32 v61, v24;
	v55 =	vsub.f32 v44, v29  }
0x285: {  	v48 =	vnsel vm1, $0x7F800000, v38;
	v56 =	vsub.f32 v44, v30;
	v57 =	vsub.f32 v61, v27  }
0x286: {  	vm1 =	vlt.s32 v53, v22;
	v58 =	vsub.f32 v44, v31;
	v59 =	vsub.f32 v61, v25  }
0x287: {  	vm2 =	vge.s32 v53, v17;
	v49 =	vsub.f32 v61, v26;
	v46 =	vsub.f32 v62, v32  }
0x288: {  	s17 =	sadd.s32 $0x1, s17;
	vm2 =	vmand vm2, vm3;
	vm3 =	vge.s32 v53, v19;
	v47 =	vmul.f32 v58, v58  }
0x289: {  	p2 =	slt.u32 s17, s14;
	v60 =	vsub.f32 v62, v35;
	v37 =	vmul.f32 v63, v63;
	v51 =	vmul.f32 v56, v56  }
.Ltmp17:
0x28a: {  	v61 =	vsub.f32 v62, v34;
	v45 =	vmul.f32 v57, v57;
	v38 =	vmul.f32 v59, v59;
	(pc) =	sbr.rel @!p2 .LBB3_32-.Ltmp17, $4  }
0x28b: {  	v62 =	vsub.f32 v62, v33;
	v40 =	vmul.f32 v55, v55;
	v63 =	vmul.f32 v49, v49  }
0x28c: {  	vm1 =	vmand vm3, vm1;
	v41 =	vmul.f32 v46, v46;
	v45 =	vadd.f32 v47, v45;
	v47, v46, _ =	vpop (xrf1);
	(xrf1) =	vsort.dscd.msk.f32 $0xffff, v48, v36  }
0x28d: {  	vm3 =	vlt.s32 v53, v18;
	v50 =	vmul.f32 v42, v42;
	v43 =	vmul.f32 v60, v60;
	v48, v49, _ =	vpop (xrf1)  }
0x28e: {  	s18 =	sadd.s32 $0x10, s15;
	s19 =	sadd.s32 $0x10, s19;
	p0 =	por $0x1, $0x1;
	v39 =	vmul.f32 v62, v62;
	v54 =	vmul.f32 v61, v61;
	v52 =	vadd.f32 v51, v63;
	v42, v44, _ =	vpop (xrf1)  }
0x28f: {  	v36 =	vadd.f32 v43, v45  }
0x290: {  	vm5 =	vge.s32 v53, v10;
	v37 =	vadd.f32 v37, v50;
	vm0 =	vmand vm0, vm4  }
0x291: {  	v51 =	vld [tilespmem:s19+$0x0];
	v38 =	vadd.f32 v40, v38;
	v56 =	vadd.f32 v54, v52;
	vm3 =	vmand vm5, vm3  }
0x292: {  	v43 =	vld [tilespmem:s18+$0x0];
	vm6 =	vlt.f32 v47, v9;
	v36 =	vnsel vm3, $0x7F800000, v36;
	vm3 =	vlt.f32 v48, v15  }
0x293: {  	s15 =	sadd.s32 $0x10, s20;
	v37 =	vadd.f32 v41, v37;
	v38 =	vadd.f32 v39, v38;
	v57 =	vnsel vm0, $0x7F800000, v56;
	(xrf1) =	vsort.dscd.msk.f32 $0xffff, v36, v53  }
0x294: {  	v58 =	vsel vm3, v48, v15;
	v59 =	vsel vm3, v49, v13;
	v36 =	vor.u32 s15, v3;
	(xrf1) =	vsort.dscd.msk.f32 $0xffff, v57, v53  }
0x295: {  	v37 =	vnsel vm2, $0x7F800000, v37;
	v50 =	vnsel vm1, $0x7F800000, v38;
	vm1 =	vlt.s32 v36, v22;
	(xrf1) =	vsort.ascd.msk.f32 $0xffff, v58, v59  }
0x296: {  	vm0 =	vge.s32 v36, v20;
	v60 =	vsub.f32 v51, v28;
	(xrf1) =	vsort.dscd.msk.f32 $0xffff, v37, v53  }
0x297: {  	s5 =	sadd.s32 $0x10, s21;
	vm2 =	vlt.f32 v42, v14;
	v48 =	vsub.f32 v43, v24;
	v39 =	vsub.f32 v51, v29  }
0x298: {  	v41 =	vld [tilespmem:s5+$0x0];
	vm3 =	vge.s32 v36, v17;
	v61 =	vsub.f32 v51, v30;
	v49 =	vsub.f32 v43, v27  }
0x299: {  	vm4 =	vlt.s32 v36, v23;
	v62 =	vsub.f32 v51, v31;
	v63 =	vsub.f32 v43, v25  }
0x29a: {  	v44 =	vsel vm2, v44, v16;
	v42 =	vsel vm2, v42, v14;
	vm2 =	vlt.s32 v36, v21  }
0x29b: {  	v56 =	vsub.f32 v43, v26;
	v59 =	vsel vm6, v47, v9;
	vm2 =	vmand vm3, vm2  }
0x29c: {  	vm3 =	vge.s32 v36, v19;
	v55 =	vmul.f32 v62, v62;
	v62 =	vmul.f32 v49, v49  }
0x29d: {  	v37 =	vmul.f32 v60, v60;
	v60 =	vsub.f32 v41, v35;
	v52 =	vmul.f32 v61, v61  }
0x29e: {  	s17 =	sadd.s32 $0x1, s17;
	v61 =	vsub.f32 v41, v32;
	v45 =	vadd.f32 v55, v62;
	v55 =	vmul.f32 v56, v56  }
0x29f: {  	p2 =	slt.u32 s17, s14;
	v38 =	vmul.f32 v63, v63;
	v58 =	vsub.f32 v41, v34;
	v63 =	vsub.f32 v41, v33  }
.Ltmp18:
0x2a0: {  	v40 =	vmul.f32 v39, v39;
	vm1 =	vmand vm3, vm1;
	vm3 =	vlt.s32 v36, v18;
	v51, v54, _ =	vpop (xrf1);
	(pc) =	sbr.rel @!p2 .LBB3_34-.Ltmp18, $4  }
0x2a1: {  	v43 =	vmul.f32 v60, v60;
	v41 =	vmul.f32 v61, v61;
	(xrf1) =	vsort.dscd.msk.f32 $0xffff, v50, v53;
	v60, v56, _ =	vpop (xrf1)  }
0x2a2: {  	v39 =	vmul.f32 v63, v63;
	v50 =	vmul.f32 v48, v48;
	(xrf1) =	vsort.ascd.msk.f32 $0xffff, v42, v44;
	v48, v49, _ =	vpop (xrf1)  }
0x2a3: {  	v61 =	vsel vm6, v46, v8;
	v52 =	vadd.f32 v52, v55;
	vm5 =	vlt.f32 v51, v12;
	v53, v55, _ =	vpop (xrf1)  }
0x2a4: {  	s18 =	sadd.s32 $0x10, s18;
	s19 =	sadd.s32 $0x10, s19;
	p1 =	por $0x1, $0x1;
	v57 =	vsel vm5, v54, v11;
	v54 =	vmul.f32 v58, v58;
	v58 =	vmov v12;
	v42, v44, _ =	vpop (xrf1)  }
.LBB3_35:
0x2a5: {  	v46 =	vld [tilespmem:s19+$0x0];
	s17 =	sadd.s32 $0x1, s17;
	v43 =	vadd.f32 v43, v45;
	vm6 =	vge.s32 v36, v10;
	v45 =	vsel vm5, v51, v58;
	v47 =	vmovc v36  }
0x2a6: {  	v36 =	vadd.f32 v37, v50;
	v58 =	vld [tilespmem:s18+$0x0];
	p2 =	slt.u32 s17, s14;
	v37 =	vadd.f32 v54, v52;
	vm3 =	vmand vm6, vm3;
	(xrf1) =	vsort.ascd.msk.f32 $0xffff, v45, v57  }
0x2a7: {  	vm0 =	vmand vm0, vm4;
	v54 =	vmovc v60;
	v43 =	vnsel vm3, $0x7F800000, v43;
	vm3 =	vlt.f32 v48, v53;
	(xrf1) =	vsort.ascd.msk.f32 $0xffff, v59, v61  }
0x2a8: {  	v38 =	vadd.f32 v40, v38;
	s5 =	sadd.s32 $0x10, s5;
	v36 =	vadd.f32 v41, v36;
	v37 =	vnsel vm0, $0x7F800000, v37;
	(xrf1) =	vsort.dscd.msk.f32 $0xffff, v43, v47  }
0x2a9: {  	v61 =	vmovc v56;
	v41 =	vsel vm3, v49, v55;
	v40 =	vld [tilespmem:s5+$0x0];
	(xrf1) =	vsort.dscd.msk.f32 $0xffff, v37, v47;
	v37 =	vsel vm3, v48, v53  }
0x2aa: {  	s15 =	sadd.s32 $0x10, s15;
	v38 =	vadd.f32 v39, v38;
	v45 =	vnsel vm2, $0x7F800000, v36;
	v43 =	vsub.f32 v46, v28;
	(xrf1) =	vsort.ascd.msk.f32 $0xffff, v37, v41  }
0x2ab: {  	v36 =	vor.u32 s15, v3;
	v39 =	vsub.f32 v46, v29;
	v48 =	vsub.f32 v58, v24;
	(xrf1) =	vsort.dscd.msk.f32 $0xffff, v45, v47  }
0x2ac: {  	v49 =	vnsel vm1, $0x7F800000, v38;
	v41 =	vsub.f32 v46, v30;
	v45 =	vsub.f32 v58, v27  }
0x2ad: {  	vm1 =	vlt.s32 v36, v22;
	v38 =	vsub.f32 v46, v31;
	v37 =	vmul.f32 v43, v43  }
0x2ae: {  	v46 =	vsub.f32 v58, v25;
	v52 =	vmul.f32 v41, v41;
	v41 =	vsub.f32 v40, v35  }
0x2af: {  	v53 =	vmul.f32 v38, v38;
	v50 =	vsub.f32 v40, v32;
	v51, v55, _ =	vpop (xrf1)  }
0x2b0: {  	vm0 =	vge.s32 v36, v20;
	v56 =	vsub.f32 v58, v26;
	v43 =	vmul.f32 v41, v41;
	v57, v58, _ =	vpop (xrf1)  }
0x2b1: {  	v38 =	vmul.f32 v46, v46;
	v45 =	vmul.f32 v45, v45;
	v46 =	vsub.f32 v40, v34  }
0x2b2: {  	v59 =	vsub.f32 v40, v33;
	v40 =	vmul.f32 v39, v39;
	vm2 =	vlt.f32 v42, v57  }
0x2b3: {  	v45 =	vadd.f32 v53, v45;
	v41 =	vmul.f32 v50, v50;
	v44 =	vsel vm2, v44, v58  }
0x2b4: {  	vm3 =	vge.s32 v36, v17;
	v39 =	vmul.f32 v59, v59;
	v42 =	vsel vm2, v42, v57;
	v58, v53, _ =	vpop (xrf1)  }
.Ltmp19:
0x2b5: {  	v59 =	vmul.f32 v56, v56;
	vm2 =	vlt.s32 v36, v21;
	vm5 =	vlt.f32 v51, v58;
	v62, v63, _ =	vpop (xrf1);
	(pc) =	sbr.rel @p2 .LBB3_35-.Ltmp19, $4  }
0x2b6: {  	vm2 =	vmand vm3, vm2;
	vm3 =	vge.s32 v36, v19;
	(xrf1) =	vsort.dscd.msk.f32 $0xffff, v49, v47;
	v60, v56, _ =	vpop (xrf1);
	vm6 =	vlt.f32 v54, v62  }
0x2b7: {  	v50 =	vmul.f32 v48, v48;
	vm1 =	vmand vm3, vm1;
	v57 =	vsel vm5, v55, v53;
	v48, v49, _ =	vpop (xrf1);
	(xrf1) =	vsort.ascd.msk.f32 $0xffff, v42, v44  }
0x2b8: {  	v52 =	vadd.f32 v52, v59;
	vm3 =	vlt.s32 v36, v18;
	v59 =	vsel vm6, v54, v62;
	v53, v55, _ =	vpop (xrf1)  }
0x2b9: {  	s19 =	sadd.s32 $0x10, s19;
	s18 =	sadd.s32 $0x10, s18;
	vm4 =	vlt.s32 v36, v23;
	v54 =	vmul.f32 v46, v46;
	v61 =	vsel vm6, v61, v63;
	v42, v44, _ =	vpop (xrf1)  }
.Ltmp20:
0x2ba: {  	(pc) =	sbr.rel .LBB3_37-.Ltmp20, $2  }
0x2bb: {  	_ =	sdelay $0x2  }
0x2bc: {  	v47 =	vmov v60;
	v46 =	vmov v56  }
.LBB3_6:
.Ltmp21:
0x2bd: {  	(pc) =	sbr.rel .LBB3_22-.Ltmp21, $2  }
0x2be: {  	_ =	sdelay $0x2  }
0x2bf: {  	v58 =	vmov v12;
	v53 =	vmov v15;
	v55 =	vmov v13  }
.LBB3_17:
.Ltmp22:
0x2c0: {  	(pc) =	sbr.rel .LBB3_22-.Ltmp22, $2  }
0x2c1: {  	_ =	sdelay $0x2  }
0x2c2: {  	v36 =	vmovc v53;
	v58 =	vmov v12;
	v53 =	vmov v15;
	v55 =	vmov v13  }
.LBB3_19:
.Ltmp23:
0x2c3: {  	(pc) =	sbr.rel .LBB3_22-.Ltmp23, $2  }
0x2c4: {  	_ =	sdelay $0x2  }
0x2c5: {  	v58 =	vmov v12;
	v47 =	vmov v60;
	v46 =	vmov v56  }
.LBB3_15:
.Ltmp24:
0x2c6: {  	(pc) =	sbr.rel .LBB3_30-.Ltmp24, $2  }
0x2c7: {  	_ =	sdelay $0x2  }
0x2c8: {  	_ = 	snop  }
.LBB3_27:
.Ltmp25:
0x2c9: {  	(pc) =	sbr.rel .LBB3_30-.Ltmp25, $2  }
0x2ca: {  	_ =	sdelay $0x2  }
0x2cb: {  	_ = 	snop  }
.LBB3_32:
.Ltmp26:
0x2cc: {  	(pc) =	sbr.rel .LBB3_37-.Ltmp26, $2  }
0x2cd: {  	_ =	sdelay $0x2  }
0x2ce: {  	v36 =	vmovc v53;
	v58 =	vmov v12;
	v53 =	vmov v15;
	v55 =	vmov v13  }
.LBB3_34:
.Ltmp27:
0x2cf: {  	(pc) =	sbr.rel .LBB3_37-.Ltmp27, $2  }
0x2d0: {  	_ =	sdelay $0x2  }
0x2d1: {  	v58 =	vmov v12;
	v47 =	vmov v60;
	v46 =	vmov v56  }
.LBB3_7:
0x2d2: {  	s0 =	rddreg [dreg:$0x1b]  }
0x2d3: {  	s0 =	ssub.s32 s31, s0  }
0x2d4: {  	s0 =	sadd.s32 $0x7FF, s0  }
0x2d5: {  	s14 =	sshra.s32 s0, $0xB  }
0x2d6: {  	p0 =	slt.s32 s14, $0x2  }
.Ltmp28:
0x2d7: {  	_ = 	snop;
	(pc) =	sbr.rel @p0 .LBB3_66-.Ltmp28, $2  }
0x2d8: {  	_ =	sdelay $0x2  }
0x2d9: {  	s7 =	rddreg [dreg:$0x1e]  }
.Ltmp29:
0x2da: {  	(pc) =	sbr.rel .LBB3_9-.Ltmp29, $3  }
0x2db: {  	_ =	sdelay $0x1  }
0x2dc: {  	s0 =	rddreg [dreg:$0x1b]  }
0x2dd: {  	s1 =	simm.s32 $0x1;
	[dreg:$0x1f] =	wrdreg s14;
	s0 =	sadd.s32 $0x1000, s0  }
.LBB3_65:
0x2de: {  	s1 =	sld [smem:$0x7F7];
	_ =	sdelay $0x2  }
0x2df: {  	s14 =	rddreg [dreg:$0x1f];
	s1 =	sadd.s32 $0x1, s1  }
0x2e0: {  	p0 =	sne.s32 s1, s14  }
.Ltmp30:
0x2e1: {  	_ = 	snop;
	(pc) =	sbr.rel @!p0 .LBB3_66-.Ltmp30, $2  }
0x2e2: {  	_ =	sdelay $0x2  }
0x2e3: {  	s0 =	sadd.s32 $0x800, s0;
	s7 =	sadd.s32 $0x800, s7  }
.LBB3_9:
0x2e4: {  	s16 =	sshll.u32 s1, $0xB;
	s2 =	rddreg [dreg:$0x1b]  }
0x2e5: {  	s5 =	sadd.s32 s2, s16  }
0x2e6: {  	[smem:$0x7F7] =	sst s1;
	p0 =	slt.s32 s5, $0x3800;
	s1 =	smov.u32 s5  }
0x2e7: {  	s1 =	simm.s32 @!p0 $0x3800  }
0x2e8: {  	s17 =	rddreg [dreg:$0x9];
	s3 =	simm.s32 $0x0;
	s1 =	sshrl.u32 s1, $0x3  }
0x2e9: {  	s4 =	simm.s32 $0x480;
	s18 =	rddreg [dreg:$0xa];
	s2 =	sadd.s32 s17, s1  }
0x2ea: {  	[tilespmem:s4], [sflag:$0x3] =	stream.linear.gather [hbm4b:s2+s3], $0x800, $0x38;
	[tilespmem:$0x7D00] =	vst v63  }
0x2eb: {  	s19 =	simm.s32 $0xC80;
	s20 =	rddreg [dreg:$0xb];
	s2 =	sadd.s32 s18, s1  }
0x2ec: {  	[tilespmem:s19], [sflag:$0x3] =	stream.linear.gather [hbm4b:s2+s3], $0x800, $0x38;
	[tilespmem:$0x7D00] =	vst v63  }
0x2ed: {  	s21 =	simm.s32 $0x1480;
	s25 =	simm.s32 $0x3;
	s1 =	sadd.s32 s20, s1  }
0x2ee: {  	[tilespmem:s21], [sflag:$0x3] =	stream.linear.gather [hbm4b:s1+s3], $0x800, $0x38;
	[tilespmem:$0x7D00] =	vst v63  }
0x2ef: {  	p0 =	slt.s32 s7, $0x3800;
	s1 =	smov.u32 s7;
	_ =	swait.ge [sflag:s25], $0x800  }
0x2f0: {  	s2 =	sadd.s32 $0x800, s5;
	s1 =	simm.s32 @!p0 $0x3800;
	[sflag:s25] =	ssyncset.done $0x0  }
0x2f1: {  	s26 =	ssub.s32 $0x0, s1;
	s1 =	sshll.u32 s1, $0x2;
	[sflag:s25] =	ssyncadd.s32 $0xFFFFF800  }
0x2f2: {  	p0 =	slt.s32 s2, s31;
	s1 =	ssub.s32 $0x0, s1;
	_ =	swait.ge [sflag:s25], $0x800  }
0x2f3: {  	s1 =	sshra.s32 s1, $0x2;
	[sflag:s25] =	ssyncset.done $0x0;
	[smem:$0x7F8] =	sst s26  }
0x2f4: {  	[smem:$0x7F9] =	sst s5;
	s5 =	smov.u32 s31;
	[sflag:s25] =	ssyncadd.s32 $0xFFFFF800  }
.Ltmp31:
0x2f5: {  	s5 =	smov.u32 @p0 s2;
	_ =	swait.ge [sflag:s25], $0x800;
	(pc) =	sbr.rel .LBB3_10-.Ltmp31, $4  }
0x2f6: {  	s28 =	sadd.s32 $0x480, s1;
	[smem:$0x7FA] =	sst s5  }
0x2f7: {  	s30 =	sadd.s32 $0xC80, s1;
	[smem:$0x7FB] =	sst s28  }
0x2f8: {  	s1 =	sadd.s32 $0x1480, s1;
	[sflag:s25] =	ssyncset.done $0x0;
	[smem:$0x7FC] =	sst s30  }
0x2f9: {  	[smem:$0x7FD] =	sst s1;
	[sflag:s25] =	ssyncadd.s32 $0xFFFFF800  }
.LBB3_51:
0x2fa: {  	v58 =	vmov v12;
	v53 =	vmov v15;
	v55 =	vmov v13  }
.LBB3_63:
0x2fb: {  	v17 =	vsel @p1 vm5, v51, v58  }
0x2fc: {  	(xrf1) =	vsort.ascd.msk.f32 @p1 $0xffff, v17, v57  }
0x2fd: {  	(xrf1) =	vsort.ascd.msk.f32 @p1 $0xffff, v59, v61;
	_ =	sdelay $0x3  }
0x2fe: {  	vm11 =	vge.s32 v36, v10;
	v17 =	vadd.f32 v43, v45  }
0x2ff: {  	vm3 =	vmand vm11, vm3  }
0x300: {  	v17 =	vnsel vm3, $0x7F800000, v17  }
0x301: {  	v10 =	vadd.f32 v54, v52  }
0x302: {  	v18 =	vadd.f32 v37, v50;
	v19 =	vadd.f32 v40, v38;
	vm3 =	vlt.f32 @p0 v48, v53  }
0x303: {  	vm0 =	vmand vm0, vm4;
	(xrf1) =	vsort.dscd.msk.f32 $0xffff, v17, v36;
	v23 =	vsel @p0 vm3, v49, v55;
	v17, v20, _ =	vpop @p0 (xrf1)  }
0x304: {  	v10 =	vnsel vm0, $0x7F800000, v10;
	v18 =	vadd.f32 v41, v18;
	v19 =	vadd.f32 v39, v19;
	v21, v22, _ =	vpop @p1 (xrf1)  }
0x305: {  	(xrf1) =	vsort.dscd.msk.f32 $0xffff, v10, v36;
	v10 =	vsel @p0 vm3, v48, v53;
	v21 =	vpsel p1, v21, v14  }
0x306: {  	(xrf1) =	vsort.ascd.msk.f32 @p0 $0xffff, v10, v23;
	v10 =	vpsel p1, v22, v16;
	vm0 =	vlt.f32 @p0 v42, v21  }
0x307: {  	v18 =	vnsel vm2, $0x7F800000, v18;
	v10 =	vsel @p0 vm0, v44, v10;
	v22, v23, _ =	vpop @p1 (xrf1)  }
0x308: {  	v21 =	vsel @p0 vm0, v42, v21;
	(xrf1) =	vsort.dscd.msk.f32 $0xffff, v18, v36;
	v18 =	vnsel vm1, $0x7F800000, v19;
	v19, v24, _ =	vpop @p1 (xrf1);
	v22 =	vpsel p1, v22, v12  }
0x309: {  	v23 =	vpsel p1, v23, v11;
	(xrf1) =	vsort.dscd.msk.f32 $0xffff, v18, v36;
	v19 =	vpsel p1, v19, v9  }
0x30a: {  	vm0 =	vlt.f32 @p0 v17, v22;
	(xrf1) =	vsort.ascd.msk.f32 @p0 $0xffff, v21, v10;
	v10 =	vpsel p1, v24, v8  }
0x30b: {  	v25 =	vmovc @p0 v47;
	v17 =	vpsel p0, v17, v0;
	v18 =	vsel @p0 vm0, v20, v23;
	vm0 =	vmmov @p0 vm0  }
0x30c: {  	vm1 =	vlt.f32 @p0 v25, v19;
	v20 =	vmovc @p0 v46;
	v18 =	vpsel p0, v18, v0;
	v17 =	vsel @p0 vm0, v17, v22  }
0x30d: {  	v19 =	vsel @p0 vm1, v25, v19;
	v10 =	vsel @p0 vm1, v20, v10;
	(xrf1) =	vsort.ascd.msk.f32 @p0 $0xffff, v17, v18  }
0x30e: {  	v19 =	vpsel p0, v19, v0;
	v10 =	vpsel p0, v10, v0  }
0x30f: {  	(xrf1) =	vsort.ascd.msk.f32 @p0 $0xffff, v19, v10;
	_ =	sdelay $0x3  }
0x310: {  	v10, v17, _ =	vpop (xrf1)  }
0x311: {  	v18, v19, _ =	vpop (xrf1)  }
0x312: {  	v20, v21, _ =	vpop @p0 (xrf1)  }
0x313: {  	v61, v60, _ =	vpop (xrf1)  }
0x314: {  	v63, v62, _ =	vpop (xrf1)  }
0x315: {  	v15 =	vpsel p0, v20, v15;
	v25, v26, _ =	vpop @p0 (xrf1)  }
0x316: {  	vm12 =	vlt.f32 v18, v15;
	v16 =	vpsel p0, v26, v16  }
0x317: {  	v13 =	vpsel p0, v21, v13;
	v15 =	vsel vm12, v18, v15;
	v14 =	vpsel p0, v25, v14  }
0x318: {  	v13 =	vsel vm12, v19, v13;
	vm13 =	vlt.f32 v61, v14;
	v18, v19, _ =	vpop @p0 (xrf1)  }
0x319: {  	(xrf1) =	vsort.ascd.msk.f32 $0xffff, v15, v13;
	v13 =	vsel vm13, v60, v16;
	v12 =	vpsel p0, v18, v12  }
0x31a: {  	v14 =	vsel vm13, v61, v14;
	v11 =	vpsel p0, v19, v11;
	v15, v16, _ =	vpop @p0 (xrf1);
	vm14 =	vlt.f32 v63, v12  }
0x31b: {  	(xrf1) =	vsort.ascd.msk.f32 $0xffff, v14, v13;
	v9 =	vpsel p0, v15, v9;
	v11 =	vsel vm14, v62, v11  }
0x31c: {  	v8 =	vpsel p0, v16, v8;
	v12 =	vsel vm14, v63, v12;
	vm15 =	vlt.f32 v10, v9  }
0x31d: {  	(xrf1) =	vsort.ascd.msk.f32 $0xffff, v12, v11;
	v9 =	vsel vm15, v10, v9;
	v8 =	vsel vm15, v17, v8  }
0x31e: {  	(xrf1) =	vsort.ascd.msk.f32 $0xffff, v9, v8;
	_ =	sdelay $0xa  }
0x31f: {  	v15, v13, _ =	vpop (xrf1)  }
0x320: {  	v14, v16, _ =	vpop (xrf1)  }
0x321: {  	v12, v11, _ =	vpop (xrf1)  }
0x322: {  	v9, v8, _ =	vpop (xrf1)  }
.LBB3_64:
0x323: {  	[tilespmem:s18+$0x7480] =	vst v14  }
0x324: {  	[tilespmem:s18+$0x7880] =	vst v16;
	s3 =	sadd.s32 $0x1, s3  }
0x325: {  	[tilespmem:s13+$0x7480] =	vst v12;
	p0 =	sne.s32 s3, $0x10  }
.Ltmp32:
0x326: {  	[tilespmem:s13+$0x7880] =	vst v11;
	(pc) =	sbr.rel @!p0 .LBB3_65-.Ltmp32, $4  }
0x327: {  	[tilespmem:s21+$0x7480] =	vst v15  }
0x328: {  	[tilespmem:s21+$0x7880] =	vst v13  }
0x329: {  	[tilespmem:s17+$0x7480] =	vst v9  }
0x32a: {  	[tilespmem:s17+$0x7880] =	vst v8  }
.LBB3_10:
0x32b: {  	s2 =	sshll.u32 s3, $0x2  }
0x32c: {  	s1 =	sshllo.u32 s3, $0x2;
	v8 =	vmov s2  }
0x32d: {  	v9 =	vmov s1;
	v8 =	vbroadcast v8, $0x0;
	_ =	sdelay $0x4  }
0x32e: {  	v11 =	vld.idx.msk [tilespmem:v9+s22+$0x0], $0xffff  }
0x32f: {  	v13 =	vld.idx.msk [tilespmem:v8+s22+$0x0], $0xffff;
	_ =	sdelay $0x1  }
0x330: {  	s4 =	sor.u32 $0x1, s2  }
0x331: {  	v10 =	vmov s4  }
0x332: {  	v14 =	vbroadcast v10, $0x0;
	v10 =	vadd.s32 $0x1, v11;
	_ =	sdelay $0x2  }
0x333: {  	s20 =	simm.s32 $0x400  }
0x334: {  	v17 =	vld.idx.msk [tilespmem:v13+s20+$0x0], $0xffff  }
0x335: {  	v18 =	vld.idx.msk [tilespmem:v10+s20+$0x0], $0xffff  }
0x336: {  	v10 =	vld.idx.msk [tilespmem:v11+s20+$0x0], $0xffff;
	_ =	sdelay $0x2  }
0x337: {  	(v2sf) =	vpush v17, $0x0  }
0x338: {  	(v2sf) =	vpush v18, $0x0  }
0x339: {  	(v2sf) =	vpush v10, $0x0;
	_ =	sdelay $0x2  }
0x33a: {  	s21 =	simm.s32 $0x180  }
0x33b: {  	s9 =	simm.s32 $0x200;
	v27 =	vld.idx.msk [tilespmem:v9+s21+$0x0], $0xffff  }
0x33c: {  	s14 =	simm.s32 $0x280;
	v31 =	vld.idx.msk [tilespmem:v9+s9+$0x0], $0xffff;
	v11 =	vadd.s32 $0x1, v13  }
0x33d: {  	s6 =	sor.u32 $0x2, s2;
	s17 =	sshll.u32 s1, $0x4;
	v35 =	vld.idx.msk [tilespmem:v9+s14+$0x0], $0xffff  }
0x33e: {  	v12 =	vmov s6;
	v9 =	vld [tilespmem:s17+$0x7480]  }
0x33f: {  	v12 =	vbroadcast v12, $0x0;
	v24 =	vld.idx.msk [tilespmem:v8+s21+$0x0], $0xffff  }
0x340: {  	v28 =	vld.idx.msk [tilespmem:v8+s9+$0x0], $0xffff  }
0x341: {  	v21 =	vld.idx.msk [tilespmem:v11+s20+$0x0], $0xffff  }
0x342: {  	v32 =	vld.idx.msk [tilespmem:v8+s14+$0x0], $0xffff  }
0x343: {  	v8 =	vld [tilespmem:s17+$0x7880]  }
0x344: {  	s2 =	sld [smem:$0x7F9];
	v15 =	vld.idx.msk [tilespmem:v14+s22+$0x0], $0xffff;
	s25 =	spop (v2sf)  }
0x345: {  	s13 =	sld [smem:$0x7FA];
	v16 =	vld.idx.msk [tilespmem:v12+s22+$0x0], $0xffff;
	s5 =	spop (v2sf)  }
0x346: {  	v29 =	vld.idx.msk [tilespmem:v14+s9+$0x0], $0xffff;
	(v2sf) =	vpush v21, $0x0;
	s15 =	sand.u32 $0xFFFFFFF0, s25;
	s26 =	spop (v2sf)  }
0x347: {  	v30 =	vld.idx.msk [tilespmem:v12+s9+$0x0], $0xffff;
	p0 =	sgt.s32 s15, s2;
	s9 =	sadd.s32 $0xF, s26  }
0x348: {  	v25 =	vld.idx.msk [tilespmem:v14+s21+$0x0], $0xffff;
	s2 =	smov.u32 @p0 s15;
	p0 =	slt.s32 s5, s13;
	s9 =	sand.u32 $0xFFFFFFF0, s9  }
0x349: {  	v26 =	vld.idx.msk [tilespmem:v12+s21+$0x0], $0xffff;
	s13 =	smov.u32 @p0 s5;
	p0 =	sgt.s32 s2, s9  }
0x34a: {  	s18 =	sshll.u32 s3, $0x6;
	v33 =	vld.idx.msk [tilespmem:v14+s14+$0x0], $0xffff;
	v13 =	vadd.s32 $0x1, v15;
	s28 =	ssub.s32 s13, s2;
	s9 =	smov.u32 @p0 s2  }
0x34b: {  	v34 =	vld.idx.msk [tilespmem:v12+s14+$0x0], $0xffff;
	s13 =	sshll.u32 s4, $0x4;
	s4 =	sadd.s32 $0xF, s28;
	s30 =	ssub.s32 s9, s2  }
0x34c: {  	v14 =	vld [tilespmem:s18+$0x7480];
	p0 =	sgt.s32 s4, $0x0;
	s19 =	sshra.s32 s30, $0x4  }
0x34d: {  	s21 =	sshll.u32 s6, $0x4;
	v19 =	vld.idx.msk [tilespmem:v15+s20+$0x0], $0xffff;
	s4 =	simm.s32 @!p0 $0x0;
	p0 =	sgt.s32 s19, $0x0  }
0x34e: {  	v15 =	vld [tilespmem:s21+$0x7480];
	s14 =	sshrl.u32 s4, $0x4;
	s19 =	simm.s32 @!p0 $0x0  }
0x34f: {  	v23 =	vadd.s32 $0x1, v16;
	v22 =	vld.idx.msk [tilespmem:v13+s20+$0x0], $0xffff;
	s1 =	smin.u32 s19, s14  }
0x350: {  	v13 =	vld [tilespmem:s21+$0x7880];
	p0 =	seq.s32 s1, $0x0  }
.Ltmp33:
0x351: {  	v12 =	vld [tilespmem:s13+$0x7480];
	(pc) =	sbr.rel @p0 .LBB3_39-.Ltmp33, $4  }
0x352: {  	v20 =	vld.idx.msk [tilespmem:v16+s20+$0x0], $0xffff  }
0x353: {  	v16 =	vld [tilespmem:s18+$0x7880]  }
0x354: {  	v23 =	vld.idx.msk [tilespmem:v23+s20+$0x0], $0xffff  }
0x355: {  	s6 =	spop (v2sf);
	v11 =	vld [tilespmem:s13+$0x7880]  }
0x356: {  	p0 =	slt.s32 s5, s31;
	s16 =	smov.u32 s31  }
0x357: {  	s25 =	smov.u32 s0;
	s16 =	smov.u32 @p0 s5  }
0x358: {  	p1 =	sgt.s32 s7, s15;
	s4 =	smov.u32 s15;
	p0 =	slt.s32 s16, s0  }
0x359: {  	s4 =	smov.u32 @p1 s7;
	s25 =	smov.u32 @p0 s16  }
0x35a: {  	s16 =	ssub.s32 s25, s4  }
0x35b: {  	s16 =	sadd.s32 $0xF, s16  }
0x35c: {  	p0 =	sgt.s32 s16, $0x0  }
0x35d: {  	s26 =	sld [smem:$0x7FC];
	s16 =	simm.s32 @!p0 $0x0  }
0x35e: {  	s20 =	sshll.u32 s4, $0x2;
	s16 =	sshrl.u32 s16, $0x4  }
0x35f: {  	s28 =	smin.u32 s19, s16;
	s16 =	sshra.s32 s20, $0x2;
	s20 =	sld [smem:$0x7FB]  }
0x360: {  	s26 =	sadd.s32 s16, s26  }
0x361: {  	v38 =	vld [tilespmem:s26+$0x0]  }
0x362: {  	s25 =	sadd.s32 s16, s20;
	s20 =	sld [smem:$0x7FD]  }
0x363: {  	v36 =	vor.u32 s4, v3;
	v39 =	vld [tilespmem:s25+$0x0]  }
0x364: {  	vm1 =	vlt.s32 v36, v22;
	vm0 =	vge.s32 v36, v20  }
0x365: {  	vm2 =	vge.s32 v36, v17;
	vm3 =	vlt.s32 v36, v21;
	vm4 =	vlt.s32 v36, v23;
	s16 =	sadd.s32 s16, s20  }
0x366: {  	vm2 =	vmand vm2, vm3;
	vm3 =	vge.s32 v36, v19;
	v40 =	vld [tilespmem:s16+$0x0];
	v37 =	vsub.f32 v38, v28  }
0x367: {  	vm1 =	vmand vm3, vm1;
	v41 =	vsub.f32 v38, v29;
	v43 =	vsub.f32 v38, v30  }
0x368: {  	vm3 =	vlt.s32 v36, v18;
	v38 =	vsub.f32 v38, v31;
	v42 =	vsub.f32 v39, v24  }
0x369: {  	v44 =	vsub.f32 v39, v27;
	v37 =	vmul.f32 v37, v37;
	v45 =	vsub.f32 v39, v25  }
0x36a: {  	p2 =	seq.s32 s28, $0x1;
	v46 =	vmul.f32 v43, v43;
	v48 =	vmul.f32 v38, v38;
	v39 =	vsub.f32 v39, v26  }
.Ltmp34:
0x36b: {  	v44 =	vmul.f32 v44, v44;
	v38 =	vmul.f32 v45, v45;
	v62 =	vsub.f32 v40, v35;
	(pc) =	sbr.rel @p2 .LBB3_12-.Ltmp34, $4  }
0x36c: {  	v63 =	vmul.f32 v39, v39;
	v47 =	vsub.f32 v40, v32;
	v50 =	vsub.f32 v40, v33  }
0x36d: {  	v49 =	vsub.f32 v40, v34;
	v40 =	vmul.f32 v41, v41;
	v43 =	vmul.f32 v62, v62  }
0x36e: {  	p1 =	por $0x0, $0x0;
	p0 =	por $0x0, $0x0;
	v45 =	vadd.f32 v48, v44;
	v41 =	vmul.f32 v47, v47;
	v39 =	vmul.f32 v50, v50  }
0x36f: {  	s30 =	sadd.s32 $0xFFFFFFFF, s28;
	s28 =	sadd.s32 $0x10, s26;
	s25 =	sadd.s32 $0x10, s25;
	v52 =	vadd.f32 v46, v63;
	v50 =	vmul.f32 v42, v42;
	v54 =	vmul.f32 v49, v49  }
0x370: {  	_ = 	snop  }
0x371: {  	v42 =	vadd.f32 v43, v45;
	vm5 =	vge.s32 v36, v10;
	v37 =	vadd.f32 v37, v50  }
0x372: {  	v60 =	vadd.f32 v54, v52;
	vm3 =	vmand vm5, vm3  }
0x373: {  	vm0 =	vmand vm0, vm4;
	v42 =	vnsel vm3, $0x7F800000, v42;
	v37 =	vadd.f32 v41, v37  }
0x374: {  	v44 =	vld [tilespmem:s28+$0x0];
	v43 =	vnsel vm0, $0x7F800000, v60;
	(xrf1) =	vsort.dscd.msk.f32 $0xffff, v42, v36  }
0x375: {  	v61 =	vld [tilespmem:s25+$0x0];
	(xrf1) =	vsort.dscd.msk.f32 $0xffff, v43, v36;
	v37 =	vnsel vm2, $0x7F800000, v37  }
0x376: {  	v38 =	vadd.f32 v40, v38;
	(xrf1) =	vsort.dscd.msk.f32 $0xffff, v37, v36  }
0x377: {  	s16 =	sadd.s32 $0x10, s16;
	s26 =	sadd.s32 $0x10, s4  }
0x378: {  	v62 =	vld [tilespmem:s16+$0x0];
	v53 =	vor.u32 s26, v3;
	v38 =	vadd.f32 v39, v38  }
0x379: {  	vm3 =	vlt.s32 v53, v21;
	vm4 =	vlt.s32 v53, v23;
	v63 =	vsub.f32 v44, v28  }
0x37a: {  	vm0 =	vge.s32 v53, v20;
	v42 =	vsub.f32 v61, v24;
	v55 =	vsub.f32 v44, v29  }
0x37b: {  	v48 =	vnsel vm1, $0x7F800000, v38;
	v56 =	vsub.f32 v44, v30;
	v57 =	vsub.f32 v61, v27  }
0x37c: {  	vm1 =	vlt.s32 v53, v22;
	v58 =	vsub.f32 v44, v31;
	v59 =	vsub.f32 v61, v25  }
0x37d: {  	v49 =	vsub.f32 v61, v26;
	vm2 =	vge.s32 v53, v17;
	v46 =	vsub.f32 v62, v32  }
0x37e: {  	v60 =	vsub.f32 v62, v35;
	v61 =	vsub.f32 v62, v34;
	v47 =	vmul.f32 v58, v58  }
0x37f: {  	p2 =	seq.s32 s30, $0x1;
	v62 =	vsub.f32 v62, v33;
	v37 =	vmul.f32 v63, v63;
	v51 =	vmul.f32 v56, v56  }
.Ltmp35:
0x380: {  	vm2 =	vmand vm2, vm3;
	v45 =	vmul.f32 v57, v57;
	v38 =	vmul.f32 v59, v59;
	(pc) =	sbr.rel @p2 .LBB3_43-.Ltmp35, $4  }
0x381: {  	vm3 =	vge.s32 v53, v19;
	v40 =	vmul.f32 v55, v55;
	v63 =	vmul.f32 v49, v49  }
0x382: {  	v50 =	vmul.f32 v42, v42;
	v41 =	vmul.f32 v46, v46;
	v45 =	vadd.f32 v47, v45;
	v47, v46, _ =	vpop (xrf1)  }
0x383: {  	s20 =	smov.u32 s7;
	s7 =	smov.u32 s31;
	s4 =	sadd.s32 $0xFFFFFFFF, s30;
	vm1 =	vmand vm3, vm1;
	vm3 =	vlt.s32 v53, v18;
	v43 =	vmul.f32 v60, v60;
	(xrf1) =	vsort.dscd.msk.f32 $0xffff, v48, v36;
	v48, v49, _ =	vpop (xrf1)  }
0x384: {  	s30 =	sadd.s32 $0x10, s25;
	s31 =	sadd.s32 $0x10, s28;
	p0 =	por $0x1, $0x1;
	v39 =	vmul.f32 v62, v62;
	v54 =	vmul.f32 v61, v61;
	v52 =	vadd.f32 v51, v63;
	v42, v44, _ =	vpop (xrf1)  }
0x385: {  	v36 =	vadd.f32 v43, v45  }
0x386: {  	vm5 =	vge.s32 v53, v10;
	v37 =	vadd.f32 v37, v50;
	vm0 =	vmand vm0, vm4  }
0x387: {  	v51 =	vld [tilespmem:s31+$0x0];
	v38 =	vadd.f32 v40, v38;
	v56 =	vadd.f32 v54, v52;
	vm3 =	vmand vm5, vm3  }
0x388: {  	v43 =	vld [tilespmem:s30+$0x0];
	vm6 =	vlt.f32 v47, v9;
	v36 =	vnsel vm3, $0x7F800000, v36;
	vm3 =	vlt.f32 v48, v15  }
0x389: {  	s26 =	sadd.s32 $0x10, s26;
	v37 =	vadd.f32 v41, v37;
	v38 =	vadd.f32 v39, v38;
	v57 =	vnsel vm0, $0x7F800000, v56;
	(xrf1) =	vsort.dscd.msk.f32 $0xffff, v36, v53  }
0x38a: {  	v58 =	vsel vm3, v48, v15;
	v59 =	vsel vm3, v49, v13;
	v36 =	vor.u32 s26, v3;
	(xrf1) =	vsort.dscd.msk.f32 $0xffff, v57, v53  }
0x38b: {  	v37 =	vnsel vm2, $0x7F800000, v37;
	v50 =	vnsel vm1, $0x7F800000, v38;
	vm1 =	vlt.s32 v36, v22;
	(xrf1) =	vsort.ascd.msk.f32 $0xffff, v58, v59  }
0x38c: {  	vm0 =	vge.s32 v36, v20;
	v60 =	vsub.f32 v51, v28;
	(xrf1) =	vsort.dscd.msk.f32 $0xffff, v37, v53  }
0x38d: {  	s25 =	sadd.s32 $0x10, s16;
	vm2 =	vlt.f32 v42, v14;
	v48 =	vsub.f32 v43, v24;
	v39 =	vsub.f32 v51, v29  }
0x38e: {  	v41 =	vld [tilespmem:s25+$0x0];
	vm3 =	vge.s32 v36, v17;
	v61 =	vsub.f32 v51, v30;
	v49 =	vsub.f32 v43, v27  }
0x38f: {  	vm4 =	vlt.s32 v36, v23;
	v62 =	vsub.f32 v51, v31;
	v63 =	vsub.f32 v43, v25  }
0x390: {  	v44 =	vsel vm2, v44, v16;
	v42 =	vsel vm2, v42, v14;
	vm2 =	vlt.s32 v36, v21  }
0x391: {  	v56 =	vsub.f32 v43, v26;
	v59 =	vsel vm6, v47, v9;
	vm2 =	vmand vm3, vm2  }
0x392: {  	vm3 =	vge.s32 v36, v19;
	v55 =	vmul.f32 v62, v62;
	v62 =	vmul.f32 v49, v49  }
0x393: {  	v37 =	vmul.f32 v60, v60;
	v60 =	vsub.f32 v41, v35;
	v52 =	vmul.f32 v61, v61  }
0x394: {  	v61 =	vsub.f32 v41, v32;
	v45 =	vadd.f32 v55, v62;
	v55 =	vmul.f32 v56, v56  }
0x395: {  	p2 =	seq.s32 s4, $0x1;
	v38 =	vmul.f32 v63, v63;
	v58 =	vsub.f32 v41, v34;
	v63 =	vsub.f32 v41, v33  }
.Ltmp36:
0x396: {  	v40 =	vmul.f32 v39, v39;
	vm1 =	vmand vm3, vm1;
	vm3 =	vlt.s32 v36, v18;
	v51, v54, _ =	vpop (xrf1);
	(pc) =	sbr.rel @p2 .LBB3_45-.Ltmp36, $4  }
0x397: {  	v43 =	vmul.f32 v60, v60;
	v41 =	vmul.f32 v61, v61;
	(xrf1) =	vsort.dscd.msk.f32 $0xffff, v50, v53;
	v60, v56, _ =	vpop (xrf1)  }
0x398: {  	v39 =	vmul.f32 v63, v63;
	v50 =	vmul.f32 v48, v48;
	(xrf1) =	vsort.ascd.msk.f32 $0xffff, v42, v44;
	v48, v49, _ =	vpop (xrf1)  }
0x399: {  	s28 =	sadd.s32 $0xFFFFFFFF, s4;
	v61 =	vsel vm6, v46, v8;
	v52 =	vadd.f32 v52, v55;
	vm5 =	vlt.f32 v51, v12;
	v53, v55, _ =	vpop (xrf1)  }
0x39a: {  	s4 =	sadd.s32 $0x10, s30;
	s30 =	sadd.s32 $0x10, s31;
	p1 =	por $0x1, $0x1;
	v57 =	vsel vm5, v54, v11;
	v54 =	vmul.f32 v58, v58;
	v58 =	vmov v12;
	v42, v44, _ =	vpop (xrf1)  }
.LBB3_46:
0x39b: {  	v46 =	vld [tilespmem:s30+$0x0];
	p2 =	seq.s32 s28, $0x1;
	s28 =	sadd.s32 $0xFFFFFFFF, s28;
	v43 =	vadd.f32 v43, v45;
	vm6 =	vge.s32 v36, v10;
	v45 =	vsel vm5, v51, v58;
	v47 =	vmovc v36  }
0x39c: {  	v36 =	vadd.f32 v37, v50;
	v58 =	vld [tilespmem:s4+$0x0];
	v37 =	vadd.f32 v54, v52;
	vm3 =	vmand vm6, vm3;
	(xrf1) =	vsort.ascd.msk.f32 $0xffff, v45, v57  }
0x39d: {  	vm0 =	vmand vm0, vm4;
	v54 =	vmovc v60;
	v43 =	vnsel vm3, $0x7F800000, v43;
	vm3 =	vlt.f32 v48, v53;
	(xrf1) =	vsort.ascd.msk.f32 $0xffff, v59, v61  }
0x39e: {  	v38 =	vadd.f32 v40, v38;
	s25 =	sadd.s32 $0x10, s25;
	v36 =	vadd.f32 v41, v36;
	v37 =	vnsel vm0, $0x7F800000, v37;
	(xrf1) =	vsort.dscd.msk.f32 $0xffff, v43, v47  }
0x39f: {  	v61 =	vmovc v56;
	v41 =	vsel vm3, v49, v55;
	v40 =	vld [tilespmem:s25+$0x0];
	(xrf1) =	vsort.dscd.msk.f32 $0xffff, v37, v47;
	v37 =	vsel vm3, v48, v53  }
0x3a0: {  	s26 =	sadd.s32 $0x10, s26;
	v38 =	vadd.f32 v39, v38;
	v45 =	vnsel vm2, $0x7F800000, v36;
	v43 =	vsub.f32 v46, v28;
	(xrf1) =	vsort.ascd.msk.f32 $0xffff, v37, v41  }
0x3a1: {  	v36 =	vor.u32 s26, v3;
	v39 =	vsub.f32 v46, v29;
	v48 =	vsub.f32 v58, v24;
	(xrf1) =	vsort.dscd.msk.f32 $0xffff, v45, v47  }
0x3a2: {  	v49 =	vnsel vm1, $0x7F800000, v38;
	v41 =	vsub.f32 v46, v30;
	v45 =	vsub.f32 v58, v27  }
0x3a3: {  	vm1 =	vlt.s32 v36, v22;
	v38 =	vsub.f32 v46, v31;
	v37 =	vmul.f32 v43, v43  }
0x3a4: {  	v46 =	vsub.f32 v58, v25;
	v52 =	vmul.f32 v41, v41;
	v41 =	vsub.f32 v40, v35  }
0x3a5: {  	v53 =	vmul.f32 v38, v38;
	v50 =	vsub.f32 v40, v32;
	v51, v55, _ =	vpop (xrf1)  }
0x3a6: {  	vm0 =	vge.s32 v36, v20;
	v56 =	vsub.f32 v58, v26;
	v43 =	vmul.f32 v41, v41;
	v57, v58, _ =	vpop (xrf1)  }
0x3a7: {  	v38 =	vmul.f32 v46, v46;
	v45 =	vmul.f32 v45, v45;
	v46 =	vsub.f32 v40, v34  }
0x3a8: {  	v59 =	vsub.f32 v40, v33;
	v40 =	vmul.f32 v39, v39;
	vm2 =	vlt.f32 v42, v57  }
0x3a9: {  	v45 =	vadd.f32 v53, v45;
	v41 =	vmul.f32 v50, v50;
	v44 =	vsel vm2, v44, v58  }
0x3aa: {  	vm3 =	vge.s32 v36, v17;
	v39 =	vmul.f32 v59, v59;
	v42 =	vsel vm2, v42, v57;
	v58, v53, _ =	vpop (xrf1)  }
.Ltmp37:
0x3ab: {  	v59 =	vmul.f32 v56, v56;
	vm2 =	vlt.s32 v36, v21;
	vm5 =	vlt.f32 v51, v58;
	v62, v63, _ =	vpop (xrf1);
	(pc) =	sbr.rel @!p2 .LBB3_46-.Ltmp37, $4  }
0x3ac: {  	vm2 =	vmand vm3, vm2;
	vm3 =	vge.s32 v36, v19;
	(xrf1) =	vsort.dscd.msk.f32 $0xffff, v49, v47;
	v60, v56, _ =	vpop (xrf1);
	vm6 =	vlt.f32 v54, v62  }
0x3ad: {  	v50 =	vmul.f32 v48, v48;
	vm1 =	vmand vm3, vm1;
	v57 =	vsel vm5, v55, v53;
	v48, v49, _ =	vpop (xrf1);
	(xrf1) =	vsort.ascd.msk.f32 $0xffff, v42, v44  }
0x3ae: {  	v52 =	vadd.f32 v52, v59;
	vm3 =	vlt.s32 v36, v18;
	v59 =	vsel vm6, v54, v62;
	v53, v55, _ =	vpop (xrf1)  }
0x3af: {  	s30 =	sadd.s32 $0x10, s30;
	s4 =	sadd.s32 $0x10, s4;
	vm4 =	vlt.s32 v36, v23;
	v54 =	vmul.f32 v46, v46;
	v61 =	vsel vm6, v61, v63;
	v42, v44, _ =	vpop (xrf1)  }
0x3b0: {  	v47 =	vmov v60;
	v46 =	vmov v56;
	s31 =	smov.u32 s7;
	s7 =	smov.u32 s20  }
.LBB3_48:
0x3b1: {  	v51 =	vsel @p1 vm5, v51, v58  }
0x3b2: {  	(xrf1) =	vsort.ascd.msk.f32 @p1 $0xffff, v51, v57  }
0x3b3: {  	(xrf1) =	vsort.ascd.msk.f32 @p1 $0xffff, v59, v61;
	_ =	sdelay $0x3  }
0x3b4: {  	v43 =	vadd.f32 v43, v45;
	vm11 =	vge.s32 v36, v10  }
0x3b5: {  	vm3 =	vmand vm11, vm3  }
0x3b6: {  	v52 =	vadd.f32 v54, v52;
	v43 =	vnsel vm3, $0x7F800000, v43  }
0x3b7: {  	v37 =	vadd.f32 v37, v50;
	v38 =	vadd.f32 v40, v38  }
0x3b8: {  	vm0 =	vmand vm0, vm4;
	vm3 =	vlt.f32 @p0 v48, v53  }
0x3b9: {  	v54 =	vnsel vm0, $0x7F800000, v52;
	v37 =	vadd.f32 v41, v37;
	v38 =	vadd.f32 v39, v38;
	(xrf1) =	vsort.dscd.msk.f32 $0xffff, v43, v36;
	v43, v45, _ =	vpop @p0 (xrf1)  }
0x3ba: {  	v40 =	vsel @p0 vm3, v48, v53;
	v49 =	vsel @p0 vm3, v49, v55;
	(xrf1) =	vsort.dscd.msk.f32 $0xffff, v54, v36;
	v41, v48, _ =	vpop @p1 (xrf1)  }
0x3bb: {  	(xrf1) =	vsort.ascd.msk.f32 @p0 $0xffff, v40, v49;
	v39 =	vpsel p1, v41, v14;
	v40 =	vpsel p1, v48, v16  }
0x3bc: {  	v37 =	vnsel vm2, $0x7F800000, v37;
	vm0 =	vlt.f32 @p0 v42, v39  }
0x3bd: {  	v55 =	vnsel vm1, $0x7F800000, v38;
	v38 =	vsel @p0 vm0, v44, v40;
	v39 =	vsel @p0 vm0, v42, v39;
	v41, v48, _ =	vpop @p1 (xrf1)  }
0x3be: {  	(xrf1) =	vsort.dscd.msk.f32 $0xffff, v37, v36;
	v40, v44, _ =	vpop @p1 (xrf1);
	v41 =	vpsel p1, v41, v12;
	v42 =	vpsel p1, v48, v11  }
0x3bf: {  	(xrf1) =	vsort.dscd.msk.f32 $0xffff, v55, v36;
	v40 =	vpsel p1, v40, v9;
	vm0 =	vlt.f32 @p0 v43, v41  }
0x3c0: {  	(xrf1) =	vsort.ascd.msk.f32 @p0 $0xffff, v39, v38;
	v38 =	vpsel p1, v44, v8;
	v39 =	vpsel p0, v43, v0  }
0x3c1: {  	vm1 =	vlt.f32 @p0 v47, v40;
	v36 =	vsel @p0 vm0, v45, v42;
	vm0 =	vmmov @p0 vm0  }
0x3c2: {  	v37 =	vsel @p0 vm1, v47, v40;
	v36 =	vpsel p0, v36, v0;
	v39 =	vsel @p0 vm0, v39, v41;
	v40 =	vmovc @p0 v46  }
0x3c3: {  	(xrf1) =	vsort.ascd.msk.f32 @p0 $0xffff, v39, v36;
	v38 =	vsel @p0 vm1, v40, v38  }
0x3c4: {  	v37 =	vpsel p0, v37, v0;
	v38 =	vpsel p0, v38, v0  }
0x3c5: {  	(xrf1) =	vsort.ascd.msk.f32 @p0 $0xffff, v37, v38;
	_ =	sdelay $0x3  }
0x3c6: {  	v56, v57, _ =	vpop (xrf1)  }
0x3c7: {  	v59, v58, _ =	vpop (xrf1)  }
0x3c8: {  	v40, v41, _ =	vpop @p0 (xrf1)  }
0x3c9: {  	v60, v61, _ =	vpop (xrf1)  }
0x3ca: {  	v63, v62, _ =	vpop (xrf1)  }
0x3cb: {  	v15 =	vpsel p0, v40, v15;
	v45, v46, _ =	vpop @p0 (xrf1)  }
0x3cc: {  	vm12 =	vlt.f32 v59, v15;
	v16 =	vpsel p0, v46, v16  }
0x3cd: {  	v13 =	vpsel p0, v41, v13;
	v15 =	vsel vm12, v59, v15;
	v14 =	vpsel p0, v45, v14  }
0x3ce: {  	v13 =	vsel vm12, v58, v13;
	vm13 =	vlt.f32 v60, v14;
	v38, v39, _ =	vpop @p0 (xrf1)  }
0x3cf: {  	(xrf1) =	vsort.ascd.msk.f32 $0xffff, v15, v13;
	v13 =	vsel vm13, v61, v16;
	v12 =	vpsel p0, v38, v12  }
0x3d0: {  	v14 =	vsel vm13, v60, v14;
	v11 =	vpsel p0, v39, v11;
	vm14 =	vlt.f32 v63, v12;
	v15, v16, _ =	vpop @p0 (xrf1)  }
0x3d1: {  	(xrf1) =	vsort.ascd.msk.f32 $0xffff, v14, v13;
	v11 =	vsel vm14, v62, v11;
	v9 =	vpsel p0, v15, v9  }
0x3d2: {  	v12 =	vsel vm14, v63, v12;
	v8 =	vpsel p0, v16, v8;
	vm15 =	vlt.f32 v56, v9  }
0x3d3: {  	(xrf1) =	vsort.ascd.msk.f32 $0xffff, v12, v11;
	v9 =	vsel vm15, v56, v9;
	v8 =	vsel vm15, v57, v8  }
0x3d4: {  	(xrf1) =	vsort.ascd.msk.f32 $0xffff, v9, v8;
	_ =	sdelay $0xa  }
0x3d5: {  	v15, v13, _ =	vpop (xrf1)  }
0x3d6: {  	v14, v16, _ =	vpop (xrf1)  }
0x3d7: {  	v12, v11, _ =	vpop (xrf1)  }
0x3d8: {  	v9, v8, _ =	vpop (xrf1)  }
.LBB3_39:
0x3d9: {  	s4 =	sand.u32 $0xFFFFFFF0, s6  }
0x3da: {  	p0 =	sgt.s32 s9, s4  }
0x3db: {  	s4 =	smov.u32 @p0 s9  }
0x3dc: {  	s2 =	ssub.s32 s4, s2  }
0x3dd: {  	s6 =	sshra.s32 s2, $0x4  }
0x3de: {  	s9 =	smov.u32 s1;
	p0 =	sgt.s32 s6, s1  }
0x3df: {  	s9 =	smov.u32 @p0 s6  }
0x3e0: {  	s2 =	smin.u32 s9, s14  }
0x3e1: {  	p0 =	sge.u32 s19, s2  }
.Ltmp38:
0x3e2: {  	_ = 	snop;
	(pc) =	sbr.rel @p0 .LBB3_49-.Ltmp38, $1  }
0x3e3: {  	_ =	sdelay $0x3  }
0x3e4: {  	p0 =	slt.s32 s5, s31;
	s4 =	smov.u32 s31  }
0x3e5: {  	s16 =	smov.u32 s15;
	s4 =	smov.u32 @p0 s5  }
0x3e6: {  	s25 =	smov.u32 s0;
	p0 =	sgt.s32 s7, s15;
	p1 =	slt.s32 s4, s0  }
0x3e7: {  	s16 =	smov.u32 @p0 s7;
	s25 =	smov.u32 @p1 s4  }
0x3e8: {  	s4 =	ssub.s32 s25, s16  }
0x3e9: {  	s4 =	sadd.s32 $0xF, s4  }
0x3ea: {  	p0 =	sgt.s32 s4, $0x0  }
0x3eb: {  	s4 =	simm.s32 @!p0 $0x0  }
0x3ec: {  	s4 =	sshrl.u32 s4, $0x4  }
0x3ed: {  	s30 =	sld [smem:$0x7F8];
	s4 =	smin.u32 s19, s4  }
0x3ee: {  	s4 =	sshll.u32 s4, $0x4  }
0x3ef: {  	s4 =	sadd.s32 s4, s16  }
0x3f0: {  	s16 =	sadd.s32 s30, s4  }
0x3f1: {  	s16 =	sshll.u32 s16, $0x2  }
0x3f2: {  	s26 =	sshra.s32 s16, $0x2  }
0x3f3: {  	s25 =	sadd.s32 $0x480, s26;
	s16 =	sadd.s32 $0xC80, s26;
	s26 =	sadd.s32 $0x1480, s26  }
0x3f4: {  	v37 =	vld [tilespmem:s26+$0x0]  }
0x3f5: {  	v38 =	vld [tilespmem:s25+$0x0]  }
0x3f6: {  	v39 =	vld [tilespmem:s16+$0x0];
	_ =	sdelay $0x2  }
0x3f7: {  	v40 =	vsub.f32 v37, v32;
	v41 =	vsub.f32 v37, v33  }
0x3f8: {  	v42 =	vsub.f32 v38, v24;
	v43 =	vsub.f32 v37, v34  }
0x3f9: {  	v36 =	vor.u32 s4, v3;
	v44 =	vsub.f32 v39, v28;
	v45 =	vsub.f32 v38, v25  }
0x3fa: {  	v46 =	vsub.f32 v39, v29;
	v47 =	vsub.f32 v38, v26;
	v40 =	vmul.f32 v40, v40  }
0x3fb: {  	v48 =	vsub.f32 v39, v30;
	v42 =	vmul.f32 v42, v42;
	v44 =	vmul.f32 v44, v44  }
0x3fc: {  	v38 =	vsub.f32 v38, v27;
	v45 =	vmul.f32 v45, v45;
	v46 =	vmul.f32 v46, v46  }
0x3fd: {  	s28 =	sadd.s32 $0x1, s1;
	v61 =	vmul.f32 v47, v47;
	v62 =	vmul.f32 v48, v48;
	v42 =	vadd.f32 v44, v42  }
0x3fe: {  	p2 =	slt.u32 s28, s2;
	v39 =	vsub.f32 v39, v31;
	v41 =	vmul.f32 v41, v41;
	v45 =	vadd.f32 v46, v45  }
.Ltmp39:
0x3ff: {  	v43 =	vmul.f32 v43, v43;
	v63 =	vadd.f32 v62, v61;
	v40 =	vadd.f32 v40, v42;
	(pc) =	sbr.rel @!p2 .LBB3_41-.Ltmp39, $4  }
0x400: {  	v37 =	vsub.f32 v37, v35;
	v38 =	vmul.f32 v38, v38;
	v41 =	vadd.f32 v41, v45  }
0x401: {  	v39 =	vmul.f32 v39, v39;
	v43 =	vadd.f32 v43, v63;
	(xrf1) =	vsort.dscd.msk.f32 $0xffff, v40, v36  }
0x402: {  	(xrf1) =	vsort.dscd.msk.f32 $0xffff, v41, v36  }
0x403: {  	p1 =	por $0x0, $0x0;
	p0 =	por $0x0, $0x0;
	s1 =	sadd.s32 $0x10, s26;
	v37 =	vmul.f32 v37, v37;
	v42 =	vadd.f32 v39, v38;
	(xrf1) =	vsort.dscd.msk.f32 $0xffff, v43, v36  }
0x404: {  	v38 =	vld [tilespmem:s1+$0x0];
	s25 =	sadd.s32 $0x10, s25  }
0x405: {  	s16 =	sadd.s32 $0x10, s16;
	v39 =	vld [tilespmem:s25+$0x0]  }
0x406: {  	v40 =	vld [tilespmem:s16+$0x0];
	_ =	sdelay $0x1  }
0x407: {  	v37 =	vadd.f32 v37, v42  }
0x408: {  	v41 =	vsub.f32 v38, v32;
	v57 =	vsub.f32 v38, v33  }
0x409: {  	s26 =	sadd.s32 $0x10, s4;
	v44 =	vsub.f32 v38, v34;
	v43 =	vsub.f32 v39, v24  }
0x40a: {  	(xrf1) =	vsort.dscd.msk.f32 $0xffff, v37, v36;
	v36 =	vor.u32 s26, v3;
	v58 =	vsub.f32 v40, v28;
	v45 =	vsub.f32 v39, v25  }
0x40b: {  	v46 =	vsub.f32 v40, v29;
	v47 =	vsub.f32 v39, v26;
	v41 =	vmul.f32 v41, v41  }
0x40c: {  	v48 =	vsub.f32 v40, v30;
	v43 =	vmul.f32 v43, v43;
	v37 =	vmul.f32 v58, v58  }
0x40d: {  	v39 =	vsub.f32 v39, v27;
	v45 =	vmul.f32 v45, v45;
	v46 =	vmul.f32 v46, v46  }
0x40e: {  	s4 =	sadd.s32 $0x1, s28;
	v59 =	vmul.f32 v47, v47;
	v60 =	vmul.f32 v48, v48;
	v37 =	vadd.f32 v37, v43  }
0x40f: {  	p2 =	slt.u32 s4, s2;
	v61 =	vsub.f32 v40, v31;
	v42 =	vmul.f32 v57, v57;
	v45 =	vadd.f32 v46, v45  }
.Ltmp40:
0x410: {  	v62 =	vmul.f32 v44, v44;
	v47 =	vadd.f32 v60, v59;
	v37 =	vadd.f32 v41, v37;
	(pc) =	sbr.rel @!p2 .LBB3_53-.Ltmp40, $4  }
0x411: {  	v63 =	vsub.f32 v38, v35;
	v49 =	vmul.f32 v39, v39;
	v42 =	vadd.f32 v42, v45  }
0x412: {  	v46 =	vmul.f32 v61, v61;
	v41, v40, _ =	vpop (xrf1);
	v47 =	vadd.f32 v62, v47;
	(xrf1) =	vsort.dscd.msk.f32 $0xffff, v37, v36  }
0x413: {  	v43, v44, _ =	vpop (xrf1);
	vm0 =	vlt.f32 v41, v14;
	(xrf1) =	vsort.dscd.msk.f32 $0xffff, v42, v36  }
0x414: {  	s28 =	sadd.s32 $0x10, s1;
	p0 =	por $0x1, $0x1;
	v39, v38, _ =	vpop (xrf1);
	v37 =	vmul.f32 v63, v63;
	v42 =	vadd.f32 v46, v49;
	(xrf1) =	vsort.dscd.msk.f32 $0xffff, v47, v36  }
0x415: {  	v45 =	vld [tilespmem:s28+$0x0];
	s1 =	sadd.s32 $0x10, s25;
	v41 =	vsel vm0, v41, v14;
	v40 =	vsel vm0, v40, v16;
	vm0 =	vlt.f32 v43, v12  }
0x416: {  	s25 =	sadd.s32 $0x10, s16;
	v46 =	vld [tilespmem:s1+$0x0];
	v43 =	vsel vm0, v43, v12  }
0x417: {  	v44 =	vsel vm0, v44, v11;
	(xrf1) =	vsort.ascd.msk.f32 $0xffff, v41, v40;
	v63 =	vld [tilespmem:s25+$0x0];
	vm0 =	vlt.f32 v39, v15  }
0x418: {  	(xrf1) =	vsort.ascd.msk.f32 $0xffff, v43, v44;
	v39 =	vsel vm0, v39, v15;
	v38 =	vsel vm0, v38, v13;
	v52, v53, _ =	vpop (xrf1)  }
0x419: {  	v37 =	vadd.f32 v37, v42;
	(xrf1) =	vsort.ascd.msk.f32 $0xffff, v39, v38;
	vm0 =	vlt.f32 v52, v9  }
0x41a: {  	v41 =	vsel vm0, v52, v9;
	v42 =	vsel vm0, v53, v8;
	v54 =	vsub.f32 v45, v32  }
0x41b: {  	v55 =	vsub.f32 v45, v33;
	v57 =	vsub.f32 v45, v34;
	(xrf1) =	vsort.ascd.msk.f32 $0xffff, v41, v42  }
0x41c: {  	v56 =	vsub.f32 v46, v24;
	v58 =	vsub.f32 v63, v28;
	(xrf1) =	vsort.dscd.msk.f32 $0xffff, v37, v36  }
0x41d: {  	v59 =	vsub.f32 v46, v25;
	v60 =	vsub.f32 v63, v29  }
0x41e: {  	v47 =	vsub.f32 v46, v26;
	v38 =	vmul.f32 v54, v54;
	v41 =	vmul.f32 v56, v56  }
0x41f: {  	v48 =	vsub.f32 v63, v30;
	v37 =	vmul.f32 v58, v58;
	v44 =	vmul.f32 v60, v60  }
0x420: {  	v46 =	vsub.f32 v46, v27;
	v39 =	vmul.f32 v55, v55;
	v43 =	vmul.f32 v59, v59  }
0x421: {  	s26 =	sadd.s32 $0x10, s26;
	s4 =	sadd.s32 $0x1, s4;
	v47 =	vmul.f32 v47, v47;
	v48 =	vmul.f32 v48, v48;
	v37 =	vadd.f32 v37, v41  }
0x422: {  	p2 =	slt.u32 s4, s2;
	v50 =	vsub.f32 v63, v31;
	v36 =	vor.u32 s26, v3;
	v49 =	vadd.f32 v44, v43  }
.Ltmp41:
0x423: {  	v42 =	vmul.f32 v57, v57;
	v47 =	vadd.f32 v48, v47;
	v41, v40, _ =	vpop (xrf1);
	v37 =	vadd.f32 v38, v37;
	(pc) =	sbr.rel @!p2 .LBB3_56-.Ltmp41, $4  }
0x424: {  	v51 =	vmul.f32 v46, v46;
	v63 =	vmul.f32 v50, v50;
	v61 =	vadd.f32 v39, v49;
	v43, v44, _ =	vpop (xrf1)  }
0x425: {  	v62 =	vsub.f32 v45, v35;
	v52 =	vadd.f32 v42, v47;
	v39, v38, _ =	vpop (xrf1);
	(xrf1) =	vsort.dscd.msk.f32 $0xffff, v37, v36  }
0x426: {  	v42 =	vadd.f32 v63, v51;
	v45, v46, _ =	vpop (xrf1);
	(xrf1) =	vsort.dscd.msk.f32 $0xffff, v61, v36  }
0x427: {  	s28 =	sadd.s32 $0x10, s28;
	p1 =	por $0x1, $0x1;
	v37 =	vmul.f32 v62, v62;
	v47, v48, _ =	vpop (xrf1);
	(xrf1) =	vsort.dscd.msk.f32 $0xffff, v52, v36;
	vm0 =	vlt.f32 v41, v45  }
.LBB3_55:
0x428: {  	v49 =	vld [tilespmem:s28+$0x0];
	s1 =	sadd.s32 $0x10, s1;
	v53 =	vsel vm0, v41, v45;
	v51 =	vsel vm0, v40, v46;
	vm0 =	vlt.f32 v43, v47;
	v45, v46, _ =	vpop (xrf1)  }
0x429: {  	s25 =	sadd.s32 $0x10, s25;
	v50 =	vld [tilespmem:s1+$0x0];
	v52 =	vsel vm0, v43, v47;
	v44 =	vsel vm0, v44, v48;
	(xrf1) =	vsort.ascd.msk.f32 $0xffff, v53, v51;
	v40, v41, _ =	vpop (xrf1)  }
0x42a: {  	v37 =	vadd.f32 v37, v42;
	vm0 =	vlt.f32 v39, v45;
	v47 =	vld [tilespmem:s25+$0x0];
	(xrf1) =	vsort.ascd.msk.f32 $0xffff, v52, v44;
	v42, v43, _ =	vpop (xrf1)  }
0x42b: {  	v39 =	vsel vm0, v39, v45;
	v38 =	vsel vm0, v38, v46;
	vm0 =	vlt.f32 v42, v40  }
0x42c: {  	v40 =	vsel vm0, v42, v40;
	v41 =	vsel vm0, v43, v41;
	(xrf1) =	vsort.ascd.msk.f32 $0xffff, v39, v38  }
0x42d: {  	v38 =	vsub.f32 v49, v32;
	v39 =	vsub.f32 v49, v33;
	(xrf1) =	vsort.ascd.msk.f32 $0xffff, v40, v41  }
0x42e: {  	s26 =	sadd.s32 $0x10, s26;
	v42 =	vsub.f32 v49, v34;
	v40 =	vsub.f32 v50, v24;
	(xrf1) =	vsort.dscd.msk.f32 $0xffff, v37, v36  }
0x42f: {  	v36 =	vor.u32 s26, v3;
	v41 =	vsub.f32 v50, v25;
	v37 =	vsub.f32 v47, v28  }
0x430: {  	v53 =	vsub.f32 v50, v26;
	v38 =	vmul.f32 v38, v38;
	v43 =	vsub.f32 v47, v29  }
0x431: {  	v45 =	vsub.f32 v47, v30;
	v51 =	vmul.f32 v40, v40;
	v37 =	vmul.f32 v37, v37  }
0x432: {  	v48 =	vsub.f32 v50, v27;
	v46 =	vmul.f32 v41, v41;
	v52 =	vmul.f32 v43, v43  }
0x433: {  	s4 =	sadd.s32 $0x1, s4;
	v50 =	vmul.f32 v53, v53;
	v45 =	vmul.f32 v45, v45;
	v37 =	vadd.f32 v37, v51;
	v41, v40, _ =	vpop (xrf1)  }
0x434: {  	p2 =	slt.u32 s4, s2;
	v47 =	vsub.f32 v47, v31;
	v54 =	vadd.f32 v52, v46;
	v51 =	vmul.f32 v39, v39;
	v43, v44, _ =	vpop (xrf1)  }
.Ltmp42:
0x435: {  	v42 =	vmul.f32 v42, v42;
	v53 =	vadd.f32 v45, v50;
	v37 =	vadd.f32 v38, v37;
	v39, v38, _ =	vpop (xrf1);
	(pc) =	sbr.rel @p2 .LBB3_55-.Ltmp42, $4  }
0x436: {  	v49 =	vsub.f32 v49, v35;
	v50 =	vadd.f32 v51, v54;
	v51 =	vmul.f32 v48, v48  }
0x437: {  	v52 =	vadd.f32 v42, v53;
	v42 =	vmul.f32 v47, v47;
	(xrf1) =	vsort.dscd.msk.f32 $0xffff, v37, v36;
	v45, v46, _ =	vpop (xrf1)  }
0x438: {  	v37 =	vmul.f32 v49, v49;
	(xrf1) =	vsort.dscd.msk.f32 $0xffff, v50, v36;
	v47, v48, _ =	vpop (xrf1)  }
0x439: {  	s28 =	sadd.s32 $0x10, s28;
	v42 =	vadd.f32 v42, v51;
	vm0 =	vlt.f32 v41, v45;
	(xrf1) =	vsort.dscd.msk.f32 $0xffff, v52, v36  }
.LBB3_56:
0x43a: {  	v41 =	vsel @p0 vm0, v41, v45;
	v40 =	vsel @p0 vm0, v40, v46;
	vm0 =	vlt.f32 @p0 v43, v47  }
0x43b: {  	v43 =	vsel @p0 vm0, v43, v47  }
0x43c: {  	v45, v46, _ =	vpop @p1 (xrf1);
	v44 =	vsel @p0 vm0, v44, v48;
	(xrf1) =	vsort.ascd.msk.f32 @p0 $0xffff, v41, v40  }
0x43d: {  	(xrf1) =	vsort.ascd.msk.f32 @p0 $0xffff, v43, v44  }
0x43e: {  	v40 =	vpsel p1, v45, v15  }
0x43f: {  	vm0 =	vlt.f32 @p0 v39, v40;
	v44 =	vpsel p1, v46, v13;
	v41, v43, _ =	vpop @p1 (xrf1)  }
0x440: {  	v39 =	vsel @p0 vm0, v39, v40;
	v38 =	vsel @p0 vm0, v38, v44;
	v45, v46, _ =	vpop @p0 (xrf1);
	v40 =	vpsel p1, v41, v9  }
0x441: {  	v41 =	vpsel p1, v43, v8;
	(xrf1) =	vsort.ascd.msk.f32 @p0 $0xffff, v39, v38;
	vm0 =	vlt.f32 @p0 v45, v40  }
0x442: {  	v37 =	vadd.f32 v37, v42;
	v38 =	vsel @p0 vm0, v45, v40;
	v39 =	vsel @p0 vm0, v46, v41  }
0x443: {  	(xrf1) =	vsort.ascd.msk.f32 @p0 $0xffff, v38, v39  }
0x444: {  	(xrf1) =	vsort.dscd.msk.f32 $0xffff, v37, v36;
	_ =	sdelay $0x2  }
0x445: {  	v36, v37, _ =	vpop (xrf1)  }
0x446: {  	v38, v39, _ =	vpop (xrf1)  }
0x447: {  	v62, v63, _ =	vpop (xrf1)  }
0x448: {  	v42, v43, _ =	vpop @p0 (xrf1)  }
0x449: {  	v44, v45, _ =	vpop @p0 (xrf1);
	v14 =	vpsel p0, v42, v14  }
0x44a: {  	v16 =	vpsel p0, v43, v16;
	vm13 =	vlt.f32 v36, v14;
	v12 =	vpsel p0, v44, v12  }
0x44b: {  	vm1 =	vlt.f32 v38, v12;
	v16 =	vsel vm13, v37, v16  }
0x44c: {  	v11 =	vpsel p0, v45, v11;
	v12 =	vsel vm1, v38, v12  }
0x44d: {  	v14 =	vsel vm13, v36, v14;
	v11 =	vsel vm1, v39, v11;
	v36, v37, _ =	vpop @p0 (xrf1)  }
0x44e: {  	(xrf1) =	vsort.ascd.msk.f32 $0xffff, v14, v16;
	v14 =	vpsel p0, v36, v15  }
0x44f: {  	(xrf1) =	vsort.ascd.msk.f32 $0xffff, v12, v11;
	vm14 =	vlt.f32 v62, v14;
	v15, v16, _ =	vpop @p0 (xrf1)  }
0x450: {  	v13 =	vpsel p0, v37, v13;
	v14 =	vsel vm14, v62, v14;
	v11, v12, _ =	vpop (xrf1);
	v9 =	vpsel p0, v15, v9  }
0x451: {  	v13 =	vsel vm14, v63, v13;
	v8 =	vpsel p0, v16, v8;
	vm15 =	vlt.f32 v11, v9  }
0x452: {  	(xrf1) =	vsort.ascd.msk.f32 $0xffff, v14, v13;
	v9 =	vsel vm15, v11, v9;
	v8 =	vsel vm15, v12, v8  }
0x453: {  	(xrf1) =	vsort.ascd.msk.f32 $0xffff, v9, v8;
	_ =	sdelay $0xa  }
0x454: {  	v14, v16, _ =	vpop (xrf1)  }
0x455: {  	v12, v11, _ =	vpop (xrf1)  }
0x456: {  	v15, v13, _ =	vpop (xrf1)  }
0x457: {  	v9, v8, _ =	vpop (xrf1)  }
.LBB3_49:
0x458: {  	p0 =	sge.u32 s9, s14  }
.Ltmp43:
0x459: {  	_ = 	snop;
	(pc) =	sbr.rel @p0 .LBB3_64-.Ltmp43, $1  }
0x45a: {  	_ =	sdelay $0x3  }
0x45b: {  	p0 =	slt.s32 s5, s31;
	s1 =	smov.u32 s31  }
0x45c: {  	s1 =	smov.u32 @p0 s5  }
0x45d: {  	s4 =	smov.u32 s0;
	p0 =	sgt.s32 s7, s15;
	p1 =	slt.s32 s1, s0  }
0x45e: {  	s15 =	smov.u32 @p0 s7;
	s4 =	smov.u32 @p1 s1  }
0x45f: {  	s1 =	ssub.s32 s4, s15  }
0x460: {  	s1 =	sadd.s32 $0xF, s1  }
0x461: {  	p0 =	sgt.s32 s1, $0x0  }
0x462: {  	s1 =	simm.s32 @!p0 $0x0  }
0x463: {  	s1 =	sshrl.u32 s1, $0x4  }
0x464: {  	s4 =	smin.u32 s19, s1  }
0x465: {  	p0 =	sgt.s32 s6, s4  }
0x466: {  	s4 =	smov.u32 @p0 s6  }
0x467: {  	s28 =	sld [smem:$0x7F8];
	s1 =	smin.u32 s4, s1  }
0x468: {  	s1 =	sshll.u32 s1, $0x4  }
0x469: {  	s1 =	sadd.s32 s1, s15  }
0x46a: {  	s4 =	sadd.s32 s28, s1  }
0x46b: {  	s4 =	sshll.u32 s4, $0x2  }
0x46c: {  	s4 =	sshra.s32 s4, $0x2  }
0x46d: {  	s30 =	sadd.s32 $0xC80, s4  }
0x46e: {  	s9 =	sadd.s32 $0x480, s4;
	v38 =	vld [tilespmem:s30+$0x0]  }
0x46f: {  	v39 =	vld [tilespmem:s9+$0x0];
	_ =	sdelay $0x1  }
0x470: {  	v36 =	vor.u32 s1, v3;
	s4 =	sadd.s32 $0x1480, s4  }
0x471: {  	vm1 =	vlt.s32 v36, v22;
	vm0 =	vge.s32 v36, v20;
	v40 =	vld [tilespmem:s4+$0x0]  }
0x472: {  	vm2 =	vge.s32 v36, v17;
	vm3 =	vlt.s32 v36, v21;
	v37 =	vsub.f32 v38, v28  }
0x473: {  	vm4 =	vlt.s32 v36, v23;
	v42 =	vsub.f32 v39, v24;
	v41 =	vsub.f32 v38, v29  }
0x474: {  	vm2 =	vmand vm2, vm3;
	v43 =	vsub.f32 v38, v30;
	v44 =	vsub.f32 v39, v27  }
0x475: {  	vm3 =	vge.s32 v36, v19;
	v38 =	vsub.f32 v38, v31;
	v45 =	vsub.f32 v39, v25  }
0x476: {  	s6 =	sadd.s32 $0x1, s2;
	v62 =	vsub.f32 v40, v35;
	v47 =	vsub.f32 v40, v32;
	v37 =	vmul.f32 v37, v37  }
0x477: {  	p2 =	slt.u32 s6, s14;
	v39 =	vsub.f32 v39, v26;
	v46 =	vmul.f32 v43, v43;
	v48 =	vmul.f32 v38, v38  }
.Ltmp44:
0x478: {  	v49 =	vsub.f32 v40, v34;
	v43 =	vmul.f32 v62, v62;
	v44 =	vmul.f32 v44, v44;
	(pc) =	sbr.rel @!p2 .LBB3_51-.Ltmp44, $4  }
0x479: {  	v50 =	vsub.f32 v40, v33;
	v38 =	vmul.f32 v45, v45;
	v40 =	vmul.f32 v41, v41  }
0x47a: {  	vm1 =	vmand vm3, vm1;
	v41 =	vmul.f32 v47, v47;
	v63 =	vmul.f32 v39, v39  }
0x47b: {  	p1 =	por $0x0, $0x0;
	vm3 =	vlt.s32 v36, v18;
	v39 =	vmul.f32 v50, v50;
	v50 =	vmul.f32 v42, v42  }
0x47c: {  	p0 =	por $0x0, $0x0;
	s2 =	sadd.s32 $0x10, s9;
	s9 =	sadd.s32 $0x10, s30;
	v54 =	vmul.f32 v49, v49;
	v45 =	vadd.f32 v48, v44;
	v52 =	vadd.f32 v46, v63  }
0x47d: {  	_ = 	snop  }
0x47e: {  	vm5 =	vge.s32 v36, v10;
	v37 =	vadd.f32 v37, v50;
	v42 =	vadd.f32 v43, v45  }
0x47f: {  	v60 =	vadd.f32 v54, v52;
	vm3 =	vmand vm5, vm3  }
0x480: {  	vm0 =	vmand vm0, vm4;
	v37 =	vadd.f32 v41, v37;
	v42 =	vnsel vm3, $0x7F800000, v42  }
0x481: {  	v44 =	vld [tilespmem:s9+$0x0];
	v43 =	vnsel vm0, $0x7F800000, v60;
	(xrf1) =	vsort.dscd.msk.f32 $0xffff, v42, v36  }
0x482: {  	v61 =	vld [tilespmem:s2+$0x0];
	v37 =	vnsel vm2, $0x7F800000, v37;
	(xrf1) =	vsort.dscd.msk.f32 $0xffff, v43, v36  }
0x483: {  	v38 =	vadd.f32 v40, v38;
	(xrf1) =	vsort.dscd.msk.f32 $0xffff, v37, v36  }
0x484: {  	s15 =	sadd.s32 $0x10, s4;
	s5 =	sadd.s32 $0x10, s1  }
0x485: {  	v62 =	vld [tilespmem:s15+$0x0];
	v53 =	vor.u32 s5, v3;
	v38 =	vadd.f32 v39, v38  }
0x486: {  	vm4 =	vlt.s32 v53, v23;
	vm0 =	vge.s32 v53, v20;
	v63 =	vsub.f32 v44, v28  }
0x487: {  	vm3 =	vlt.s32 v53, v21;
	v42 =	vsub.f32 v61, v24;
	v55 =	vsub.f32 v44, v29  }
0x488: {  	v48 =	vnsel vm1, $0x7F800000, v38;
	v56 =	vsub.f32 v44, v30;
	v57 =	vsub.f32 v61, v27  }
0x489: {  	vm1 =	vlt.s32 v53, v22;
	v58 =	vsub.f32 v44, v31;
	v59 =	vsub.f32 v61, v25  }
0x48a: {  	vm2 =	vge.s32 v53, v17;
	v49 =	vsub.f32 v61, v26;
	v46 =	vsub.f32 v62, v32  }
0x48b: {  	s4 =	sadd.s32 $0x1, s6;
	vm2 =	vmand vm2, vm3;
	vm3 =	vge.s32 v53, v19;
	v47 =	vmul.f32 v58, v58  }
0x48c: {  	p2 =	slt.u32 s4, s14;
	v60 =	vsub.f32 v62, v35;
	v37 =	vmul.f32 v63, v63;
	v51 =	vmul.f32 v56, v56  }
.Ltmp45:
0x48d: {  	v61 =	vsub.f32 v62, v34;
	v45 =	vmul.f32 v57, v57;
	v38 =	vmul.f32 v59, v59;
	(pc) =	sbr.rel @!p2 .LBB3_58-.Ltmp45, $4  }
0x48e: {  	v62 =	vsub.f32 v62, v33;
	v40 =	vmul.f32 v55, v55;
	v63 =	vmul.f32 v49, v49  }
0x48f: {  	vm1 =	vmand vm3, vm1;
	v41 =	vmul.f32 v46, v46;
	v45 =	vadd.f32 v47, v45;
	v47, v46, _ =	vpop (xrf1);
	(xrf1) =	vsort.dscd.msk.f32 $0xffff, v48, v36  }
0x490: {  	vm3 =	vlt.s32 v53, v18;
	v50 =	vmul.f32 v42, v42;
	v43 =	vmul.f32 v60, v60;
	v48, v49, _ =	vpop (xrf1)  }
0x491: {  	s6 =	sadd.s32 $0x10, s2;
	s9 =	sadd.s32 $0x10, s9;
	p0 =	por $0x1, $0x1;
	v39 =	vmul.f32 v62, v62;
	v54 =	vmul.f32 v61, v61;
	v52 =	vadd.f32 v51, v63;
	v42, v44, _ =	vpop (xrf1)  }
0x492: {  	v36 =	vadd.f32 v43, v45  }
0x493: {  	vm5 =	vge.s32 v53, v10;
	v37 =	vadd.f32 v37, v50;
	vm0 =	vmand vm0, vm4  }
0x494: {  	v51 =	vld [tilespmem:s9+$0x0];
	v38 =	vadd.f32 v40, v38;
	v56 =	vadd.f32 v54, v52;
	vm3 =	vmand vm5, vm3  }
0x495: {  	v43 =	vld [tilespmem:s6+$0x0];
	vm6 =	vlt.f32 v47, v9;
	v36 =	vnsel vm3, $0x7F800000, v36;
	vm3 =	vlt.f32 v48, v15  }
0x496: {  	s2 =	sadd.s32 $0x10, s5;
	v37 =	vadd.f32 v41, v37;
	v38 =	vadd.f32 v39, v38;
	v57 =	vnsel vm0, $0x7F800000, v56;
	(xrf1) =	vsort.dscd.msk.f32 $0xffff, v36, v53  }
0x497: {  	v58 =	vsel vm3, v48, v15;
	v59 =	vsel vm3, v49, v13;
	v36 =	vor.u32 s2, v3;
	(xrf1) =	vsort.dscd.msk.f32 $0xffff, v57, v53  }
0x498: {  	v37 =	vnsel vm2, $0x7F800000, v37;
	v50 =	vnsel vm1, $0x7F800000, v38;
	vm1 =	vlt.s32 v36, v22;
	(xrf1) =	vsort.ascd.msk.f32 $0xffff, v58, v59  }
0x499: {  	vm0 =	vge.s32 v36, v20;
	v60 =	vsub.f32 v51, v28;
	(xrf1) =	vsort.dscd.msk.f32 $0xffff, v37, v53  }
0x49a: {  	s1 =	sadd.s32 $0x10, s15;
	vm2 =	vlt.f32 v42, v14;
	v48 =	vsub.f32 v43, v24;
	v39 =	vsub.f32 v51, v29  }
0x49b: {  	v41 =	vld [tilespmem:s1+$0x0];
	vm3 =	vge.s32 v36, v17;
	v61 =	vsub.f32 v51, v30;
	v49 =	vsub.f32 v43, v27  }
0x49c: {  	vm4 =	vlt.s32 v36, v23;
	v62 =	vsub.f32 v51, v31;
	v63 =	vsub.f32 v43, v25  }
0x49d: {  	v44 =	vsel vm2, v44, v16;
	v42 =	vsel vm2, v42, v14;
	vm2 =	vlt.s32 v36, v21  }
0x49e: {  	v56 =	vsub.f32 v43, v26;
	v59 =	vsel vm6, v47, v9;
	vm2 =	vmand vm3, vm2  }
0x49f: {  	vm3 =	vge.s32 v36, v19;
	v55 =	vmul.f32 v62, v62;
	v62 =	vmul.f32 v49, v49  }
0x4a0: {  	v37 =	vmul.f32 v60, v60;
	v60 =	vsub.f32 v41, v35;
	v52 =	vmul.f32 v61, v61  }
0x4a1: {  	s5 =	sadd.s32 $0x1, s4;
	v61 =	vsub.f32 v41, v32;
	v45 =	vadd.f32 v55, v62;
	v55 =	vmul.f32 v56, v56  }
0x4a2: {  	p2 =	slt.u32 s5, s14;
	v38 =	vmul.f32 v63, v63;
	v58 =	vsub.f32 v41, v34;
	v63 =	vsub.f32 v41, v33  }
.Ltmp46:
0x4a3: {  	v40 =	vmul.f32 v39, v39;
	vm1 =	vmand vm3, vm1;
	vm3 =	vlt.s32 v36, v18;
	v51, v54, _ =	vpop (xrf1);
	(pc) =	sbr.rel @!p2 .LBB3_60-.Ltmp46, $4  }
0x4a4: {  	v43 =	vmul.f32 v60, v60;
	v41 =	vmul.f32 v61, v61;
	(xrf1) =	vsort.dscd.msk.f32 $0xffff, v50, v53;
	v60, v56, _ =	vpop (xrf1)  }
0x4a5: {  	v39 =	vmul.f32 v63, v63;
	v50 =	vmul.f32 v48, v48;
	(xrf1) =	vsort.ascd.msk.f32 $0xffff, v42, v44;
	v48, v49, _ =	vpop (xrf1)  }
0x4a6: {  	v61 =	vsel vm6, v46, v8;
	v52 =	vadd.f32 v52, v55;
	vm5 =	vlt.f32 v51, v12;
	v53, v55, _ =	vpop (xrf1)  }
0x4a7: {  	s4 =	sadd.s32 $0x10, s6;
	s6 =	sadd.s32 $0x10, s9;
	p1 =	por $0x1, $0x1;
	v57 =	vsel vm5, v54, v11;
	v54 =	vmul.f32 v58, v58;
	v58 =	vmov v12;
	v42, v44, _ =	vpop (xrf1)  }
.LBB3_61:
0x4a8: {  	v46 =	vld [tilespmem:s6+$0x0];
	s5 =	sadd.s32 $0x1, s5;
	v43 =	vadd.f32 v43, v45;
	vm6 =	vge.s32 v36, v10;
	v45 =	vsel vm5, v51, v58;
	v47 =	vmovc v36  }
0x4a9: {  	v36 =	vadd.f32 v37, v50;
	v58 =	vld [tilespmem:s4+$0x0];
	p2 =	slt.u32 s5, s14;
	v37 =	vadd.f32 v54, v52;
	vm3 =	vmand vm6, vm3;
	(xrf1) =	vsort.ascd.msk.f32 $0xffff, v45, v57  }
0x4aa: {  	vm0 =	vmand vm0, vm4;
	v54 =	vmovc v60;
	v43 =	vnsel vm3, $0x7F800000, v43;
	vm3 =	vlt.f32 v48, v53;
	(xrf1) =	vsort.ascd.msk.f32 $0xffff, v59, v61  }
0x4ab: {  	v38 =	vadd.f32 v40, v38;
	s1 =	sadd.s32 $0x10, s1;
	v36 =	vadd.f32 v41, v36;
	v37 =	vnsel vm0, $0x7F800000, v37;
	(xrf1) =	vsort.dscd.msk.f32 $0xffff, v43, v47  }
0x4ac: {  	v61 =	vmovc v56;
	v41 =	vsel vm3, v49, v55;
	v40 =	vld [tilespmem:s1+$0x0];
	(xrf1) =	vsort.dscd.msk.f32 $0xffff, v37, v47;
	v37 =	vsel vm3, v48, v53  }
0x4ad: {  	s2 =	sadd.s32 $0x10, s2;
	v38 =	vadd.f32 v39, v38;
	v45 =	vnsel vm2, $0x7F800000, v36;
	v43 =	vsub.f32 v46, v28;
	(xrf1) =	vsort.ascd.msk.f32 $0xffff, v37, v41  }
0x4ae: {  	v36 =	vor.u32 s2, v3;
	v39 =	vsub.f32 v46, v29;
	v48 =	vsub.f32 v58, v24;
	(xrf1) =	vsort.dscd.msk.f32 $0xffff, v45, v47  }
0x4af: {  	v49 =	vnsel vm1, $0x7F800000, v38;
	v41 =	vsub.f32 v46, v30;
	v45 =	vsub.f32 v58, v27  }
0x4b0: {  	vm1 =	vlt.s32 v36, v22;
	v38 =	vsub.f32 v46, v31;
	v37 =	vmul.f32 v43, v43  }
0x4b1: {  	v46 =	vsub.f32 v58, v25;
	v52 =	vmul.f32 v41, v41;
	v41 =	vsub.f32 v40, v35  }
0x4b2: {  	v53 =	vmul.f32 v38, v38;
	v50 =	vsub.f32 v40, v32;
	v51, v55, _ =	vpop (xrf1)  }
0x4b3: {  	vm0 =	vge.s32 v36, v20;
	v56 =	vsub.f32 v58, v26;
	v43 =	vmul.f32 v41, v41;
	v57, v58, _ =	vpop (xrf1)  }
0x4b4: {  	v38 =	vmul.f32 v46, v46;
	v45 =	vmul.f32 v45, v45;
	v46 =	vsub.f32 v40, v34  }
0x4b5: {  	v59 =	vsub.f32 v40, v33;
	v40 =	vmul.f32 v39, v39;
	vm2 =	vlt.f32 v42, v57  }
0x4b6: {  	v45 =	vadd.f32 v53, v45;
	v41 =	vmul.f32 v50, v50;
	v44 =	vsel vm2, v44, v58  }
0x4b7: {  	vm3 =	vge.s32 v36, v17;
	v39 =	vmul.f32 v59, v59;
	v42 =	vsel vm2, v42, v57;
	v58, v53, _ =	vpop (xrf1)  }
.Ltmp47:
0x4b8: {  	v59 =	vmul.f32 v56, v56;
	vm2 =	vlt.s32 v36, v21;
	vm5 =	vlt.f32 v51, v58;
	v62, v63, _ =	vpop (xrf1);
	(pc) =	sbr.rel @p2 .LBB3_61-.Ltmp47, $4  }
0x4b9: {  	vm2 =	vmand vm3, vm2;
	vm3 =	vge.s32 v36, v19;
	(xrf1) =	vsort.dscd.msk.f32 $0xffff, v49, v47;
	v60, v56, _ =	vpop (xrf1);
	vm6 =	vlt.f32 v54, v62  }
0x4ba: {  	v50 =	vmul.f32 v48, v48;
	vm1 =	vmand vm3, vm1;
	v57 =	vsel vm5, v55, v53;
	v48, v49, _ =	vpop (xrf1);
	(xrf1) =	vsort.ascd.msk.f32 $0xffff, v42, v44  }
0x4bb: {  	v52 =	vadd.f32 v52, v59;
	vm3 =	vlt.s32 v36, v18;
	v59 =	vsel vm6, v54, v62;
	v53, v55, _ =	vpop (xrf1)  }
0x4bc: {  	s6 =	sadd.s32 $0x10, s6;
	s4 =	sadd.s32 $0x10, s4;
	vm4 =	vlt.s32 v36, v23;
	v54 =	vmul.f32 v46, v46;
	v61 =	vsel vm6, v61, v63;
	v42, v44, _ =	vpop (xrf1)  }
.Ltmp48:
0x4bd: {  	(pc) =	sbr.rel .LBB3_63-.Ltmp48, $2  }
0x4be: {  	_ =	sdelay $0x2  }
0x4bf: {  	v47 =	vmov v60;
	v46 =	vmov v56  }
.LBB3_12:
.Ltmp49:
0x4c0: {  	(pc) =	sbr.rel .LBB3_48-.Ltmp49, $2  }
0x4c1: {  	_ =	sdelay $0x2  }
0x4c2: {  	v58 =	vmov v12;
	v53 =	vmov v15;
	v55 =	vmov v13  }
.LBB3_43:
.Ltmp50:
0x4c3: {  	(pc) =	sbr.rel .LBB3_48-.Ltmp50, $2  }
0x4c4: {  	_ =	sdelay $0x2  }
0x4c5: {  	v36 =	vmovc v53;
	v58 =	vmov v12;
	v53 =	vmov v15;
	v55 =	vmov v13;
	s31 =	smov.u32 s7;
	s7 =	smov.u32 s20  }
.LBB3_45:
.Ltmp51:
0x4c6: {  	(pc) =	sbr.rel .LBB3_48-.Ltmp51, $2  }
0x4c7: {  	_ =	sdelay $0x2  }
0x4c8: {  	v58 =	vmov v12;
	v47 =	vmov v60;
	v46 =	vmov v56;
	s31 =	smov.u32 s7;
	s7 =	smov.u32 s20  }
.LBB3_41:
.Ltmp52:
0x4c9: {  	(pc) =	sbr.rel .LBB3_56-.Ltmp52, $2  }
0x4ca: {  	_ =	sdelay $0x2  }
0x4cb: {  	v45 =	vmovc v14;
	v46 =	vmov v16;
	v47 =	vmov v12;
	v48 =	vmov v11  }
.LBB3_53:
.Ltmp53:
0x4cc: {  	(pc) =	sbr.rel .LBB3_56-.Ltmp53, $2  }
0x4cd: {  	_ =	sdelay $0x2  }
0x4ce: {  	v45 =	vmovc v14;
	v46 =	vmov v16;
	v47 =	vmov v12;
	v48 =	vmov v11  }
.LBB3_58:
.Ltmp54:
0x4cf: {  	(pc) =	sbr.rel .LBB3_63-.Ltmp54, $2  }
0x4d0: {  	_ =	sdelay $0x2  }
0x4d1: {  	v36 =	vmovc v53;
	v58 =	vmov v12;
	v53 =	vmov v15;
	v55 =	vmov v13  }
.LBB3_60:
.Ltmp55:
0x4d2: {  	(pc) =	sbr.rel .LBB3_63-.Ltmp55, $2  }
0x4d3: {  	_ =	sdelay $0x2  }
0x4d4: {  	v58 =	vmov v12;
	v47 =	vmov v60;
	v46 =	vmov v56  }
.LBB3_66:
0x4d5: {  	s9 =	simm.s32 $0x4  }
0x4d6: {  	_ =	swait.ge [sflag:s9], $0x800  }
0x4d7: {  	[sflag:s9] =	ssyncset.done $0x0  }
0x4d8: {  	[sflag:s9] =	ssyncadd.s32 $0xFFFFF800  }
0x4d9: {  	_ =	swait.ge [sflag:s9], $0x800  }
0x4da: {  	[sflag:s9] =	ssyncset.done $0x0  }
0x4db: {  	[sflag:s9] =	ssyncadd.s32 $0xFFFFF800  }
0x4dc: {  	_ =	swait.ge [sflag:s9], $0x800  }
0x4dd: {  	[sflag:s9] =	ssyncset.done $0x0  }
0x4de: {  	s2 =	simm.s32 $0x7880;
	[sflag:s9] =	ssyncadd.s32 $0xFFFFF800  }
0x4df: {  	v9 =	vld [tilespmem:s2+$0x0];
	_ =	sdelay $0x1  }
0x4e0: {  	s0 =	rddreg [dreg:$0x1b]  }
0x4e1: {  	s1 =	simm.s32 $0x0;
	s17 =	rddreg [dreg:$0x1d]  }
0x4e2: {  	v11 =	vmov s1;
	s18 =	rddreg [dreg:$0x1c];
	v13 =	vmov s0;
	v14 =	vmov s17  }
0x4e3: {  	v15 =	vmov s18;
	vm0 =	vge.s32 v9, v13;
	vm1 =	vlt.s32 v9, v14  }
0x4e4: {  	v9 =	vsub.s32 v9, v15;
	vm0 =	vmand vm0, vm1  }
0x4e5: {  	v9 =	vnsel vm0, $0x0, v9;
	_ =	sdelay $0x2  }
0x4e6: {  	v10 =	vld.idx.msk [tilespmem:v11+s8+$0x0], $0xffff  }
0x4e7: {  	v12 =	vld.idx.msk [tilespmem:v11+s23+$0x0], $0xffff  }
0x4e8: {  	v16 =	vld.idx.msk [tilespmem:v9+s10+$0x0], $0xffff  }
0x4e9: {  	v17 =	vld.idx.msk [tilespmem:v9+s11+$0x0], $0xffff  }
0x4ea: {  	v18 =	vld.idx.msk [tilespmem:v11+s24+$0x0], $0xffff  }
0x4eb: {  	v9 =	vld.idx.msk [tilespmem:v9+s12+$0x0], $0xffff  }
0x4ec: {  	s19 =	simm.s32 $0x7480  }
0x4ed: {  	v22 =	vld [tilespmem:s19+$0x0]  }
0x4ee: {  	s20 =	simm.s32 $0x7890;
	v10 =	vsub.f32 v10, v16;
	v12 =	vsub.f32 v12, v17  }
0x4ef: {  	v16 =	vld [tilespmem:s20+$0x0]  }
0x4f0: {  	v9 =	vsub.f32 v18, v9;
	v10 =	vmul.f32 v10, v10;
	v12 =	vmul.f32 v12, v12;
	_ =	sdelay $0x1  }
0x4f1: {  	s21 =	simm.s32 $0x1;
	v17 =	vmin.f32 v22, $1.000000000e+08;
	v9 =	vmul.f32 v9, v9;
	v12 =	vadd.f32 v12, v10  }
0x4f2: {  	v18 =	vmax.f32 v17, $9.999999930e-09;
	v10 =	vmov s21  }
0x4f3: {  	vm1 =	vge.s32 v16, v13;
	vm2 =	vlt.s32 v16, v14;
	v9 =	vadd.f32 v9, v12  }
0x4f4: {  	v17 =	vmul.f32 $5.000000000e-01, v18;
	v12 =	vsub.s32 v16, v15;
	vm2 =	vmand vm1, vm2  }
0x4f5: {  	v16 =	vshra.s32 v18, $0x1;
	v12 =	vnsel vm2, $0x0, v12;
	v23 =	vmax.f32 v9, $9.999999930e-09  }
0x4f6: {  	s26 =	simm.s32 $0x78A0;
	v16 =	vsub.s32 $0x5F3759DF, v16;
	v19 =	vshra.s32 v23, $0x1;
	v21 =	vmul.f32 $5.000000000e-01, v23  }
0x4f7: {  	v27 =	vld [tilespmem:s26+$0x0];
	v24 =	vmul.f32 v16, v17;
	v19 =	vsub.s32 $0x5F3759DF, v19  }
0x4f8: {  	v20 =	vld.idx.msk [tilespmem:v10+s8+$0x0], $0xffff;
	v25 =	vmul.f32 v19, v21  }
0x4f9: {  	v26 =	vld.idx.msk [tilespmem:v10+s23+$0x0], $0xffff;
	v24 =	vmul.f32 v16, v24  }
0x4fa: {  	v28 =	vld.idx.msk [tilespmem:v12+s10+$0x0], $0xffff;
	v25 =	vmul.f32 v19, v25  }
0x4fb: {  	v29 =	vld.idx.msk [tilespmem:v12+s11+$0x0], $0xffff;
	v24 =	vsub.f32 $1.500000000e+00, v24  }
0x4fc: {  	v30 =	vld.idx.msk [tilespmem:v10+s24+$0x0], $0xffff;
	v25 =	vsub.f32 $1.500000000e+00, v25  }
0x4fd: {  	s25 =	simm.s32 $0x7490;
	v31 =	vld.idx.msk [tilespmem:v12+s12+$0x0], $0xffff;
	v16 =	vmul.f32 v16, v24  }
0x4fe: {  	v8 =	vimm.f32 $0.0e+00;
	v9 =	vld [tilespmem:s25+$0x0];
	v19 =	vmul.f32 v19, v25  }
0x4ff: {  	v32 =	vsub.s32 v27, v15;
	v24 =	vmul.f32 v16, v17;
	v20 =	vsub.f32 v20, v28  }
0x500: {  	vm3 =	vlt.s32 v27, v14;
	v26 =	vsub.f32 v26, v29;
	v25 =	vmul.f32 v19, v21  }
0x501: {  	vm1 =	vge.s32 v27, v13;
	v24 =	vmul.f32 v24, v16;
	v20 =	vmul.f32 v20, v20  }
0x502: {  	v29 =	vsub.f32 v30, v31;
	v26 =	vmul.f32 v26, v26;
	v25 =	vmul.f32 v25, v19  }
0x503: {  	vm1 =	vmand vm1, vm3;
	v28 =	vmin.f32 v9, $1.000000000e+08;
	v24 =	vsub.f32 $1.500000000e+00, v24  }
0x504: {  	s28 =	simm.s32 $0x2;
	v27 =	vmul.f32 v29, v29;
	v20 =	vadd.f32 v26, v20;
	v25 =	vsub.f32 $1.500000000e+00, v25  }
0x505: {  	v12 =	vmov s28;
	v26 =	vld.idx.msk [tilespmem:v11+s22+$0x0], $0xffff;
	v24 =	vmul.f32 v24, v16;
	v16 =	vmax.f32 v28, $9.999999930e-09  }
0x506: {  	s1 =	simm.s32 $0x78B0;
	v28 =	vnsel vm1, $0x0, v32;
	v11 =	vadd.f32 v27, v20;
	v19 =	vmul.f32 v25, v19  }
0x507: {  	v33 =	vld [tilespmem:s1+$0x0];
	v20 =	vmul.f32 $5.000000000e-01, v16;
	v27 =	vmul.f32 v24, v17;
	v25 =	vshra.s32 v16, $0x1  }
0x508: {  	v17 =	vmax.f32 v11, $9.999999930e-09;
	v25 =	vsub.s32 $0x5F3759DF, v25;
	v29 =	vmul.f32 v19, v21  }
0x509: {  	v27 =	vmul.f32 v27, v24;
	v30 =	vshra.s32 v17, $0x1;
	v21 =	vmul.f32 $5.000000000e-01, v17  }
0x50a: {  	v35 =	vld.idx.msk [tilespmem:v12+s8+$0x0], $0xffff;
	v30 =	vsub.s32 $0x5F3759DF, v30;
	v59 =	vmul.f32 v25, v20;
	v29 =	vmul.f32 v29, v19  }
0x50b: {  	s0 =	simm.s32 $0x74A0;
	vm4 =	vle.f32 v22, $2.025000000e+01;
	v36 =	vld.idx.msk [tilespmem:v12+s23+$0x0], $0xffff;
	v27 =	vsub.f32 $1.500000000e+00, v27;
	v34 =	vmul.f32 v30, v21  }
0x50c: {  	vm5 =	vge.s32 v33, v13;
	v11 =	vld [tilespmem:s0+$0x0];
	v32 =	vmul.f32 v25, v59;
	v29 =	vsub.f32 $1.500000000e+00, v29  }
0x50d: {  	vm0 =	vmmov vm0;
	v60 =	vld.idx.msk [tilespmem:v26+s29+$0x0], $0xffff;
	v24 =	vmul.f32 v27, v24;
	v27 =	vmul.f32 v30, v34  }
0x50e: {  	vm6 =	vlt.s32 v33, v14;
	vm3 =	vmmov vm0;
	v26 =	vmul.f32 v29, v19;
	v29 =	vld.idx.msk [tilespmem:v28+s10+$0x0], $0xffff  }
0x50f: {  	vm2 =	vmmov vm2;
	v32 =	vsub.f32 $1.500000000e+00, v32;
	v22 =	vsub.f32 $1.500000000e+00, v27;
	v27 =	vld.idx.msk [tilespmem:v28+s11+$0x0], $0xffff  }
0x510: {  	vm0 =	vmmov $0x7fff;
	v31 =	vld.idx.msk [tilespmem:v12+s24+$0x0], $0xffff;
	v18 =	vmul.f32 v24, v18;
	v37 =	vmul.f32 v26, v23  }
0x511: {  	vm3 =	vmand vm4, vm3;
	v28 =	vld.idx.msk [tilespmem:v28+s12+$0x0], $0xffff;
	v26 =	vmul.f32 v25, v32;
	v25 =	vmul.f32 v30, v22  }
0x512: {  	s30 =	simm.s32 $0x3;
	vm3 =	vmand vm3, vm0;
	v24 =	vmin.f32 v11, $1.000000000e+08;
	v18 =	vsub.f32 v37, v18  }
0x513: {  	v19 =	vmov s30;
	v22 =	vmul.f32 v26, v20;
	v30 =	vmul.f32 v25, v21  }
0x514: {  	v61 =	vsub.f32 v35, v29;
	v62 =	vsub.f32 v36, v27;
	v18 =	vmul.f32 v18, v18  }
0x515: {  	v23 =	vsub.s32 v33, v15;
	v63 =	vmul.f32 v22, v26;
	v27 =	vmul.f32 v30, v25  }
0x516: {  	v29 =	vsub.f32 v31, v28;
	v28 =	vmul.f32 v61, v61;
	v31 =	vmul.f32 v62, v62  }
0x517: {  	s2 =	simm.s32 $0x4;
	v22 =	vmul.f32 v18, v60;
	v30 =	vsub.f32 $1.500000000e+00, v63;
	v18 =	vimm.f32 $0.0e+00  }
.LBB3_67:
0x518: {  	v29 =	vmul.f32 v29, v29;
	v27 =	vsub.f32 $1.500000000e+00, v27  }
0x519: {  	p0 =	seq.s32 s2, $0x3F;
	v22 =	vnsel vm3, $0x0, v22;
	vm4 =	vmmov vm2;
	vm2 =	vmmov vm1  }
0x51a: {  	v28 =	vadd.f32 v31, v28;
	v31 =	vld.idx.msk [tilespmem:v10+s22+$0x0], $0xffff;
	v26 =	vmul.f32 v30, v26;
	v8 =	vadd.f32 v22, v8  }
0x51b: {  	vm1 =	vmand vm5, vm6;
	v22 =	vmax.f32 v24, $9.999999930e-09;
	v10 =	vmovc v12;
	v12 =	vmovc v19;
	v24 =	vmul.f32 v27, v25  }
0x51c: {  	s0 =	sadd.s32 $0x10, s0;
	v27 =	vshra.s32 v22, $0x1;
	v25 =	vadd.f32 v29, v28;
	v28 =	vmul.f32 v26, v20  }
0x51d: {  	v23 =	vnsel vm1, $0x0, v23;
	v20 =	vmul.f32 $5.000000000e-01, v22;
	v29 =	vld [tilespmem:s0+$0x0];
	v30 =	vmul.f32 v24, v21  }
0x51e: {  	v27 =	vsub.s32 $0x5F3759DF, v27;
	v32 =	vld.idx.msk [tilespmem:v19+s24+$0x0], $0xffff;
	v25 =	vmax.f32 v25, $9.999999930e-09;
	v28 =	vmul.f32 v28, v26  }
0x51f: {  	v33 =	vld.idx.msk [tilespmem:v19+s8+$0x0], $0xffff;
	v19 =	vshra.s32 v25, $0x1;
	v21 =	vmul.f32 $5.000000000e-01, v25;
	v30 =	vmul.f32 v30, v24  }
0x520: {  	s1 =	sadd.s32 $0x10, s1;
	v34 =	vld.idx.msk [tilespmem:v12+s23+$0x0], $0xffff;
	v35 =	vsub.s32 $0x5F3759DF, v19;
	v19 =	vmul.f32 v27, v20;
	v28 =	vsub.f32 $1.500000000e+00, v28  }
0x521: {  	v38 =	vsel vm3, $0x3F800000, v7;
	v36 =	vld [tilespmem:s1+$0x0];
	v37 =	vmul.f32 v35, v21;
	v30 =	vsub.f32 $1.500000000e+00, v30  }
0x522: {  	v18 =	vadd.f32 v38, v18;
	v39 =	vmul.f32 v27, v19;
	v31 =	vld.idx.msk [tilespmem:v31+s29+$0x0], $0xffff;
	v26 =	vmul.f32 v28, v26  }
0x523: {  	v28 =	vld.idx.msk [tilespmem:v23+s10+$0x0], $0xffff;
	v37 =	vmul.f32 v35, v37;
	v24 =	vmul.f32 v30, v24  }
0x524: {  	vm3 =	vle.f32 v9, $2.025000000e+01;
	v9 =	vmovc v11;
	v19 =	vmov s2;
	v11 =	vmovc v29;
	v30 =	vld.idx.msk [tilespmem:v23+s11+$0x0], $0xffff;
	v38 =	vsub.f32 $1.500000000e+00, v39  }
0x525: {  	v40 =	vmul.f32 v26, v16;
	v16 =	vmovc v22;
	v29 =	vld.idx.msk [tilespmem:v23+s12+$0x0], $0xffff;
	v37 =	vsub.f32 $1.500000000e+00, v37;
	v39 =	vmul.f32 v24, v17  }
0x526: {  	v24 =	vmin.f32 v11, $1.000000000e+08;
	v17 =	vmovc v25;
	v23 =	vsub.s32 v36, v15;
	v26 =	vmul.f32 v27, v38  }
0x527: {  	vm5 =	vge.s32 v36, v13;
	v25 =	vmul.f32 v35, v37;
	v22 =	vsub.f32 v39, v40  }
.Ltmp56:
0x528: {  	vm3 =	vmand vm3, vm4;
	vm6 =	vlt.s32 v36, v14;
	v27 =	vmul.f32 v26, v20;
	(pc) =	sbr.rel @!p0 .LBB3_67-.Ltmp56, $4  }
0x529: {  	vm3 =	vmand vm3, vm0;
	v35 =	vmul.f32 v25, v21;
	v22 =	vmul.f32 v22, v22  }
0x52a: {  	v28 =	vsub.f32 v33, v28;
	v30 =	vsub.f32 v34, v30;
	v33 =	vmul.f32 v27, v26  }
0x52b: {  	v29 =	vsub.f32 v32, v29;
	v27 =	vmul.f32 v35, v25;
	v22 =	vmul.f32 v22, v31  }
0x52c: {  	s2 =	sadd.s32 $0x1, s2;
	v28 =	vmul.f32 v28, v28;
	v31 =	vmul.f32 v30, v30;
	v30 =	vsub.f32 $1.500000000e+00, v33  }
0x52d: {  	vm4 =	vmand vm5, vm6  }
0x52e: {  	v13 =	vnsel vm4, $0x0, v23;
	_ =	sdelay $0x2  }
0x52f: {  	v14 =	vld.idx.msk [tilespmem:v19+s8+$0x0], $0xffff  }
0x530: {  	v15 =	vld.idx.msk [tilespmem:v19+s23+$0x0], $0xffff  }
0x531: {  	v23 =	vld.idx.msk [tilespmem:v13+s10+$0x0], $0xffff  }
0x532: {  	v32 =	vld.idx.msk [tilespmem:v13+s11+$0x0], $0xffff  }
0x533: {  	v33 =	vld.idx.msk [tilespmem:v19+s24+$0x0], $0xffff  }
0x534: {  	v29 =	vmul.f32 v29, v29;
	v27 =	vsub.f32 $1.500000000e+00, v27;
	v28 =	vadd.f32 v31, v28;
	v13 =	vld.idx.msk [tilespmem:v13+s12+$0x0], $0xffff  }
0x535: {  	v24 =	vmax.f32 v24, $9.999999930e-09;
	v26 =	vmul.f32 v30, v26  }
0x536: {  	v54 =	vshra.s32 v24, $0x1;
	v25 =	vmul.f32 v27, v25;
	v53 =	vadd.f32 v29, v28  }
0x537: {  	s0 =	sadd.s32 $0x10, s0;
	v55 =	vmul.f32 $5.000000000e-01, v24;
	v14 =	vsub.f32 v14, v23;
	v15 =	vsub.f32 v15, v32  }
0x538: {  	v20 =	vmul.f32 v26, v20;
	v28 =	vld [tilespmem:s0+$0x0];
	v21 =	vmul.f32 v25, v21;
	v27 =	vmax.f32 v53, $9.999999930e-09  }
0x539: {  	v13 =	vsub.f32 v33, v13;
	v14 =	vmul.f32 v14, v14;
	v15 =	vmul.f32 v15, v15  }
0x53a: {  	v20 =	vmul.f32 v20, v26;
	v56 =	vshra.s32 v27, $0x1;
	v57 =	vmul.f32 $5.000000000e-01, v27  }
0x53b: {  	v30 =	vsub.s32 $0x5F3759DF, v56;
	v13 =	vmul.f32 v13, v13;
	v14 =	vadd.f32 v15, v14  }
0x53c: {  	v21 =	vmul.f32 v21, v25;
	v60 =	vsub.f32 $1.500000000e+00, v20;
	v61 =	vmul.f32 v30, v57  }
0x53d: {  	v59 =	vmin.f32 v28, $1.000000000e+08;
	v23 =	vsub.s32 $0x5F3759DF, v54;
	v13 =	vadd.f32 v13, v14  }
0x53e: {  	v20 =	vmul.f32 v30, v61;
	v32 =	vmax.f32 v59, $9.999999930e-09;
	v58 =	vmul.f32 v23, v55  }
0x53f: {  	v62 =	vshra.s32 v32, $0x1;
	v34 =	vmul.f32 $5.000000000e-01, v32;
	v13 =	vmax.f32 v13, $9.999999930e-09  }
0x540: {  	v20 =	vsub.f32 $1.500000000e+00, v20;
	v35 =	vshra.s32 v13, $0x1;
	v36 =	vmul.f32 $5.000000000e-01, v13  }
0x541: {  	v33 =	vsub.s32 $0x5F3759DF, v62;
	v31 =	vmul.f32 v23, v58;
	v35 =	vsub.s32 $0x5F3759DF, v35  }
0x542: {  	v37 =	vmul.f32 v33, v34;
	v38 =	vmul.f32 v35, v36  }
0x543: {  	v21 =	vsub.f32 $1.500000000e+00, v21;
	v20 =	vmul.f32 v30, v20;
	v63 =	vsub.f32 $1.500000000e+00, v31  }
0x544: {  	v40 =	vmul.f32 v33, v37;
	v41 =	vmul.f32 v35, v38  }
0x545: {  	v21 =	vmul.f32 v21, v25;
	v23 =	vmul.f32 v23, v63  }
0x546: {  	v45 =	vmul.f32 v20, v57;
	v42 =	vsub.f32 $1.500000000e+00, v40;
	v43 =	vsub.f32 $1.500000000e+00, v41  }
0x547: {  	v14 =	vmul.f32 v60, v26;
	v44 =	vmul.f32 v23, v55  }
0x548: {  	v25 =	vmul.f32 v33, v42;
	v26 =	vmul.f32 v35, v43  }
0x549: {  	v10 =	vld.idx.msk [tilespmem:v10+s22+$0x0], $0xffff;
	v31 =	vmul.f32 v45, v20;
	v30 =	vmul.f32 v44, v23  }
0x54a: {  	v33 =	vmul.f32 v25, v34;
	v35 =	vmul.f32 v26, v36  }
0x54b: {  	v17 =	vmul.f32 v21, v17;
	v47 =	vsub.f32 $1.500000000e+00, v31;
	v46 =	vsub.f32 $1.500000000e+00, v30  }
0x54c: {  	v48 =	vmul.f32 v33, v25;
	v49 =	vmul.f32 v35, v26  }
0x54d: {  	v20 =	vmul.f32 v47, v20;
	v21 =	vmul.f32 v46, v23  }
0x54e: {  	v14 =	vmul.f32 v14, v16;
	v50 =	vsub.f32 $1.500000000e+00, v48;
	v51 =	vsub.f32 $1.500000000e+00, v49  }
0x54f: {  	v22 =	vnsel vm3, $0x0, v22;
	v15 =	vmul.f32 v20, v57;
	v29 =	vmul.f32 v21, v55  }
0x550: {  	vm2 =	vmmov vm2;
	v12 =	vld.idx.msk [tilespmem:v12+s22+$0x0], $0xffff;
	v16 =	vmul.f32 v50, v25;
	v23 =	vmul.f32 v51, v26  }
0x551: {  	v10 =	vld.idx.msk [tilespmem:v10+s29+$0x0], $0xffff;
	v14 =	vsub.f32 v17, v14;
	v15 =	vmul.f32 v15, v20;
	v52 =	vmul.f32 v29, v21  }
0x552: {  	vm1 =	vmmov vm1;
	v25 =	vmul.f32 v16, v34;
	v26 =	vmul.f32 v23, v36  }
0x553: {  	v53 =	vld.idx.msk [tilespmem:v19+s22+$0x0], $0xffff;
	v14 =	vmul.f32 v14, v14;
	v15 =	vsub.f32 $1.500000000e+00, v15;
	v17 =	vsub.f32 $1.500000000e+00, v52  }
0x554: {  	vm15 =	vle.f32 v11, $2.025000000e+01;
	v54 =	vmul.f32 v25, v16;
	v55 =	vmul.f32 v26, v23  }
0x555: {  	v56 =	vsel vm3, $0x3F800000, v7;
	v15 =	vmul.f32 v15, v20;
	v17 =	vmul.f32 v17, v21  }
0x556: {  	v10 =	vmul.f32 v14, v10;
	v57 =	vsub.f32 $1.500000000e+00, v54;
	v58 =	vsub.f32 $1.500000000e+00, v55  }
0x557: {  	vm3 =	vle.f32 v9, $2.025000000e+01;
	v9 =	vmul.f32 v15, v27;
	v59 =	vmul.f32 v17, v24  }
0x558: {  	vm2 =	vmand vm3, vm2;
	v14 =	vmul.f32 v57, v16;
	v60 =	vmul.f32 v58, v23  }
0x559: {  	v8 =	vadd.f32 v22, v8;
	vm1 =	vmmov vm1;
	v12 =	vld.idx.msk [tilespmem:v12+s29+$0x0], $0xffff;
	vm2 =	vmand vm2, vm0  }
0x55a: {  	v9 =	vsub.f32 v9, v59;
	v14 =	vmul.f32 v14, v32;
	v13 =	vmul.f32 v60, v13  }
0x55b: {  	vm1 =	vmand vm15, vm1;
	v61 =	vadd.f32 v56, v18;
	v62 =	vld.idx.msk [tilespmem:v53+s29+$0x0], $0xffff;
	v10 =	vnsel vm2, $0x0, v10  }
0x55c: {  	v8 =	vadd.f32 v10, v8;
	v9 =	vmul.f32 v9, v9;
	v10 =	vsub.f32 v13, v14  }
0x55d: {  	vm1 =	vmand vm1, vm0;
	vm3 =	vmmov vm4;
	v11 =	vsel vm2, $0x3F800000, v7  }
0x55e: {  	v11 =	vadd.f32 v11, v61;
	v9 =	vmul.f32 v9, v12;
	v10 =	vmul.f32 v10, v10  }
0x55f: {  	p0 =	sgt.s32 s14, $0x1;
	v63 =	vsel vm1, $0x3F800000, v7;
	vm2 =	vmmov vm3;
	vm3 =	vle.f32 v28, $2.025000000e+01  }
.Ltmp57:
0x560: {  	v9 =	vnsel vm1, $0x0, v9;
	vm1 =	vmand vm3, vm2;
	v10 =	vmul.f32 v10, v62;
	(pc) =	sbr.rel @!p0 .LBB3_72-.Ltmp57, $4  }
0x561: {  	v8 =	vadd.f32 v9, v8;
	vm1 =	vmand vm1, vm0  }
0x562: {  	s13 =	rddreg [dreg:$0x6];
	v11 =	vadd.f32 v63, v11;
	v9 =	vnsel vm1, $0x0, v10  }
0x563: {  	s6 =	rddreg [dreg:$0x7];
	v10 =	vsel vm1, $0x3F800000, v7;
	v9 =	vadd.f32 v9, v8  }
0x564: {  	s7 =	rddreg [dreg:$0x8];
	s0 =	simm.s32 $0x1;
	v8 =	vadd.f32 v10, v11  }
.LBB3_69:
0x565: {  	s1 =	sshll.u32 s0, $0xB;
	s2 =	rddreg [dreg:$0x1b]  }
0x566: {  	s1 =	sadd.s32 s2, s1  }
0x567: {  	p0 =	slt.s32 s1, $0x3800;
	s2 =	smov.u32 s1  }
0x568: {  	s2 =	simm.s32 @!p0 $0x3800  }
0x569: {  	s3 =	sshrl.u32 s2, $0x3  }
0x56a: {  	s5 =	simm.s32 $0x0;
	s4 =	sadd.s32 s13, s3  }
0x56b: {  	[tilespmem:s10], [sflag:$0x4] =	stream.linear.gather [hbm4b:s4+s5], $0x800, $0x38;
	[tilespmem:$0x7D00] =	vst v63  }
0x56c: {  	s17 =	sadd.s32 s6, s3  }
0x56d: {  	[tilespmem:s11], [sflag:$0x4] =	stream.linear.gather [hbm4b:s17+s5], $0x800, $0x38;
	[tilespmem:$0x7D00] =	vst v63  }
0x56e: {  	s3 =	sadd.s32 s7, s3  }
0x56f: {  	[tilespmem:s12], [sflag:$0x4] =	stream.linear.gather [hbm4b:s3+s5], $0x800, $0x38;
	[tilespmem:$0x7D00] =	vst v63  }
0x570: {  	_ =	swait.ge [sflag:s9], $0x800  }
0x571: {  	[sflag:s9] =	ssyncset.done $0x0  }
0x572: {  	[sflag:s9] =	ssyncadd.s32 $0xFFFFF800  }
0x573: {  	_ =	swait.ge [sflag:s9], $0x800  }
0x574: {  	[sflag:s9] =	ssyncset.done $0x0  }
0x575: {  	[sflag:s9] =	ssyncadd.s32 $0xFFFFF800  }
0x576: {  	_ =	swait.ge [sflag:s9], $0x800  }
0x577: {  	[sflag:s9] =	ssyncset.done $0x0  }
0x578: {  	s18 =	simm.s32 $0x7880;
	[sflag:s9] =	ssyncadd.s32 $0xFFFFF800  }
0x579: {  	v10 =	vld [tilespmem:s18+$0x0]  }
0x57a: {  	s3 =	sadd.s32 $0x800, s1  }
0x57b: {  	s4 =	smov.u32 s31;
	p0 =	slt.s32 s3, s31  }
0x57c: {  	s4 =	smov.u32 @p0 s3  }
0x57d: {  	v11 =	vmov s5;
	v14 =	vmov s1;
	v15 =	vmov s4  }
0x57e: {  	v16 =	vmov s2;
	vm1 =	vge.s32 v10, v14;
	vm2 =	vlt.s32 v10, v15  }
0x57f: {  	v10 =	vsub.s32 v10, v16;
	vm2 =	vmand vm1, vm2  }
0x580: {  	v10 =	vnsel vm2, $0x0, v10;
	_ =	sdelay $0x2  }
0x581: {  	v12 =	vld.idx.msk [tilespmem:v11+s8+$0x0], $0xffff  }
0x582: {  	v13 =	vld.idx.msk [tilespmem:v11+s23+$0x0], $0xffff  }
0x583: {  	v17 =	vld.idx.msk [tilespmem:v10+s10+$0x0], $0xffff  }
0x584: {  	v18 =	vld.idx.msk [tilespmem:v10+s11+$0x0], $0xffff  }
0x585: {  	v19 =	vld.idx.msk [tilespmem:v11+s24+$0x0], $0xffff  }
0x586: {  	v10 =	vld.idx.msk [tilespmem:v10+s12+$0x0], $0xffff  }
0x587: {  	s19 =	simm.s32 $0x7480  }
0x588: {  	s20 =	simm.s32 $0x7890;
	v22 =	vld [tilespmem:s19+$0x0]  }
0x589: {  	v20 =	vld [tilespmem:s20+$0x0];
	v12 =	vsub.f32 v12, v17;
	v13 =	vsub.f32 v13, v18;
	_ =	sdelay $0x1  }
0x58a: {  	v10 =	vsub.f32 v19, v10;
	v12 =	vmul.f32 v12, v12;
	v13 =	vmul.f32 v13, v13;
	_ =	sdelay $0x1  }
0x58b: {  	v10 =	vmul.f32 v10, v10;
	v13 =	vadd.f32 v13, v12  }
0x58c: {  	s21 =	simm.s32 $0x1;
	vm3 =	vlt.s32 v20, v15;
	vm1 =	vge.s32 v20, v14;
	v17 =	vmin.f32 v22, $1.000000000e+08  }
0x58d: {  	v23 =	vmax.f32 v17, $9.999999930e-09;
	v12 =	vmov s21;
	v10 =	vadd.f32 v10, v13  }
0x58e: {  	vm3 =	vmand vm1, vm3;
	v17 =	vshra.s32 v23, $0x1;
	v13 =	vsub.s32 v20, v16  }
0x58f: {  	v18 =	vmul.f32 $5.000000000e-01, v23;
	v13 =	vnsel vm3, $0x0, v13;
	v24 =	vmax.f32 v10, $9.999999930e-09  }
0x590: {  	s26 =	simm.s32 $0x78A0;
	v17 =	vsub.s32 $0x5F3759DF, v17;
	v19 =	vshra.s32 v24, $0x1;
	v21 =	vmul.f32 $5.000000000e-01, v24  }
0x591: {  	v29 =	vld [tilespmem:s26+$0x0];
	v25 =	vmul.f32 v17, v18;
	v19 =	vsub.s32 $0x5F3759DF, v19  }
0x592: {  	v26 =	vld.idx.msk [tilespmem:v12+s8+$0x0], $0xffff;
	v27 =	vmul.f32 v19, v21  }
0x593: {  	v25 =	vmul.f32 v17, v25;
	v28 =	vld.idx.msk [tilespmem:v12+s23+$0x0], $0xffff  }
0x594: {  	v30 =	vld.idx.msk [tilespmem:v13+s10+$0x0], $0xffff;
	v27 =	vmul.f32 v19, v27  }
0x595: {  	v25 =	vsub.f32 $1.500000000e+00, v25;
	v31 =	vld.idx.msk [tilespmem:v13+s11+$0x0], $0xffff  }
0x596: {  	v20 =	vld.idx.msk [tilespmem:v12+s24+$0x0], $0xffff;
	v27 =	vsub.f32 $1.500000000e+00, v27  }
0x597: {  	vm4 =	vlt.s32 v29, v15;
	v17 =	vmul.f32 v17, v25;
	v32 =	vld.idx.msk [tilespmem:v13+s12+$0x0], $0xffff  }
0x598: {  	vm1 =	vge.s32 v29, v14;
	vm2 =	vmmov vm2;
	v19 =	vmul.f32 v19, v27  }
0x599: {  	s25 =	simm.s32 $0x7490;
	vm1 =	vmand vm1, vm4;
	v25 =	vmul.f32 v17, v18;
	v26 =	vsub.f32 v26, v30  }
0x59a: {  	vm4 =	vmmov vm2;
	v10 =	vld [tilespmem:s25+$0x0];
	v28 =	vsub.f32 v28, v31;
	v33 =	vmul.f32 v19, v21  }
0x59b: {  	vm2 =	vmmov vm3;
	v25 =	vmul.f32 v25, v17;
	v26 =	vmul.f32 v26, v26  }
0x59c: {  	s28 =	simm.s32 $0x2;
	v20 =	vsub.f32 v20, v32;
	v28 =	vmul.f32 v28, v28;
	v31 =	vmul.f32 v33, v19  }
0x59d: {  	v13 =	vmov s28;
	v25 =	vsub.f32 $1.500000000e+00, v25;
	v27 =	vsub.s32 v29, v16  }
0x59e: {  	v20 =	vmul.f32 v20, v20;
	v26 =	vadd.f32 v28, v26;
	v29 =	vsub.f32 $1.500000000e+00, v31  }
0x59f: {  	v30 =	vmin.f32 v10, $1.000000000e+08;
	v25 =	vmul.f32 v25, v17;
	v27 =	vnsel vm1, $0x0, v27;
	v28 =	vld.idx.msk [tilespmem:v11+s22+$0x0], $0xffff  }
0x5a0: {  	s2 =	simm.s32 $0x78B0;
	v17 =	vmax.f32 v30, $9.999999930e-09;
	v26 =	vadd.f32 v20, v26;
	v19 =	vmul.f32 v29, v19  }
0x5a1: {  	v35 =	vld [tilespmem:s2+$0x0];
	v30 =	vmul.f32 v25, v18;
	v20 =	vmul.f32 $5.000000000e-01, v17;
	v29 =	vshra.s32 v17, $0x1  }
0x5a2: {  	v59 =	vld.idx.msk [tilespmem:v13+s8+$0x0], $0xffff;
	v18 =	vmax.f32 v26, $9.999999930e-09;
	v26 =	vsub.s32 $0x5F3759DF, v29;
	v31 =	vmul.f32 v19, v21  }
0x5a3: {  	v37 =	vld.idx.msk [tilespmem:v13+s23+$0x0], $0xffff;
	v29 =	vmul.f32 v30, v25;
	v58 =	vshra.s32 v18, $0x1;
	v21 =	vmul.f32 $5.000000000e-01, v18  }
0x5a4: {  	v60 =	vld.idx.msk [tilespmem:v27+s10+$0x0], $0xffff;
	v32 =	vsub.s32 $0x5F3759DF, v58;
	v34 =	vmul.f32 v26, v20;
	v31 =	vmul.f32 v31, v19  }
0x5a5: {  	vm3 =	vle.f32 v22, $2.025000000e+01;
	v22 =	vld.idx.msk [tilespmem:v27+s11+$0x0], $0xffff;
	v29 =	vsub.f32 $1.500000000e+00, v29;
	v36 =	vmul.f32 v32, v21  }
0x5a6: {  	v27 =	vld.idx.msk [tilespmem:v27+s12+$0x0], $0xffff;
	v34 =	vmul.f32 v26, v34;
	v31 =	vsub.f32 $1.500000000e+00, v31  }
0x5a7: {  	v25 =	vmul.f32 v29, v25;
	v29 =	vld.idx.msk [tilespmem:v28+s29+$0x0], $0xffff;
	v28 =	vmul.f32 v32, v36  }
0x5a8: {  	vm5 =	vge.s32 v35, v14;
	v30 =	vld.idx.msk [tilespmem:v13+s24+$0x0], $0xffff;
	v34 =	vsub.f32 $1.500000000e+00, v34;
	v31 =	vmul.f32 v31, v19  }
0x5a9: {  	s1 =	simm.s32 $0x74A0;
	vm6 =	vlt.s32 v35, v15;
	v38 =	vmul.f32 v25, v23;
	v28 =	vsub.f32 $1.500000000e+00, v28  }
0x5aa: {  	vm3 =	vmand vm3, vm4;
	v11 =	vld [tilespmem:s1+$0x0];
	v26 =	vmul.f32 v26, v34;
	v31 =	vmul.f32 v31, v24  }
0x5ab: {  	vm3 =	vmand vm3, vm0;
	v33 =	vsub.f32 v59, v60;
	v25 =	vmul.f32 v32, v28  }
0x5ac: {  	v62 =	vsub.f32 v37, v22;
	v28 =	vsub.f32 v31, v38;
	v31 =	vmul.f32 v26, v20  }
0x5ad: {  	s30 =	simm.s32 $0x3;
	v27 =	vsub.f32 v30, v27;
	v23 =	vsub.s32 v35, v16;
	v32 =	vmul.f32 v25, v21  }
0x5ae: {  	v19 =	vmov s30;
	v61 =	vmul.f32 v28, v28;
	v63 =	vmul.f32 v31, v26  }
0x5af: {  	v24 =	vmin.f32 v11, $1.000000000e+08;
	v28 =	vmul.f32 v32, v25;
	v31 =	vmul.f32 v62, v62  }
0x5b0: {  	s3 =	simm.s32 $0x4;
	v22 =	vmul.f32 v61, v29;
	v29 =	vmul.f32 v33, v33;
	v30 =	vsub.f32 $1.500000000e+00, v63  }
.LBB3_70:
0x5b1: {  	v27 =	vmul.f32 v27, v27;
	v28 =	vsub.f32 $1.500000000e+00, v28  }
0x5b2: {  	p0 =	sne.s32 s3, $0x3F;
	v22 =	vnsel vm3, $0x0, v22;
	vm4 =	vmmov vm2;
	vm2 =	vmmov vm1  }
0x5b3: {  	v29 =	vadd.f32 v31, v29;
	v31 =	vld.idx.msk [tilespmem:v12+s22+$0x0], $0xffff;
	v26 =	vmul.f32 v30, v26;
	v9 =	vadd.f32 v22, v9  }
0x5b4: {  	vm1 =	vmand vm5, vm6;
	v22 =	vmax.f32 v24, $9.999999930e-09;
	v12 =	vmovc v13;
	v13 =	vmovc v19;
	v24 =	vmul.f32 v28, v25  }
0x5b5: {  	s1 =	sadd.s32 $0x10, s1;
	v25 =	vadd.f32 v27, v29;
	v27 =	vshra.s32 v22, $0x1;
	v28 =	vmul.f32 v26, v20  }
0x5b6: {  	v23 =	vnsel vm1, $0x0, v23;
	v20 =	vmul.f32 $5.000000000e-01, v22;
	v29 =	vld [tilespmem:s1+$0x0];
	v30 =	vmul.f32 v24, v21  }
0x5b7: {  	v27 =	vsub.s32 $0x5F3759DF, v27;
	v32 =	vld.idx.msk [tilespmem:v19+s24+$0x0], $0xffff;
	v25 =	vmax.f32 v25, $9.999999930e-09;
	v28 =	vmul.f32 v28, v26  }
0x5b8: {  	v33 =	vld.idx.msk [tilespmem:v19+s8+$0x0], $0xffff;
	v19 =	vshra.s32 v25, $0x1;
	v21 =	vmul.f32 $5.000000000e-01, v25;
	v30 =	vmul.f32 v30, v24  }
0x5b9: {  	s2 =	sadd.s32 $0x10, s2;
	v34 =	vld.idx.msk [tilespmem:v13+s23+$0x0], $0xffff;
	v35 =	vsub.s32 $0x5F3759DF, v19;
	v19 =	vmul.f32 v27, v20;
	v28 =	vsub.f32 $1.500000000e+00, v28  }
0x5ba: {  	v38 =	vsel vm3, $0x3F800000, v7;
	v36 =	vld [tilespmem:s2+$0x0];
	v37 =	vmul.f32 v35, v21;
	v30 =	vsub.f32 $1.500000000e+00, v30  }
0x5bb: {  	v8 =	vadd.f32 v38, v8;
	v39 =	vmul.f32 v27, v19;
	v31 =	vld.idx.msk [tilespmem:v31+s29+$0x0], $0xffff;
	v26 =	vmul.f32 v28, v26  }
0x5bc: {  	v28 =	vld.idx.msk [tilespmem:v23+s10+$0x0], $0xffff;
	v37 =	vmul.f32 v35, v37;
	v24 =	vmul.f32 v30, v24  }
0x5bd: {  	vm3 =	vle.f32 v10, $2.025000000e+01;
	v10 =	vmovc v11;
	v19 =	vmov s3;
	v11 =	vmovc v29;
	v30 =	vld.idx.msk [tilespmem:v23+s11+$0x0], $0xffff;
	v38 =	vsub.f32 $1.500000000e+00, v39  }
0x5be: {  	v40 =	vmul.f32 v26, v17;
	v17 =	vmovc v22;
	v29 =	vld.idx.msk [tilespmem:v23+s12+$0x0], $0xffff;
	v37 =	vsub.f32 $1.500000000e+00, v37;
	v39 =	vmul.f32 v24, v18  }
0x5bf: {  	v24 =	vmin.f32 v11, $1.000000000e+08;
	v18 =	vmovc v25;
	v23 =	vsub.s32 v36, v16;
	v26 =	vmul.f32 v27, v38  }
0x5c0: {  	vm5 =	vge.s32 v36, v14;
	v25 =	vmul.f32 v35, v37;
	v22 =	vsub.f32 v39, v40  }
.Ltmp58:
0x5c1: {  	vm3 =	vmand vm3, vm4;
	vm6 =	vlt.s32 v36, v15;
	v27 =	vmul.f32 v26, v20;
	(pc) =	sbr.rel @p0 .LBB3_70-.Ltmp58, $4  }
0x5c2: {  	vm3 =	vmand vm3, vm0;
	v35 =	vmul.f32 v25, v21;
	v22 =	vmul.f32 v22, v22  }
0x5c3: {  	v33 =	vsub.f32 v33, v28;
	v30 =	vsub.f32 v34, v30;
	v34 =	vmul.f32 v27, v26  }
0x5c4: {  	v27 =	vsub.f32 v32, v29;
	v28 =	vmul.f32 v35, v25;
	v22 =	vmul.f32 v22, v31  }
0x5c5: {  	s3 =	sadd.s32 $0x1, s3;
	v29 =	vmul.f32 v33, v33;
	v31 =	vmul.f32 v30, v30;
	v30 =	vsub.f32 $1.500000000e+00, v34  }
0x5c6: {  	vm4 =	vmand vm5, vm6  }
0x5c7: {  	v14 =	vnsel vm4, $0x0, v23;
	_ =	sdelay $0x2  }
0x5c8: {  	v15 =	vld.idx.msk [tilespmem:v19+s8+$0x0], $0xffff  }
0x5c9: {  	v16 =	vld.idx.msk [tilespmem:v19+s23+$0x0], $0xffff  }
0x5ca: {  	v23 =	vld.idx.msk [tilespmem:v14+s10+$0x0], $0xffff  }
0x5cb: {  	v32 =	vld.idx.msk [tilespmem:v14+s11+$0x0], $0xffff  }
0x5cc: {  	v33 =	vld.idx.msk [tilespmem:v19+s24+$0x0], $0xffff  }
0x5cd: {  	v27 =	vmul.f32 v27, v27;
	v28 =	vsub.f32 $1.500000000e+00, v28;
	v29 =	vadd.f32 v31, v29;
	v14 =	vld.idx.msk [tilespmem:v14+s12+$0x0], $0xffff  }
0x5ce: {  	v24 =	vmax.f32 v24, $9.999999930e-09;
	v26 =	vmul.f32 v30, v26  }
0x5cf: {  	s1 =	sadd.s32 $0x10, s1;
	v54 =	vshra.s32 v24, $0x1;
	v25 =	vmul.f32 v28, v25;
	v27 =	vadd.f32 v27, v29  }
0x5d0: {  	v55 =	vmul.f32 $5.000000000e-01, v24;
	v28 =	vld [tilespmem:s1+$0x0];
	v15 =	vsub.f32 v15, v23;
	v16 =	vsub.f32 v16, v32  }
0x5d1: {  	v20 =	vmul.f32 v26, v20;
	v21 =	vmul.f32 v25, v21;
	v27 =	vmax.f32 v27, $9.999999930e-09  }
0x5d2: {  	v14 =	vsub.f32 v33, v14;
	v15 =	vmul.f32 v15, v15;
	v16 =	vmul.f32 v16, v16  }
0x5d3: {  	v20 =	vmul.f32 v20, v26;
	v56 =	vshra.s32 v27, $0x1;
	v57 =	vmul.f32 $5.000000000e-01, v27  }
0x5d4: {  	v30 =	vsub.s32 $0x5F3759DF, v56;
	v14 =	vmul.f32 v14, v14;
	v15 =	vadd.f32 v16, v15  }
0x5d5: {  	v21 =	vmul.f32 v21, v25;
	v59 =	vmin.f32 v28, $1.000000000e+08;
	v61 =	vmul.f32 v30, v57  }
0x5d6: {  	v60 =	vsub.f32 $1.500000000e+00, v20;
	v23 =	vsub.s32 $0x5F3759DF, v54;
	v14 =	vadd.f32 v14, v15  }
0x5d7: {  	v20 =	vmul.f32 v30, v61;
	v32 =	vmax.f32 v59, $9.999999930e-09;
	v58 =	vmul.f32 v23, v55  }
0x5d8: {  	v62 =	vshra.s32 v32, $0x1;
	v34 =	vmul.f32 $5.000000000e-01, v32;
	v14 =	vmax.f32 v14, $9.999999930e-09  }
0x5d9: {  	v20 =	vsub.f32 $1.500000000e+00, v20;
	v35 =	vshra.s32 v14, $0x1;
	v36 =	vmul.f32 $5.000000000e-01, v14  }
0x5da: {  	v33 =	vsub.s32 $0x5F3759DF, v62;
	v31 =	vmul.f32 v23, v58;
	v35 =	vsub.s32 $0x5F3759DF, v35  }
0x5db: {  	v37 =	vmul.f32 v33, v34;
	v38 =	vmul.f32 v35, v36  }
0x5dc: {  	v21 =	vsub.f32 $1.500000000e+00, v21;
	v20 =	vmul.f32 v30, v20;
	v63 =	vsub.f32 $1.500000000e+00, v31  }
0x5dd: {  	v40 =	vmul.f32 v33, v37;
	v41 =	vmul.f32 v35, v38  }
0x5de: {  	v21 =	vmul.f32 v21, v25;
	v23 =	vmul.f32 v23, v63  }
0x5df: {  	v45 =	vmul.f32 v20, v57;
	v42 =	vsub.f32 $1.500000000e+00, v40;
	v43 =	vsub.f32 $1.500000000e+00, v41  }
0x5e0: {  	v15 =	vmul.f32 v60, v26;
	v44 =	vmul.f32 v23, v55  }
0x5e1: {  	v25 =	vmul.f32 v33, v42;
	v26 =	vmul.f32 v35, v43  }
0x5e2: {  	v12 =	vld.idx.msk [tilespmem:v12+s22+$0x0], $0xffff;
	v31 =	vmul.f32 v45, v20;
	v30 =	vmul.f32 v44, v23  }
0x5e3: {  	v33 =	vmul.f32 v25, v34;
	v35 =	vmul.f32 v26, v36  }
0x5e4: {  	v18 =	vmul.f32 v21, v18;
	v47 =	vsub.f32 $1.500000000e+00, v31;
	v46 =	vsub.f32 $1.500000000e+00, v30  }
0x5e5: {  	v48 =	vmul.f32 v33, v25;
	v49 =	vmul.f32 v35, v26  }
0x5e6: {  	v20 =	vmul.f32 v47, v20;
	v21 =	vmul.f32 v46, v23  }
0x5e7: {  	v15 =	vmul.f32 v15, v17;
	v50 =	vsub.f32 $1.500000000e+00, v48;
	v51 =	vsub.f32 $1.500000000e+00, v49  }
0x5e8: {  	v22 =	vnsel vm3, $0x0, v22;
	v16 =	vmul.f32 v20, v57;
	v29 =	vmul.f32 v21, v55  }
0x5e9: {  	vm2 =	vmmov vm2;
	v13 =	vld.idx.msk [tilespmem:v13+s22+$0x0], $0xffff;
	v17 =	vmul.f32 v50, v25;
	v23 =	vmul.f32 v51, v26  }
0x5ea: {  	v12 =	vld.idx.msk [tilespmem:v12+s29+$0x0], $0xffff;
	v15 =	vsub.f32 v18, v15;
	v16 =	vmul.f32 v16, v20;
	v52 =	vmul.f32 v29, v21  }
0x5eb: {  	vm1 =	vmmov vm1;
	v25 =	vmul.f32 v17, v34;
	v26 =	vmul.f32 v23, v36  }
0x5ec: {  	v53 =	vld.idx.msk [tilespmem:v19+s22+$0x0], $0xffff;
	v15 =	vmul.f32 v15, v15;
	v16 =	vsub.f32 $1.500000000e+00, v16;
	v18 =	vsub.f32 $1.500000000e+00, v52  }
0x5ed: {  	vm15 =	vle.f32 v11, $2.025000000e+01;
	v54 =	vmul.f32 v25, v17;
	v55 =	vmul.f32 v26, v23  }
0x5ee: {  	v56 =	vsel vm3, $0x3F800000, v7;
	v16 =	vmul.f32 v16, v20;
	v18 =	vmul.f32 v18, v21  }
0x5ef: {  	v12 =	vmul.f32 v15, v12;
	v57 =	vsub.f32 $1.500000000e+00, v54;
	v58 =	vsub.f32 $1.500000000e+00, v55  }
0x5f0: {  	vm3 =	vle.f32 v10, $2.025000000e+01;
	v10 =	vmul.f32 v16, v27;
	v59 =	vmul.f32 v18, v24  }
0x5f1: {  	vm1 =	vmmov vm1;
	v15 =	vmul.f32 v57, v17;
	v60 =	vmul.f32 v58, v23  }
0x5f2: {  	v9 =	vadd.f32 v22, v9;
	vm1 =	vmand vm15, vm1;
	vm2 =	vmand vm3, vm2;
	v13 =	vld.idx.msk [tilespmem:v13+s29+$0x0], $0xffff  }
0x5f3: {  	v10 =	vsub.f32 v10, v59;
	v15 =	vmul.f32 v15, v32;
	v14 =	vmul.f32 v60, v14  }
0x5f4: {  	vm1 =	vmand vm1, vm0;
	v8 =	vadd.f32 v56, v8;
	vm2 =	vmand vm2, vm0;
	v61 =	vld.idx.msk [tilespmem:v53+s29+$0x0], $0xffff  }
0x5f5: {  	v62 =	vsel vm2, $0x3F800000, v7;
	v10 =	vmul.f32 v10, v10;
	v11 =	vsub.f32 v14, v15  }
0x5f6: {  	s0 =	sadd.s32 $0x1, s0;
	vm3 =	vmmov vm4;
	v8 =	vadd.f32 v62, v8;
	v63 =	vsel vm1, $0x3F800000, v7  }
0x5f7: {  	p0 =	sne.s32 s0, s14;
	v12 =	vnsel vm2, $0x0, v12;
	v10 =	vmul.f32 v10, v13;
	v11 =	vmul.f32 v11, v11  }
.Ltmp59:
0x5f8: {  	vm2 =	vmmov vm3;
	vm3 =	vle.f32 v28, $2.025000000e+01;
	v9 =	vadd.f32 v12, v9;
	(pc) =	sbr.rel @p0 .LBB3_69-.Ltmp59, $4  }
.Ltmp60:
0x5f9: {  	v10 =	vnsel vm1, $0x0, v10;
	vm1 =	vmand vm3, vm2;
	v11 =	vmul.f32 v11, v61;
	(pc) =	sbr.rel @!p0 .LBB3_72-.Ltmp60, $4  }
0x5fa: {  	v8 =	vadd.f32 v63, v8;
	v9 =	vadd.f32 v10, v9;
	vm1 =	vmand vm1, vm0  }
0x5fb: {  	v10 =	vnsel vm1, $0x0, v11;
	v11 =	vsel vm1, $0x3F800000, v7  }
0x5fc: {  	v9 =	vadd.f32 v10, v9;
	v8 =	vadd.f32 v11, v8  }
0x5fd: {  	_ = 	snop  }
.LBB3_73:
0x5fe: {  	_ =	sfence.sel $0x180000  }
0x5ff: {  	[bflag:$0x0] =	sbarrier.arrive $0xFFFF  }
0x600: {  	_ =	strace $0x90000047  }
0x601: {  	s0 =	stileid.u32;
	[bflag:$0x2] =	sbarrier.arrive $0xFFFF  }
0x602: {  	p0 =	sne.s32 s0, $0x0;
	s0 =	rddreg [dreg:$0xe]  }
0x603: {  	s0 =	sadd.s32 @!p0 $0x100000, s0  }
0x604: {  	[sflag:s0] =	ssyncadd.tile.s32 @!p0 $0x1;
	_ =	shalt  }
.Lfunc_end3:
_tile_overlayer_lowered:
.L_overlay_start_3:
0x605: {  	(tag) =	ssettag $0x3  }
0x606: {  	s0 =	rddreg [dreg:$0x0];
	s2 =	stileid.u32  }
0x607: {  	s1 =	rddreg [dreg:$0x1];
	p0 =	sne.s32 s2, $0x0  }
0x608: {  	s3 =	rddreg [dreg:$0x2];
	[bflag:$0x3] =	sbarrier.arrive $0xFFFF;
	s2 =	simm.s32 @!p0 $0x1C05  }
0x609: {  	[timem:s3], [sflag:s2] =	dma.local @!p0 [hbm:s0], s1  }
0x60a: {  	s0 =	simm.s32 @!p0 $0x5  }
0x60b: {  	_ =	swait.ge @!p0 [sflag:s0], s1  }
0x60c: {  	s1 =	ssub.s32 @!p0 $0x0, s1;
	[sflag:s0] =	ssyncset.done @!p0 $0x0  }
0x60d: {  	[sflag:s0] =	ssyncadd.s32 @!p0 s1  }
0x60e: {  	[bflag:$0x3] =	sbarrier.arrive $0xFFFF  }
0x60f: {  	_ =	shalt  }

</sc_bundles>
